<compile_context>
chip_gen: v7x
topology: tpu7x:2x2x1
jax: 0.10.2.dev20260603
libtpu: 0.0.44.dev20260713+nightly
codegen_flags: <defaults>
</compile_context>

<pallas_src>
import functools

import numpy as np
import jax
import jax.numpy as jnp
from jax import lax
from jax.experimental import pallas as pl
from jax.experimental.pallas import tpu as pltpu
from jax.experimental.pallas import tpu_sc as plsc

_SC_CORES = 2
_SC_SUBCORES = 16
_SC_NW = _SC_CORES * _SC_SUBCORES

_BN = float(1.0 / np.sqrt(1.0 + 1e-5))
_NS = 32


def _fold(layers):
    out = []
    for (W, b, g, be) in layers:
        s = g * _BN
        out.append(((W * s[:, None]).T, (b * s + be)[None, :]))
    return out


def _cumsum_lanes(m):
    x = m
    n = m.shape[-1]
    sh = 1
    while sh < n:
        x = x + jnp.concatenate(
            [jnp.zeros(x.shape[:-1] + (sh,), x.dtype), x[..., :-sh]], axis=-1)
        sh *= 2
    return x



def _fps_body(npoint, x0_ref, x1_ref, x2_ref, out_ref, dist_ref):
    B, N = x0_ref.shape
    x0 = x0_ref[...]
    x1 = x1_ref[...]
    x2 = x2_ref[...]
    dist_ref[...] = jnp.full((B, N), 1e10, jnp.float32)
    lane2 = lax.broadcasted_iota(jnp.int32, (B, N), 1)
    lane3 = lax.broadcasted_iota(jnp.int32, (B, 3, npoint), 2)
    out_ref[...] = jnp.zeros((B, 3, npoint), jnp.float32)

    def body(i, farthest):
        onehot = (lane2 == farthest).astype(jnp.float32)
        c0 = jnp.sum(x0 * onehot, axis=-1, keepdims=True)
        c1 = jnp.sum(x1 * onehot, axis=-1, keepdims=True)
        c2 = jnp.sum(x2 * onehot, axis=-1, keepdims=True)
        d = (x0 - c0) ** 2 + (x1 - c1) ** 2 + (x2 - c2) ** 2
        dist = jnp.minimum(dist_ref[...], d)
        dist_ref[...] = dist
        c = jnp.concatenate([c0, c1, c2], axis=1)[:, :, None]
        out_ref[...] = jnp.where(lane3 == i, c, out_ref[...])
        maxv = jnp.max(dist, axis=-1, keepdims=True)
        nf = jnp.min(jnp.where(dist == maxv, lane2, N), axis=-1, keepdims=True)
        return nf

    lax.fori_loop(0, npoint, body, jnp.zeros((B, 1), jnp.int32), unroll=2)


def _fps(xyz_bcn, npoint):
    B, _, N = xyz_bcn.shape
    return pl.pallas_call(
        functools.partial(_fps_body, npoint),
        out_shape=jax.ShapeDtypeStruct((B, 3, npoint), jnp.float32),
        scratch_shapes=[pltpu.VMEM((B, N), jnp.float32)],
    )(xyz_bcn[:, 0, :], xyz_bcn[:, 1, :], xyz_bcn[:, 2, :])



def _sa_body(S_t, r2, xyz_ref, xyzT_ref, pts_ref, nx_ref,
             w1, b1, w2, b2, w3, b3, out_ref):
    N = xyz_ref.shape[1]
    C = pts_ref.shape[2]
    Cin = C + 3
    xyz = xyz_ref[0]
    xyzT = xyzT_ref[0]
    pts = pts_ref[0]
    nx = nx_ref[0]

    sq_x = jnp.sum(xyzT * xyzT, axis=0, keepdims=True)
    sq_c = jnp.sum(nx * nx, axis=-1, keepdims=True)
    cross = lax.dot_general(nx, xyzT, (((1,), (0,)), ((), ())))
    sqd = (sq_c + sq_x) - 2.0 * cross

    mask = sqd <= r2
    m32 = mask.astype(jnp.int32)
    inc = _cumsum_lanes(m32)
    rank = inc - m32
    cnt = jnp.minimum(inc[:, N - 1:N], _NS)

    F = jnp.concatenate([xyz, pts], axis=-1)
    cpad = jnp.concatenate([nx, jnp.zeros((S_t, C), jnp.float32)], axis=-1)

    def group_mlp(ns_k):
        k_iota = lax.broadcasted_iota(jnp.int32, (S_t, ns_k, N), 1)
        sel = (rank[:, None, :] == k_iota) & (sqd[:, None, :] <= r2)
        M = sel.astype(jnp.float32).reshape(S_t * ns_k, N)
        g = lax.dot_general(M, F, (((1,), (0,)), ((), ())))
        h = (g.reshape(S_t, ns_k, Cin) - cpad[:, None, :]).reshape(
            S_t * ns_k, Cin)
        for (w, b) in ((w1, b1), (w2, b2), (w3, b3)):
            h = jnp.maximum(
                lax.dot_general(h, w[...], (((1,), (0,)), ((), ()))) + b[...],
                0.0)
        C3 = h.shape[-1]
        h3 = h.reshape(S_t, ns_k, C3)
        kk3 = lax.broadcasted_iota(jnp.int32, (S_t, ns_k, C3), 1)
        return jnp.max(jnp.where(kk3 < cnt[:, :, None], h3, -jnp.inf), axis=1)

    out_ref[0] = lax.cond(jnp.max(cnt) <= 8,
                          lambda: group_mlp(8), lambda: group_mlp(_NS))


def _sa(xyz, xyzT, pts, nxyz, layers, radius, S_t):
    B, N, _ = xyz.shape
    C = pts.shape[2]
    S = nxyz.shape[1]
    C3 = layers[-1][0].shape[1]
    in_specs = [
        pl.BlockSpec((1, N, 3), lambda b, s: (b, 0, 0)),
        pl.BlockSpec((1, 3, N), lambda b, s: (b, 0, 0)),
        pl.BlockSpec((1, N, C), lambda b, s: (b, 0, 0)),
        pl.BlockSpec((1, S_t, 3), lambda b, s: (b, s, 0)),
    ]
    args = [xyz, xyzT, pts, nxyz]
    for (w, bias) in layers:
        in_specs.append(pl.BlockSpec(w.shape, lambda b, s: (0, 0)))
        in_specs.append(pl.BlockSpec(bias.shape, lambda b, s: (0, 0)))
        args += [w, bias]
    return pl.pallas_call(
        functools.partial(_sa_body, S_t, radius * radius),
        grid=(B, S // S_t),
        in_specs=in_specs,
        out_specs=pl.BlockSpec((1, S_t, C3), lambda b, s: (b, s, 0)),
        out_shape=jax.ShapeDtypeStruct((B, S, C3), jnp.float32),
    )(*args)



def _sa_dist_body(S_t, xyzT_ref, nx_ref, sqd_ref):
    xyzT = xyzT_ref[0]
    nx = nx_ref[0]
    sq_x = jnp.sum(xyzT * xyzT, axis=0, keepdims=True)
    sq_c = jnp.sum(nx * nx, axis=-1, keepdims=True)
    cross = lax.dot_general(nx, xyzT, (((1,), (0,)), ((), ())))
    sqd_ref[...] = (sq_c + sq_x) - 2.0 * cross


def _sa_dist(xyzT, nxyz, S_t):
    B, _, N = xyzT.shape
    S = nxyz.shape[1]
    nb = S // S_t
    return pl.pallas_call(
        functools.partial(_sa_dist_body, S_t),
        grid=(B, nb),
        in_specs=[
            pl.BlockSpec((1, 3, N), lambda b, s: (b, 0, 0)),
            pl.BlockSpec((1, S_t, 3), lambda b, s: (b, s, 0)),
        ],
        out_specs=pl.BlockSpec((S_t, N), lambda b, s, _nb=nb: (b * _nb + s, 0)),
        out_shape=jax.ShapeDtypeStruct((B * S, N), jnp.float32),
    )(xyzT, nxyz)


def _sc_select_gather(sqd, F, r2, S, ch_rows_max=4):
    R, N = sqd.shape
    Cp = F.shape[1]
    rows_w = R // _SC_NW
    ch_rows = min(ch_rows_max, rows_w)
    nch = rows_w // ch_rows
    mesh = plsc.VectorSubcoreMesh(core_axis_name="c", subcore_axis_name="s")

    @functools.partial(
        pl.kernel, mesh=mesh,
        compiler_params=pltpu.CompilerParams(
            use_tc_tiling_on_sc=False, needs_layout_passes=False),
        out_type=jax.ShapeDtypeStruct((R * _NS, Cp), jnp.float32),
        scratch_types=[
            pltpu.VMEM((ch_rows * N,), jnp.float32),
            pltpu.VMEM((N + 16,), jnp.int32),
            pltpu.VMEM((ch_rows * _NS, Cp), jnp.float32),
            pltpu.SemaphoreType.DMA,
        ],
    )
    def k(sqd_hbm, f_hbm, out_hbm, drows, idxbuf, rows, sem):
        nrowsF = F.shape[0]
        wid = lax.axis_index("s") * _SC_CORES + lax.axis_index("c")
        base = wid * rows_w
        iota16 = lax.broadcasted_iota(jnp.int32, (16,), 0)
        zeros16 = jnp.zeros((16,), jnp.int32)

        def chunk_body(ch, carry):
            r0 = base + ch * ch_rows
            boff = (r0 // S) * N
            pltpu.sync_copy(sqd_hbm.at[pl.ds(r0 * N, ch_rows * N)], drows)
            copies = []
            for rr in range(ch_rows):
                def step(jv, cnt):
                    d = drows[pl.ds(rr * N + jv * 16, 16)]
                    msk = d <= r2
                    idxs = iota16 + (jv * 16 + boff)
                    plsc.store_compressed(
                        idxbuf.at[pl.ds(cnt, 16)], idxs, mask=msk)
                    pc = plsc.all_reduce_population_count(msk)
                    return cnt + jnp.max(pc)
                cnt = lax.fori_loop(0, N // 16, step, jnp.int32(0))
                v0 = idxbuf[pl.ds(0, 16)]
                v1 = idxbuf[pl.ds(16, 16)]
                first = jnp.min(
                    jnp.where(iota16 == 0, v0, jnp.int32(2 ** 30)))
                o0 = jnp.where(iota16 < cnt, v0, first)
                o1 = jnp.where(iota16 + 16 < cnt, v1, first)
                o0 = jnp.clip(o0, 0, nrowsF - 1)
                o1 = jnp.clip(o1, 0, nrowsF - 1)
                copies.append(pltpu.async_copy(
                    f_hbm.at[o0], rows.at[pl.ds(rr * _NS, 16)], sem))
                copies.append(pltpu.async_copy(
                    f_hbm.at[o1], rows.at[pl.ds(rr * _NS + 16, 16)], sem))
            for cp in copies:
                cp.wait()
            pltpu.sync_copy(rows, out_hbm.at[pl.ds(r0 * _NS, ch_rows * _NS)])
            return carry

        lax.fori_loop(0, nch, chunk_body, 0)

    return k(sqd.reshape(R * N), F)


def _sa_mlp_body(S_t, gath_ref, nx_ref, w1, b1, w2, b2, w3, b3, out_ref):
    g = gath_ref[...]
    nx = nx_ref[0]
    Cp = g.shape[-1]
    cpad = jnp.concatenate([nx, jnp.zeros((S_t, Cp - 3), jnp.float32)], -1)
    h = (g.reshape(S_t, _NS, Cp) - cpad[:, None, :]).reshape(S_t * _NS, Cp)
    for (w, b) in ((w1, b1), (w2, b2), (w3, b3)):
        h = jnp.maximum(
            lax.dot_general(h, w[...], (((1,), (0,)), ((), ()))) + b[...], 0.0)
    C3 = h.shape[-1]
    out_ref[0] = jnp.max(h.reshape(S_t, _NS, C3), axis=1)


def _sa_mlp(gathered, nxyz, layers, S_t):
    B, S, _ = nxyz.shape
    Cp = gathered.shape[1]
    C3 = layers[-1][0].shape[1]
    nb = S // S_t
    in_specs = [
        pl.BlockSpec((S_t * _NS, Cp), lambda b, s, _nb=nb: (b * _nb + s, 0)),
        pl.BlockSpec((1, S_t, 3), lambda b, s: (b, s, 0)),
    ]
    args = [gathered, nxyz]
    for (w, bias) in layers:
        in_specs.append(pl.BlockSpec(w.shape, lambda b, s: (0, 0)))
        in_specs.append(pl.BlockSpec(bias.shape, lambda b, s: (0, 0)))
        args += [w, bias]
    return pl.pallas_call(
        functools.partial(_sa_mlp_body, S_t),
        grid=(B, nb),
        in_specs=in_specs,
        out_specs=pl.BlockSpec((1, S_t, C3), lambda b, s: (b, s, 0)),
        out_shape=jax.ShapeDtypeStruct((B, S, C3), jnp.float32),
    )(*args)


def _sa_sc(xyz, xyzT, pts, nxyz, layers, radius, S_t, Cp, ch_rows_max=4,
           per_batch=False):
    B, N, C = xyz.shape[0], xyz.shape[1], pts.shape[2]
    S = nxyz.shape[1]
    F = jnp.concatenate(
        [xyz, pts, jnp.zeros((B, N, Cp - 3 - C), jnp.float32)], axis=-1)
    F = F.reshape(B * N, Cp)
    (w1, b1), rest = layers[0], layers[1:]
    w1p = jnp.concatenate(
        [w1, jnp.zeros((Cp - w1.shape[0], w1.shape[1]), jnp.float32)], axis=0)
    sqd = _sa_dist(xyzT, nxyz, S_t)
    if per_batch:
        gathered = jnp.concatenate(
            [_sc_select_gather(sqd[b * S:(b + 1) * S], F[b * N:(b + 1) * N],
                               radius * radius, S, ch_rows_max)
             for b in range(B)], axis=0)
    else:
        gathered = _sc_select_gather(sqd, F, radius * radius, S, ch_rows_max)
    return _sa_mlp(gathered, nxyz, [(w1p, b1)] + rest, S_t)

def _fp_body(n2, has_p1, has_head, x1_ref, x2T_ref, p2_ref, *rest):
    out_ref = rest[-1]
    if has_p1:
        p1_ref = rest[0]
        wrefs = rest[1:-1]
    else:
        p1_ref = None
        wrefs = rest[:-1]
    x1 = x1_ref[0]
    x2T = x2T_ref[0]
    p2 = p2_ref[0]
    n1t = x1.shape[0]

    sq1 = jnp.sum(x1 * x1, axis=-1, keepdims=True)
    sq2 = jnp.sum(x2T * x2T, axis=0, keepdims=True)
    cross = lax.dot_general(x1, x2T, (((1,), (0,)), ((), ())))
    sqd = (sq1 + sq2) - 2.0 * cross

    lane = lax.broadcasted_iota(jnp.int32, (n1t, n2), 1)
    d = sqd
    wsum = jnp.zeros((n1t, 1), jnp.float32)
    Wmat = jnp.zeros((n1t, n2), jnp.float32)
    for _k in range(3):
        mk = jnp.min(d, axis=-1, keepdims=True)
        pos = jnp.min(jnp.where(d == mk, lane, n2), axis=-1, keepdims=True)
        oh = lane == pos
        rec = 1.0 / (mk + 1e-8)
        wsum = wsum + rec
        Wmat = Wmat + jnp.where(oh, rec, 0.0)
        d = jnp.where(oh, jnp.float32(jnp.inf), d)
    Wmat = Wmat / wsum

    interp = lax.dot_general(Wmat, p2, (((1,), (0,)), ((), ())),
                             precision=lax.Precision.HIGHEST)
    h = jnp.concatenate([p1_ref[0], interp], axis=-1) if has_p1 else interp

    nw = len(wrefs) // 2
    n_relu = nw - 1 if has_head else nw
    for li in range(n_relu):
        w = wrefs[2 * li][...]
        b = wrefs[2 * li + 1][...]
        h = jnp.maximum(lax.dot_general(h, w, (((1,), (0,)), ((), ()))) + b, 0.0)
    if has_head:
        w = wrefs[-2][...]
        b = wrefs[-1][...]
        logits = lax.dot_general(h, w, (((1,), (0,)), ((), ()))) + b
        m = jnp.max(logits, axis=-1, keepdims=True)
        shfted = logits - m
        out_ref[0] = shfted - jnp.log(
            jnp.sum(jnp.exp(shfted), axis=-1, keepdims=True))
    else:
        out_ref[0] = h


def _fp(x1, x2T, p1, p2, layers, head=None, n1_tile=None):
    B, n1, _ = x1.shape
    n2 = x2T.shape[2]
    C2 = p2.shape[2]
    n1t = n1_tile or n1
    in_specs = [
        pl.BlockSpec((1, n1t, 3), lambda b, s: (b, s, 0)),
        pl.BlockSpec((1, 3, n2), lambda b, s: (b, 0, 0)),
        pl.BlockSpec((1, n2, C2), lambda b, s: (b, 0, 0)),
    ]
    args = [x1, x2T, p2]
    if p1 is not None:
        in_specs.append(pl.BlockSpec((1, n1t, p1.shape[2]),
                                     lambda b, s: (b, s, 0)))
        args.append(p1)
    allw = list(layers) + (list(head) if head else [])
    for (w, bias) in allw:
        in_specs.append(pl.BlockSpec(w.shape, lambda b, s: (0, 0)))
        in_specs.append(pl.BlockSpec(bias.shape, lambda b, s: (0, 0)))
        args += [w, bias]
    Cout = allw[-1][0].shape[1]
    return pl.pallas_call(
        functools.partial(_fp_body, n2, p1 is not None, head is not None),
        grid=(B, n1 // n1t),
        in_specs=in_specs,
        out_specs=pl.BlockSpec((1, n1t, Cout), lambda b, s: (b, s, 0)),
        out_shape=jax.ShapeDtypeStruct((B, n1, Cout), jnp.float32),
    )(*args)



def kernel(pc, params):
    sa1 = _fold(params['sa1'])
    sa2 = _fold(params['sa2'])
    sa3 = _fold(params['sa3'])
    sa4 = _fold(params['sa4'])
    fp4 = _fold(params['fp4'])
    fp3 = _fold(params['fp3'])
    fp2 = _fold(params['fp2'])
    fp1 = _fold(params['fp1'])
    c1 = _fold([params['conv1']])[0]
    W2, b2 = params['conv2']
    c2 = (W2.T, b2[None, :])

    pts0 = pc.transpose(0, 2, 1)
    xyz0 = pts0[:, :, :3]
    xyz0T = pc[:, :3, :]

    nx1T = _fps(xyz0T, 1024)
    nx1 = nx1T.transpose(0, 2, 1)
    p1n = _sa(xyz0, xyz0T, pts0, nx1, sa1, 0.1, S_t=32)

    nx2T = _fps(nx1T, 256)
    nx2 = nx2T.transpose(0, 2, 1)
    p2n = _sa_sc(nx1, nx1T, p1n, nx2, sa2, 0.2, S_t=32, Cp=80)

    nx3T = _fps(nx2T, 64)
    nx3 = nx3T.transpose(0, 2, 1)
    p3n = _sa_sc(nx2, nx2T, p2n, nx3, sa3, 0.4, S_t=64, Cp=144)

    nx4T = _fps(nx3T, 16)
    nx4 = nx4T.transpose(0, 2, 1)
    p4n = _sa(nx3, nx3T, p3n, nx4, sa4, 0.8, S_t=16)

    l3 = _fp(nx3, nx4T, p3n, p4n, fp4)
    l2 = _fp(nx2, nx3T, p2n, l3, fp3)
    l1 = _fp(nx1, nx2T, p1n, l2, fp2)
    x = _fp(xyz0, nx1T, None, l1, fp1, head=[c1, c2],
            n1_tile=512)

    l4_points = p4n.transpose(0, 2, 1)
    return x, l4_points

# --- scband reference (transcript-rebuilt; emitter-appended) ---
"""Pipeline reference for scband-point-net2-82815559402256 (READ-ONLY COPY).

The authoritative reference and input builder live on the scoring server;
editing this copy changes nothing except your own understanding.
"""

import jax, jax.numpy as jnp
import numpy as np


def square_distance(src, dst):
    return (jnp.sum(src ** 2, -1)[:, :, None] + jnp.sum(dst ** 2, -1)[:, None, :]
            - 2.0 * jnp.matmul(src, dst.transpose(0, 2, 1)))


def index_points(points, idx):
    return jax.vmap(lambda p, i: p[i])(points, idx)


def farthest_point_sample(xyz, npoint):
    B, N, _ = xyz.shape
    def body(i, state):
        centroids, distance, farthest = state
        centroids = centroids.at[:, i].set(farthest)
        centroid = jnp.take_along_axis(xyz, jnp.broadcast_to(farthest[:, None, None], (B, 1, 3)), axis=1)
        dist = jnp.sum((xyz - centroid) ** 2, -1)
        distance = jnp.minimum(distance, dist)
        farthest = jnp.argmax(distance, -1).astype(jnp.int32)
        return centroids, distance, farthest
    centroids = jnp.zeros((B, npoint), jnp.int32)
    distance = jnp.full((B, N), 1e10, jnp.float32)
    farthest = jnp.zeros((B,), jnp.int32)
    centroids, _, _ = jax.lax.fori_loop(0, npoint, body, (centroids, distance, farthest))
    return centroids


def query_ball_point(radius, nsample, xyz, new_xyz):
    B, N, _ = xyz.shape
    S = new_xyz.shape[1]
    sqrdists = square_distance(new_xyz, xyz)
    group_idx = jnp.broadcast_to(jnp.arange(N, dtype=jnp.int32)[None, None, :], (B, S, N))
    group_idx = jnp.where(sqrdists > radius ** 2, N, group_idx)
    group_idx = jnp.sort(group_idx, axis=-1)[:, :, :nsample]
    group_first = group_idx[:, :, :1]
    group_idx = jnp.where(group_idx == N, jnp.broadcast_to(group_first, group_idx.shape), group_idx)
    return group_idx


def conv_bn_relu_2d(x, W, b, g, be):
    x = jnp.einsum('oi,bisn->bosn', W, x) + b[None, :, None, None]
    x = x / np.sqrt(1.0 + 1e-5) * g[None, :, None, None] + be[None, :, None, None]
    return jax.nn.relu(x)


def conv_bn_relu_1d(x, W, b, g, be):
    x = jnp.einsum('oi,bin->bon', W, x) + b[None, :, None]
    x = x / np.sqrt(1.0 + 1e-5) * g[None, :, None] + be[None, :, None]
    return jax.nn.relu(x)


def sa_forward(layers, npoint, radius, nsample, xyz, points):
    xyz_t = xyz.transpose(0, 2, 1)
    points_t = points.transpose(0, 2, 1)
    fps_idx = farthest_point_sample(jax.lax.stop_gradient(xyz_t), npoint)
    new_xyz = index_points(xyz_t, fps_idx)
    idx = query_ball_point(radius, nsample, xyz_t, new_xyz)
    grouped_xyz = index_points(xyz_t, idx) - new_xyz[:, :, None, :]
    grouped_points = index_points(points_t, idx)
    new_points = jnp.concatenate([grouped_xyz, grouped_points], axis=-1)
    x = new_points.transpose(0, 3, 2, 1)
    for (W, b, g, be) in layers:
        x = conv_bn_relu_2d(x, W, b, g, be)
    x = jnp.max(x, axis=2)
    return new_xyz.transpose(0, 2, 1), x


def fp_forward(layers, xyz1, xyz2, points1, points2):
    x1 = xyz1.transpose(0, 2, 1)
    x2 = xyz2.transpose(0, 2, 1)
    p2 = points2.transpose(0, 2, 1)
    dists = square_distance(x1, x2)
    idx = jnp.argsort(dists, axis=-1)[:, :, :3]
    d = jnp.take_along_axis(dists, idx, axis=-1)
    dist_recip = 1.0 / (d + 1e-8)
    weight = dist_recip / jnp.sum(dist_recip, axis=-1, keepdims=True)
    interpolated = jnp.sum(index_points(p2, idx) * weight[..., None], axis=2)
    if points1 is not None:
        newp = jnp.concatenate([points1.transpose(0, 2, 1), interpolated], axis=-1)
    else:
        newp = interpolated
    x = newp.transpose(0, 2, 1)
    for (W, b, g, be) in layers:
        x = conv_bn_relu_1d(x, W, b, g, be)
    return x


def _mlp_params(key, in_c, channels):
    layers = []
    for c in channels:
        key, k1 = jax.random.split(key)
        W = jax.random.normal(k1, (c, in_c), jnp.float32) / np.sqrt(in_c)
        layers.append((W, jnp.zeros((c,), jnp.float32), jnp.ones((c,), jnp.float32), jnp.zeros((c,), jnp.float32)))
        in_c = c
    return layers, key


NUM_CLASSES = 13


def make_params(key):
    p = {}
    p['sa1'], key = _mlp_params(key, 12, [32, 32, 64])
    p['sa2'], key = _mlp_params(key, 67, [64, 64, 128])
    p['sa3'], key = _mlp_params(key, 131, [128, 128, 256])
    p['sa4'], key = _mlp_params(key, 259, [256, 256, 512])
    p['fp4'], key = _mlp_params(key, 768, [256, 256])
    p['fp3'], key = _mlp_params(key, 384, [256, 256])
    p['fp2'], key = _mlp_params(key, 320, [256, 128])
    p['fp1'], key = _mlp_params(key, 128, [128, 128, 128])
    c1, key = _mlp_params(key, 128, [128])
    p['conv1'] = c1[0]
    key, k1 = jax.random.split(key)
    p['conv2'] = (jax.random.normal(k1, (NUM_CLASSES, 128), jnp.float32) / np.sqrt(128.0), jnp.zeros((NUM_CLASSES,), jnp.float32))
    return p


def forward(pc, params):
    l0_xyz = pc[:, :3, :]
    l0_points = pc
    l1_xyz, l1_points = sa_forward(params['sa1'], 1024, 0.1, 32, l0_xyz, l0_points)
    l2_xyz, l2_points = sa_forward(params['sa2'], 256, 0.2, 32, l1_xyz, l1_points)
    l3_xyz, l3_points = sa_forward(params['sa3'], 64, 0.4, 32, l2_xyz, l2_points)
    l4_xyz, l4_points = sa_forward(params['sa4'], 16, 0.8, 32, l3_xyz, l3_points)
    l3_points = fp_forward(params['fp4'], l3_xyz, l4_xyz, l3_points, l4_points)
    l2_points = fp_forward(params['fp3'], l2_xyz, l3_xyz, l2_points, l3_points)
    l1_points = fp_forward(params['fp2'], l1_xyz, l2_xyz, l1_points, l2_points)
    l0_points = fp_forward(params['fp1'], l0_xyz, l1_xyz, None, l1_points)
    W, b, g, be = params['conv1']
    x = conv_bn_relu_1d(l0_points, W, b, g, be)
    W2, b2 = params['conv2']
    x = jnp.einsum('oi,bin->bon', W2, x) + b2[None, :, None]
    x = jax.nn.log_softmax(x, axis=1)
    x = x.transpose(0, 2, 1)
    return x, l4_points


def setup_inputs(seed: int = 0):
    key = jax.random.key(seed)
    k1, k2 = jax.random.split(key)
    pc = jax.random.normal(k1, (4, 9, 4096), jnp.float32)
    params = make_params(k2)
    return {'pc': pc, 'params': params}


def reference(pc, params):
    return forward(pc, params)

if __name__ == "__main__":
    import jax
    _d = setup_inputs()
    print(jax.jit(kernel)(*tuple(_d.values())))

</pallas_src>

<mosaic_0001>
#map = affine_map<(d0, d1) -> (0)>
#map1 = affine_map<(d0, d1) -> (0, 0)>
module attributes {stable_mosaic.version = 14 : i64} {
  func.func @k(%arg0: i32, %arg1: i32, %arg2: memref<1048576xf32, #tpu.memory_space<hbm>>, %arg3: memref<4096x80xf32, #tpu.memory_space<hbm>>, %arg4: memref<32768x80xf32, #tpu.memory_space<hbm>>, %arg5: memref<4096xf32, #tpu.memory_space<vmem>>, %arg6: memref<1040xi32, #tpu.memory_space<vmem>>, %arg7: memref<128x80xf32, #tpu.memory_space<vmem>>, %arg8: memref<!tpu.dma_semaphore, #tpu.memory_space<semaphore_mem>>) attributes {dimension_semantics = [#tpu.dimension_semantics<core_parallel>, #tpu.dimension_semantics<subcore_parallel>], iteration_bounds = array<i64: 2, 16>, scalar_prefetch = 0 : i64, scratch_operands = 4 : i64, tpu.core_type = #tpu.core_type<sc_vector_subcore>, window_params = [{transform_indices = #map}, {transform_indices = #map1}, {transform_indices = #map1}]} {
    %mul3A = arith.constant 2 : i32
    %mul3A_0 = arith.muli %arg1, %mul3A : i32
    %add3A = arith.addi %mul3A_0, %arg0 : i32
    %mul3A_1 = arith.constant 32 : i32
    %mul3A_2 = arith.muli %add3A, %mul3A_1 : i32
    %iota3A = tpu.iota {dimensions = array<i32: 0>} : vector<16xi32>
    %broadcast_in_dim3A = arith.constant 0 : i32
    %broadcast_in_dim3A_3 = vector.broadcast %broadcast_in_dim3A : i32 to vector<16xi32>
    %scan3A = arith.constant 0 : i32
    %scan3A_4 = arith.constant 0 : i32
    %scan3A_5 = arith.constant 8 : i32
    %scan3A_6 = arith.addi %scan3A_4, %scan3A_5 : i32
    %scan3A_7 = arith.constant 1 : i32
    scf.for %scan3A_9 = %scan3A_4 to %scan3A_6 step %scan3A_7  : i32 {
      %mul3A_10 = arith.constant 4 : i32
      %mul3A_11 = arith.muli %scan3A_9, %mul3A_10 : i32
      %add3A_12 = arith.addi %mul3A_2, %mul3A_11 : i32
      %jit3A = arith.constant 256 : i32
      %div3A = arith.divsi %add3A_12, %jit3A : i32
      %sign3A = arith.constant 0 : i32
      %sign3A_13 = arith.cmpi sgt, %add3A_12, %sign3A : i32
      %sign3A_14 = arith.extui %sign3A_13 : i1 to i32
      %sign3A_15 = arith.constant 0 : i32
      %sign3A_16 = arith.cmpi slt, %add3A_12, %sign3A_15 : i32
      %sign3A_17 = arith.extui %sign3A_16 : i1 to i32
      %sign3A_18 = arith.subi %sign3A_14, %sign3A_17 : i32
      %sign3A_19 = arith.constant 0 : i32
      %sign3A_20 = arith.cmpi sgt, %jit3A, %sign3A_19 : i32
      %sign3A_21 = arith.extui %sign3A_20 : i1 to i32
      %sign3A_22 = arith.constant 0 : i32
      %sign3A_23 = arith.cmpi slt, %jit3A, %sign3A_22 : i32
      %sign3A_24 = arith.extui %sign3A_23 : i1 to i32
      %sign3A_25 = arith.subi %sign3A_21, %sign3A_24 : i32
      %ne3A = arith.cmpi ne, %sign3A_18, %sign3A_25 : i32
      %rem3A = arith.remsi %add3A_12, %jit3A : i32
      %ne3A_26 = arith.constant 0 : i32
      %ne3A_27 = arith.cmpi ne, %rem3A, %ne3A_26 : i32
      %and3A = arith.andi %ne3A, %ne3A_27 : i1
      %sub3A = arith.constant 1 : i32
      %sub3A_28 = arith.subi %div3A, %sub3A : i32
      %select_n3A = arith.select %and3A, %sub3A_28, %div3A : i32
      %mul3A_29 = arith.constant 1024 : i32
      %mul3A_30 = arith.muli %select_n3A, %mul3A_29 : i32
      %mul3A_31 = arith.constant 1024 : i32
      %mul3A_32 = arith.muli %add3A_12, %mul3A_31 : i32
      "tpu.region"() ({
        %run_scoped3A = tpu.sem_alloc : memref<!tpu.dma_semaphore, #tpu.memory_space<semaphore_mem>>
        %dma_start3A_315 = tpu.memref_slice %arg2[%mul3A_32] : memref<1048576xf32, #tpu.memory_space<hbm>> -> memref<4096xf32, #tpu.memory_space<hbm>>
        %dma_start3A_316 = tpu.memref_slice %arg2[%mul3A_32] : memref<1048576xf32, #tpu.memory_space<hbm>> -> memref<4096xf32, #tpu.memory_space<hbm>>
        tpu.enqueue_dma source(%dma_start3A_316 : memref<4096xf32, #tpu.memory_space<hbm>>) target(%arg5 : memref<4096xf32, #tpu.memory_space<vmem>>) target_semaphore(%run_scoped3A : memref<!tpu.dma_semaphore, #tpu.memory_space<semaphore_mem>>)
        %dma_wait3A_317 = tpu.memref_slice %arg2[%mul3A_32] : memref<1048576xf32, #tpu.memory_space<hbm>> -> memref<4096xf32, #tpu.memory_space<hbm>>
        %dma_wait3A_318 = tpu.memref_slice %arg2[%mul3A_32] : memref<1048576xf32, #tpu.memory_space<hbm>> -> memref<4096xf32, #tpu.memory_space<hbm>>
        tpu.wait_dma2 semaphore(%run_scoped3A : memref<!tpu.dma_semaphore, #tpu.memory_space<semaphore_mem>>) src(%dma_wait3A_318 : memref<4096xf32, #tpu.memory_space<hbm>>) dst(%arg5 : memref<4096xf32, #tpu.memory_space<vmem>>)
        tpu.yield
      }) : () -> ()
      %scan3A_33 = arith.constant 0 : i32
      %scan3A_34 = arith.constant 0 : i32
      %scan3A_35 = arith.constant 64 : i32
      %scan3A_36 = arith.addi %scan3A_34, %scan3A_35 : i32
      %scan3A_37 = arith.constant 1 : i32
      %scan3A_38 = scf.for %scan3A_315 = %scan3A_34 to %scan3A_36 step %scan3A_37 iter_args(%scan3A_316 = %scan3A_33) -> (i32)  : i32 {
        %mul3A_317 = arith.constant 16 : i32
        %mul3A_318 = arith.muli %scan3A_315, %mul3A_317 : i32
        %add3A_319 = arith.constant 0 : i32
        %add3A_320 = arith.addi %add3A_319, %mul3A_318 : i32
        %get3A_321 = arith.index_cast %add3A_320 : i32 to index
        %get3A_322 = tpu.vector_load %arg5[%get3A_321] {strides = array<i32>} : memref<4096xf32, #tpu.memory_space<vmem>>, vector<16xf32>,
        %le3A = arith.constant 4.000000e-02 : f32
        %le3A_323 = vector.broadcast %le3A : f32 to vector<16xf32>
        %le3A_324 = arith.cmpf ole, %get3A_322, %le3A_323 : vector<16xf32>
        %mul3A_325 = arith.constant 16 : i32
        %mul3A_326 = arith.muli %scan3A_315, %mul3A_325 : i32
        %add3A_327 = arith.addi %mul3A_326, %mul3A_30 : i32
        %add3A_328 = vector.broadcast %add3A_327 : i32 to vector<16xi32>
        %add3A_329 = arith.addi %iota3A, %add3A_328 : vector<16xi32>
        %swap3A = arith.index_cast %scan3A_316 : i32 to index
        %swap3A_330 = tpu.vector_load %arg6[%swap3A] masked %le3A_324 {strides = array<i32>} : memref<1040xi32, #tpu.memory_space<vmem>>, vector<16xi32>, vector<16xi1>
        tpu.vector_store %arg6[%swap3A], %add3A_329 masked %le3A_324 {strides = array<i32>} : memref<1040xi32, #tpu.memory_space<vmem>>, vector<16xi32>, vector<16xi1>
        %all_reduce_population_count3A = tpu.all_reduce %le3A_324 {dim = 0 : i64, kind = #tpu.reduction_kind<sum>} : vector<16xi1> -> vector<16xi32>
        %reduce_max3A = arith.constant true
        %reduce_max3A_331 = vector.broadcast %reduce_max3A : i1 to vector<16xi1>
        %reduce_max3A_332 = arith.constant -2147483648 : i32
        %reduce_max3A_333 = vector.broadcast %reduce_max3A_332 : i32 to vector<16xi32>
        %reduce_max3A_334 = arith.xori %all_reduce_population_count3A, %reduce_max3A_333 : vector<16xi32>
        %reduce_max3A_335 = tpu.scan <max>, %reduce_max3A_334 masked %reduce_max3A_331 : vector<16xi32>, vector<16xi1> -> vector<16xi32>
        %reduce_max3A_336 = arith.xori %reduce_max3A_335, %reduce_max3A_333 : vector<16xi32>
        %reduce_max3A_337 = vector.extract %reduce_max3A_336[15] : i32 from vector<16xi32>
        %add3A_338 = arith.addi %scan3A_316, %reduce_max3A_337 : i32
        scf.yield %add3A_338 : i32
      }
      %scan3A_39 = arith.constant 64 : i32
      %get3A = arith.constant 0 : index
      %get3A_40 = tpu.vector_load %arg6[%get3A] {strides = array<i32>} : memref<1040xi32, #tpu.memory_space<vmem>>, vector<16xi32>,
      %get3A_41 = arith.constant 16 : index
      %get3A_42 = tpu.vector_load %arg6[%get3A_41] {strides = array<i32>} : memref<1040xi32, #tpu.memory_space<vmem>>, vector<16xi32>,
      %eq3A = arith.constant 0 : i32
      %eq3A_43 = vector.broadcast %eq3A : i32 to vector<16xi32>
      %eq3A_44 = arith.cmpi eq, %iota3A, %eq3A_43 : vector<16xi32>
      %jit3A_45 = arith.constant 1073741824 : i32
      %broadcast_in_dim3A_46 = vector.broadcast %jit3A_45 : i32 to vector<16xi32>
      %select_n3A_47 = arith.select %eq3A_44, %get3A_40, %broadcast_in_dim3A_46 : vector<16xi1>, vector<16xi32>
      %reduce_min3A = arith.constant true
      %reduce_min3A_48 = vector.broadcast %reduce_min3A : i1 to vector<16xi1>
      %reduce_min3A_49 = arith.constant -2147483648 : i32
      %reduce_min3A_50 = vector.broadcast %reduce_min3A_49 : i32 to vector<16xi32>
      %reduce_min3A_51 = arith.xori %select_n3A_47, %reduce_min3A_50 : vector<16xi32>
      %reduce_min3A_52 = tpu.scan <min>, %reduce_min3A_51 masked %reduce_min3A_48 : vector<16xi32>, vector<16xi1> -> vector<16xi32>
      %reduce_min3A_53 = arith.xori %reduce_min3A_52, %reduce_min3A_50 : vector<16xi32>
      %reduce_min3A_54 = vector.extract %reduce_min3A_53[15] : i32 from vector<16xi32>
      %lt3A = vector.broadcast %scan3A_38 : i32 to vector<16xi32>
      %lt3A_55 = arith.cmpi slt, %iota3A, %lt3A : vector<16xi32>
      %broadcast_in_dim3A_56 = vector.broadcast %reduce_min3A_54 : i32 to vector<16xi32>
      %select_n3A_57 = arith.select %lt3A_55, %get3A_40, %broadcast_in_dim3A_56 : vector<16xi1>, vector<16xi32>
      %add3A_58 = arith.constant 16 : i32
      %add3A_59 = vector.broadcast %add3A_58 : i32 to vector<16xi32>
      %add3A_60 = arith.addi %iota3A, %add3A_59 : vector<16xi32>
      %lt3A_61 = vector.broadcast %scan3A_38 : i32 to vector<16xi32>
      %lt3A_62 = arith.cmpi slt, %add3A_60, %lt3A_61 : vector<16xi32>
      %broadcast_in_dim3A_63 = vector.broadcast %reduce_min3A_54 : i32 to vector<16xi32>
      %select_n3A_64 = arith.select %lt3A_62, %get3A_42, %broadcast_in_dim3A_63 : vector<16xi1>, vector<16xi32>
      %jit3A_65 = arith.constant 0 : i32
      %jit3A_66 = arith.constant 4095 : i32
      %max3A = vector.broadcast %jit3A_65 : i32 to vector<16xi32>
      %max3A_67 = arith.maxsi %max3A, %select_n3A_57 : vector<16xi32>
      %min3A = vector.broadcast %jit3A_66 : i32 to vector<16xi32>
      %min3A_68 = arith.minsi %min3A, %max3A_67 : vector<16xi32>
      %jit3A_69 = arith.constant 0 : i32
      %jit3A_70 = arith.constant 4095 : i32
      %max3A_71 = vector.broadcast %jit3A_69 : i32 to vector<16xi32>
      %max3A_72 = arith.maxsi %max3A_71, %select_n3A_64 : vector<16xi32>
      %min3A_73 = vector.broadcast %jit3A_70 : i32 to vector<16xi32>
      %min3A_74 = arith.minsi %min3A_73, %max3A_72 : vector<16xi32>
      %dma_start3A = arith.constant 0 : i32
      %dma_start3A_75 = arith.constant 0 : i32
      %dma_start3A_76 = tpu.memref_slice %arg7[%dma_start3A, %dma_start3A_75] : memref<128x80xf32, #tpu.memory_space<vmem>> -> memref<16x80xf32, #tpu.memory_space<vmem>>
      %dma_start3A_77 = arith.constant 0 : i32
      %dma_start3A_78 = arith.constant 0 : i32
      %dma_start3A_79 = tpu.memref_slice %arg3[%dma_start3A_77, %dma_start3A_78] : memref<4096x80xf32, #tpu.memory_space<hbm>> -> memref<4096x80xf32, #tpu.memory_space<hbm>>
      tpu.enqueue_indirect_dma source(%dma_start3A_79 : memref<4096x80xf32, #tpu.memory_space<hbm>>) target(%dma_start3A_76 : memref<16x80xf32, #tpu.memory_space<vmem>>) offsets(%min3A_68 : vector<16xi32>) semaphore(%arg8 : memref<!tpu.dma_semaphore, #tpu.memory_space<semaphore_mem>>)
      %dma_start3A_80 = arith.constant 16 : i32
      %dma_start3A_81 = arith.constant 0 : i32
      %dma_start3A_82 = tpu.memref_slice %arg7[%dma_start3A_80, %dma_start3A_81] : memref<128x80xf32, #tpu.memory_space<vmem>> -> memref<16x80xf32, #tpu.memory_space<vmem>>
      %dma_start3A_83 = arith.constant 0 : i32
      %dma_start3A_84 = arith.constant 0 : i32
      %dma_start3A_85 = tpu.memref_slice %arg3[%dma_start3A_83, %dma_start3A_84] : memref<4096x80xf32, #tpu.memory_space<hbm>> -> memref<4096x80xf32, #tpu.memory_space<hbm>>
      tpu.enqueue_indirect_dma source(%dma_start3A_85 : memref<4096x80xf32, #tpu.memory_space<hbm>>) target(%dma_start3A_82 : memref<16x80xf32, #tpu.memory_space<vmem>>) offsets(%min3A_74 : vector<16xi32>) semaphore(%arg8 : memref<!tpu.dma_semaphore, #tpu.memory_space<semaphore_mem>>)
      %scan3A_86 = arith.constant 0 : i32
      %scan3A_87 = arith.constant 0 : i32
      %scan3A_88 = arith.constant 64 : i32
      %scan3A_89 = arith.addi %scan3A_87, %scan3A_88 : i32
      %scan3A_90 = arith.constant 1 : i32
      %scan3A_91 = scf.for %scan3A_315 = %scan3A_87 to %scan3A_89 step %scan3A_90 iter_args(%scan3A_316 = %scan3A_86) -> (i32)  : i32 {
        %mul3A_317 = arith.constant 16 : i32
        %mul3A_318 = arith.muli %scan3A_315, %mul3A_317 : i32
        %add3A_319 = arith.constant 1024 : i32
        %add3A_320 = arith.addi %add3A_319, %mul3A_318 : i32
        %get3A_321 = arith.index_cast %add3A_320 : i32 to index
        %get3A_322 = tpu.vector_load %arg5[%get3A_321] {strides = array<i32>} : memref<4096xf32, #tpu.memory_space<vmem>>, vector<16xf32>,
        %le3A = arith.constant 4.000000e-02 : f32
        %le3A_323 = vector.broadcast %le3A : f32 to vector<16xf32>
        %le3A_324 = arith.cmpf ole, %get3A_322, %le3A_323 : vector<16xf32>
        %mul3A_325 = arith.constant 16 : i32
        %mul3A_326 = arith.muli %scan3A_315, %mul3A_325 : i32
        %add3A_327 = arith.addi %mul3A_326, %mul3A_30 : i32
        %add3A_328 = vector.broadcast %add3A_327 : i32 to vector<16xi32>
        %add3A_329 = arith.addi %iota3A, %add3A_328 : vector<16xi32>
        %swap3A = arith.index_cast %scan3A_316 : i32 to index
        %swap3A_330 = tpu.vector_load %arg6[%swap3A] masked %le3A_324 {strides = array<i32>} : memref<1040xi32, #tpu.memory_space<vmem>>, vector<16xi32>, vector<16xi1>
        tpu.vector_store %arg6[%swap3A], %add3A_329 masked %le3A_324 {strides = array<i32>} : memref<1040xi32, #tpu.memory_space<vmem>>, vector<16xi32>, vector<16xi1>
        %all_reduce_population_count3A = tpu.all_reduce %le3A_324 {dim = 0 : i64, kind = #tpu.reduction_kind<sum>} : vector<16xi1> -> vector<16xi32>
        %reduce_max3A = arith.constant true
        %reduce_max3A_331 = vector.broadcast %reduce_max3A : i1 to vector<16xi1>
        %reduce_max3A_332 = arith.constant -2147483648 : i32
        %reduce_max3A_333 = vector.broadcast %reduce_max3A_332 : i32 to vector<16xi32>
        %reduce_max3A_334 = arith.xori %all_reduce_population_count3A, %reduce_max3A_333 : vector<16xi32>
        %reduce_max3A_335 = tpu.scan <max>, %reduce_max3A_334 masked %reduce_max3A_331 : vector<16xi32>, vector<16xi1> -> vector<16xi32>
        %reduce_max3A_336 = arith.xori %reduce_max3A_335, %reduce_max3A_333 : vector<16xi32>
        %reduce_max3A_337 = vector.extract %reduce_max3A_336[15] : i32 from vector<16xi32>
        %add3A_338 = arith.addi %scan3A_316, %reduce_max3A_337 : i32
        scf.yield %add3A_338 : i32
      }
      %scan3A_92 = arith.constant 64 : i32
      %get3A_93 = arith.constant 0 : index
      %get3A_94 = tpu.vector_load %arg6[%get3A_93] {strides = array<i32>} : memref<1040xi32, #tpu.memory_space<vmem>>, vector<16xi32>,
      %get3A_95 = arith.constant 16 : index
      %get3A_96 = tpu.vector_load %arg6[%get3A_95] {strides = array<i32>} : memref<1040xi32, #tpu.memory_space<vmem>>, vector<16xi32>,
      %eq3A_97 = arith.constant 0 : i32
      %eq3A_98 = vector.broadcast %eq3A_97 : i32 to vector<16xi32>
      %eq3A_99 = arith.cmpi eq, %iota3A, %eq3A_98 : vector<16xi32>
      %jit3A_100 = arith.constant 1073741824 : i32
      %broadcast_in_dim3A_101 = vector.broadcast %jit3A_100 : i32 to vector<16xi32>
      %select_n3A_102 = arith.select %eq3A_99, %get3A_94, %broadcast_in_dim3A_101 : vector<16xi1>, vector<16xi32>
      %reduce_min3A_103 = arith.constant true
      %reduce_min3A_104 = vector.broadcast %reduce_min3A_103 : i1 to vector<16xi1>
      %reduce_min3A_105 = arith.constant -2147483648 : i32
      %reduce_min3A_106 = vector.broadcast %reduce_min3A_105 : i32 to vector<16xi32>
      %reduce_min3A_107 = arith.xori %select_n3A_102, %reduce_min3A_106 : vector<16xi32>
      %reduce_min3A_108 = tpu.scan <min>, %reduce_min3A_107 masked %reduce_min3A_104 : vector<16xi32>, vector<16xi1> -> vector<16xi32>
      %reduce_min3A_109 = arith.xori %reduce_min3A_108, %reduce_min3A_106 : vector<16xi32>
      %reduce_min3A_110 = vector.extract %reduce_min3A_109[15] : i32 from vector<16xi32>
      %lt3A_111 = vector.broadcast %scan3A_91 : i32 to vector<16xi32>
      %lt3A_112 = arith.cmpi slt, %iota3A, %lt3A_111 : vector<16xi32>
      %broadcast_in_dim3A_113 = vector.broadcast %reduce_min3A_110 : i32 to vector<16xi32>
      %select_n3A_114 = arith.select %lt3A_112, %get3A_94, %broadcast_in_dim3A_113 : vector<16xi1>, vector<16xi32>
      %add3A_115 = arith.constant 16 : i32
      %add3A_116 = vector.broadcast %add3A_115 : i32 to vector<16xi32>
      %add3A_117 = arith.addi %iota3A, %add3A_116 : vector<16xi32>
      %lt3A_118 = vector.broadcast %scan3A_91 : i32 to vector<16xi32>
      %lt3A_119 = arith.cmpi slt, %add3A_117, %lt3A_118 : vector<16xi32>
      %broadcast_in_dim3A_120 = vector.broadcast %reduce_min3A_110 : i32 to vector<16xi32>
      %select_n3A_121 = arith.select %lt3A_119, %get3A_96, %broadcast_in_dim3A_120 : vector<16xi1>, vector<16xi32>
      %jit3A_122 = arith.constant 0 : i32
      %jit3A_123 = arith.constant 4095 : i32
      %max3A_124 = vector.broadcast %jit3A_122 : i32 to vector<16xi32>
      %max3A_125 = arith.maxsi %max3A_124, %select_n3A_114 : vector<16xi32>
      %min3A_126 = vector.broadcast %jit3A_123 : i32 to vector<16xi32>
      %min3A_127 = arith.minsi %min3A_126, %max3A_125 : vector<16xi32>
      %jit3A_128 = arith.constant 0 : i32
      %jit3A_129 = arith.constant 4095 : i32
      %max3A_130 = vector.broadcast %jit3A_128 : i32 to vector<16xi32>
      %max3A_131 = arith.maxsi %max3A_130, %select_n3A_121 : vector<16xi32>
      %min3A_132 = vector.broadcast %jit3A_129 : i32 to vector<16xi32>
      %min3A_133 = arith.minsi %min3A_132, %max3A_131 : vector<16xi32>
      %dma_start3A_134 = arith.constant 32 : i32
      %dma_start3A_135 = arith.constant 0 : i32
      %dma_start3A_136 = tpu.memref_slice %arg7[%dma_start3A_134, %dma_start3A_135] : memref<128x80xf32, #tpu.memory_space<vmem>> -> memref<16x80xf32, #tpu.memory_space<vmem>>
      %dma_start3A_137 = arith.constant 0 : i32
      %dma_start3A_138 = arith.constant 0 : i32
      %dma_start3A_139 = tpu.memref_slice %arg3[%dma_start3A_137, %dma_start3A_138] : memref<4096x80xf32, #tpu.memory_space<hbm>> -> memref<4096x80xf32, #tpu.memory_space<hbm>>
      tpu.enqueue_indirect_dma source(%dma_start3A_139 : memref<4096x80xf32, #tpu.memory_space<hbm>>) target(%dma_start3A_136 : memref<16x80xf32, #tpu.memory_space<vmem>>) offsets(%min3A_127 : vector<16xi32>) semaphore(%arg8 : memref<!tpu.dma_semaphore, #tpu.memory_space<semaphore_mem>>)
      %dma_start3A_140 = arith.constant 48 : i32
      %dma_start3A_141 = arith.constant 0 : i32
      %dma_start3A_142 = tpu.memref_slice %arg7[%dma_start3A_140, %dma_start3A_141] : memref<128x80xf32, #tpu.memory_space<vmem>> -> memref<16x80xf32, #tpu.memory_space<vmem>>
      %dma_start3A_143 = arith.constant 0 : i32
      %dma_start3A_144 = arith.constant 0 : i32
      %dma_start3A_145 = tpu.memref_slice %arg3[%dma_start3A_143, %dma_start3A_144] : memref<4096x80xf32, #tpu.memory_space<hbm>> -> memref<4096x80xf32, #tpu.memory_space<hbm>>
      tpu.enqueue_indirect_dma source(%dma_start3A_145 : memref<4096x80xf32, #tpu.memory_space<hbm>>) target(%dma_start3A_142 : memref<16x80xf32, #tpu.memory_space<vmem>>) offsets(%min3A_133 : vector<16xi32>) semaphore(%arg8 : memref<!tpu.dma_semaphore, #tpu.memory_space<semaphore_mem>>)
      %scan3A_146 = arith.constant 0 : i32
      %scan3A_147 = arith.constant 0 : i32
      %scan3A_148 = arith.constant 64 : i32
      %scan3A_149 = arith.addi %scan3A_147, %scan3A_148 : i32
      %scan3A_150 = arith.constant 1 : i32
      %scan3A_151 = scf.for %scan3A_315 = %scan3A_147 to %scan3A_149 step %scan3A_150 iter_args(%scan3A_316 = %scan3A_146) -> (i32)  : i32 {
        %mul3A_317 = arith.constant 16 : i32
        %mul3A_318 = arith.muli %scan3A_315, %mul3A_317 : i32
        %add3A_319 = arith.constant 2048 : i32
        %add3A_320 = arith.addi %add3A_319, %mul3A_318 : i32
        %get3A_321 = arith.index_cast %add3A_320 : i32 to index
        %get3A_322 = tpu.vector_load %arg5[%get3A_321] {strides = array<i32>} : memref<4096xf32, #tpu.memory_space<vmem>>, vector<16xf32>,
        %le3A = arith.constant 4.000000e-02 : f32
        %le3A_323 = vector.broadcast %le3A : f32 to vector<16xf32>
        %le3A_324 = arith.cmpf ole, %get3A_322, %le3A_323 : vector<16xf32>
        %mul3A_325 = arith.constant 16 : i32
        %mul3A_326 = arith.muli %scan3A_315, %mul3A_325 : i32
        %add3A_327 = arith.addi %mul3A_326, %mul3A_30 : i32
        %add3A_328 = vector.broadcast %add3A_327 : i32 to vector<16xi32>
        %add3A_329 = arith.addi %iota3A, %add3A_328 : vector<16xi32>
        %swap3A = arith.index_cast %scan3A_316 : i32 to index
        %swap3A_330 = tpu.vector_load %arg6[%swap3A] masked %le3A_324 {strides = array<i32>} : memref<1040xi32, #tpu.memory_space<vmem>>, vector<16xi32>, vector<16xi1>
        tpu.vector_store %arg6[%swap3A], %add3A_329 masked %le3A_324 {strides = array<i32>} : memref<1040xi32, #tpu.memory_space<vmem>>, vector<16xi32>, vector<16xi1>
        %all_reduce_population_count3A = tpu.all_reduce %le3A_324 {dim = 0 : i64, kind = #tpu.reduction_kind<sum>} : vector<16xi1> -> vector<16xi32>
        %reduce_max3A = arith.constant true
        %reduce_max3A_331 = vector.broadcast %reduce_max3A : i1 to vector<16xi1>
        %reduce_max3A_332 = arith.constant -2147483648 : i32
        %reduce_max3A_333 = vector.broadcast %reduce_max3A_332 : i32 to vector<16xi32>
        %reduce_max3A_334 = arith.xori %all_reduce_population_count3A, %reduce_max3A_333 : vector<16xi32>
        %reduce_max3A_335 = tpu.scan <max>, %reduce_max3A_334 masked %reduce_max3A_331 : vector<16xi32>, vector<16xi1> -> vector<16xi32>
        %reduce_max3A_336 = arith.xori %reduce_max3A_335, %reduce_max3A_333 : vector<16xi32>
        %reduce_max3A_337 = vector.extract %reduce_max3A_336[15] : i32 from vector<16xi32>
        %add3A_338 = arith.addi %scan3A_316, %reduce_max3A_337 : i32
        scf.yield %add3A_338 : i32
      }
      %scan3A_152 = arith.constant 64 : i32
      %get3A_153 = arith.constant 0 : index
      %get3A_154 = tpu.vector_load %arg6[%get3A_153] {strides = array<i32>} : memref<1040xi32, #tpu.memory_space<vmem>>, vector<16xi32>,
      %get3A_155 = arith.constant 16 : index
      %get3A_156 = tpu.vector_load %arg6[%get3A_155] {strides = array<i32>} : memref<1040xi32, #tpu.memory_space<vmem>>, vector<16xi32>,
      %eq3A_157 = arith.constant 0 : i32
      %eq3A_158 = vector.broadcast %eq3A_157 : i32 to vector<16xi32>
      %eq3A_159 = arith.cmpi eq, %iota3A, %eq3A_158 : vector<16xi32>
      %jit3A_160 = arith.constant 1073741824 : i32
      %broadcast_in_dim3A_161 = vector.broadcast %jit3A_160 : i32 to vector<16xi32>
      %select_n3A_162 = arith.select %eq3A_159, %get3A_154, %broadcast_in_dim3A_161 : vector<16xi1>, vector<16xi32>
      %reduce_min3A_163 = arith.constant true
      %reduce_min3A_164 = vector.broadcast %reduce_min3A_163 : i1 to vector<16xi1>
      %reduce_min3A_165 = arith.constant -2147483648 : i32
      %reduce_min3A_166 = vector.broadcast %reduce_min3A_165 : i32 to vector<16xi32>
      %reduce_min3A_167 = arith.xori %select_n3A_162, %reduce_min3A_166 : vector<16xi32>
      %reduce_min3A_168 = tpu.scan <min>, %reduce_min3A_167 masked %reduce_min3A_164 : vector<16xi32>, vector<16xi1> -> vector<16xi32>
      %reduce_min3A_169 = arith.xori %reduce_min3A_168, %reduce_min3A_166 : vector<16xi32>
      %reduce_min3A_170 = vector.extract %reduce_min3A_169[15] : i32 from vector<16xi32>
      %lt3A_171 = vector.broadcast %scan3A_151 : i32 to vector<16xi32>
      %lt3A_172 = arith.cmpi slt, %iota3A, %lt3A_171 : vector<16xi32>
      %broadcast_in_dim3A_173 = vector.broadcast %reduce_min3A_170 : i32 to vector<16xi32>
      %select_n3A_174 = arith.select %lt3A_172, %get3A_154, %broadcast_in_dim3A_173 : vector<16xi1>, vector<16xi32>
      %add3A_175 = arith.constant 16 : i32
      %add3A_176 = vector.broadcast %add3A_175 : i32 to vector<16xi32>
      %add3A_177 = arith.addi %iota3A, %add3A_176 : vector<16xi32>
      %lt3A_178 = vector.broadcast %scan3A_151 : i32 to vector<16xi32>
      %lt3A_179 = arith.cmpi slt, %add3A_177, %lt3A_178 : vector<16xi32>
      %broadcast_in_dim3A_180 = vector.broadcast %reduce_min3A_170 : i32 to vector<16xi32>
      %select_n3A_181 = arith.select %lt3A_179, %get3A_156, %broadcast_in_dim3A_180 : vector<16xi1>, vector<16xi32>
      %jit3A_182 = arith.constant 0 : i32
      %jit3A_183 = arith.constant 4095 : i32
      %max3A_184 = vector.broadcast %jit3A_182 : i32 to vector<16xi32>
      %max3A_185 = arith.maxsi %max3A_184, %select_n3A_174 : vector<16xi32>
      %min3A_186 = vector.broadcast %jit3A_183 : i32 to vector<16xi32>
      %min3A_187 = arith.minsi %min3A_186, %max3A_185 : vector<16xi32>
      %jit3A_188 = arith.constant 0 : i32
      %jit3A_189 = arith.constant 4095 : i32
      %max3A_190 = vector.broadcast %jit3A_188 : i32 to vector<16xi32>
      %max3A_191 = arith.maxsi %max3A_190, %select_n3A_181 : vector<16xi32>
      %min3A_192 = vector.broadcast %jit3A_189 : i32 to vector<16xi32>
      %min3A_193 = arith.minsi %min3A_192, %max3A_191 : vector<16xi32>
      %dma_start3A_194 = arith.constant 64 : i32
      %dma_start3A_195 = arith.constant 0 : i32
      %dma_start3A_196 = tpu.memref_slice %arg7[%dma_start3A_194, %dma_start3A_195] : memref<128x80xf32, #tpu.memory_space<vmem>> -> memref<16x80xf32, #tpu.memory_space<vmem>>
      %dma_start3A_197 = arith.constant 0 : i32
      %dma_start3A_198 = arith.constant 0 : i32
      %dma_start3A_199 = tpu.memref_slice %arg3[%dma_start3A_197, %dma_start3A_198] : memref<4096x80xf32, #tpu.memory_space<hbm>> -> memref<4096x80xf32, #tpu.memory_space<hbm>>
      tpu.enqueue_indirect_dma source(%dma_start3A_199 : memref<4096x80xf32, #tpu.memory_space<hbm>>) target(%dma_start3A_196 : memref<16x80xf32, #tpu.memory_space<vmem>>) offsets(%min3A_187 : vector<16xi32>) semaphore(%arg8 : memref<!tpu.dma_semaphore, #tpu.memory_space<semaphore_mem>>)
      %dma_start3A_200 = arith.constant 80 : i32
      %dma_start3A_201 = arith.constant 0 : i32
      %dma_start3A_202 = tpu.memref_slice %arg7[%dma_start3A_200, %dma_start3A_201] : memref<128x80xf32, #tpu.memory_space<vmem>> -> memref<16x80xf32, #tpu.memory_space<vmem>>
      %dma_start3A_203 = arith.constant 0 : i32
      %dma_start3A_204 = arith.constant 0 : i32
      %dma_start3A_205 = tpu.memref_slice %arg3[%dma_start3A_203, %dma_start3A_204] : memref<4096x80xf32, #tpu.memory_space<hbm>> -> memref<4096x80xf32, #tpu.memory_space<hbm>>
      tpu.enqueue_indirect_dma source(%dma_start3A_205 : memref<4096x80xf32, #tpu.memory_space<hbm>>) target(%dma_start3A_202 : memref<16x80xf32, #tpu.memory_space<vmem>>) offsets(%min3A_193 : vector<16xi32>) semaphore(%arg8 : memref<!tpu.dma_semaphore, #tpu.memory_space<semaphore_mem>>)
      %scan3A_206 = arith.constant 0 : i32
      %scan3A_207 = arith.constant 0 : i32
      %scan3A_208 = arith.constant 64 : i32
      %scan3A_209 = arith.addi %scan3A_207, %scan3A_208 : i32
      %scan3A_210 = arith.constant 1 : i32
      %scan3A_211 = scf.for %scan3A_315 = %scan3A_207 to %scan3A_209 step %scan3A_210 iter_args(%scan3A_316 = %scan3A_206) -> (i32)  : i32 {
        %mul3A_317 = arith.constant 16 : i32
        %mul3A_318 = arith.muli %scan3A_315, %mul3A_317 : i32
        %add3A_319 = arith.constant 3072 : i32
        %add3A_320 = arith.addi %add3A_319, %mul3A_318 : i32
        %get3A_321 = arith.index_cast %add3A_320 : i32 to index
        %get3A_322 = tpu.vector_load %arg5[%get3A_321] {strides = array<i32>} : memref<4096xf32, #tpu.memory_space<vmem>>, vector<16xf32>,
        %le3A = arith.constant 4.000000e-02 : f32
        %le3A_323 = vector.broadcast %le3A : f32 to vector<16xf32>
        %le3A_324 = arith.cmpf ole, %get3A_322, %le3A_323 : vector<16xf32>
        %mul3A_325 = arith.constant 16 : i32
        %mul3A_326 = arith.muli %scan3A_315, %mul3A_325 : i32
        %add3A_327 = arith.addi %mul3A_326, %mul3A_30 : i32
        %add3A_328 = vector.broadcast %add3A_327 : i32 to vector<16xi32>
        %add3A_329 = arith.addi %iota3A, %add3A_328 : vector<16xi32>
        %swap3A = arith.index_cast %scan3A_316 : i32 to index
        %swap3A_330 = tpu.vector_load %arg6[%swap3A] masked %le3A_324 {strides = array<i32>} : memref<1040xi32, #tpu.memory_space<vmem>>, vector<16xi32>, vector<16xi1>
        tpu.vector_store %arg6[%swap3A], %add3A_329 masked %le3A_324 {strides = array<i32>} : memref<1040xi32, #tpu.memory_space<vmem>>, vector<16xi32>, vector<16xi1>
        %all_reduce_population_count3A = tpu.all_reduce %le3A_324 {dim = 0 : i64, kind = #tpu.reduction_kind<sum>} : vector<16xi1> -> vector<16xi32>
        %reduce_max3A = arith.constant true
        %reduce_max3A_331 = vector.broadcast %reduce_max3A : i1 to vector<16xi1>
        %reduce_max3A_332 = arith.constant -2147483648 : i32
        %reduce_max3A_333 = vector.broadcast %reduce_max3A_332 : i32 to vector<16xi32>
        %reduce_max3A_334 = arith.xori %all_reduce_population_count3A, %reduce_max3A_333 : vector<16xi32>
        %reduce_max3A_335 = tpu.scan <max>, %reduce_max3A_334 masked %reduce_max3A_331 : vector<16xi32>, vector<16xi1> -> vector<16xi32>
        %reduce_max3A_336 = arith.xori %reduce_max3A_335, %reduce_max3A_333 : vector<16xi32>
        %reduce_max3A_337 = vector.extract %reduce_max3A_336[15] : i32 from vector<16xi32>
        %add3A_338 = arith.addi %scan3A_316, %reduce_max3A_337 : i32
        scf.yield %add3A_338 : i32
      }
      %scan3A_212 = arith.constant 64 : i32
      %get3A_213 = arith.constant 0 : index
      %get3A_214 = tpu.vector_load %arg6[%get3A_213] {strides = array<i32>} : memref<1040xi32, #tpu.memory_space<vmem>>, vector<16xi32>,
      %get3A_215 = arith.constant 16 : index
      %get3A_216 = tpu.vector_load %arg6[%get3A_215] {strides = array<i32>} : memref<1040xi32, #tpu.memory_space<vmem>>, vector<16xi32>,
      %eq3A_217 = arith.constant 0 : i32
      %eq3A_218 = vector.broadcast %eq3A_217 : i32 to vector<16xi32>
      %eq3A_219 = arith.cmpi eq, %iota3A, %eq3A_218 : vector<16xi32>
      %jit3A_220 = arith.constant 1073741824 : i32
      %broadcast_in_dim3A_221 = vector.broadcast %jit3A_220 : i32 to vector<16xi32>
      %select_n3A_222 = arith.select %eq3A_219, %get3A_214, %broadcast_in_dim3A_221 : vector<16xi1>, vector<16xi32>
      %reduce_min3A_223 = arith.constant true
      %reduce_min3A_224 = vector.broadcast %reduce_min3A_223 : i1 to vector<16xi1>
      %reduce_min3A_225 = arith.constant -2147483648 : i32
      %reduce_min3A_226 = vector.broadcast %reduce_min3A_225 : i32 to vector<16xi32>
      %reduce_min3A_227 = arith.xori %select_n3A_222, %reduce_min3A_226 : vector<16xi32>
      %reduce_min3A_228 = tpu.scan <min>, %reduce_min3A_227 masked %reduce_min3A_224 : vector<16xi32>, vector<16xi1> -> vector<16xi32>
      %reduce_min3A_229 = arith.xori %reduce_min3A_228, %reduce_min3A_226 : vector<16xi32>
      %reduce_min3A_230 = vector.extract %reduce_min3A_229[15] : i32 from vector<16xi32>
      %lt3A_231 = vector.broadcast %scan3A_211 : i32 to vector<16xi32>
      %lt3A_232 = arith.cmpi slt, %iota3A, %lt3A_231 : vector<16xi32>
      %broadcast_in_dim3A_233 = vector.broadcast %reduce_min3A_230 : i32 to vector<16xi32>
      %select_n3A_234 = arith.select %lt3A_232, %get3A_214, %broadcast_in_dim3A_233 : vector<16xi1>, vector<16xi32>
      %add3A_235 = arith.constant 16 : i32
      %add3A_236 = vector.broadcast %add3A_235 : i32 to vector<16xi32>
      %add3A_237 = arith.addi %iota3A, %add3A_236 : vector<16xi32>
      %lt3A_238 = vector.broadcast %scan3A_211 : i32 to vector<16xi32>
      %lt3A_239 = arith.cmpi slt, %add3A_237, %lt3A_238 : vector<16xi32>
      %broadcast_in_dim3A_240 = vector.broadcast %reduce_min3A_230 : i32 to vector<16xi32>
      %select_n3A_241 = arith.select %lt3A_239, %get3A_216, %broadcast_in_dim3A_240 : vector<16xi1>, vector<16xi32>
      %jit3A_242 = arith.constant 0 : i32
      %jit3A_243 = arith.constant 4095 : i32
      %max3A_244 = vector.broadcast %jit3A_242 : i32 to vector<16xi32>
      %max3A_245 = arith.maxsi %max3A_244, %select_n3A_234 : vector<16xi32>
      %min3A_246 = vector.broadcast %jit3A_243 : i32 to vector<16xi32>
      %min3A_247 = arith.minsi %min3A_246, %max3A_245 : vector<16xi32>
      %jit3A_248 = arith.constant 0 : i32
      %jit3A_249 = arith.constant 4095 : i32
      %max3A_250 = vector.broadcast %jit3A_248 : i32 to vector<16xi32>
      %max3A_251 = arith.maxsi %max3A_250, %select_n3A_241 : vector<16xi32>
      %min3A_252 = vector.broadcast %jit3A_249 : i32 to vector<16xi32>
      %min3A_253 = arith.minsi %min3A_252, %max3A_251 : vector<16xi32>
      %dma_start3A_254 = arith.constant 96 : i32
      %dma_start3A_255 = arith.constant 0 : i32
      %dma_start3A_256 = tpu.memref_slice %arg7[%dma_start3A_254, %dma_start3A_255] : memref<128x80xf32, #tpu.memory_space<vmem>> -> memref<16x80xf32, #tpu.memory_space<vmem>>
      %dma_start3A_257 = arith.constant 0 : i32
      %dma_start3A_258 = arith.constant 0 : i32
      %dma_start3A_259 = tpu.memref_slice %arg3[%dma_start3A_257, %dma_start3A_258] : memref<4096x80xf32, #tpu.memory_space<hbm>> -> memref<4096x80xf32, #tpu.memory_space<hbm>>
      tpu.enqueue_indirect_dma source(%dma_start3A_259 : memref<4096x80xf32, #tpu.memory_space<hbm>>) target(%dma_start3A_256 : memref<16x80xf32, #tpu.memory_space<vmem>>) offsets(%min3A_247 : vector<16xi32>) semaphore(%arg8 : memref<!tpu.dma_semaphore, #tpu.memory_space<semaphore_mem>>)
      %dma_start3A_260 = arith.constant 112 : i32
      %dma_start3A_261 = arith.constant 0 : i32
      %dma_start3A_262 = tpu.memref_slice %arg7[%dma_start3A_260, %dma_start3A_261] : memref<128x80xf32, #tpu.memory_space<vmem>> -> memref<16x80xf32, #tpu.memory_space<vmem>>
      %dma_start3A_263 = arith.constant 0 : i32
      %dma_start3A_264 = arith.constant 0 : i32
      %dma_start3A_265 = tpu.memref_slice %arg3[%dma_start3A_263, %dma_start3A_264] : memref<4096x80xf32, #tpu.memory_space<hbm>> -> memref<4096x80xf32, #tpu.memory_space<hbm>>
      tpu.enqueue_indirect_dma source(%dma_start3A_265 : memref<4096x80xf32, #tpu.memory_space<hbm>>) target(%dma_start3A_262 : memref<16x80xf32, #tpu.memory_space<vmem>>) offsets(%min3A_253 : vector<16xi32>) semaphore(%arg8 : memref<!tpu.dma_semaphore, #tpu.memory_space<semaphore_mem>>)
      %dma_wait3A = arith.constant 0 : i32
      %dma_wait3A_266 = arith.constant 0 : i32
      %dma_wait3A_267 = tpu.memref_slice %arg7[%dma_wait3A, %dma_wait3A_266] : memref<128x80xf32, #tpu.memory_space<vmem>> -> memref<16x80xf32, #tpu.memory_space<vmem>>
      %dma_wait3A_268 = arith.constant 0 : i32
      %dma_wait3A_269 = arith.constant 0 : i32
      %dma_wait3A_270 = tpu.memref_slice %arg3[%dma_wait3A_268, %dma_wait3A_269] : memref<4096x80xf32, #tpu.memory_space<hbm>> -> memref<4096x80xf32, #tpu.memory_space<hbm>>
      tpu.wait_indirect_dma semaphore(%arg8 : memref<!tpu.dma_semaphore, #tpu.memory_space<semaphore_mem>>) src(%dma_wait3A_270 : memref<4096x80xf32, #tpu.memory_space<hbm>>) dst(%dma_wait3A_267 : memref<16x80xf32, #tpu.memory_space<vmem>>)
      %dma_wait3A_271 = arith.constant 16 : i32
      %dma_wait3A_272 = arith.constant 0 : i32
      %dma_wait3A_273 = tpu.memref_slice %arg7[%dma_wait3A_271, %dma_wait3A_272] : memref<128x80xf32, #tpu.memory_space<vmem>> -> memref<16x80xf32, #tpu.memory_space<vmem>>
      %dma_wait3A_274 = arith.constant 0 : i32
      %dma_wait3A_275 = arith.constant 0 : i32
      %dma_wait3A_276 = tpu.memref_slice %arg3[%dma_wait3A_274, %dma_wait3A_275] : memref<4096x80xf32, #tpu.memory_space<hbm>> -> memref<4096x80xf32, #tpu.memory_space<hbm>>
      tpu.wait_indirect_dma semaphore(%arg8 : memref<!tpu.dma_semaphore, #tpu.memory_space<semaphore_mem>>) src(%dma_wait3A_276 : memref<4096x80xf32, #tpu.memory_space<hbm>>) dst(%dma_wait3A_273 : memref<16x80xf32, #tpu.memory_space<vmem>>)
      %dma_wait3A_277 = arith.constant 32 : i32
      %dma_wait3A_278 = arith.constant 0 : i32
      %dma_wait3A_279 = tpu.memref_slice %arg7[%dma_wait3A_277, %dma_wait3A_278] : memref<128x80xf32, #tpu.memory_space<vmem>> -> memref<16x80xf32, #tpu.memory_space<vmem>>
      %dma_wait3A_280 = arith.constant 0 : i32
      %dma_wait3A_281 = arith.constant 0 : i32
      %dma_wait3A_282 = tpu.memref_slice %arg3[%dma_wait3A_280, %dma_wait3A_281] : memref<4096x80xf32, #tpu.memory_space<hbm>> -> memref<4096x80xf32, #tpu.memory_space<hbm>>
      tpu.wait_indirect_dma semaphore(%arg8 : memref<!tpu.dma_semaphore, #tpu.memory_space<semaphore_mem>>) src(%dma_wait3A_282 : memref<4096x80xf32, #tpu.memory_space<hbm>>) dst(%dma_wait3A_279 : memref<16x80xf32, #tpu.memory_space<vmem>>)
      %dma_wait3A_283 = arith.constant 48 : i32
      %dma_wait3A_284 = arith.constant 0 : i32
      %dma_wait3A_285 = tpu.memref_slice %arg7[%dma_wait3A_283, %dma_wait3A_284] : memref<128x80xf32, #tpu.memory_space<vmem>> -> memref<16x80xf32, #tpu.memory_space<vmem>>
      %dma_wait3A_286 = arith.constant 0 : i32
      %dma_wait3A_287 = arith.constant 0 : i32
      %dma_wait3A_288 = tpu.memref_slice %arg3[%dma_wait3A_286, %dma_wait3A_287] : memref<4096x80xf32, #tpu.memory_space<hbm>> -> memref<4096x80xf32, #tpu.memory_space<hbm>>
      tpu.wait_indirect_dma semaphore(%arg8 : memref<!tpu.dma_semaphore, #tpu.memory_space<semaphore_mem>>) src(%dma_wait3A_288 : memref<4096x80xf32, #tpu.memory_space<hbm>>) dst(%dma_wait3A_285 : memref<16x80xf32, #tpu.memory_space<vmem>>)
      %dma_wait3A_289 = arith.constant 64 : i32
      %dma_wait3A_290 = arith.constant 0 : i32
      %dma_wait3A_291 = tpu.memref_slice %arg7[%dma_wait3A_289, %dma_wait3A_290] : memref<128x80xf32, #tpu.memory_space<vmem>> -> memref<16x80xf32, #tpu.memory_space<vmem>>
      %dma_wait3A_292 = arith.constant 0 : i32
      %dma_wait3A_293 = arith.constant 0 : i32
      %dma_wait3A_294 = tpu.memref_slice %arg3[%dma_wait3A_292, %dma_wait3A_293] : memref<4096x80xf32, #tpu.memory_space<hbm>> -> memref<4096x80xf32, #tpu.memory_space<hbm>>
      tpu.wait_indirect_dma semaphore(%arg8 : memref<!tpu.dma_semaphore, #tpu.memory_space<semaphore_mem>>) src(%dma_wait3A_294 : memref<4096x80xf32, #tpu.memory_space<hbm>>) dst(%dma_wait3A_291 : memref<16x80xf32, #tpu.memory_space<vmem>>)
      %dma_wait3A_295 = arith.constant 80 : i32
      %dma_wait3A_296 = arith.constant 0 : i32
      %dma_wait3A_297 = tpu.memref_slice %arg7[%dma_wait3A_295, %dma_wait3A_296] : memref<128x80xf32, #tpu.memory_space<vmem>> -> memref<16x80xf32, #tpu.memory_space<vmem>>
      %dma_wait3A_298 = arith.constant 0 : i32
      %dma_wait3A_299 = arith.constant 0 : i32
      %dma_wait3A_300 = tpu.memref_slice %arg3[%dma_wait3A_298, %dma_wait3A_299] : memref<4096x80xf32, #tpu.memory_space<hbm>> -> memref<4096x80xf32, #tpu.memory_space<hbm>>
      tpu.wait_indirect_dma semaphore(%arg8 : memref<!tpu.dma_semaphore, #tpu.memory_space<semaphore_mem>>) src(%dma_wait3A_300 : memref<4096x80xf32, #tpu.memory_space<hbm>>) dst(%dma_wait3A_297 : memref<16x80xf32, #tpu.memory_space<vmem>>)
      %dma_wait3A_301 = arith.constant 96 : i32
      %dma_wait3A_302 = arith.constant 0 : i32
      %dma_wait3A_303 = tpu.memref_slice %arg7[%dma_wait3A_301, %dma_wait3A_302] : memref<128x80xf32, #tpu.memory_space<vmem>> -> memref<16x80xf32, #tpu.memory_space<vmem>>
      %dma_wait3A_304 = arith.constant 0 : i32
      %dma_wait3A_305 = arith.constant 0 : i32
      %dma_wait3A_306 = tpu.memref_slice %arg3[%dma_wait3A_304, %dma_wait3A_305] : memref<4096x80xf32, #tpu.memory_space<hbm>> -> memref<4096x80xf32, #tpu.memory_space<hbm>>
      tpu.wait_indirect_dma semaphore(%arg8 : memref<!tpu.dma_semaphore, #tpu.memory_space<semaphore_mem>>) src(%dma_wait3A_306 : memref<4096x80xf32, #tpu.memory_space<hbm>>) dst(%dma_wait3A_303 : memref<16x80xf32, #tpu.memory_space<vmem>>)
      %dma_wait3A_307 = arith.constant 112 : i32
      %dma_wait3A_308 = arith.constant 0 : i32
      %dma_wait3A_309 = tpu.memref_slice %arg7[%dma_wait3A_307, %dma_wait3A_308] : memref<128x80xf32, #tpu.memory_space<vmem>> -> memref<16x80xf32, #tpu.memory_space<vmem>>
      %dma_wait3A_310 = arith.constant 0 : i32
      %dma_wait3A_311 = arith.constant 0 : i32
      %dma_wait3A_312 = tpu.memref_slice %arg3[%dma_wait3A_310, %dma_wait3A_311] : memref<4096x80xf32, #tpu.memory_space<hbm>> -> memref<4096x80xf32, #tpu.memory_space<hbm>>
      tpu.wait_indirect_dma semaphore(%arg8 : memref<!tpu.dma_semaphore, #tpu.memory_space<semaphore_mem>>) src(%dma_wait3A_312 : memref<4096x80xf32, #tpu.memory_space<hbm>>) dst(%dma_wait3A_309 : memref<16x80xf32, #tpu.memory_space<vmem>>)
      %mul3A_313 = arith.constant 32 : i32
      %mul3A_314 = arith.muli %add3A_12, %mul3A_313 : i32
      "tpu.region"() ({
        %run_scoped3A = tpu.sem_alloc : memref<!tpu.dma_semaphore, #tpu.memory_space<semaphore_mem>>
        %dma_start3A_315 = arith.constant 0 : i32
        %dma_start3A_316 = tpu.memref_slice %arg4[%mul3A_314, %dma_start3A_315] : memref<32768x80xf32, #tpu.memory_space<hbm>> -> memref<128x80xf32, #tpu.memory_space<hbm>>
        %dma_start3A_317 = arith.constant 0 : i32
        %dma_start3A_318 = tpu.memref_slice %arg4[%mul3A_314, %dma_start3A_317] : memref<32768x80xf32, #tpu.memory_space<hbm>> -> memref<128x80xf32, #tpu.memory_space<hbm>>
        tpu.enqueue_dma source(%arg7 : memref<128x80xf32, #tpu.memory_space<vmem>>) target(%dma_start3A_318 : memref<128x80xf32, #tpu.memory_space<hbm>>) target_semaphore(%run_scoped3A : memref<!tpu.dma_semaphore, #tpu.memory_space<semaphore_mem>>)
        %dma_wait3A_319 = arith.constant 0 : i32
        %dma_wait3A_320 = tpu.memref_slice %arg4[%mul3A_314, %dma_wait3A_319] : memref<32768x80xf32, #tpu.memory_space<hbm>> -> memref<128x80xf32, #tpu.memory_space<hbm>>
        %dma_wait3A_321 = arith.constant 0 : i32
        %dma_wait3A_322 = tpu.memref_slice %arg4[%mul3A_314, %dma_wait3A_321] : memref<32768x80xf32, #tpu.memory_space<hbm>> -> memref<128x80xf32, #tpu.memory_space<hbm>>
        tpu.wait_dma2 semaphore(%run_scoped3A : memref<!tpu.dma_semaphore, #tpu.memory_space<semaphore_mem>>) src(%arg7 : memref<128x80xf32, #tpu.memory_space<vmem>>) dst(%dma_wait3A_322 : memref<128x80xf32, #tpu.memory_space<hbm>>)
        tpu.yield
      }) : () -> ()
    }
    %scan3A_8 = arith.constant 8 : i32
    return
  }
}

#map = affine_map<(d0, d1) -> (0)>
#map1 = affine_map<(d0, d1) -> (0, 0)>
module attributes {stable_mosaic.version = 14 : i64} {
  func.func @k(%arg0: i32, %arg1: i32, %arg2: memref<65536xf32, #tpu.memory_space<hbm>>, %arg3: memref<1024x144xf32, #tpu.memory_space<hbm>>, %arg4: memref<8192x144xf32, #tpu.memory_space<hbm>>, %arg5: memref<1024xf32, #tpu.memory_space<vmem>>, %arg6: memref<272xi32, #tpu.memory_space<vmem>>, %arg7: memref<128x144xf32, #tpu.memory_space<vmem>>, %arg8: memref<!tpu.dma_semaphore, #tpu.memory_space<semaphore_mem>>) attributes {dimension_semantics = [#tpu.dimension_semantics<core_parallel>, #tpu.dimension_semantics<subcore_parallel>], iteration_bounds = array<i64: 2, 16>, scalar_prefetch = 0 : i64, scratch_operands = 4 : i64, tpu.core_type = #tpu.core_type<sc_vector_subcore>, window_params = [{transform_indices = #map}, {transform_indices = #map1}, {transform_indices = #map1}]} {
    %mul3A = arith.constant 2 : i32
    %mul3A_0 = arith.muli %arg1, %mul3A : i32
    %add3A = arith.addi %mul3A_0, %arg0 : i32
    %mul3A_1 = arith.constant 8 : i32
    %mul3A_2 = arith.muli %add3A, %mul3A_1 : i32
    %iota3A = tpu.iota {dimensions = array<i32: 0>} : vector<16xi32>
    %broadcast_in_dim3A = arith.constant 0 : i32
    %broadcast_in_dim3A_3 = vector.broadcast %broadcast_in_dim3A : i32 to vector<16xi32>
    %scan3A = arith.constant 0 : i32
    %scan3A_4 = arith.constant 0 : i32
    %scan3A_5 = arith.constant 2 : i32
    %scan3A_6 = arith.addi %scan3A_4, %scan3A_5 : i32
    %scan3A_7 = arith.constant 1 : i32
    scf.for %scan3A_9 = %scan3A_4 to %scan3A_6 step %scan3A_7  : i32 {
      %mul3A_10 = arith.constant 4 : i32
      %mul3A_11 = arith.muli %scan3A_9, %mul3A_10 : i32
      %add3A_12 = arith.addi %mul3A_2, %mul3A_11 : i32
      %jit3A = arith.constant 64 : i32
      %div3A = arith.divsi %add3A_12, %jit3A : i32
      %sign3A = arith.constant 0 : i32
      %sign3A_13 = arith.cmpi sgt, %add3A_12, %sign3A : i32
      %sign3A_14 = arith.extui %sign3A_13 : i1 to i32
      %sign3A_15 = arith.constant 0 : i32
      %sign3A_16 = arith.cmpi slt, %add3A_12, %sign3A_15 : i32
      %sign3A_17 = arith.extui %sign3A_16 : i1 to i32
      %sign3A_18 = arith.subi %sign3A_14, %sign3A_17 : i32
      %sign3A_19 = arith.constant 0 : i32
      %sign3A_20 = arith.cmpi sgt, %jit3A, %sign3A_19 : i32
      %sign3A_21 = arith.extui %sign3A_20 : i1 to i32
      %sign3A_22 = arith.constant 0 : i32
      %sign3A_23 = arith.cmpi slt, %jit3A, %sign3A_22 : i32
      %sign3A_24 = arith.extui %sign3A_23 : i1 to i32
      %sign3A_25 = arith.subi %sign3A_21, %sign3A_24 : i32
      %ne3A = arith.cmpi ne, %sign3A_18, %sign3A_25 : i32
      %rem3A = arith.remsi %add3A_12, %jit3A : i32
      %ne3A_26 = arith.constant 0 : i32
      %ne3A_27 = arith.cmpi ne, %rem3A, %ne3A_26 : i32
      %and3A = arith.andi %ne3A, %ne3A_27 : i1
      %sub3A = arith.constant 1 : i32
      %sub3A_28 = arith.subi %div3A, %sub3A : i32
      %select_n3A = arith.select %and3A, %sub3A_28, %div3A : i32
      %mul3A_29 = arith.constant 256 : i32
      %mul3A_30 = arith.muli %select_n3A, %mul3A_29 : i32
      %mul3A_31 = arith.constant 256 : i32
      %mul3A_32 = arith.muli %add3A_12, %mul3A_31 : i32
      "tpu.region"() ({
        %run_scoped3A = tpu.sem_alloc : memref<!tpu.dma_semaphore, #tpu.memory_space<semaphore_mem>>
        %dma_start3A_315 = tpu.memref_slice %arg2[%mul3A_32] : memref<65536xf32, #tpu.memory_space<hbm>> -> memref<1024xf32, #tpu.memory_space<hbm>>
        %dma_start3A_316 = tpu.memref_slice %arg2[%mul3A_32] : memref<65536xf32, #tpu.memory_space<hbm>> -> memref<1024xf32, #tpu.memory_space<hbm>>
        tpu.enqueue_dma source(%dma_start3A_316 : memref<1024xf32, #tpu.memory_space<hbm>>) target(%arg5 : memref<1024xf32, #tpu.memory_space<vmem>>) target_semaphore(%run_scoped3A : memref<!tpu.dma_semaphore, #tpu.memory_space<semaphore_mem>>)
        %dma_wait3A_317 = tpu.memref_slice %arg2[%mul3A_32] : memref<65536xf32, #tpu.memory_space<hbm>> -> memref<1024xf32, #tpu.memory_space<hbm>>
        %dma_wait3A_318 = tpu.memref_slice %arg2[%mul3A_32] : memref<65536xf32, #tpu.memory_space<hbm>> -> memref<1024xf32, #tpu.memory_space<hbm>>
        tpu.wait_dma2 semaphore(%run_scoped3A : memref<!tpu.dma_semaphore, #tpu.memory_space<semaphore_mem>>) src(%dma_wait3A_318 : memref<1024xf32, #tpu.memory_space<hbm>>) dst(%arg5 : memref<1024xf32, #tpu.memory_space<vmem>>)
        tpu.yield
      }) : () -> ()
      %scan3A_33 = arith.constant 0 : i32
      %scan3A_34 = arith.constant 0 : i32
      %scan3A_35 = arith.constant 16 : i32
      %scan3A_36 = arith.addi %scan3A_34, %scan3A_35 : i32
      %scan3A_37 = arith.constant 1 : i32
      %scan3A_38 = scf.for %scan3A_315 = %scan3A_34 to %scan3A_36 step %scan3A_37 iter_args(%scan3A_316 = %scan3A_33) -> (i32)  : i32 {
        %mul3A_317 = arith.constant 16 : i32
        %mul3A_318 = arith.muli %scan3A_315, %mul3A_317 : i32
        %add3A_319 = arith.constant 0 : i32
        %add3A_320 = arith.addi %add3A_319, %mul3A_318 : i32
        %get3A_321 = arith.index_cast %add3A_320 : i32 to index
        %get3A_322 = tpu.vector_load %arg5[%get3A_321] {strides = array<i32>} : memref<1024xf32, #tpu.memory_space<vmem>>, vector<16xf32>,
        %le3A = arith.constant 1.600000e-01 : f32
        %le3A_323 = vector.broadcast %le3A : f32 to vector<16xf32>
        %le3A_324 = arith.cmpf ole, %get3A_322, %le3A_323 : vector<16xf32>
        %mul3A_325 = arith.constant 16 : i32
        %mul3A_326 = arith.muli %scan3A_315, %mul3A_325 : i32
        %add3A_327 = arith.addi %mul3A_326, %mul3A_30 : i32
        %add3A_328 = vector.broadcast %add3A_327 : i32 to vector<16xi32>
        %add3A_329 = arith.addi %iota3A, %add3A_328 : vector<16xi32>
        %swap3A = arith.index_cast %scan3A_316 : i32 to index
        %swap3A_330 = tpu.vector_load %arg6[%swap3A] masked %le3A_324 {strides = array<i32>} : memref<272xi32, #tpu.memory_space<vmem>>, vector<16xi32>, vector<16xi1>
        tpu.vector_store %arg6[%swap3A], %add3A_329 masked %le3A_324 {strides = array<i32>} : memref<272xi32, #tpu.memory_space<vmem>>, vector<16xi32>, vector<16xi1>
        %all_reduce_population_count3A = tpu.all_reduce %le3A_324 {dim = 0 : i64, kind = #tpu.reduction_kind<sum>} : vector<16xi1> -> vector<16xi32>
        %reduce_max3A = arith.constant true
        %reduce_max3A_331 = vector.broadcast %reduce_max3A : i1 to vector<16xi1>
        %reduce_max3A_332 = arith.constant -2147483648 : i32
        %reduce_max3A_333 = vector.broadcast %reduce_max3A_332 : i32 to vector<16xi32>
        %reduce_max3A_334 = arith.xori %all_reduce_population_count3A, %reduce_max3A_333 : vector<16xi32>
        %reduce_max3A_335 = tpu.scan <max>, %reduce_max3A_334 masked %reduce_max3A_331 : vector<16xi32>, vector<16xi1> -> vector<16xi32>
        %reduce_max3A_336 = arith.xori %reduce_max3A_335, %reduce_max3A_333 : vector<16xi32>
        %reduce_max3A_337 = vector.extract %reduce_max3A_336[15] : i32 from vector<16xi32>
        %add3A_338 = arith.addi %scan3A_316, %reduce_max3A_337 : i32
        scf.yield %add3A_338 : i32
      }
      %scan3A_39 = arith.constant 16 : i32
      %get3A = arith.constant 0 : index
      %get3A_40 = tpu.vector_load %arg6[%get3A] {strides = array<i32>} : memref<272xi32, #tpu.memory_space<vmem>>, vector<16xi32>,
      %get3A_41 = arith.constant 16 : index
      %get3A_42 = tpu.vector_load %arg6[%get3A_41] {strides = array<i32>} : memref<272xi32, #tpu.memory_space<vmem>>, vector<16xi32>,
      %eq3A = arith.constant 0 : i32
      %eq3A_43 = vector.broadcast %eq3A : i32 to vector<16xi32>
      %eq3A_44 = arith.cmpi eq, %iota3A, %eq3A_43 : vector<16xi32>
      %jit3A_45 = arith.constant 1073741824 : i32
      %broadcast_in_dim3A_46 = vector.broadcast %jit3A_45 : i32 to vector<16xi32>
      %select_n3A_47 = arith.select %eq3A_44, %get3A_40, %broadcast_in_dim3A_46 : vector<16xi1>, vector<16xi32>
      %reduce_min3A = arith.constant true
      %reduce_min3A_48 = vector.broadcast %reduce_min3A : i1 to vector<16xi1>
      %reduce_min3A_49 = arith.constant -2147483648 : i32
      %reduce_min3A_50 = vector.broadcast %reduce_min3A_49 : i32 to vector<16xi32>
      %reduce_min3A_51 = arith.xori %select_n3A_47, %reduce_min3A_50 : vector<16xi32>
      %reduce_min3A_52 = tpu.scan <min>, %reduce_min3A_51 masked %reduce_min3A_48 : vector<16xi32>, vector<16xi1> -> vector<16xi32>
      %reduce_min3A_53 = arith.xori %reduce_min3A_52, %reduce_min3A_50 : vector<16xi32>
      %reduce_min3A_54 = vector.extract %reduce_min3A_53[15] : i32 from vector<16xi32>
      %lt3A = vector.broadcast %scan3A_38 : i32 to vector<16xi32>
      %lt3A_55 = arith.cmpi slt, %iota3A, %lt3A : vector<16xi32>
      %broadcast_in_dim3A_56 = vector.broadcast %reduce_min3A_54 : i32 to vector<16xi32>
      %select_n3A_57 = arith.select %lt3A_55, %get3A_40, %broadcast_in_dim3A_56 : vector<16xi1>, vector<16xi32>
      %add3A_58 = arith.constant 16 : i32
      %add3A_59 = vector.broadcast %add3A_58 : i32 to vector<16xi32>
      %add3A_60 = arith.addi %iota3A, %add3A_59 : vector<16xi32>
      %lt3A_61 = vector.broadcast %scan3A_38 : i32 to vector<16xi32>
      %lt3A_62 = arith.cmpi slt, %add3A_60, %lt3A_61 : vector<16xi32>
      %broadcast_in_dim3A_63 = vector.broadcast %reduce_min3A_54 : i32 to vector<16xi32>
      %select_n3A_64 = arith.select %lt3A_62, %get3A_42, %broadcast_in_dim3A_63 : vector<16xi1>, vector<16xi32>
      %jit3A_65 = arith.constant 0 : i32
      %jit3A_66 = arith.constant 1023 : i32
      %max3A = vector.broadcast %jit3A_65 : i32 to vector<16xi32>
      %max3A_67 = arith.maxsi %max3A, %select_n3A_57 : vector<16xi32>
      %min3A = vector.broadcast %jit3A_66 : i32 to vector<16xi32>
      %min3A_68 = arith.minsi %min3A, %max3A_67 : vector<16xi32>
      %jit3A_69 = arith.constant 0 : i32
      %jit3A_70 = arith.constant 1023 : i32
      %max3A_71 = vector.broadcast %jit3A_69 : i32 to vector<16xi32>
      %max3A_72 = arith.maxsi %max3A_71, %select_n3A_64 : vector<16xi32>
      %min3A_73 = vector.broadcast %jit3A_70 : i32 to vector<16xi32>
      %min3A_74 = arith.minsi %min3A_73, %max3A_72 : vector<16xi32>
      %dma_start3A = arith.constant 0 : i32
      %dma_start3A_75 = arith.constant 0 : i32
      %dma_start3A_76 = tpu.memref_slice %arg7[%dma_start3A, %dma_start3A_75] : memref<128x144xf32, #tpu.memory_space<vmem>> -> memref<16x144xf32, #tpu.memory_space<vmem>>
      %dma_start3A_77 = arith.constant 0 : i32
      %dma_start3A_78 = arith.constant 0 : i32
      %dma_start3A_79 = tpu.memref_slice %arg3[%dma_start3A_77, %dma_start3A_78] : memref<1024x144xf32, #tpu.memory_space<hbm>> -> memref<1024x144xf32, #tpu.memory_space<hbm>>
      tpu.enqueue_indirect_dma source(%dma_start3A_79 : memref<1024x144xf32, #tpu.memory_space<hbm>>) target(%dma_start3A_76 : memref<16x144xf32, #tpu.memory_space<vmem>>) offsets(%min3A_68 : vector<16xi32>) semaphore(%arg8 : memref<!tpu.dma_semaphore, #tpu.memory_space<semaphore_mem>>)
      %dma_start3A_80 = arith.constant 16 : i32
      %dma_start3A_81 = arith.constant 0 : i32
      %dma_start3A_82 = tpu.memref_slice %arg7[%dma_start3A_80, %dma_start3A_81] : memref<128x144xf32, #tpu.memory_space<vmem>> -> memref<16x144xf32, #tpu.memory_space<vmem>>
      %dma_start3A_83 = arith.constant 0 : i32
      %dma_start3A_84 = arith.constant 0 : i32
      %dma_start3A_85 = tpu.memref_slice %arg3[%dma_start3A_83, %dma_start3A_84] : memref<1024x144xf32, #tpu.memory_space<hbm>> -> memref<1024x144xf32, #tpu.memory_space<hbm>>
      tpu.enqueue_indirect_dma source(%dma_start3A_85 : memref<1024x144xf32, #tpu.memory_space<hbm>>) target(%dma_start3A_82 : memref<16x144xf32, #tpu.memory_space<vmem>>) offsets(%min3A_74 : vector<16xi32>) semaphore(%arg8 : memref<!tpu.dma_semaphore, #tpu.memory_space<semaphore_mem>>)
      %scan3A_86 = arith.constant 0 : i32
      %scan3A_87 = arith.constant 0 : i32
      %scan3A_88 = arith.constant 16 : i32
      %scan3A_89 = arith.addi %scan3A_87, %scan3A_88 : i32
      %scan3A_90 = arith.constant 1 : i32
      %scan3A_91 = scf.for %scan3A_315 = %scan3A_87 to %scan3A_89 step %scan3A_90 iter_args(%scan3A_316 = %scan3A_86) -> (i32)  : i32 {
        %mul3A_317 = arith.constant 16 : i32
        %mul3A_318 = arith.muli %scan3A_315, %mul3A_317 : i32
        %add3A_319 = arith.constant 256 : i32
        %add3A_320 = arith.addi %add3A_319, %mul3A_318 : i32
        %get3A_321 = arith.index_cast %add3A_320 : i32 to index
        %get3A_322 = tpu.vector_load %arg5[%get3A_321] {strides = array<i32>} : memref<1024xf32, #tpu.memory_space<vmem>>, vector<16xf32>,
        %le3A = arith.constant 1.600000e-01 : f32
        %le3A_323 = vector.broadcast %le3A : f32 to vector<16xf32>
        %le3A_324 = arith.cmpf ole, %get3A_322, %le3A_323 : vector<16xf32>
        %mul3A_325 = arith.constant 16 : i32
        %mul3A_326 = arith.muli %scan3A_315, %mul3A_325 : i32
        %add3A_327 = arith.addi %mul3A_326, %mul3A_30 : i32
        %add3A_328 = vector.broadcast %add3A_327 : i32 to vector<16xi32>
        %add3A_329 = arith.addi %iota3A, %add3A_328 : vector<16xi32>
        %swap3A = arith.index_cast %scan3A_316 : i32 to index
        %swap3A_330 = tpu.vector_load %arg6[%swap3A] masked %le3A_324 {strides = array<i32>} : memref<272xi32, #tpu.memory_space<vmem>>, vector<16xi32>, vector<16xi1>
        tpu.vector_store %arg6[%swap3A], %add3A_329 masked %le3A_324 {strides = array<i32>} : memref<272xi32, #tpu.memory_space<vmem>>, vector<16xi32>, vector<16xi1>
        %all_reduce_population_count3A = tpu.all_reduce %le3A_324 {dim = 0 : i64, kind = #tpu.reduction_kind<sum>} : vector<16xi1> -> vector<16xi32>
        %reduce_max3A = arith.constant true
        %reduce_max3A_331 = vector.broadcast %reduce_max3A : i1 to vector<16xi1>
        %reduce_max3A_332 = arith.constant -2147483648 : i32
        %reduce_max3A_333 = vector.broadcast %reduce_max3A_332 : i32 to vector<16xi32>
        %reduce_max3A_334 = arith.xori %all_reduce_population_count3A, %reduce_max3A_333 : vector<16xi32>
        %reduce_max3A_335 = tpu.scan <max>, %reduce_max3A_334 masked %reduce_max3A_331 : vector<16xi32>, vector<16xi1> -> vector<16xi32>
        %reduce_max3A_336 = arith.xori %reduce_max3A_335, %reduce_max3A_333 : vector<16xi32>
        %reduce_max3A_337 = vector.extract %reduce_max3A_336[15] : i32 from vector<16xi32>
        %add3A_338 = arith.addi %scan3A_316, %reduce_max3A_337 : i32
        scf.yield %add3A_338 : i32
      }
      %scan3A_92 = arith.constant 16 : i32
      %get3A_93 = arith.constant 0 : index
      %get3A_94 = tpu.vector_load %arg6[%get3A_93] {strides = array<i32>} : memref<272xi32, #tpu.memory_space<vmem>>, vector<16xi32>,
      %get3A_95 = arith.constant 16 : index
      %get3A_96 = tpu.vector_load %arg6[%get3A_95] {strides = array<i32>} : memref<272xi32, #tpu.memory_space<vmem>>, vector<16xi32>,
      %eq3A_97 = arith.constant 0 : i32
      %eq3A_98 = vector.broadcast %eq3A_97 : i32 to vector<16xi32>
      %eq3A_99 = arith.cmpi eq, %iota3A, %eq3A_98 : vector<16xi32>
      %jit3A_100 = arith.constant 1073741824 : i32
      %broadcast_in_dim3A_101 = vector.broadcast %jit3A_100 : i32 to vector<16xi32>
      %select_n3A_102 = arith.select %eq3A_99, %get3A_94, %broadcast_in_dim3A_101 : vector<16xi1>, vector<16xi32>
      %reduce_min3A_103 = arith.constant true
      %reduce_min3A_104 = vector.broadcast %reduce_min3A_103 : i1 to vector<16xi1>
      %reduce_min3A_105 = arith.constant -2147483648 : i32
      %reduce_min3A_106 = vector.broadcast %reduce_min3A_105 : i32 to vector<16xi32>
      %reduce_min3A_107 = arith.xori %select_n3A_102, %reduce_min3A_106 : vector<16xi32>
      %reduce_min3A_108 = tpu.scan <min>, %reduce_min3A_107 masked %reduce_min3A_104 : vector<16xi32>, vector<16xi1> -> vector<16xi32>
      %reduce_min3A_109 = arith.xori %reduce_min3A_108, %reduce_min3A_106 : vector<16xi32>
      %reduce_min3A_110 = vector.extract %reduce_min3A_109[15] : i32 from vector<16xi32>
      %lt3A_111 = vector.broadcast %scan3A_91 : i32 to vector<16xi32>
      %lt3A_112 = arith.cmpi slt, %iota3A, %lt3A_111 : vector<16xi32>
      %broadcast_in_dim3A_113 = vector.broadcast %reduce_min3A_110 : i32 to vector<16xi32>
      %select_n3A_114 = arith.select %lt3A_112, %get3A_94, %broadcast_in_dim3A_113 : vector<16xi1>, vector<16xi32>
      %add3A_115 = arith.constant 16 : i32
      %add3A_116 = vector.broadcast %add3A_115 : i32 to vector<16xi32>
      %add3A_117 = arith.addi %iota3A, %add3A_116 : vector<16xi32>
      %lt3A_118 = vector.broadcast %scan3A_91 : i32 to vector<16xi32>
      %lt3A_119 = arith.cmpi slt, %add3A_117, %lt3A_118 : vector<16xi32>
      %broadcast_in_dim3A_120 = vector.broadcast %reduce_min3A_110 : i32 to vector<16xi32>
      %select_n3A_121 = arith.select %lt3A_119, %get3A_96, %broadcast_in_dim3A_120 : vector<16xi1>, vector<16xi32>
      %jit3A_122 = arith.constant 0 : i32
      %jit3A_123 = arith.constant 1023 : i32
      %max3A_124 = vector.broadcast %jit3A_122 : i32 to vector<16xi32>
      %max3A_125 = arith.maxsi %max3A_124, %select_n3A_114 : vector<16xi32>
      %min3A_126 = vector.broadcast %jit3A_123 : i32 to vector<16xi32>
      %min3A_127 = arith.minsi %min3A_126, %max3A_125 : vector<16xi32>
      %jit3A_128 = arith.constant 0 : i32
      %jit3A_129 = arith.constant 1023 : i32
      %max3A_130 = vector.broadcast %jit3A_128 : i32 to vector<16xi32>
      %max3A_131 = arith.maxsi %max3A_130, %select_n3A_121 : vector<16xi32>
      %min3A_132 = vector.broadcast %jit3A_129 : i32 to vector<16xi32>
      %min3A_133 = arith.minsi %min3A_132, %max3A_131 : vector<16xi32>
      %dma_start3A_134 = arith.constant 32 : i32
      %dma_start3A_135 = arith.constant 0 : i32
      %dma_start3A_136 = tpu.memref_slice %arg7[%dma_start3A_134, %dma_start3A_135] : memref<128x144xf32, #tpu.memory_space<vmem>> -> memref<16x144xf32, #tpu.memory_space<vmem>>
      %dma_start3A_137 = arith.constant 0 : i32
      %dma_start3A_138 = arith.constant 0 : i32
      %dma_start3A_139 = tpu.memref_slice %arg3[%dma_start3A_137, %dma_start3A_138] : memref<1024x144xf32, #tpu.memory_space<hbm>> -> memref<1024x144xf32, #tpu.memory_space<hbm>>
      tpu.enqueue_indirect_dma source(%dma_start3A_139 : memref<1024x144xf32, #tpu.memory_space<hbm>>) target(%dma_start3A_136 : memref<16x144xf32, #tpu.memory_space<vmem>>) offsets(%min3A_127 : vector<16xi32>) semaphore(%arg8 : memref<!tpu.dma_semaphore, #tpu.memory_space<semaphore_mem>>)
      %dma_start3A_140 = arith.constant 48 : i32
      %dma_start3A_141 = arith.constant 0 : i32
      %dma_start3A_142 = tpu.memref_slice %arg7[%dma_start3A_140, %dma_start3A_141] : memref<128x144xf32, #tpu.memory_space<vmem>> -> memref<16x144xf32, #tpu.memory_space<vmem>>
      %dma_start3A_143 = arith.constant 0 : i32
      %dma_start3A_144 = arith.constant 0 : i32
      %dma_start3A_145 = tpu.memref_slice %arg3[%dma_start3A_143, %dma_start3A_144] : memref<1024x144xf32, #tpu.memory_space<hbm>> -> memref<1024x144xf32, #tpu.memory_space<hbm>>
      tpu.enqueue_indirect_dma source(%dma_start3A_145 : memref<1024x144xf32, #tpu.memory_space<hbm>>) target(%dma_start3A_142 : memref<16x144xf32, #tpu.memory_space<vmem>>) offsets(%min3A_133 : vector<16xi32>) semaphore(%arg8 : memref<!tpu.dma_semaphore, #tpu.memory_space<semaphore_mem>>)
      %scan3A_146 = arith.constant 0 : i32
      %scan3A_147 = arith.constant 0 : i32
      %scan3A_148 = arith.constant 16 : i32
      %scan3A_149 = arith.addi %scan3A_147, %scan3A_148 : i32
      %scan3A_150 = arith.constant 1 : i32
      %scan3A_151 = scf.for %scan3A_315 = %scan3A_147 to %scan3A_149 step %scan3A_150 iter_args(%scan3A_316 = %scan3A_146) -> (i32)  : i32 {
        %mul3A_317 = arith.constant 16 : i32
        %mul3A_318 = arith.muli %scan3A_315, %mul3A_317 : i32
        %add3A_319 = arith.constant 512 : i32
        %add3A_320 = arith.addi %add3A_319, %mul3A_318 : i32
        %get3A_321 = arith.index_cast %add3A_320 : i32 to index
        %get3A_322 = tpu.vector_load %arg5[%get3A_321] {strides = array<i32>} : memref<1024xf32, #tpu.memory_space<vmem>>, vector<16xf32>,
        %le3A = arith.constant 1.600000e-01 : f32
        %le3A_323 = vector.broadcast %le3A : f32 to vector<16xf32>
        %le3A_324 = arith.cmpf ole, %get3A_322, %le3A_323 : vector<16xf32>
        %mul3A_325 = arith.constant 16 : i32
        %mul3A_326 = arith.muli %scan3A_315, %mul3A_325 : i32
        %add3A_327 = arith.addi %mul3A_326, %mul3A_30 : i32
        %add3A_328 = vector.broadcast %add3A_327 : i32 to vector<16xi32>
        %add3A_329 = arith.addi %iota3A, %add3A_328 : vector<16xi32>
        %swap3A = arith.index_cast %scan3A_316 : i32 to index
        %swap3A_330 = tpu.vector_load %arg6[%swap3A] masked %le3A_324 {strides = array<i32>} : memref<272xi32, #tpu.memory_space<vmem>>, vector<16xi32>, vector<16xi1>
        tpu.vector_store %arg6[%swap3A], %add3A_329 masked %le3A_324 {strides = array<i32>} : memref<272xi32, #tpu.memory_space<vmem>>, vector<16xi32>, vector<16xi1>
        %all_reduce_population_count3A = tpu.all_reduce %le3A_324 {dim = 0 : i64, kind = #tpu.reduction_kind<sum>} : vector<16xi1> -> vector<16xi32>
        %reduce_max3A = arith.constant true
        %reduce_max3A_331 = vector.broadcast %reduce_max3A : i1 to vector<16xi1>
        %reduce_max3A_332 = arith.constant -2147483648 : i32
        %reduce_max3A_333 = vector.broadcast %reduce_max3A_332 : i32 to vector<16xi32>
        %reduce_max3A_334 = arith.xori %all_reduce_population_count3A, %reduce_max3A_333 : vector<16xi32>
        %reduce_max3A_335 = tpu.scan <max>, %reduce_max3A_334 masked %reduce_max3A_331 : vector<16xi32>, vector<16xi1> -> vector<16xi32>
        %reduce_max3A_336 = arith.xori %reduce_max3A_335, %reduce_max3A_333 : vector<16xi32>
        %reduce_max3A_337 = vector.extract %reduce_max3A_336[15] : i32 from vector<16xi32>
        %add3A_338 = arith.addi %scan3A_316, %reduce_max3A_337 : i32
        scf.yield %add3A_338 : i32
      }
      %scan3A_152 = arith.constant 16 : i32
      %get3A_153 = arith.constant 0 : index
      %get3A_154 = tpu.vector_load %arg6[%get3A_153] {strides = array<i32>} : memref<272xi32, #tpu.memory_space<vmem>>, vector<16xi32>,
      %get3A_155 = arith.constant 16 : index
      %get3A_156 = tpu.vector_load %arg6[%get3A_155] {strides = array<i32>} : memref<272xi32, #tpu.memory_space<vmem>>, vector<16xi32>,
      %eq3A_157 = arith.constant 0 : i32
      %eq3A_158 = vector.broadcast %eq3A_157 : i32 to vector<16xi32>
      %eq3A_159 = arith.cmpi eq, %iota3A, %eq3A_158 : vector<16xi32>
      %jit3A_160 = arith.constant 1073741824 : i32
      %broadcast_in_dim3A_161 = vector.broadcast %jit3A_160 : i32 to vector<16xi32>
      %select_n3A_162 = arith.select %eq3A_159, %get3A_154, %broadcast_in_dim3A_161 : vector<16xi1>, vector<16xi32>
      %reduce_min3A_163 = arith.constant true
      %reduce_min3A_164 = vector.broadcast %reduce_min3A_163 : i1 to vector<16xi1>
      %reduce_min3A_165 = arith.constant -2147483648 : i32
      %reduce_min3A_166 = vector.broadcast %reduce_min3A_165 : i32 to vector<16xi32>
      %reduce_min3A_167 = arith.xori %select_n3A_162, %reduce_min3A_166 : vector<16xi32>
      %reduce_min3A_168 = tpu.scan <min>, %reduce_min3A_167 masked %reduce_min3A_164 : vector<16xi32>, vector<16xi1> -> vector<16xi32>
      %reduce_min3A_169 = arith.xori %reduce_min3A_168, %reduce_min3A_166 : vector<16xi32>
      %reduce_min3A_170 = vector.extract %reduce_min3A_169[15] : i32 from vector<16xi32>
      %lt3A_171 = vector.broadcast %scan3A_151 : i32 to vector<16xi32>
      %lt3A_172 = arith.cmpi slt, %iota3A, %lt3A_171 : vector<16xi32>
      %broadcast_in_dim3A_173 = vector.broadcast %reduce_min3A_170 : i32 to vector<16xi32>
      %select_n3A_174 = arith.select %lt3A_172, %get3A_154, %broadcast_in_dim3A_173 : vector<16xi1>, vector<16xi32>
      %add3A_175 = arith.constant 16 : i32
      %add3A_176 = vector.broadcast %add3A_175 : i32 to vector<16xi32>
      %add3A_177 = arith.addi %iota3A, %add3A_176 : vector<16xi32>
      %lt3A_178 = vector.broadcast %scan3A_151 : i32 to vector<16xi32>
      %lt3A_179 = arith.cmpi slt, %add3A_177, %lt3A_178 : vector<16xi32>
      %broadcast_in_dim3A_180 = vector.broadcast %reduce_min3A_170 : i32 to vector<16xi32>
      %select_n3A_181 = arith.select %lt3A_179, %get3A_156, %broadcast_in_dim3A_180 : vector<16xi1>, vector<16xi32>
      %jit3A_182 = arith.constant 0 : i32
      %jit3A_183 = arith.constant 1023 : i32
      %max3A_184 = vector.broadcast %jit3A_182 : i32 to vector<16xi32>
      %max3A_185 = arith.maxsi %max3A_184, %select_n3A_174 : vector<16xi32>
      %min3A_186 = vector.broadcast %jit3A_183 : i32 to vector<16xi32>
      %min3A_187 = arith.minsi %min3A_186, %max3A_185 : vector<16xi32>
      %jit3A_188 = arith.constant 0 : i32
      %jit3A_189 = arith.constant 1023 : i32
      %max3A_190 = vector.broadcast %jit3A_188 : i32 to vector<16xi32>
      %max3A_191 = arith.maxsi %max3A_190, %select_n3A_181 : vector<16xi32>
      %min3A_192 = vector.broadcast %jit3A_189 : i32 to vector<16xi32>
      %min3A_193 = arith.minsi %min3A_192, %max3A_191 : vector<16xi32>
      %dma_start3A_194 = arith.constant 64 : i32
      %dma_start3A_195 = arith.constant 0 : i32
      %dma_start3A_196 = tpu.memref_slice %arg7[%dma_start3A_194, %dma_start3A_195] : memref<128x144xf32, #tpu.memory_space<vmem>> -> memref<16x144xf32, #tpu.memory_space<vmem>>
      %dma_start3A_197 = arith.constant 0 : i32
      %dma_start3A_198 = arith.constant 0 : i32
      %dma_start3A_199 = tpu.memref_slice %arg3[%dma_start3A_197, %dma_start3A_198] : memref<1024x144xf32, #tpu.memory_space<hbm>> -> memref<1024x144xf32, #tpu.memory_space<hbm>>
      tpu.enqueue_indirect_dma source(%dma_start3A_199 : memref<1024x144xf32, #tpu.memory_space<hbm>>) target(%dma_start3A_196 : memref<16x144xf32, #tpu.memory_space<vmem>>) offsets(%min3A_187 : vector<16xi32>) semaphore(%arg8 : memref<!tpu.dma_semaphore, #tpu.memory_space<semaphore_mem>>)
      %dma_start3A_200 = arith.constant 80 : i32
      %dma_start3A_201 = arith.constant 0 : i32
      %dma_start3A_202 = tpu.memref_slice %arg7[%dma_start3A_200, %dma_start3A_201] : memref<128x144xf32, #tpu.memory_space<vmem>> -> memref<16x144xf32, #tpu.memory_space<vmem>>
      %dma_start3A_203 = arith.constant 0 : i32
      %dma_start3A_204 = arith.constant 0 : i32
      %dma_start3A_205 = tpu.memref_slice %arg3[%dma_start3A_203, %dma_start3A_204] : memref<1024x144xf32, #tpu.memory_space<hbm>> -> memref<1024x144xf32, #tpu.memory_space<hbm>>
      tpu.enqueue_indirect_dma source(%dma_start3A_205 : memref<1024x144xf32, #tpu.memory_space<hbm>>) target(%dma_start3A_202 : memref<16x144xf32, #tpu.memory_space<vmem>>) offsets(%min3A_193 : vector<16xi32>) semaphore(%arg8 : memref<!tpu.dma_semaphore, #tpu.memory_space<semaphore_mem>>)
      %scan3A_206 = arith.constant 0 : i32
      %scan3A_207 = arith.constant 0 : i32
      %scan3A_208 = arith.constant 16 : i32
      %scan3A_209 = arith.addi %scan3A_207, %scan3A_208 : i32
      %scan3A_210 = arith.constant 1 : i32
      %scan3A_211 = scf.for %scan3A_315 = %scan3A_207 to %scan3A_209 step %scan3A_210 iter_args(%scan3A_316 = %scan3A_206) -> (i32)  : i32 {
        %mul3A_317 = arith.constant 16 : i32
        %mul3A_318 = arith.muli %scan3A_315, %mul3A_317 : i32
        %add3A_319 = arith.constant 768 : i32
        %add3A_320 = arith.addi %add3A_319, %mul3A_318 : i32
        %get3A_321 = arith.index_cast %add3A_320 : i32 to index
        %get3A_322 = tpu.vector_load %arg5[%get3A_321] {strides = array<i32>} : memref<1024xf32, #tpu.memory_space<vmem>>, vector<16xf32>,
        %le3A = arith.constant 1.600000e-01 : f32
        %le3A_323 = vector.broadcast %le3A : f32 to vector<16xf32>
        %le3A_324 = arith.cmpf ole, %get3A_322, %le3A_323 : vector<16xf32>
        %mul3A_325 = arith.constant 16 : i32
        %mul3A_326 = arith.muli %scan3A_315, %mul3A_325 : i32
        %add3A_327 = arith.addi %mul3A_326, %mul3A_30 : i32
        %add3A_328 = vector.broadcast %add3A_327 : i32 to vector<16xi32>
        %add3A_329 = arith.addi %iota3A, %add3A_328 : vector<16xi32>
        %swap3A = arith.index_cast %scan3A_316 : i32 to index
        %swap3A_330 = tpu.vector_load %arg6[%swap3A] masked %le3A_324 {strides = array<i32>} : memref<272xi32, #tpu.memory_space<vmem>>, vector<16xi32>, vector<16xi1>
        tpu.vector_store %arg6[%swap3A], %add3A_329 masked %le3A_324 {strides = array<i32>} : memref<272xi32, #tpu.memory_space<vmem>>, vector<16xi32>, vector<16xi1>
        %all_reduce_population_count3A = tpu.all_reduce %le3A_324 {dim = 0 : i64, kind = #tpu.reduction_kind<sum>} : vector<16xi1> -> vector<16xi32>
        %reduce_max3A = arith.constant true
        %reduce_max3A_331 = vector.broadcast %reduce_max3A : i1 to vector<16xi1>
        %reduce_max3A_332 = arith.constant -2147483648 : i32
        %reduce_max3A_333 = vector.broadcast %reduce_max3A_332 : i32 to vector<16xi32>
        %reduce_max3A_334 = arith.xori %all_reduce_population_count3A, %reduce_max3A_333 : vector<16xi32>
        %reduce_max3A_335 = tpu.scan <max>, %reduce_max3A_334 masked %reduce_max3A_331 : vector<16xi32>, vector<16xi1> -> vector<16xi32>
        %reduce_max3A_336 = arith.xori %reduce_max3A_335, %reduce_max3A_333 : vector<16xi32>
        %reduce_max3A_337 = vector.extract %reduce_max3A_336[15] : i32 from vector<16xi32>
        %add3A_338 = arith.addi %scan3A_316, %reduce_max3A_337 : i32
        scf.yield %add3A_338 : i32
      }
      %scan3A_212 = arith.constant 16 : i32
      %get3A_213 = arith.constant 0 : index
      %get3A_214 = tpu.vector_load %arg6[%get3A_213] {strides = array<i32>} : memref<272xi32, #tpu.memory_space<vmem>>, vector<16xi32>,
      %get3A_215 = arith.constant 16 : index
      %get3A_216 = tpu.vector_load %arg6[%get3A_215] {strides = array<i32>} : memref<272xi32, #tpu.memory_space<vmem>>, vector<16xi32>,
      %eq3A_217 = arith.constant 0 : i32
      %eq3A_218 = vector.broadcast %eq3A_217 : i32 to vector<16xi32>
      %eq3A_219 = arith.cmpi eq, %iota3A, %eq3A_218 : vector<16xi32>
      %jit3A_220 = arith.constant 1073741824 : i32
      %broadcast_in_dim3A_221 = vector.broadcast %jit3A_220 : i32 to vector<16xi32>
      %select_n3A_222 = arith.select %eq3A_219, %get3A_214, %broadcast_in_dim3A_221 : vector<16xi1>, vector<16xi32>
      %reduce_min3A_223 = arith.constant true
      %reduce_min3A_224 = vector.broadcast %reduce_min3A_223 : i1 to vector<16xi1>
      %reduce_min3A_225 = arith.constant -2147483648 : i32
      %reduce_min3A_226 = vector.broadcast %reduce_min3A_225 : i32 to vector<16xi32>
      %reduce_min3A_227 = arith.xori %select_n3A_222, %reduce_min3A_226 : vector<16xi32>
      %reduce_min3A_228 = tpu.scan <min>, %reduce_min3A_227 masked %reduce_min3A_224 : vector<16xi32>, vector<16xi1> -> vector<16xi32>
      %reduce_min3A_229 = arith.xori %reduce_min3A_228, %reduce_min3A_226 : vector<16xi32>
      %reduce_min3A_230 = vector.extract %reduce_min3A_229[15] : i32 from vector<16xi32>
      %lt3A_231 = vector.broadcast %scan3A_211 : i32 to vector<16xi32>
      %lt3A_232 = arith.cmpi slt, %iota3A, %lt3A_231 : vector<16xi32>
      %broadcast_in_dim3A_233 = vector.broadcast %reduce_min3A_230 : i32 to vector<16xi32>
      %select_n3A_234 = arith.select %lt3A_232, %get3A_214, %broadcast_in_dim3A_233 : vector<16xi1>, vector<16xi32>
      %add3A_235 = arith.constant 16 : i32
      %add3A_236 = vector.broadcast %add3A_235 : i32 to vector<16xi32>
      %add3A_237 = arith.addi %iota3A, %add3A_236 : vector<16xi32>
      %lt3A_238 = vector.broadcast %scan3A_211 : i32 to vector<16xi32>
      %lt3A_239 = arith.cmpi slt, %add3A_237, %lt3A_238 : vector<16xi32>
      %broadcast_in_dim3A_240 = vector.broadcast %reduce_min3A_230 : i32 to vector<16xi32>
      %select_n3A_241 = arith.select %lt3A_239, %get3A_216, %broadcast_in_dim3A_240 : vector<16xi1>, vector<16xi32>
      %jit3A_242 = arith.constant 0 : i32
      %jit3A_243 = arith.constant 1023 : i32
      %max3A_244 = vector.broadcast %jit3A_242 : i32 to vector<16xi32>
      %max3A_245 = arith.maxsi %max3A_244, %select_n3A_234 : vector<16xi32>
      %min3A_246 = vector.broadcast %jit3A_243 : i32 to vector<16xi32>
      %min3A_247 = arith.minsi %min3A_246, %max3A_245 : vector<16xi32>
      %jit3A_248 = arith.constant 0 : i32
      %jit3A_249 = arith.constant 1023 : i32
      %max3A_250 = vector.broadcast %jit3A_248 : i32 to vector<16xi32>
      %max3A_251 = arith.maxsi %max3A_250, %select_n3A_241 : vector<16xi32>
      %min3A_252 = vector.broadcast %jit3A_249 : i32 to vector<16xi32>
      %min3A_253 = arith.minsi %min3A_252, %max3A_251 : vector<16xi32>
      %dma_start3A_254 = arith.constant 96 : i32
      %dma_start3A_255 = arith.constant 0 : i32
      %dma_start3A_256 = tpu.memref_slice %arg7[%dma_start3A_254, %dma_start3A_255] : memref<128x144xf32, #tpu.memory_space<vmem>> -> memref<16x144xf32, #tpu.memory_space<vmem>>
      %dma_start3A_257 = arith.constant 0 : i32
      %dma_start3A_258 = arith.constant 0 : i32
      %dma_start3A_259 = tpu.memref_slice %arg3[%dma_start3A_257, %dma_start3A_258] : memref<1024x144xf32, #tpu.memory_space<hbm>> -> memref<1024x144xf32, #tpu.memory_space<hbm>>
      tpu.enqueue_indirect_dma source(%dma_start3A_259 : memref<1024x144xf32, #tpu.memory_space<hbm>>) target(%dma_start3A_256 : memref<16x144xf32, #tpu.memory_space<vmem>>) offsets(%min3A_247 : vector<16xi32>) semaphore(%arg8 : memref<!tpu.dma_semaphore, #tpu.memory_space<semaphore_mem>>)
      %dma_start3A_260 = arith.constant 112 : i32
      %dma_start3A_261 = arith.constant 0 : i32
      %dma_start3A_262 = tpu.memref_slice %arg7[%dma_start3A_260, %dma_start3A_261] : memref<128x144xf32, #tpu.memory_space<vmem>> -> memref<16x144xf32, #tpu.memory_space<vmem>>
      %dma_start3A_263 = arith.constant 0 : i32
      %dma_start3A_264 = arith.constant 0 : i32
      %dma_start3A_265 = tpu.memref_slice %arg3[%dma_start3A_263, %dma_start3A_264] : memref<1024x144xf32, #tpu.memory_space<hbm>> -> memref<1024x144xf32, #tpu.memory_space<hbm>>
      tpu.enqueue_indirect_dma source(%dma_start3A_265 : memref<1024x144xf32, #tpu.memory_space<hbm>>) target(%dma_start3A_262 : memref<16x144xf32, #tpu.memory_space<vmem>>) offsets(%min3A_253 : vector<16xi32>) semaphore(%arg8 : memref<!tpu.dma_semaphore, #tpu.memory_space<semaphore_mem>>)
      %dma_wait3A = arith.constant 0 : i32
      %dma_wait3A_266 = arith.constant 0 : i32
      %dma_wait3A_267 = tpu.memref_slice %arg7[%dma_wait3A, %dma_wait3A_266] : memref<128x144xf32, #tpu.memory_space<vmem>> -> memref<16x144xf32, #tpu.memory_space<vmem>>
      %dma_wait3A_268 = arith.constant 0 : i32
      %dma_wait3A_269 = arith.constant 0 : i32
      %dma_wait3A_270 = tpu.memref_slice %arg3[%dma_wait3A_268, %dma_wait3A_269] : memref<1024x144xf32, #tpu.memory_space<hbm>> -> memref<1024x144xf32, #tpu.memory_space<hbm>>
      tpu.wait_indirect_dma semaphore(%arg8 : memref<!tpu.dma_semaphore, #tpu.memory_space<semaphore_mem>>) src(%dma_wait3A_270 : memref<1024x144xf32, #tpu.memory_space<hbm>>) dst(%dma_wait3A_267 : memref<16x144xf32, #tpu.memory_space<vmem>>)
      %dma_wait3A_271 = arith.constant 16 : i32
      %dma_wait3A_272 = arith.constant 0 : i32
      %dma_wait3A_273 = tpu.memref_slice %arg7[%dma_wait3A_271, %dma_wait3A_272] : memref<128x144xf32, #tpu.memory_space<vmem>> -> memref<16x144xf32, #tpu.memory_space<vmem>>
      %dma_wait3A_274 = arith.constant 0 : i32
      %dma_wait3A_275 = arith.constant 0 : i32
      %dma_wait3A_276 = tpu.memref_slice %arg3[%dma_wait3A_274, %dma_wait3A_275] : memref<1024x144xf32, #tpu.memory_space<hbm>> -> memref<1024x144xf32, #tpu.memory_space<hbm>>
      tpu.wait_indirect_dma semaphore(%arg8 : memref<!tpu.dma_semaphore, #tpu.memory_space<semaphore_mem>>) src(%dma_wait3A_276 : memref<1024x144xf32, #tpu.memory_space<hbm>>) dst(%dma_wait3A_273 : memref<16x144xf32, #tpu.memory_space<vmem>>)
      %dma_wait3A_277 = arith.constant 32 : i32
      %dma_wait3A_278 = arith.constant 0 : i32
      %dma_wait3A_279 = tpu.memref_slice %arg7[%dma_wait3A_277, %dma_wait3A_278] : memref<128x144xf32, #tpu.memory_space<vmem>> -> memref<16x144xf32, #tpu.memory_space<vmem>>
      %dma_wait3A_280 = arith.constant 0 : i32
      %dma_wait3A_281 = arith.constant 0 : i32
      %dma_wait3A_282 = tpu.memref_slice %arg3[%dma_wait3A_280, %dma_wait3A_281] : memref<1024x144xf32, #tpu.memory_space<hbm>> -> memref<1024x144xf32, #tpu.memory_space<hbm>>
      tpu.wait_indirect_dma semaphore(%arg8 : memref<!tpu.dma_semaphore, #tpu.memory_space<semaphore_mem>>) src(%dma_wait3A_282 : memref<1024x144xf32, #tpu.memory_space<hbm>>) dst(%dma_wait3A_279 : memref<16x144xf32, #tpu.memory_space<vmem>>)
      %dma_wait3A_283 = arith.constant 48 : i32
      %dma_wait3A_284 = arith.constant 0 : i32
      %dma_wait3A_285 = tpu.memref_slice %arg7[%dma_wait3A_283, %dma_wait3A_284] : memref<128x144xf32, #tpu.memory_space<vmem>> -> memref<16x144xf32, #tpu.memory_space<vmem>>
      %dma_wait3A_286 = arith.constant 0 : i32
      %dma_wait3A_287 = arith.constant 0 : i32
      %dma_wait3A_288 = tpu.memref_slice %arg3[%dma_wait3A_286, %dma_wait3A_287] : memref<1024x144xf32, #tpu.memory_space<hbm>> -> memref<1024x144xf32, #tpu.memory_space<hbm>>
      tpu.wait_indirect_dma semaphore(%arg8 : memref<!tpu.dma_semaphore, #tpu.memory_space<semaphore_mem>>) src(%dma_wait3A_288 : memref<1024x144xf32, #tpu.memory_space<hbm>>) dst(%dma_wait3A_285 : memref<16x144xf32, #tpu.memory_space<vmem>>)
      %dma_wait3A_289 = arith.constant 64 : i32
      %dma_wait3A_290 = arith.constant 0 : i32
      %dma_wait3A_291 = tpu.memref_slice %arg7[%dma_wait3A_289, %dma_wait3A_290] : memref<128x144xf32, #tpu.memory_space<vmem>> -> memref<16x144xf32, #tpu.memory_space<vmem>>
      %dma_wait3A_292 = arith.constant 0 : i32
      %dma_wait3A_293 = arith.constant 0 : i32
      %dma_wait3A_294 = tpu.memref_slice %arg3[%dma_wait3A_292, %dma_wait3A_293] : memref<1024x144xf32, #tpu.memory_space<hbm>> -> memref<1024x144xf32, #tpu.memory_space<hbm>>
      tpu.wait_indirect_dma semaphore(%arg8 : memref<!tpu.dma_semaphore, #tpu.memory_space<semaphore_mem>>) src(%dma_wait3A_294 : memref<1024x144xf32, #tpu.memory_space<hbm>>) dst(%dma_wait3A_291 : memref<16x144xf32, #tpu.memory_space<vmem>>)
      %dma_wait3A_295 = arith.constant 80 : i32
      %dma_wait3A_296 = arith.constant 0 : i32
      %dma_wait3A_297 = tpu.memref_slice %arg7[%dma_wait3A_295, %dma_wait3A_296] : memref<128x144xf32, #tpu.memory_space<vmem>> -> memref<16x144xf32, #tpu.memory_space<vmem>>
      %dma_wait3A_298 = arith.constant 0 : i32
      %dma_wait3A_299 = arith.constant 0 : i32
      %dma_wait3A_300 = tpu.memref_slice %arg3[%dma_wait3A_298, %dma_wait3A_299] : memref<1024x144xf32, #tpu.memory_space<hbm>> -> memref<1024x144xf32, #tpu.memory_space<hbm>>
      tpu.wait_indirect_dma semaphore(%arg8 : memref<!tpu.dma_semaphore, #tpu.memory_space<semaphore_mem>>) src(%dma_wait3A_300 : memref<1024x144xf32, #tpu.memory_space<hbm>>) dst(%dma_wait3A_297 : memref<16x144xf32, #tpu.memory_space<vmem>>)
      %dma_wait3A_301 = arith.constant 96 : i32
      %dma_wait3A_302 = arith.constant 0 : i32
      %dma_wait3A_303 = tpu.memref_slice %arg7[%dma_wait3A_301, %dma_wait3A_302] : memref<128x144xf32, #tpu.memory_space<vmem>> -> memref<16x144xf32, #tpu.memory_space<vmem>>
      %dma_wait3A_304 = arith.constant 0 : i32
      %dma_wait3A_305 = arith.constant 0 : i32
      %dma_wait3A_306 = tpu.memref_slice %arg3[%dma_wait3A_304, %dma_wait3A_305] : memref<1024x144xf32, #tpu.memory_space<hbm>> -> memref<1024x144xf32, #tpu.memory_space<hbm>>
      tpu.wait_indirect_dma semaphore(%arg8 : memref<!tpu.dma_semaphore, #tpu.memory_space<semaphore_mem>>) src(%dma_wait3A_306 : memref<1024x144xf32, #tpu.memory_space<hbm>>) dst(%dma_wait3A_303 : memref<16x144xf32, #tpu.memory_space<vmem>>)
      %dma_wait3A_307 = arith.constant 112 : i32
      %dma_wait3A_308 = arith.constant 0 : i32
      %dma_wait3A_309 = tpu.memref_slice %arg7[%dma_wait3A_307, %dma_wait3A_308] : memref<128x144xf32, #tpu.memory_space<vmem>> -> memref<16x144xf32, #tpu.memory_space<vmem>>
      %dma_wait3A_310 = arith.constant 0 : i32
      %dma_wait3A_311 = arith.constant 0 : i32
      %dma_wait3A_312 = tpu.memref_slice %arg3[%dma_wait3A_310, %dma_wait3A_311] : memref<1024x144xf32, #tpu.memory_space<hbm>> -> memref<1024x144xf32, #tpu.memory_space<hbm>>
      tpu.wait_indirect_dma semaphore(%arg8 : memref<!tpu.dma_semaphore, #tpu.memory_space<semaphore_mem>>) src(%dma_wait3A_312 : memref<1024x144xf32, #tpu.memory_space<hbm>>) dst(%dma_wait3A_309 : memref<16x144xf32, #tpu.memory_space<vmem>>)
      %mul3A_313 = arith.constant 32 : i32
      %mul3A_314 = arith.muli %add3A_12, %mul3A_313 : i32
      "tpu.region"() ({
        %run_scoped3A = tpu.sem_alloc : memref<!tpu.dma_semaphore, #tpu.memory_space<semaphore_mem>>
        %dma_start3A_315 = arith.constant 0 : i32
        %dma_start3A_316 = tpu.memref_slice %arg4[%mul3A_314, %dma_start3A_315] : memref<8192x144xf32, #tpu.memory_space<hbm>> -> memref<128x144xf32, #tpu.memory_space<hbm>>
        %dma_start3A_317 = arith.constant 0 : i32
        %dma_start3A_318 = tpu.memref_slice %arg4[%mul3A_314, %dma_start3A_317] : memref<8192x144xf32, #tpu.memory_space<hbm>> -> memref<128x144xf32, #tpu.memory_space<hbm>>
        tpu.enqueue_dma source(%arg7 : memref<128x144xf32, #tpu.memory_space<vmem>>) target(%dma_start3A_318 : memref<128x144xf32, #tpu.memory_space<hbm>>) target_semaphore(%run_scoped3A : memref<!tpu.dma_semaphore, #tpu.memory_space<semaphore_mem>>)
        %dma_wait3A_319 = arith.constant 0 : i32
        %dma_wait3A_320 = tpu.memref_slice %arg4[%mul3A_314, %dma_wait3A_319] : memref<8192x144xf32, #tpu.memory_space<hbm>> -> memref<128x144xf32, #tpu.memory_space<hbm>>
        %dma_wait3A_321 = arith.constant 0 : i32
        %dma_wait3A_322 = tpu.memref_slice %arg4[%mul3A_314, %dma_wait3A_321] : memref<8192x144xf32, #tpu.memory_space<hbm>> -> memref<128x144xf32, #tpu.memory_space<hbm>>
        tpu.wait_dma2 semaphore(%run_scoped3A : memref<!tpu.dma_semaphore, #tpu.memory_space<semaphore_mem>>) src(%arg7 : memref<128x144xf32, #tpu.memory_space<vmem>>) dst(%dma_wait3A_322 : memref<128x144xf32, #tpu.memory_space<hbm>>)
        tpu.yield
      }) : () -> ()
    }
    %scan3A_8 = arith.constant 2 : i32
    return
  }
}

module attributes {stable_mosaic.version = 14 : i64} {
  func.func @_fps_body(%arg0: memref<4x4096xf32, #tpu.memory_space<vmem>>, %arg1: memref<4x4096xf32, #tpu.memory_space<vmem>>, %arg2: memref<4x4096xf32, #tpu.memory_space<vmem>>, %arg3: memref<4x3x1024xf32, #tpu.memory_space<vmem>>, %arg4: memref<4x4096xf32, #tpu.memory_space<vmem>>) attributes {dimension_semantics = [], scalar_prefetch = 0 : i64, scratch_operands = 1 : i64, tpu.core_type = #tpu.core_type<tc>} {
    %get3A = arith.constant 0 : index
    %get3A_0 = arith.constant 0 : index
    %get3A_1 = vector.load %arg0[%get3A, %get3A_0] : memref<4x4096xf32, #tpu.memory_space<vmem>>, vector<4x4096xf32>
    %get3A_2 = arith.constant 0 : index
    %get3A_3 = arith.constant 0 : index
    %get3A_4 = vector.load %arg1[%get3A_2, %get3A_3] : memref<4x4096xf32, #tpu.memory_space<vmem>>, vector<4x4096xf32>
    %get3A_5 = arith.constant 0 : index
    %get3A_6 = arith.constant 0 : index
    %get3A_7 = vector.load %arg2[%get3A_5, %get3A_6] : memref<4x4096xf32, #tpu.memory_space<vmem>>, vector<4x4096xf32>
    %broadcast_in_dim3A = arith.constant 1.000000e+10 : f32
    %broadcast_in_dim3A_8 = vector.broadcast %broadcast_in_dim3A : f32 to vector<4x4096xf32>
    %swap3A = arith.constant 0 : index
    %swap3A_9 = arith.constant 0 : index
    %swap3A_10 = vector.load %arg4[%swap3A, %swap3A_9] : memref<4x4096xf32, #tpu.memory_space<vmem>>, vector<4x4096xf32>
    tpu.vector_store %arg4[%swap3A, %swap3A_9], %broadcast_in_dim3A_8 {strides = array<i32>} : memref<4x4096xf32, #tpu.memory_space<vmem>>, vector<4x4096xf32>,
    %iota3A = tpu.iota {dimensions = array<i32: 1>} : vector<4x4096xi32>
    %iota3A_11 = tpu.iota {dimensions = array<i32: 2>} : vector<4x3x1024xi32>
    %broadcast_in_dim3A_12 = arith.constant 0.000000e+00 : f32
    %broadcast_in_dim3A_13 = vector.broadcast %broadcast_in_dim3A_12 : f32 to vector<4x3x1024xf32>
    %swap3A_14 = arith.constant 0 : index
    %swap3A_15 = arith.constant 0 : index
    %swap3A_16 = arith.constant 0 : index
    %swap3A_17 = vector.load %arg3[%swap3A_14, %swap3A_15, %swap3A_16] : memref<4x3x1024xf32, #tpu.memory_space<vmem>>, vector<4x3x1024xf32>
    tpu.vector_store %arg3[%swap3A_14, %swap3A_15, %swap3A_16], %broadcast_in_dim3A_13 {strides = array<i32>} : memref<4x3x1024xf32, #tpu.memory_space<vmem>>, vector<4x3x1024xf32>,
    %broadcast_in_dim3A_18 = arith.constant 0 : i32
    %broadcast_in_dim3A_19 = vector.broadcast %broadcast_in_dim3A_18 : i32 to vector<4x1xi32>
    %scan3A = arith.constant 0 : i32
    %scan3A_20 = arith.constant 1024 : i32
    %scan3A_21 = arith.addi %scan3A, %scan3A_20 : i32
    %scan3A_22 = arith.constant 2 : i32
    %scan3A_23 = scf.for %scan3A_25 = %scan3A to %scan3A_21 step %scan3A_22 iter_args(%scan3A_26 = %broadcast_in_dim3A_19) -> (vector<4x1xi32>)  : i32 {
      %eq3A = vector.broadcast %scan3A_26 : vector<4x1xi32> to vector<4x4096xi32>
      %eq3A_27 = arith.cmpi eq, %iota3A, %eq3A : vector<4x4096xi32>
      %convert_element_type3A = arith.extui %eq3A_27 : vector<4x4096xi1> to vector<4x4096xi32>
      %convert_element_type3A_28 = arith.sitofp %convert_element_type3A : vector<4x4096xi32> to vector<4x4096xf32>
      %mul3A = arith.mulf %get3A_1, %convert_element_type3A_28 : vector<4x4096xf32>
      %reduce_sum3A = arith.constant dense<0.000000e+00> : vector<4xf32>
      %reduce_sum3A_29 = vector.multi_reduction <add>, %mul3A, %reduce_sum3A [1] : vector<4x4096xf32> to vector<4xf32>
      %broadcast_in_dim3A_30 = vector.shape_cast %reduce_sum3A_29 : vector<4xf32> to vector<4x1xf32>
      %mul3A_31 = arith.mulf %get3A_4, %convert_element_type3A_28 : vector<4x4096xf32>
      %reduce_sum3A_32 = arith.constant dense<0.000000e+00> : vector<4xf32>
      %reduce_sum3A_33 = vector.multi_reduction <add>, %mul3A_31, %reduce_sum3A_32 [1] : vector<4x4096xf32> to vector<4xf32>
      %broadcast_in_dim3A_34 = vector.shape_cast %reduce_sum3A_33 : vector<4xf32> to vector<4x1xf32>
      %mul3A_35 = arith.mulf %get3A_7, %convert_element_type3A_28 : vector<4x4096xf32>
      %reduce_sum3A_36 = arith.constant dense<0.000000e+00> : vector<4xf32>
      %reduce_sum3A_37 = vector.multi_reduction <add>, %mul3A_35, %reduce_sum3A_36 [1] : vector<4x4096xf32> to vector<4xf32>
      %broadcast_in_dim3A_38 = vector.shape_cast %reduce_sum3A_37 : vector<4xf32> to vector<4x1xf32>
      %sub3A = vector.broadcast %broadcast_in_dim3A_30 : vector<4x1xf32> to vector<4x4096xf32>
      %sub3A_39 = arith.subf %get3A_1, %sub3A : vector<4x4096xf32>
      %integer_pow3A = arith.mulf %sub3A_39, %sub3A_39 : vector<4x4096xf32>
      %sub3A_40 = vector.broadcast %broadcast_in_dim3A_34 : vector<4x1xf32> to vector<4x4096xf32>
      %sub3A_41 = arith.subf %get3A_4, %sub3A_40 : vector<4x4096xf32>
      %integer_pow3A_42 = arith.mulf %sub3A_41, %sub3A_41 : vector<4x4096xf32>
      %add3A = arith.addf %integer_pow3A, %integer_pow3A_42 : vector<4x4096xf32>
      %sub3A_43 = vector.broadcast %broadcast_in_dim3A_38 : vector<4x1xf32> to vector<4x4096xf32>
      %sub3A_44 = arith.subf %get3A_7, %sub3A_43 : vector<4x4096xf32>
      %integer_pow3A_45 = arith.mulf %sub3A_44, %sub3A_44 : vector<4x4096xf32>
      %add3A_46 = arith.addf %add3A, %integer_pow3A_45 : vector<4x4096xf32>
      %get3A_47 = arith.constant 0 : index
      %get3A_48 = arith.constant 0 : index
      %get3A_49 = vector.load %arg4[%get3A_47, %get3A_48] : memref<4x4096xf32, #tpu.memory_space<vmem>>, vector<4x4096xf32>
      %min3A = arith.minimumf %get3A_49, %add3A_46 : vector<4x4096xf32>
      %swap3A_50 = arith.constant 0 : index
      %swap3A_51 = arith.constant 0 : index
      %swap3A_52 = vector.load %arg4[%swap3A_50, %swap3A_51] : memref<4x4096xf32, #tpu.memory_space<vmem>>, vector<4x4096xf32>
      tpu.vector_store %arg4[%swap3A_50, %swap3A_51], %min3A {strides = array<i32>} : memref<4x4096xf32, #tpu.memory_space<vmem>>, vector<4x4096xf32>,
      %concatenate3A = tpu.concatenate %broadcast_in_dim3A_30, %broadcast_in_dim3A_34, %broadcast_in_dim3A_38 in 1 : vector<4x1xf32>, vector<4x1xf32>, vector<4x1xf32> -> vector<4x3xf32>
      %broadcast_in_dim3A_53 = vector.shape_cast %concatenate3A : vector<4x3xf32> to vector<4x3x1xf32>
      %eq3A_54 = vector.broadcast %scan3A_25 : i32 to vector<4x3x1024xi32>
      %eq3A_55 = arith.cmpi eq, %iota3A_11, %eq3A_54 : vector<4x3x1024xi32>
      %get3A_56 = arith.constant 0 : index
      %get3A_57 = arith.constant 0 : index
      %get3A_58 = arith.constant 0 : index
      %get3A_59 = vector.load %arg3[%get3A_56, %get3A_57, %get3A_58] : memref<4x3x1024xf32, #tpu.memory_space<vmem>>, vector<4x3x1024xf32>
      %broadcast_in_dim3A_60 = vector.shape_cast %broadcast_in_dim3A_53 : vector<4x3x1xf32> to vector<4x3x1xf32>
      %broadcast_in_dim3A_61 = vector.broadcast %broadcast_in_dim3A_60 : vector<4x3x1xf32> to vector<4x3x1024xf32>
      %select_n3A = arith.select %eq3A_55, %broadcast_in_dim3A_61, %get3A_59 : vector<4x3x1024xi1>, vector<4x3x1024xf32>
      %swap3A_62 = arith.constant 0 : index
      %swap3A_63 = arith.constant 0 : index
      %swap3A_64 = arith.constant 0 : index
      %swap3A_65 = vector.load %arg3[%swap3A_62, %swap3A_63, %swap3A_64] : memref<4x3x1024xf32, #tpu.memory_space<vmem>>, vector<4x3x1024xf32>
      tpu.vector_store %arg3[%swap3A_62, %swap3A_63, %swap3A_64], %select_n3A {strides = array<i32>} : memref<4x3x1024xf32, #tpu.memory_space<vmem>>, vector<4x3x1024xf32>,
      %reduce_max3A = arith.constant dense<0xFF800000> : vector<4xf32>
      %reduce_max3A_66 = vector.multi_reduction <maximumf>, %min3A, %reduce_max3A [1] : vector<4x4096xf32> to vector<4xf32>
      %broadcast_in_dim3A_67 = vector.shape_cast %reduce_max3A_66 : vector<4xf32> to vector<4x1xf32>
      %eq3A_68 = vector.broadcast %broadcast_in_dim3A_67 : vector<4x1xf32> to vector<4x4096xf32>
      %eq3A_69 = arith.cmpf oeq, %min3A, %eq3A_68 : vector<4x4096xf32>
      %jit3A = arith.constant 4096 : i32
      %broadcast_in_dim3A_70 = vector.broadcast %jit3A : i32 to vector<4x4096xi32>
      %select_n3A_71 = arith.select %eq3A_69, %iota3A, %broadcast_in_dim3A_70 : vector<4x4096xi1>, vector<4x4096xi32>
      %reduce_min3A = arith.constant dense<2147483647> : vector<4xi32>
      %reduce_min3A_72 = vector.multi_reduction <minsi>, %select_n3A_71, %reduce_min3A [1] : vector<4x4096xi32> to vector<4xi32>
      %broadcast_in_dim3A_73 = vector.shape_cast %reduce_min3A_72 : vector<4xi32> to vector<4x1xi32>
      %scan3A_74 = arith.constant 1 : i32
      %scan3A_75 = arith.addi %scan3A_25, %scan3A_74 : i32
      %eq3A_76 = vector.broadcast %broadcast_in_dim3A_73 : vector<4x1xi32> to vector<4x4096xi32>
      %eq3A_77 = arith.cmpi eq, %iota3A, %eq3A_76 : vector<4x4096xi32>
      %convert_element_type3A_78 = arith.extui %eq3A_77 : vector<4x4096xi1> to vector<4x4096xi32>
      %convert_element_type3A_79 = arith.sitofp %convert_element_type3A_78 : vector<4x4096xi32> to vector<4x4096xf32>
      %mul3A_80 = arith.mulf %get3A_1, %convert_element_type3A_79 : vector<4x4096xf32>
      %reduce_sum3A_81 = arith.constant dense<0.000000e+00> : vector<4xf32>
      %reduce_sum3A_82 = vector.multi_reduction <add>, %mul3A_80, %reduce_sum3A_81 [1] : vector<4x4096xf32> to vector<4xf32>
      %broadcast_in_dim3A_83 = vector.shape_cast %reduce_sum3A_82 : vector<4xf32> to vector<4x1xf32>
      %mul3A_84 = arith.mulf %get3A_4, %convert_element_type3A_79 : vector<4x4096xf32>
      %reduce_sum3A_85 = arith.constant dense<0.000000e+00> : vector<4xf32>
      %reduce_sum3A_86 = vector.multi_reduction <add>, %mul3A_84, %reduce_sum3A_85 [1] : vector<4x4096xf32> to vector<4xf32>
      %broadcast_in_dim3A_87 = vector.shape_cast %reduce_sum3A_86 : vector<4xf32> to vector<4x1xf32>
      %mul3A_88 = arith.mulf %get3A_7, %convert_element_type3A_79 : vector<4x4096xf32>
      %reduce_sum3A_89 = arith.constant dense<0.000000e+00> : vector<4xf32>
      %reduce_sum3A_90 = vector.multi_reduction <add>, %mul3A_88, %reduce_sum3A_89 [1] : vector<4x4096xf32> to vector<4xf32>
      %broadcast_in_dim3A_91 = vector.shape_cast %reduce_sum3A_90 : vector<4xf32> to vector<4x1xf32>
      %sub3A_92 = vector.broadcast %broadcast_in_dim3A_83 : vector<4x1xf32> to vector<4x4096xf32>
      %sub3A_93 = arith.subf %get3A_1, %sub3A_92 : vector<4x4096xf32>
      %integer_pow3A_94 = arith.mulf %sub3A_93, %sub3A_93 : vector<4x4096xf32>
      %sub3A_95 = vector.broadcast %broadcast_in_dim3A_87 : vector<4x1xf32> to vector<4x4096xf32>
      %sub3A_96 = arith.subf %get3A_4, %sub3A_95 : vector<4x4096xf32>
      %integer_pow3A_97 = arith.mulf %sub3A_96, %sub3A_96 : vector<4x4096xf32>
      %add3A_98 = arith.addf %integer_pow3A_94, %integer_pow3A_97 : vector<4x4096xf32>
      %sub3A_99 = vector.broadcast %broadcast_in_dim3A_91 : vector<4x1xf32> to vector<4x4096xf32>
      %sub3A_100 = arith.subf %get3A_7, %sub3A_99 : vector<4x4096xf32>
      %integer_pow3A_101 = arith.mulf %sub3A_100, %sub3A_100 : vector<4x4096xf32>
      %add3A_102 = arith.addf %add3A_98, %integer_pow3A_101 : vector<4x4096xf32>
      %get3A_103 = arith.constant 0 : index
      %get3A_104 = arith.constant 0 : index
      %get3A_105 = vector.load %arg4[%get3A_103, %get3A_104] : memref<4x4096xf32, #tpu.memory_space<vmem>>, vector<4x4096xf32>
      %min3A_106 = arith.minimumf %get3A_105, %add3A_102 : vector<4x4096xf32>
      %swap3A_107 = arith.constant 0 : index
      %swap3A_108 = arith.constant 0 : index
      %swap3A_109 = vector.load %arg4[%swap3A_107, %swap3A_108] : memref<4x4096xf32, #tpu.memory_space<vmem>>, vector<4x4096xf32>
      tpu.vector_store %arg4[%swap3A_107, %swap3A_108], %min3A_106 {strides = array<i32>} : memref<4x4096xf32, #tpu.memory_space<vmem>>, vector<4x4096xf32>,
      %concatenate3A_110 = tpu.concatenate %broadcast_in_dim3A_83, %broadcast_in_dim3A_87, %broadcast_in_dim3A_91 in 1 : vector<4x1xf32>, vector<4x1xf32>, vector<4x1xf32> -> vector<4x3xf32>
      %broadcast_in_dim3A_111 = vector.shape_cast %concatenate3A_110 : vector<4x3xf32> to vector<4x3x1xf32>
      %eq3A_112 = vector.broadcast %scan3A_75 : i32 to vector<4x3x1024xi32>
      %eq3A_113 = arith.cmpi eq, %iota3A_11, %eq3A_112 : vector<4x3x1024xi32>
      %get3A_114 = arith.constant 0 : index
      %get3A_115 = arith.constant 0 : index
      %get3A_116 = arith.constant 0 : index
      %get3A_117 = vector.load %arg3[%get3A_114, %get3A_115, %get3A_116] : memref<4x3x1024xf32, #tpu.memory_space<vmem>>, vector<4x3x1024xf32>
      %broadcast_in_dim3A_118 = vector.shape_cast %broadcast_in_dim3A_111 : vector<4x3x1xf32> to vector<4x3x1xf32>
      %broadcast_in_dim3A_119 = vector.broadcast %broadcast_in_dim3A_118 : vector<4x3x1xf32> to vector<4x3x1024xf32>
      %select_n3A_120 = arith.select %eq3A_113, %broadcast_in_dim3A_119, %get3A_117 : vector<4x3x1024xi1>, vector<4x3x1024xf32>
      %swap3A_121 = arith.constant 0 : index
      %swap3A_122 = arith.constant 0 : index
      %swap3A_123 = arith.constant 0 : index
      %swap3A_124 = vector.load %arg3[%swap3A_121, %swap3A_122, %swap3A_123] : memref<4x3x1024xf32, #tpu.memory_space<vmem>>, vector<4x3x1024xf32>
      tpu.vector_store %arg3[%swap3A_121, %swap3A_122, %swap3A_123], %select_n3A_120 {strides = array<i32>} : memref<4x3x1024xf32, #tpu.memory_space<vmem>>, vector<4x3x1024xf32>,
      %reduce_max3A_125 = arith.constant dense<0xFF800000> : vector<4xf32>
      %reduce_max3A_126 = vector.multi_reduction <maximumf>, %min3A_106, %reduce_max3A_125 [1] : vector<4x4096xf32> to vector<4xf32>
      %broadcast_in_dim3A_127 = vector.shape_cast %reduce_max3A_126 : vector<4xf32> to vector<4x1xf32>
      %eq3A_128 = vector.broadcast %broadcast_in_dim3A_127 : vector<4x1xf32> to vector<4x4096xf32>
      %eq3A_129 = arith.cmpf oeq, %min3A_106, %eq3A_128 : vector<4x4096xf32>
      %jit3A_130 = arith.constant 4096 : i32
      %broadcast_in_dim3A_131 = vector.broadcast %jit3A_130 : i32 to vector<4x4096xi32>
      %select_n3A_132 = arith.select %eq3A_129, %iota3A, %broadcast_in_dim3A_131 : vector<4x4096xi1>, vector<4x4096xi32>
      %reduce_min3A_133 = arith.constant dense<2147483647> : vector<4xi32>
      %reduce_min3A_134 = vector.multi_reduction <minsi>, %select_n3A_132, %reduce_min3A_133 [1] : vector<4x4096xi32> to vector<4xi32>
      %broadcast_in_dim3A_135 = vector.shape_cast %reduce_min3A_134 : vector<4xi32> to vector<4x1xi32>
      scf.yield %broadcast_in_dim3A_135 : vector<4x1xi32>
    }
    %scan3A_24 = arith.constant 1024 : i32
    return
  }
}

module attributes {stable_mosaic.version = 14 : i64} {
  func.func @_fps_body(%arg0: memref<4x1024xf32, #tpu.memory_space<vmem>>, %arg1: memref<4x1024xf32, #tpu.memory_space<vmem>>, %arg2: memref<4x1024xf32, #tpu.memory_space<vmem>>, %arg3: memref<4x3x256xf32, #tpu.memory_space<vmem>>, %arg4: memref<4x1024xf32, #tpu.memory_space<vmem>>) attributes {dimension_semantics = [], scalar_prefetch = 0 : i64, scratch_operands = 1 : i64, tpu.core_type = #tpu.core_type<tc>} {
    %get3A = arith.constant 0 : index
    %get3A_0 = arith.constant 0 : index
    %get3A_1 = vector.load %arg0[%get3A, %get3A_0] : memref<4x1024xf32, #tpu.memory_space<vmem>>, vector<4x1024xf32>
    %get3A_2 = arith.constant 0 : index
    %get3A_3 = arith.constant 0 : index
    %get3A_4 = vector.load %arg1[%get3A_2, %get3A_3] : memref<4x1024xf32, #tpu.memory_space<vmem>>, vector<4x1024xf32>
    %get3A_5 = arith.constant 0 : index
    %get3A_6 = arith.constant 0 : index
    %get3A_7 = vector.load %arg2[%get3A_5, %get3A_6] : memref<4x1024xf32, #tpu.memory_space<vmem>>, vector<4x1024xf32>
    %broadcast_in_dim3A = arith.constant 1.000000e+10 : f32
    %broadcast_in_dim3A_8 = vector.broadcast %broadcast_in_dim3A : f32 to vector<4x1024xf32>
    %swap3A = arith.constant 0 : index
    %swap3A_9 = arith.constant 0 : index
    %swap3A_10 = vector.load %arg4[%swap3A, %swap3A_9] : memref<4x1024xf32, #tpu.memory_space<vmem>>, vector<4x1024xf32>
    tpu.vector_store %arg4[%swap3A, %swap3A_9], %broadcast_in_dim3A_8 {strides = array<i32>} : memref<4x1024xf32, #tpu.memory_space<vmem>>, vector<4x1024xf32>,
    %iota3A = tpu.iota {dimensions = array<i32: 1>} : vector<4x1024xi32>
    %iota3A_11 = tpu.iota {dimensions = array<i32: 2>} : vector<4x3x256xi32>
    %broadcast_in_dim3A_12 = arith.constant 0.000000e+00 : f32
    %broadcast_in_dim3A_13 = vector.broadcast %broadcast_in_dim3A_12 : f32 to vector<4x3x256xf32>
    %swap3A_14 = arith.constant 0 : index
    %swap3A_15 = arith.constant 0 : index
    %swap3A_16 = arith.constant 0 : index
    %swap3A_17 = vector.load %arg3[%swap3A_14, %swap3A_15, %swap3A_16] : memref<4x3x256xf32, #tpu.memory_space<vmem>>, vector<4x3x256xf32>
    tpu.vector_store %arg3[%swap3A_14, %swap3A_15, %swap3A_16], %broadcast_in_dim3A_13 {strides = array<i32>} : memref<4x3x256xf32, #tpu.memory_space<vmem>>, vector<4x3x256xf32>,
    %broadcast_in_dim3A_18 = arith.constant 0 : i32
    %broadcast_in_dim3A_19 = vector.broadcast %broadcast_in_dim3A_18 : i32 to vector<4x1xi32>
    %scan3A = arith.constant 0 : i32
    %scan3A_20 = arith.constant 256 : i32
    %scan3A_21 = arith.addi %scan3A, %scan3A_20 : i32
    %scan3A_22 = arith.constant 2 : i32
    %scan3A_23 = scf.for %scan3A_25 = %scan3A to %scan3A_21 step %scan3A_22 iter_args(%scan3A_26 = %broadcast_in_dim3A_19) -> (vector<4x1xi32>)  : i32 {
      %eq3A = vector.broadcast %scan3A_26 : vector<4x1xi32> to vector<4x1024xi32>
      %eq3A_27 = arith.cmpi eq, %iota3A, %eq3A : vector<4x1024xi32>
      %convert_element_type3A = arith.extui %eq3A_27 : vector<4x1024xi1> to vector<4x1024xi32>
      %convert_element_type3A_28 = arith.sitofp %convert_element_type3A : vector<4x1024xi32> to vector<4x1024xf32>
      %mul3A = arith.mulf %get3A_1, %convert_element_type3A_28 : vector<4x1024xf32>
      %reduce_sum3A = arith.constant dense<0.000000e+00> : vector<4xf32>
      %reduce_sum3A_29 = vector.multi_reduction <add>, %mul3A, %reduce_sum3A [1] : vector<4x1024xf32> to vector<4xf32>
      %broadcast_in_dim3A_30 = vector.shape_cast %reduce_sum3A_29 : vector<4xf32> to vector<4x1xf32>
      %mul3A_31 = arith.mulf %get3A_4, %convert_element_type3A_28 : vector<4x1024xf32>
      %reduce_sum3A_32 = arith.constant dense<0.000000e+00> : vector<4xf32>
      %reduce_sum3A_33 = vector.multi_reduction <add>, %mul3A_31, %reduce_sum3A_32 [1] : vector<4x1024xf32> to vector<4xf32>
      %broadcast_in_dim3A_34 = vector.shape_cast %reduce_sum3A_33 : vector<4xf32> to vector<4x1xf32>
      %mul3A_35 = arith.mulf %get3A_7, %convert_element_type3A_28 : vector<4x1024xf32>
      %reduce_sum3A_36 = arith.constant dense<0.000000e+00> : vector<4xf32>
      %reduce_sum3A_37 = vector.multi_reduction <add>, %mul3A_35, %reduce_sum3A_36 [1] : vector<4x1024xf32> to vector<4xf32>
      %broadcast_in_dim3A_38 = vector.shape_cast %reduce_sum3A_37 : vector<4xf32> to vector<4x1xf32>
      %sub3A = vector.broadcast %broadcast_in_dim3A_30 : vector<4x1xf32> to vector<4x1024xf32>
      %sub3A_39 = arith.subf %get3A_1, %sub3A : vector<4x1024xf32>
      %integer_pow3A = arith.mulf %sub3A_39, %sub3A_39 : vector<4x1024xf32>
      %sub3A_40 = vector.broadcast %broadcast_in_dim3A_34 : vector<4x1xf32> to vector<4x1024xf32>
      %sub3A_41 = arith.subf %get3A_4, %sub3A_40 : vector<4x1024xf32>
      %integer_pow3A_42 = arith.mulf %sub3A_41, %sub3A_41 : vector<4x1024xf32>
      %add3A = arith.addf %integer_pow3A, %integer_pow3A_42 : vector<4x1024xf32>
      %sub3A_43 = vector.broadcast %broadcast_in_dim3A_38 : vector<4x1xf32> to vector<4x1024xf32>
      %sub3A_44 = arith.subf %get3A_7, %sub3A_43 : vector<4x1024xf32>
      %integer_pow3A_45 = arith.mulf %sub3A_44, %sub3A_44 : vector<4x1024xf32>
      %add3A_46 = arith.addf %add3A, %integer_pow3A_45 : vector<4x1024xf32>
      %get3A_47 = arith.constant 0 : index
      %get3A_48 = arith.constant 0 : index
      %get3A_49 = vector.load %arg4[%get3A_47, %get3A_48] : memref<4x1024xf32, #tpu.memory_space<vmem>>, vector<4x1024xf32>
      %min3A = arith.minimumf %get3A_49, %add3A_46 : vector<4x1024xf32>
      %swap3A_50 = arith.constant 0 : index
      %swap3A_51 = arith.constant 0 : index
      %swap3A_52 = vector.load %arg4[%swap3A_50, %swap3A_51] : memref<4x1024xf32, #tpu.memory_space<vmem>>, vector<4x1024xf32>
      tpu.vector_store %arg4[%swap3A_50, %swap3A_51], %min3A {strides = array<i32>} : memref<4x1024xf32, #tpu.memory_space<vmem>>, vector<4x1024xf32>,
      %concatenate3A = tpu.concatenate %broadcast_in_dim3A_30, %broadcast_in_dim3A_34, %broadcast_in_dim3A_38 in 1 : vector<4x1xf32>, vector<4x1xf32>, vector<4x1xf32> -> vector<4x3xf32>
      %broadcast_in_dim3A_53 = vector.shape_cast %concatenate3A : vector<4x3xf32> to vector<4x3x1xf32>
      %eq3A_54 = vector.broadcast %scan3A_25 : i32 to vector<4x3x256xi32>
      %eq3A_55 = arith.cmpi eq, %iota3A_11, %eq3A_54 : vector<4x3x256xi32>
      %get3A_56 = arith.constant 0 : index
      %get3A_57 = arith.constant 0 : index
      %get3A_58 = arith.constant 0 : index
      %get3A_59 = vector.load %arg3[%get3A_56, %get3A_57, %get3A_58] : memref<4x3x256xf32, #tpu.memory_space<vmem>>, vector<4x3x256xf32>
      %broadcast_in_dim3A_60 = vector.shape_cast %broadcast_in_dim3A_53 : vector<4x3x1xf32> to vector<4x3x1xf32>
      %broadcast_in_dim3A_61 = vector.broadcast %broadcast_in_dim3A_60 : vector<4x3x1xf32> to vector<4x3x256xf32>
      %select_n3A = arith.select %eq3A_55, %broadcast_in_dim3A_61, %get3A_59 : vector<4x3x256xi1>, vector<4x3x256xf32>
      %swap3A_62 = arith.constant 0 : index
      %swap3A_63 = arith.constant 0 : index
      %swap3A_64 = arith.constant 0 : index
      %swap3A_65 = vector.load %arg3[%swap3A_62, %swap3A_63, %swap3A_64] : memref<4x3x256xf32, #tpu.memory_space<vmem>>, vector<4x3x256xf32>
      tpu.vector_store %arg3[%swap3A_62, %swap3A_63, %swap3A_64], %select_n3A {strides = array<i32>} : memref<4x3x256xf32, #tpu.memory_space<vmem>>, vector<4x3x256xf32>,
      %reduce_max3A = arith.constant dense<0xFF800000> : vector<4xf32>
      %reduce_max3A_66 = vector.multi_reduction <maximumf>, %min3A, %reduce_max3A [1] : vector<4x1024xf32> to vector<4xf32>
      %broadcast_in_dim3A_67 = vector.shape_cast %reduce_max3A_66 : vector<4xf32> to vector<4x1xf32>
      %eq3A_68 = vector.broadcast %broadcast_in_dim3A_67 : vector<4x1xf32> to vector<4x1024xf32>
      %eq3A_69 = arith.cmpf oeq, %min3A, %eq3A_68 : vector<4x1024xf32>
      %jit3A = arith.constant 1024 : i32
      %broadcast_in_dim3A_70 = vector.broadcast %jit3A : i32 to vector<4x1024xi32>
      %select_n3A_71 = arith.select %eq3A_69, %iota3A, %broadcast_in_dim3A_70 : vector<4x1024xi1>, vector<4x1024xi32>
      %reduce_min3A = arith.constant dense<2147483647> : vector<4xi32>
      %reduce_min3A_72 = vector.multi_reduction <minsi>, %select_n3A_71, %reduce_min3A [1] : vector<4x1024xi32> to vector<4xi32>
      %broadcast_in_dim3A_73 = vector.shape_cast %reduce_min3A_72 : vector<4xi32> to vector<4x1xi32>
      %scan3A_74 = arith.constant 1 : i32
      %scan3A_75 = arith.addi %scan3A_25, %scan3A_74 : i32
      %eq3A_76 = vector.broadcast %broadcast_in_dim3A_73 : vector<4x1xi32> to vector<4x1024xi32>
      %eq3A_77 = arith.cmpi eq, %iota3A, %eq3A_76 : vector<4x1024xi32>
      %convert_element_type3A_78 = arith.extui %eq3A_77 : vector<4x1024xi1> to vector<4x1024xi32>
      %convert_element_type3A_79 = arith.sitofp %convert_element_type3A_78 : vector<4x1024xi32> to vector<4x1024xf32>
      %mul3A_80 = arith.mulf %get3A_1, %convert_element_type3A_79 : vector<4x1024xf32>
      %reduce_sum3A_81 = arith.constant dense<0.000000e+00> : vector<4xf32>
      %reduce_sum3A_82 = vector.multi_reduction <add>, %mul3A_80, %reduce_sum3A_81 [1] : vector<4x1024xf32> to vector<4xf32>
      %broadcast_in_dim3A_83 = vector.shape_cast %reduce_sum3A_82 : vector<4xf32> to vector<4x1xf32>
      %mul3A_84 = arith.mulf %get3A_4, %convert_element_type3A_79 : vector<4x1024xf32>
      %reduce_sum3A_85 = arith.constant dense<0.000000e+00> : vector<4xf32>
      %reduce_sum3A_86 = vector.multi_reduction <add>, %mul3A_84, %reduce_sum3A_85 [1] : vector<4x1024xf32> to vector<4xf32>
      %broadcast_in_dim3A_87 = vector.shape_cast %reduce_sum3A_86 : vector<4xf32> to vector<4x1xf32>
      %mul3A_88 = arith.mulf %get3A_7, %convert_element_type3A_79 : vector<4x1024xf32>
      %reduce_sum3A_89 = arith.constant dense<0.000000e+00> : vector<4xf32>
      %reduce_sum3A_90 = vector.multi_reduction <add>, %mul3A_88, %reduce_sum3A_89 [1] : vector<4x1024xf32> to vector<4xf32>
      %broadcast_in_dim3A_91 = vector.shape_cast %reduce_sum3A_90 : vector<4xf32> to vector<4x1xf32>
      %sub3A_92 = vector.broadcast %broadcast_in_dim3A_83 : vector<4x1xf32> to vector<4x1024xf32>
      %sub3A_93 = arith.subf %get3A_1, %sub3A_92 : vector<4x1024xf32>
      %integer_pow3A_94 = arith.mulf %sub3A_93, %sub3A_93 : vector<4x1024xf32>
      %sub3A_95 = vector.broadcast %broadcast_in_dim3A_87 : vector<4x1xf32> to vector<4x1024xf32>
      %sub3A_96 = arith.subf %get3A_4, %sub3A_95 : vector<4x1024xf32>
      %integer_pow3A_97 = arith.mulf %sub3A_96, %sub3A_96 : vector<4x1024xf32>
      %add3A_98 = arith.addf %integer_pow3A_94, %integer_pow3A_97 : vector<4x1024xf32>
      %sub3A_99 = vector.broadcast %broadcast_in_dim3A_91 : vector<4x1xf32> to vector<4x1024xf32>
      %sub3A_100 = arith.subf %get3A_7, %sub3A_99 : vector<4x1024xf32>
      %integer_pow3A_101 = arith.mulf %sub3A_100, %sub3A_100 : vector<4x1024xf32>
      %add3A_102 = arith.addf %add3A_98, %integer_pow3A_101 : vector<4x1024xf32>
      %get3A_103 = arith.constant 0 : index
      %get3A_104 = arith.constant 0 : index
      %get3A_105 = vector.load %arg4[%get3A_103, %get3A_104] : memref<4x1024xf32, #tpu.memory_space<vmem>>, vector<4x1024xf32>
      %min3A_106 = arith.minimumf %get3A_105, %add3A_102 : vector<4x1024xf32>
      %swap3A_107 = arith.constant 0 : index
      %swap3A_108 = arith.constant 0 : index
      %swap3A_109 = vector.load %arg4[%swap3A_107, %swap3A_108] : memref<4x1024xf32, #tpu.memory_space<vmem>>, vector<4x1024xf32>
      tpu.vector_store %arg4[%swap3A_107, %swap3A_108], %min3A_106 {strides = array<i32>} : memref<4x1024xf32, #tpu.memory_space<vmem>>, vector<4x1024xf32>,
      %concatenate3A_110 = tpu.concatenate %broadcast_in_dim3A_83, %broadcast_in_dim3A_87, %broadcast_in_dim3A_91 in 1 : vector<4x1xf32>, vector<4x1xf32>, vector<4x1xf32> -> vector<4x3xf32>
      %broadcast_in_dim3A_111 = vector.shape_cast %concatenate3A_110 : vector<4x3xf32> to vector<4x3x1xf32>
      %eq3A_112 = vector.broadcast %scan3A_75 : i32 to vector<4x3x256xi32>
      %eq3A_113 = arith.cmpi eq, %iota3A_11, %eq3A_112 : vector<4x3x256xi32>
      %get3A_114 = arith.constant 0 : index
      %get3A_115 = arith.constant 0 : index
      %get3A_116 = arith.constant 0 : index
      %get3A_117 = vector.load %arg3[%get3A_114, %get3A_115, %get3A_116] : memref<4x3x256xf32, #tpu.memory_space<vmem>>, vector<4x3x256xf32>
      %broadcast_in_dim3A_118 = vector.shape_cast %broadcast_in_dim3A_111 : vector<4x3x1xf32> to vector<4x3x1xf32>
      %broadcast_in_dim3A_119 = vector.broadcast %broadcast_in_dim3A_118 : vector<4x3x1xf32> to vector<4x3x256xf32>
      %select_n3A_120 = arith.select %eq3A_113, %broadcast_in_dim3A_119, %get3A_117 : vector<4x3x256xi1>, vector<4x3x256xf32>
      %swap3A_121 = arith.constant 0 : index
      %swap3A_122 = arith.constant 0 : index
      %swap3A_123 = arith.constant 0 : index
      %swap3A_124 = vector.load %arg3[%swap3A_121, %swap3A_122, %swap3A_123] : memref<4x3x256xf32, #tpu.memory_space<vmem>>, vector<4x3x256xf32>
      tpu.vector_store %arg3[%swap3A_121, %swap3A_122, %swap3A_123], %select_n3A_120 {strides = array<i32>} : memref<4x3x256xf32, #tpu.memory_space<vmem>>, vector<4x3x256xf32>,
      %reduce_max3A_125 = arith.constant dense<0xFF800000> : vector<4xf32>
      %reduce_max3A_126 = vector.multi_reduction <maximumf>, %min3A_106, %reduce_max3A_125 [1] : vector<4x1024xf32> to vector<4xf32>
      %broadcast_in_dim3A_127 = vector.shape_cast %reduce_max3A_126 : vector<4xf32> to vector<4x1xf32>
      %eq3A_128 = vector.broadcast %broadcast_in_dim3A_127 : vector<4x1xf32> to vector<4x1024xf32>
      %eq3A_129 = arith.cmpf oeq, %min3A_106, %eq3A_128 : vector<4x1024xf32>
      %jit3A_130 = arith.constant 1024 : i32
      %broadcast_in_dim3A_131 = vector.broadcast %jit3A_130 : i32 to vector<4x1024xi32>
      %select_n3A_132 = arith.select %eq3A_129, %iota3A, %broadcast_in_dim3A_131 : vector<4x1024xi1>, vector<4x1024xi32>
      %reduce_min3A_133 = arith.constant dense<2147483647> : vector<4xi32>
      %reduce_min3A_134 = vector.multi_reduction <minsi>, %select_n3A_132, %reduce_min3A_133 [1] : vector<4x1024xi32> to vector<4xi32>
      %broadcast_in_dim3A_135 = vector.shape_cast %reduce_min3A_134 : vector<4xi32> to vector<4x1xi32>
      scf.yield %broadcast_in_dim3A_135 : vector<4x1xi32>
    }
    %scan3A_24 = arith.constant 256 : i32
    return
  }
}

module attributes {stable_mosaic.version = 14 : i64} {
  func.func @_sa_dist_body(%arg0: i32, %arg1: i32, %arg2: memref<1x3x1024xf32, #tpu.memory_space<vmem>>, %arg3: memref<1x32x3xf32, #tpu.memory_space<vmem>>, %arg4: memref<32x1024xf32, #tpu.memory_space<vmem>>) attributes {dimension_semantics = [#tpu.dimension_semantics<arbitrary>, #tpu.dimension_semantics<arbitrary>], iteration_bounds = array<i64: 4, 8>, scalar_prefetch = 0 : i64, scratch_operands = 0 : i64, tpu.core_type = #tpu.core_type<tc>, window_params = [{transform_indices = @transform_0, window_bounds = array<i64: 1, 3, 1024>}, {transform_indices = @transform_1, window_bounds = array<i64: 1, 32, 3>}, {transform_indices = @transform_2, window_bounds = array<i64: 32, 1024>}]} {
    %get3A = arith.constant 0 : index
    %get3A_0 = arith.constant 0 : index
    %get3A_1 = arith.constant 0 : index
    %get3A_2 = vector.load %arg2[%get3A, %get3A_0, %get3A_1] : memref<1x3x1024xf32, #tpu.memory_space<vmem>>, vector<1x3x1024xf32>
    %get3A_3 = vector.shape_cast %get3A_2 : vector<1x3x1024xf32> to vector<3x1024xf32>
    %get3A_4 = arith.constant 0 : index
    %get3A_5 = arith.constant 0 : index
    %get3A_6 = arith.constant 0 : index
    %get3A_7 = vector.load %arg3[%get3A_4, %get3A_5, %get3A_6] : memref<1x32x3xf32, #tpu.memory_space<vmem>>, vector<1x32x3xf32>
    %get3A_8 = vector.shape_cast %get3A_7 : vector<1x32x3xf32> to vector<32x3xf32>
    %mul3A = arith.mulf %get3A_3, %get3A_3 : vector<3x1024xf32>
    %reduce_sum3A = arith.constant dense<0.000000e+00> : vector<1024xf32>
    %reduce_sum3A_9 = vector.multi_reduction <add>, %mul3A, %reduce_sum3A [0] : vector<3x1024xf32> to vector<1024xf32>
    %broadcast_in_dim3A = vector.shape_cast %reduce_sum3A_9 : vector<1024xf32> to vector<1x1024xf32>
    %mul3A_10 = arith.mulf %get3A_8, %get3A_8 : vector<32x3xf32>
    %reduce_sum3A_11 = arith.constant dense<0.000000e+00> : vector<32xf32>
    %reduce_sum3A_12 = vector.multi_reduction <add>, %mul3A_10, %reduce_sum3A_11 [1] : vector<32x3xf32> to vector<32xf32>
    %broadcast_in_dim3A_13 = vector.shape_cast %reduce_sum3A_12 : vector<32xf32> to vector<32x1xf32>
    %dot_general3A = arith.constant dense<0.000000e+00> : vector<32x1024xf32>
    %dot_general3A_14 = tpu.matmul %get3A_8, %get3A_3, %dot_general3A {dimension_numbers = #tpu.dot_dimension_numbers<[1], [0], [0], [1], [0, 0, 1, 1], [], []>, transpose_lhs_hint = false} : vector<32x3xf32>, vector<3x1024xf32>, vector<32x1024xf32> -> vector<32x1024xf32>
    %add3A = vector.broadcast %broadcast_in_dim3A_13 : vector<32x1xf32> to vector<32x1024xf32>
    %add3A_15 = vector.broadcast %broadcast_in_dim3A : vector<1x1024xf32> to vector<32x1024xf32>
    %add3A_16 = arith.addf %add3A, %add3A_15 : vector<32x1024xf32>
    %mul3A_17 = arith.constant 2.000000e+00 : f32
    %mul3A_18 = vector.broadcast %mul3A_17 : f32 to vector<32x1024xf32>
    %mul3A_19 = arith.mulf %mul3A_18, %dot_general3A_14 : vector<32x1024xf32>
    %sub3A = arith.subf %add3A_16, %mul3A_19 : vector<32x1024xf32>
    %swap3A = arith.constant 0 : index
    %swap3A_20 = arith.constant 0 : index
    %swap3A_21 = vector.load %arg4[%swap3A, %swap3A_20] : memref<32x1024xf32, #tpu.memory_space<vmem>>, vector<32x1024xf32>
    tpu.vector_store %arg4[%swap3A, %swap3A_20], %sub3A {strides = array<i32>} : memref<32x1024xf32, #tpu.memory_space<vmem>>, vector<32x1024xf32>,
    return
  }
  func.func @transform_0(%arg0: i32, %arg1: i32) -> (i32, i32, i32) {
    %c0_i32 = arith.constant 0 : i32
    %c0_i32_0 = arith.constant 0 : i32
    %c0_i32_1 = arith.constant 0 : i32
    return %arg0, %c0_i32, %c0_i32_0 : i32, i32, i32
  }
  func.func @transform_1(%arg0: i32, %arg1: i32) -> (i32, i32, i32) {
    %c0_i32 = arith.constant 0 : i32
    %c0_i32_0 = arith.constant 0 : i32
    return %arg0, %arg1, %c0_i32 : i32, i32, i32
  }
  func.func @transform_2(%arg0: i32, %arg1: i32) -> (i32, i32) {
    %mul3A = arith.constant 8 : i32
    %mul3A_0 = arith.muli %arg0, %mul3A : i32
    %add3A = arith.addi %mul3A_0, %arg1 : i32
    %c0_i32 = arith.constant 0 : i32
    %c0_i32_1 = arith.constant 0 : i32
    return %add3A, %c0_i32 : i32, i32
  }
}

module attributes {stable_mosaic.version = 14 : i64} {
  func.func @_sa_body(%arg0: i32, %arg1: i32, %arg2: memref<1x4096x3xf32, #tpu.memory_space<vmem>>, %arg3: memref<1x3x4096xf32, #tpu.memory_space<vmem>>, %arg4: memref<1x4096x9xf32, #tpu.memory_space<vmem>>, %arg5: memref<1x32x3xf32, #tpu.memory_space<vmem>>, %arg6: memref<12x32xf32, #tpu.memory_space<vmem>>, %arg7: memref<1x32xf32, #tpu.memory_space<vmem>>, %arg8: memref<32x32xf32, #tpu.memory_space<vmem>>, %arg9: memref<1x32xf32, #tpu.memory_space<vmem>>, %arg10: memref<32x64xf32, #tpu.memory_space<vmem>>, %arg11: memref<1x64xf32, #tpu.memory_space<vmem>>, %arg12: memref<1x32x64xf32, #tpu.memory_space<vmem>>) attributes {dimension_semantics = [#tpu.dimension_semantics<arbitrary>, #tpu.dimension_semantics<arbitrary>], iteration_bounds = array<i64: 4, 32>, scalar_prefetch = 0 : i64, scratch_operands = 0 : i64, tpu.core_type = #tpu.core_type<tc>, window_params = [{transform_indices = @transform_0, window_bounds = array<i64: 1, 4096, 3>}, {transform_indices = @transform_1, window_bounds = array<i64: 1, 3, 4096>}, {transform_indices = @transform_2, window_bounds = array<i64: 1, 4096, 9>}, {transform_indices = @transform_3, window_bounds = array<i64: 1, 32, 3>}, {pipeline_mode = #tpu.pipeline_mode<synchronous>, transform_indices = @transform_4, window_bounds = array<i64: 12, 32>}, {pipeline_mode = #tpu.pipeline_mode<synchronous>, transform_indices = @transform_5, window_bounds = array<i64: 1, 32>}, {pipeline_mode = #tpu.pipeline_mode<synchronous>, transform_indices = @transform_6, window_bounds = array<i64: 32, 32>}, {pipeline_mode = #tpu.pipeline_mode<synchronous>, transform_indices = @transform_7, window_bounds = array<i64: 1, 32>}, {pipeline_mode = #tpu.pipeline_mode<synchronous>, transform_indices = @transform_8, window_bounds = array<i64: 32, 64>}, {pipeline_mode = #tpu.pipeline_mode<synchronous>, transform_indices = @transform_9, window_bounds = array<i64: 1, 64>}, {transform_indices = @transform_10, window_bounds = array<i64: 1, 32, 64>}]} {
    %get3A = arith.constant 0 : index
    %get3A_0 = arith.constant 0 : index
    %get3A_1 = arith.constant 0 : index
    %get3A_2 = vector.load %arg2[%get3A, %get3A_0, %get3A_1] : memref<1x4096x3xf32, #tpu.memory_space<vmem>>, vector<1x4096x3xf32>
    %get3A_3 = vector.shape_cast %get3A_2 : vector<1x4096x3xf32> to vector<4096x3xf32>
    %get3A_4 = arith.constant 0 : index
    %get3A_5 = arith.constant 0 : index
    %get3A_6 = arith.constant 0 : index
    %get3A_7 = vector.load %arg3[%get3A_4, %get3A_5, %get3A_6] : memref<1x3x4096xf32, #tpu.memory_space<vmem>>, vector<1x3x4096xf32>
    %get3A_8 = vector.shape_cast %get3A_7 : vector<1x3x4096xf32> to vector<3x4096xf32>
    %get3A_9 = arith.constant 0 : index
    %get3A_10 = arith.constant 0 : index
    %get3A_11 = arith.constant 0 : index
    %get3A_12 = vector.load %arg4[%get3A_9, %get3A_10, %get3A_11] : memref<1x4096x9xf32, #tpu.memory_space<vmem>>, vector<1x4096x9xf32>
    %get3A_13 = vector.shape_cast %get3A_12 : vector<1x4096x9xf32> to vector<4096x9xf32>
    %get3A_14 = arith.constant 0 : index
    %get3A_15 = arith.constant 0 : index
    %get3A_16 = arith.constant 0 : index
    %get3A_17 = vector.load %arg5[%get3A_14, %get3A_15, %get3A_16] : memref<1x32x3xf32, #tpu.memory_space<vmem>>, vector<1x32x3xf32>
    %get3A_18 = vector.shape_cast %get3A_17 : vector<1x32x3xf32> to vector<32x3xf32>
    %mul3A = arith.mulf %get3A_8, %get3A_8 : vector<3x4096xf32>
    %reduce_sum3A = arith.constant dense<0.000000e+00> : vector<4096xf32>
    %reduce_sum3A_19 = vector.multi_reduction <add>, %mul3A, %reduce_sum3A [0] : vector<3x4096xf32> to vector<4096xf32>
    %broadcast_in_dim3A = vector.shape_cast %reduce_sum3A_19 : vector<4096xf32> to vector<1x4096xf32>
    %mul3A_20 = arith.mulf %get3A_18, %get3A_18 : vector<32x3xf32>
    %reduce_sum3A_21 = arith.constant dense<0.000000e+00> : vector<32xf32>
    %reduce_sum3A_22 = vector.multi_reduction <add>, %mul3A_20, %reduce_sum3A_21 [1] : vector<32x3xf32> to vector<32xf32>
    %broadcast_in_dim3A_23 = vector.shape_cast %reduce_sum3A_22 : vector<32xf32> to vector<32x1xf32>
    %dot_general3A = arith.constant dense<0.000000e+00> : vector<32x4096xf32>
    %dot_general3A_24 = tpu.matmul %get3A_18, %get3A_8, %dot_general3A {dimension_numbers = #tpu.dot_dimension_numbers<[1], [0], [0], [1], [0, 0, 1, 1], [], []>, transpose_lhs_hint = false} : vector<32x3xf32>, vector<3x4096xf32>, vector<32x4096xf32> -> vector<32x4096xf32>
    %add3A = vector.broadcast %broadcast_in_dim3A_23 : vector<32x1xf32> to vector<32x4096xf32>
    %add3A_25 = vector.broadcast %broadcast_in_dim3A : vector<1x4096xf32> to vector<32x4096xf32>
    %add3A_26 = arith.addf %add3A, %add3A_25 : vector<32x4096xf32>
    %mul3A_27 = arith.constant 2.000000e+00 : f32
    %mul3A_28 = vector.broadcast %mul3A_27 : f32 to vector<32x4096xf32>
    %mul3A_29 = arith.mulf %mul3A_28, %dot_general3A_24 : vector<32x4096xf32>
    %sub3A = arith.subf %add3A_26, %mul3A_29 : vector<32x4096xf32>
    %le3A = arith.constant 0.00999999977 : f32
    %le3A_30 = vector.broadcast %le3A : f32 to vector<32x4096xf32>
    %le3A_31 = arith.cmpf ole, %sub3A, %le3A_30 : vector<32x4096xf32>
    %convert_element_type3A = arith.extui %le3A_31 : vector<32x4096xi1> to vector<32x4096xi32>
    %broadcast_in_dim3A_32 = arith.constant 0 : i32
    %broadcast_in_dim3A_33 = vector.broadcast %broadcast_in_dim3A_32 : i32 to vector<32x1xi32>
    %slice3A = vector.extract_strided_slice %convert_element_type3A {offsets = [0, 0], sizes = [32, 4095], strides = [1, 1]} : vector<32x4096xi32> to vector<32x4095xi32>
    %concatenate3A = tpu.concatenate %broadcast_in_dim3A_33, %slice3A in 1 : vector<32x1xi32>, vector<32x4095xi32> -> vector<32x4096xi32>
    %add3A_34 = arith.addi %convert_element_type3A, %concatenate3A : vector<32x4096xi32>
    %broadcast_in_dim3A_35 = arith.constant 0 : i32
    %broadcast_in_dim3A_36 = vector.broadcast %broadcast_in_dim3A_35 : i32 to vector<32x2xi32>
    %slice3A_37 = vector.extract_strided_slice %add3A_34 {offsets = [0, 0], sizes = [32, 4094], strides = [1, 1]} : vector<32x4096xi32> to vector<32x4094xi32>
    %concatenate3A_38 = tpu.concatenate %broadcast_in_dim3A_36, %slice3A_37 in 1 : vector<32x2xi32>, vector<32x4094xi32> -> vector<32x4096xi32>
    %add3A_39 = arith.addi %add3A_34, %concatenate3A_38 : vector<32x4096xi32>
    %broadcast_in_dim3A_40 = arith.constant 0 : i32
    %broadcast_in_dim3A_41 = vector.broadcast %broadcast_in_dim3A_40 : i32 to vector<32x4xi32>
    %slice3A_42 = vector.extract_strided_slice %add3A_39 {offsets = [0, 0], sizes = [32, 4092], strides = [1, 1]} : vector<32x4096xi32> to vector<32x4092xi32>
    %concatenate3A_43 = tpu.concatenate %broadcast_in_dim3A_41, %slice3A_42 in 1 : vector<32x4xi32>, vector<32x4092xi32> -> vector<32x4096xi32>
    %add3A_44 = arith.addi %add3A_39, %concatenate3A_43 : vector<32x4096xi32>
    %broadcast_in_dim3A_45 = arith.constant 0 : i32
    %broadcast_in_dim3A_46 = vector.broadcast %broadcast_in_dim3A_45 : i32 to vector<32x8xi32>
    %slice3A_47 = vector.extract_strided_slice %add3A_44 {offsets = [0, 0], sizes = [32, 4088], strides = [1, 1]} : vector<32x4096xi32> to vector<32x4088xi32>
    %concatenate3A_48 = tpu.concatenate %broadcast_in_dim3A_46, %slice3A_47 in 1 : vector<32x8xi32>, vector<32x4088xi32> -> vector<32x4096xi32>
    %add3A_49 = arith.addi %add3A_44, %concatenate3A_48 : vector<32x4096xi32>
    %broadcast_in_dim3A_50 = arith.constant 0 : i32
    %broadcast_in_dim3A_51 = vector.broadcast %broadcast_in_dim3A_50 : i32 to vector<32x16xi32>
    %slice3A_52 = vector.extract_strided_slice %add3A_49 {offsets = [0, 0], sizes = [32, 4080], strides = [1, 1]} : vector<32x4096xi32> to vector<32x4080xi32>
    %concatenate3A_53 = tpu.concatenate %broadcast_in_dim3A_51, %slice3A_52 in 1 : vector<32x16xi32>, vector<32x4080xi32> -> vector<32x4096xi32>
    %add3A_54 = arith.addi %add3A_49, %concatenate3A_53 : vector<32x4096xi32>
    %broadcast_in_dim3A_55 = arith.constant 0 : i32
    %broadcast_in_dim3A_56 = vector.broadcast %broadcast_in_dim3A_55 : i32 to vector<32x32xi32>
    %slice3A_57 = vector.extract_strided_slice %add3A_54 {offsets = [0, 0], sizes = [32, 4064], strides = [1, 1]} : vector<32x4096xi32> to vector<32x4064xi32>
    %concatenate3A_58 = tpu.concatenate %broadcast_in_dim3A_56, %slice3A_57 in 1 : vector<32x32xi32>, vector<32x4064xi32> -> vector<32x4096xi32>
    %add3A_59 = arith.addi %add3A_54, %concatenate3A_58 : vector<32x4096xi32>
    %broadcast_in_dim3A_60 = arith.constant 0 : i32
    %broadcast_in_dim3A_61 = vector.broadcast %broadcast_in_dim3A_60 : i32 to vector<32x64xi32>
    %slice3A_62 = vector.extract_strided_slice %add3A_59 {offsets = [0, 0], sizes = [32, 4032], strides = [1, 1]} : vector<32x4096xi32> to vector<32x4032xi32>
    %concatenate3A_63 = tpu.concatenate %broadcast_in_dim3A_61, %slice3A_62 in 1 : vector<32x64xi32>, vector<32x4032xi32> -> vector<32x4096xi32>
    %add3A_64 = arith.addi %add3A_59, %concatenate3A_63 : vector<32x4096xi32>
    %broadcast_in_dim3A_65 = arith.constant 0 : i32
    %broadcast_in_dim3A_66 = vector.broadcast %broadcast_in_dim3A_65 : i32 to vector<32x128xi32>
    %slice3A_67 = vector.extract_strided_slice %add3A_64 {offsets = [0, 0], sizes = [32, 3968], strides = [1, 1]} : vector<32x4096xi32> to vector<32x3968xi32>
    %concatenate3A_68 = tpu.concatenate %broadcast_in_dim3A_66, %slice3A_67 in 1 : vector<32x128xi32>, vector<32x3968xi32> -> vector<32x4096xi32>
    %add3A_69 = arith.addi %add3A_64, %concatenate3A_68 : vector<32x4096xi32>
    %broadcast_in_dim3A_70 = arith.constant 0 : i32
    %broadcast_in_dim3A_71 = vector.broadcast %broadcast_in_dim3A_70 : i32 to vector<32x256xi32>
    %slice3A_72 = vector.extract_strided_slice %add3A_69 {offsets = [0, 0], sizes = [32, 3840], strides = [1, 1]} : vector<32x4096xi32> to vector<32x3840xi32>
    %concatenate3A_73 = tpu.concatenate %broadcast_in_dim3A_71, %slice3A_72 in 1 : vector<32x256xi32>, vector<32x3840xi32> -> vector<32x4096xi32>
    %add3A_74 = arith.addi %add3A_69, %concatenate3A_73 : vector<32x4096xi32>
    %broadcast_in_dim3A_75 = arith.constant 0 : i32
    %broadcast_in_dim3A_76 = vector.broadcast %broadcast_in_dim3A_75 : i32 to vector<32x512xi32>
    %slice3A_77 = vector.extract_strided_slice %add3A_74 {offsets = [0, 0], sizes = [32, 3584], strides = [1, 1]} : vector<32x4096xi32> to vector<32x3584xi32>
    %concatenate3A_78 = tpu.concatenate %broadcast_in_dim3A_76, %slice3A_77 in 1 : vector<32x512xi32>, vector<32x3584xi32> -> vector<32x4096xi32>
    %add3A_79 = arith.addi %add3A_74, %concatenate3A_78 : vector<32x4096xi32>
    %broadcast_in_dim3A_80 = arith.constant 0 : i32
    %broadcast_in_dim3A_81 = vector.broadcast %broadcast_in_dim3A_80 : i32 to vector<32x1024xi32>
    %slice3A_82 = vector.extract_strided_slice %add3A_79 {offsets = [0, 0], sizes = [32, 3072], strides = [1, 1]} : vector<32x4096xi32> to vector<32x3072xi32>
    %concatenate3A_83 = tpu.concatenate %broadcast_in_dim3A_81, %slice3A_82 in 1 : vector<32x1024xi32>, vector<32x3072xi32> -> vector<32x4096xi32>
    %add3A_84 = arith.addi %add3A_79, %concatenate3A_83 : vector<32x4096xi32>
    %broadcast_in_dim3A_85 = arith.constant 0 : i32
    %broadcast_in_dim3A_86 = vector.broadcast %broadcast_in_dim3A_85 : i32 to vector<32x2048xi32>
    %slice3A_87 = vector.extract_strided_slice %add3A_84 {offsets = [0, 0], sizes = [32, 2048], strides = [1, 1]} : vector<32x4096xi32> to vector<32x2048xi32>
    %concatenate3A_88 = tpu.concatenate %broadcast_in_dim3A_86, %slice3A_87 in 1 : vector<32x2048xi32>, vector<32x2048xi32> -> vector<32x4096xi32>
    %add3A_89 = arith.addi %add3A_84, %concatenate3A_88 : vector<32x4096xi32>
    %sub3A_90 = arith.subi %add3A_89, %convert_element_type3A : vector<32x4096xi32>
    %slice3A_91 = vector.extract_strided_slice %add3A_89 {offsets = [0, 4095], sizes = [32, 1], strides = [1, 1]} : vector<32x4096xi32> to vector<32x1xi32>
    %min3A = arith.constant 32 : i32
    %min3A_92 = vector.broadcast %min3A : i32 to vector<32x1xi32>
    %min3A_93 = arith.minsi %slice3A_91, %min3A_92 : vector<32x1xi32>
    %concatenate3A_94 = tpu.concatenate %get3A_3, %get3A_13 in 1 : vector<4096x3xf32>, vector<4096x9xf32> -> vector<4096x12xf32>
    %broadcast_in_dim3A_95 = arith.constant 0.000000e+00 : f32
    %broadcast_in_dim3A_96 = vector.broadcast %broadcast_in_dim3A_95 : f32 to vector<32x9xf32>
    %concatenate3A_97 = tpu.concatenate %get3A_18, %broadcast_in_dim3A_96 in 1 : vector<32x3xf32>, vector<32x9xf32> -> vector<32x12xf32>
    %reduce_max3A = vector.shape_cast %min3A_93 : vector<32x1xi32> to vector<1x32x1xi32>
    %reduce_max3A_98 = arith.constant dense<-2147483648> : vector<1xi32>
    %reduce_max3A_99 = vector.multi_reduction <maxsi>, %reduce_max3A, %reduce_max3A_98 [1, 2] : vector<1x32x1xi32> to vector<1xi32>
    %reduce_max3A_100 = vector.shape_cast %reduce_max3A_99 : vector<1xi32> to vector<1x1x1xi32>
    %reduce_max3A_101 = vector.extract %reduce_max3A_100[0, 0, 0] : i32 from vector<1x1x1xi32>
    %le3A_102 = arith.constant 8 : i32
    %le3A_103 = arith.cmpi sle, %reduce_max3A_101, %le3A_102 : i32
    %convert_element_type3A_104 = arith.extui %le3A_103 : i1 to i32
    %cond3A = arith.constant 0 : i32
    %cond3A_105 = arith.cmpi ne, %convert_element_type3A_104, %cond3A : i32
    %cond3A_106 = scf.if %cond3A_105 -> (vector<32x64xf32>) {
      %iota3A = tpu.iota {dimensions = array<i32: 1>} : vector<32x8x4096xi32>
      %broadcast_in_dim3A_112 = vector.shape_cast %sub3A_90 : vector<32x4096xi32> to vector<32x1x4096xi32>
      %eq3A = vector.broadcast %broadcast_in_dim3A_112 : vector<32x1x4096xi32> to vector<32x8x4096xi32>
      %eq3A_113 = arith.cmpi eq, %eq3A, %iota3A : vector<32x8x4096xi32>
      %broadcast_in_dim3A_114 = vector.shape_cast %sub3A : vector<32x4096xf32> to vector<32x1x4096xf32>
      %le3A_115 = arith.constant 0.00999999977 : f32
      %le3A_116 = vector.broadcast %le3A_115 : f32 to vector<32x1x4096xf32>
      %le3A_117 = arith.cmpf ole, %broadcast_in_dim3A_114, %le3A_116 : vector<32x1x4096xf32>
      %and3A = vector.broadcast %le3A_117 : vector<32x1x4096xi1> to vector<32x8x4096xi1>
      %and3A_118 = arith.andi %eq3A_113, %and3A : vector<32x8x4096xi1>
      %convert_element_type3A_119 = arith.extui %and3A_118 : vector<32x8x4096xi1> to vector<32x8x4096xi32>
      %convert_element_type3A_120 = arith.sitofp %convert_element_type3A_119 : vector<32x8x4096xi32> to vector<32x8x4096xf32>
      %reshape3A = vector.shape_cast %convert_element_type3A_120 : vector<32x8x4096xf32> to vector<256x4096xf32>
      %dot_general3A_121 = arith.constant dense<0.000000e+00> : vector<256x12xf32>
      %dot_general3A_122 = tpu.matmul %reshape3A, %concatenate3A_94, %dot_general3A_121 {dimension_numbers = #tpu.dot_dimension_numbers<[1], [0], [0], [1], [0, 0, 1, 1], [], []>, transpose_lhs_hint = false} : vector<256x4096xf32>, vector<4096x12xf32>, vector<256x12xf32> -> vector<256x12xf32>
      %reshape3A_123 = vector.shape_cast %dot_general3A_122 : vector<256x12xf32> to vector<32x8x12xf32>
      %broadcast_in_dim3A_124 = vector.shape_cast %concatenate3A_97 : vector<32x12xf32> to vector<32x1x12xf32>
      %sub3A_125 = vector.broadcast %broadcast_in_dim3A_124 : vector<32x1x12xf32> to vector<32x8x12xf32>
      %sub3A_126 = arith.subf %reshape3A_123, %sub3A_125 : vector<32x8x12xf32>
      %reshape3A_127 = vector.shape_cast %sub3A_126 : vector<32x8x12xf32> to vector<256x12xf32>
      %get3A_128 = arith.constant 0 : index
      %get3A_129 = arith.constant 0 : index
      %get3A_130 = vector.load %arg6[%get3A_128, %get3A_129] : memref<12x32xf32, #tpu.memory_space<vmem>>, vector<12x32xf32>
      %dot_general3A_131 = arith.constant dense<0.000000e+00> : vector<256x32xf32>
      %dot_general3A_132 = tpu.matmul %reshape3A_127, %get3A_130, %dot_general3A_131 {dimension_numbers = #tpu.dot_dimension_numbers<[1], [0], [0], [1], [0, 0, 1, 1], [], []>, transpose_lhs_hint = false} : vector<256x12xf32>, vector<12x32xf32>, vector<256x32xf32> -> vector<256x32xf32>
      %get3A_133 = arith.constant 0 : index
      %get3A_134 = arith.constant 0 : index
      %get3A_135 = vector.load %arg7[%get3A_133, %get3A_134] : memref<1x32xf32, #tpu.memory_space<vmem>>, vector<1x32xf32>
      %add3A_136 = vector.broadcast %get3A_135 : vector<1x32xf32> to vector<256x32xf32>
      %add3A_137 = arith.addf %dot_general3A_132, %add3A_136 : vector<256x32xf32>
      %max3A = arith.constant 0.000000e+00 : f32
      %max3A_138 = vector.broadcast %max3A : f32 to vector<256x32xf32>
      %max3A_139 = arith.maximumf %add3A_137, %max3A_138 : vector<256x32xf32>
      %get3A_140 = arith.constant 0 : index
      %get3A_141 = arith.constant 0 : index
      %get3A_142 = vector.load %arg8[%get3A_140, %get3A_141] : memref<32x32xf32, #tpu.memory_space<vmem>>, vector<32x32xf32>
      %dot_general3A_143 = arith.constant dense<0.000000e+00> : vector<256x32xf32>
      %dot_general3A_144 = tpu.matmul %max3A_139, %get3A_142, %dot_general3A_143 {dimension_numbers = #tpu.dot_dimension_numbers<[1], [0], [0], [1], [0, 0, 1, 1], [], []>, transpose_lhs_hint = false} : vector<256x32xf32>, vector<32x32xf32>, vector<256x32xf32> -> vector<256x32xf32>
      %get3A_145 = arith.constant 0 : index
      %get3A_146 = arith.constant 0 : index
      %get3A_147 = vector.load %arg9[%get3A_145, %get3A_146] : memref<1x32xf32, #tpu.memory_space<vmem>>, vector<1x32xf32>
      %add3A_148 = vector.broadcast %get3A_147 : vector<1x32xf32> to vector<256x32xf32>
      %add3A_149 = arith.addf %dot_general3A_144, %add3A_148 : vector<256x32xf32>
      %max3A_150 = arith.constant 0.000000e+00 : f32
      %max3A_151 = vector.broadcast %max3A_150 : f32 to vector<256x32xf32>
      %max3A_152 = arith.maximumf %add3A_149, %max3A_151 : vector<256x32xf32>
      %get3A_153 = arith.constant 0 : index
      %get3A_154 = arith.constant 0 : index
      %get3A_155 = vector.load %arg10[%get3A_153, %get3A_154] : memref<32x64xf32, #tpu.memory_space<vmem>>, vector<32x64xf32>
      %dot_general3A_156 = arith.constant dense<0.000000e+00> : vector<256x64xf32>
      %dot_general3A_157 = tpu.matmul %max3A_152, %get3A_155, %dot_general3A_156 {dimension_numbers = #tpu.dot_dimension_numbers<[1], [0], [0], [1], [0, 0, 1, 1], [], []>, transpose_lhs_hint = false} : vector<256x32xf32>, vector<32x64xf32>, vector<256x64xf32> -> vector<256x64xf32>
      %get3A_158 = arith.constant 0 : index
      %get3A_159 = arith.constant 0 : index
      %get3A_160 = vector.load %arg11[%get3A_158, %get3A_159] : memref<1x64xf32, #tpu.memory_space<vmem>>, vector<1x64xf32>
      %add3A_161 = vector.broadcast %get3A_160 : vector<1x64xf32> to vector<256x64xf32>
      %add3A_162 = arith.addf %dot_general3A_157, %add3A_161 : vector<256x64xf32>
      %max3A_163 = arith.constant 0.000000e+00 : f32
      %max3A_164 = vector.broadcast %max3A_163 : f32 to vector<256x64xf32>
      %max3A_165 = arith.maximumf %add3A_162, %max3A_164 : vector<256x64xf32>
      %reshape3A_166 = vector.shape_cast %max3A_165 : vector<256x64xf32> to vector<32x8x64xf32>
      %iota3A_167 = tpu.iota {dimensions = array<i32: 1>} : vector<32x8x64xi32>
      %broadcast_in_dim3A_168 = vector.shape_cast %min3A_93 : vector<32x1xi32> to vector<32x1x1xi32>
      %lt3A = vector.broadcast %broadcast_in_dim3A_168 : vector<32x1x1xi32> to vector<32x8x64xi32>
      %lt3A_169 = arith.cmpi slt, %iota3A_167, %lt3A : vector<32x8x64xi32>
      %jit3A = arith.constant 0xFF800000 : f32
      %broadcast_in_dim3A_170 = vector.broadcast %jit3A : f32 to vector<32x8x64xf32>
      %select_n3A = arith.select %lt3A_169, %reshape3A_166, %broadcast_in_dim3A_170 : vector<32x8x64xi1>, vector<32x8x64xf32>
      %reduce_max3A_171 = arith.constant dense<0xFF800000> : vector<32x64xf32>
      %reduce_max3A_172 = vector.multi_reduction <maximumf>, %select_n3A, %reduce_max3A_171 [1] : vector<32x8x64xf32> to vector<32x64xf32>
      scf.yield %reduce_max3A_172 : vector<32x64xf32>
    } else {
      %iota3A = tpu.iota {dimensions = array<i32: 1>} : vector<32x32x4096xi32>
      %broadcast_in_dim3A_112 = vector.shape_cast %sub3A_90 : vector<32x4096xi32> to vector<32x1x4096xi32>
      %eq3A = vector.broadcast %broadcast_in_dim3A_112 : vector<32x1x4096xi32> to vector<32x32x4096xi32>
      %eq3A_113 = arith.cmpi eq, %eq3A, %iota3A : vector<32x32x4096xi32>
      %broadcast_in_dim3A_114 = vector.shape_cast %sub3A : vector<32x4096xf32> to vector<32x1x4096xf32>
      %le3A_115 = arith.constant 0.00999999977 : f32
      %le3A_116 = vector.broadcast %le3A_115 : f32 to vector<32x1x4096xf32>
      %le3A_117 = arith.cmpf ole, %broadcast_in_dim3A_114, %le3A_116 : vector<32x1x4096xf32>
      %and3A = vector.broadcast %le3A_117 : vector<32x1x4096xi1> to vector<32x32x4096xi1>
      %and3A_118 = arith.andi %eq3A_113, %and3A : vector<32x32x4096xi1>
      %convert_element_type3A_119 = arith.extui %and3A_118 : vector<32x32x4096xi1> to vector<32x32x4096xi32>
      %convert_element_type3A_120 = arith.sitofp %convert_element_type3A_119 : vector<32x32x4096xi32> to vector<32x32x4096xf32>
      %reshape3A = vector.shape_cast %convert_element_type3A_120 : vector<32x32x4096xf32> to vector<1024x4096xf32>
      %dot_general3A_121 = arith.constant dense<0.000000e+00> : vector<1024x12xf32>
      %dot_general3A_122 = tpu.matmul %reshape3A, %concatenate3A_94, %dot_general3A_121 {dimension_numbers = #tpu.dot_dimension_numbers<[1], [0], [0], [1], [0, 0, 1, 1], [], []>, transpose_lhs_hint = false} : vector<1024x4096xf32>, vector<4096x12xf32>, vector<1024x12xf32> -> vector<1024x12xf32>
      %reshape3A_123 = vector.shape_cast %dot_general3A_122 : vector<1024x12xf32> to vector<32x32x12xf32>
      %broadcast_in_dim3A_124 = vector.shape_cast %concatenate3A_97 : vector<32x12xf32> to vector<32x1x12xf32>
      %sub3A_125 = vector.broadcast %broadcast_in_dim3A_124 : vector<32x1x12xf32> to vector<32x32x12xf32>
      %sub3A_126 = arith.subf %reshape3A_123, %sub3A_125 : vector<32x32x12xf32>
      %reshape3A_127 = vector.shape_cast %sub3A_126 : vector<32x32x12xf32> to vector<1024x12xf32>
      %get3A_128 = arith.constant 0 : index
      %get3A_129 = arith.constant 0 : index
      %get3A_130 = vector.load %arg6[%get3A_128, %get3A_129] : memref<12x32xf32, #tpu.memory_space<vmem>>, vector<12x32xf32>
      %dot_general3A_131 = arith.constant dense<0.000000e+00> : vector<1024x32xf32>
      %dot_general3A_132 = tpu.matmul %reshape3A_127, %get3A_130, %dot_general3A_131 {dimension_numbers = #tpu.dot_dimension_numbers<[1], [0], [0], [1], [0, 0, 1, 1], [], []>, transpose_lhs_hint = false} : vector<1024x12xf32>, vector<12x32xf32>, vector<1024x32xf32> -> vector<1024x32xf32>
      %get3A_133 = arith.constant 0 : index
      %get3A_134 = arith.constant 0 : index
      %get3A_135 = vector.load %arg7[%get3A_133, %get3A_134] : memref<1x32xf32, #tpu.memory_space<vmem>>, vector<1x32xf32>
      %add3A_136 = vector.broadcast %get3A_135 : vector<1x32xf32> to vector<1024x32xf32>
      %add3A_137 = arith.addf %dot_general3A_132, %add3A_136 : vector<1024x32xf32>
      %max3A = arith.constant 0.000000e+00 : f32
      %max3A_138 = vector.broadcast %max3A : f32 to vector<1024x32xf32>
      %max3A_139 = arith.maximumf %add3A_137, %max3A_138 : vector<1024x32xf32>
      %get3A_140 = arith.constant 0 : index
      %get3A_141 = arith.constant 0 : index
      %get3A_142 = vector.load %arg8[%get3A_140, %get3A_141] : memref<32x32xf32, #tpu.memory_space<vmem>>, vector<32x32xf32>
      %dot_general3A_143 = arith.constant dense<0.000000e+00> : vector<1024x32xf32>
      %dot_general3A_144 = tpu.matmul %max3A_139, %get3A_142, %dot_general3A_143 {dimension_numbers = #tpu.dot_dimension_numbers<[1], [0], [0], [1], [0, 0, 1, 1], [], []>, transpose_lhs_hint = false} : vector<1024x32xf32>, vector<32x32xf32>, vector<1024x32xf32> -> vector<1024x32xf32>
      %get3A_145 = arith.constant 0 : index
      %get3A_146 = arith.constant 0 : index
      %get3A_147 = vector.load %arg9[%get3A_145, %get3A_146] : memref<1x32xf32, #tpu.memory_space<vmem>>, vector<1x32xf32>
      %add3A_148 = vector.broadcast %get3A_147 : vector<1x32xf32> to vector<1024x32xf32>
      %add3A_149 = arith.addf %dot_general3A_144, %add3A_148 : vector<1024x32xf32>
      %max3A_150 = arith.constant 0.000000e+00 : f32
      %max3A_151 = vector.broadcast %max3A_150 : f32 to vector<1024x32xf32>
      %max3A_152 = arith.maximumf %add3A_149, %max3A_151 : vector<1024x32xf32>
      %get3A_153 = arith.constant 0 : index
      %get3A_154 = arith.constant 0 : index
      %get3A_155 = vector.load %arg10[%get3A_153, %get3A_154] : memref<32x64xf32, #tpu.memory_space<vmem>>, vector<32x64xf32>
      %dot_general3A_156 = arith.constant dense<0.000000e+00> : vector<1024x64xf32>
      %dot_general3A_157 = tpu.matmul %max3A_152, %get3A_155, %dot_general3A_156 {dimension_numbers = #tpu.dot_dimension_numbers<[1], [0], [0], [1], [0, 0, 1, 1], [], []>, transpose_lhs_hint = false} : vector<1024x32xf32>, vector<32x64xf32>, vector<1024x64xf32> -> vector<1024x64xf32>
      %get3A_158 = arith.constant 0 : index
      %get3A_159 = arith.constant 0 : index
      %get3A_160 = vector.load %arg11[%get3A_158, %get3A_159] : memref<1x64xf32, #tpu.memory_space<vmem>>, vector<1x64xf32>
      %add3A_161 = vector.broadcast %get3A_160 : vector<1x64xf32> to vector<1024x64xf32>
      %add3A_162 = arith.addf %dot_general3A_157, %add3A_161 : vector<1024x64xf32>
      %max3A_163 = arith.constant 0.000000e+00 : f32
      %max3A_164 = vector.broadcast %max3A_163 : f32 to vector<1024x64xf32>
      %max3A_165 = arith.maximumf %add3A_162, %max3A_164 : vector<1024x64xf32>
      %reshape3A_166 = vector.shape_cast %max3A_165 : vector<1024x64xf32> to vector<32x32x64xf32>
      %iota3A_167 = tpu.iota {dimensions = array<i32: 1>} : vector<32x32x64xi32>
      %broadcast_in_dim3A_168 = vector.shape_cast %min3A_93 : vector<32x1xi32> to vector<32x1x1xi32>
      %lt3A = vector.broadcast %broadcast_in_dim3A_168 : vector<32x1x1xi32> to vector<32x32x64xi32>
      %lt3A_169 = arith.cmpi slt, %iota3A_167, %lt3A : vector<32x32x64xi32>
      %jit3A = arith.constant 0xFF800000 : f32
      %broadcast_in_dim3A_170 = vector.broadcast %jit3A : f32 to vector<32x32x64xf32>
      %select_n3A = arith.select %lt3A_169, %reshape3A_166, %broadcast_in_dim3A_170 : vector<32x32x64xi1>, vector<32x32x64xf32>
      %reduce_max3A_171 = arith.constant dense<0xFF800000> : vector<32x64xf32>
      %reduce_max3A_172 = vector.multi_reduction <maximumf>, %select_n3A, %reduce_max3A_171 [1] : vector<32x32x64xf32> to vector<32x64xf32>
      scf.yield %reduce_max3A_172 : vector<32x64xf32>
    }
    %swap3A = arith.constant 0 : index
    %swap3A_107 = arith.constant 0 : index
    %swap3A_108 = arith.constant 0 : index
    %swap3A_109 = vector.load %arg12[%swap3A, %swap3A_107, %swap3A_108] : memref<1x32x64xf32, #tpu.memory_space<vmem>>, vector<1x32x64xf32>
    %swap3A_110 = vector.shape_cast %swap3A_109 : vector<1x32x64xf32> to vector<32x64xf32>
    %swap3A_111 = vector.shape_cast %cond3A_106 : vector<32x64xf32> to vector<1x32x64xf32>
    tpu.vector_store %arg12[%swap3A, %swap3A_107, %swap3A_108], %swap3A_111 {strides = array<i32>} : memref<1x32x64xf32, #tpu.memory_space<vmem>>, vector<1x32x64xf32>,
    return
  }
  func.func @transform_0(%arg0: i32, %arg1: i32) -> (i32, i32, i32) {
    %c0_i32 = arith.constant 0 : i32
    %c0_i32_0 = arith.constant 0 : i32
    %c0_i32_1 = arith.constant 0 : i32
    return %arg0, %c0_i32, %c0_i32_0 : i32, i32, i32
  }
  func.func @transform_1(%arg0: i32, %arg1: i32) -> (i32, i32, i32) {
    %c0_i32 = arith.constant 0 : i32
    %c0_i32_0 = arith.constant 0 : i32
    %c0_i32_1 = arith.constant 0 : i32
    return %arg0, %c0_i32, %c0_i32_0 : i32, i32, i32
  }
  func.func @transform_2(%arg0: i32, %arg1: i32) -> (i32, i32, i32) {
    %c0_i32 = arith.constant 0 : i32
    %c0_i32_0 = arith.constant 0 : i32
    %c0_i32_1 = arith.constant 0 : i32
    return %arg0, %c0_i32, %c0_i32_0 : i32, i32, i32
  }
  func.func @transform_3(%arg0: i32, %arg1: i32) -> (i32, i32, i32) {
    %c0_i32 = arith.constant 0 : i32
    %c0_i32_0 = arith.constant 0 : i32
    return %arg0, %arg1, %c0_i32 : i32, i32, i32
  }
  func.func @transform_4(%arg0: i32, %arg1: i32) -> (i32, i32) {
    %c0_i32 = arith.constant 0 : i32
    %c0_i32_0 = arith.constant 0 : i32
    %c0_i32_1 = arith.constant 0 : i32
    return %c0_i32, %c0_i32_0 : i32, i32
  }
  func.func @transform_5(%arg0: i32, %arg1: i32) -> (i32, i32) {
    %c0_i32 = arith.constant 0 : i32
    %c0_i32_0 = arith.constant 0 : i32
    %c0_i32_1 = arith.constant 0 : i32
    return %c0_i32, %c0_i32_0 : i32, i32
  }
  func.func @transform_6(%arg0: i32, %arg1: i32) -> (i32, i32) {
    %c0_i32 = arith.constant 0 : i32
    %c0_i32_0 = arith.constant 0 : i32
    %c0_i32_1 = arith.constant 0 : i32
    return %c0_i32, %c0_i32_0 : i32, i32
  }
  func.func @transform_7(%arg0: i32, %arg1: i32) -> (i32, i32) {
    %c0_i32 = arith.constant 0 : i32
    %c0_i32_0 = arith.constant 0 : i32
    %c0_i32_1 = arith.constant 0 : i32
    return %c0_i32, %c0_i32_0 : i32, i32
  }
  func.func @transform_8(%arg0: i32, %arg1: i32) -> (i32, i32) {
    %c0_i32 = arith.constant 0 : i32
    %c0_i32_0 = arith.constant 0 : i32
    %c0_i32_1 = arith.constant 0 : i32
    return %c0_i32, %c0_i32_0 : i32, i32
  }
  func.func @transform_9(%arg0: i32, %arg1: i32) -> (i32, i32) {
    %c0_i32 = arith.constant 0 : i32
    %c0_i32_0 = arith.constant 0 : i32
    %c0_i32_1 = arith.constant 0 : i32
    return %c0_i32, %c0_i32_0 : i32, i32
  }
  func.func @transform_10(%arg0: i32, %arg1: i32) -> (i32, i32, i32) {
    %c0_i32 = arith.constant 0 : i32
    %c0_i32_0 = arith.constant 0 : i32
    return %arg0, %arg1, %c0_i32 : i32, i32, i32
  }
}

module attributes {stable_mosaic.version = 14 : i64} {
  func.func @_sa_dist_body(%arg0: i32, %arg1: i32, %arg2: memref<1x3x256xf32, #tpu.memory_space<vmem>>, %arg3: memref<1x64x3xf32, #tpu.memory_space<vmem>>, %arg4: memref<64x256xf32, #tpu.memory_space<vmem>>) attributes {dimension_semantics = [#tpu.dimension_semantics<arbitrary>, #tpu.dimension_semantics<arbitrary>], iteration_bounds = array<i64: 4, 1>, scalar_prefetch = 0 : i64, scratch_operands = 0 : i64, tpu.core_type = #tpu.core_type<tc>, window_params = [{transform_indices = @transform_0, window_bounds = array<i64: 1, 3, 256>}, {transform_indices = @transform_1, window_bounds = array<i64: 1, 64, 3>}, {transform_indices = @transform_2, window_bounds = array<i64: 64, 256>}]} {
    %get3A = arith.constant 0 : index
    %get3A_0 = arith.constant 0 : index
    %get3A_1 = arith.constant 0 : index
    %get3A_2 = vector.load %arg2[%get3A, %get3A_0, %get3A_1] : memref<1x3x256xf32, #tpu.memory_space<vmem>>, vector<1x3x256xf32>
    %get3A_3 = vector.shape_cast %get3A_2 : vector<1x3x256xf32> to vector<3x256xf32>
    %get3A_4 = arith.constant 0 : index
    %get3A_5 = arith.constant 0 : index
    %get3A_6 = arith.constant 0 : index
    %get3A_7 = vector.load %arg3[%get3A_4, %get3A_5, %get3A_6] : memref<1x64x3xf32, #tpu.memory_space<vmem>>, vector<1x64x3xf32>
    %get3A_8 = vector.shape_cast %get3A_7 : vector<1x64x3xf32> to vector<64x3xf32>
    %mul3A = arith.mulf %get3A_3, %get3A_3 : vector<3x256xf32>
    %reduce_sum3A = arith.constant dense<0.000000e+00> : vector<256xf32>
    %reduce_sum3A_9 = vector.multi_reduction <add>, %mul3A, %reduce_sum3A [0] : vector<3x256xf32> to vector<256xf32>
    %broadcast_in_dim3A = vector.shape_cast %reduce_sum3A_9 : vector<256xf32> to vector<1x256xf32>
    %mul3A_10 = arith.mulf %get3A_8, %get3A_8 : vector<64x3xf32>
    %reduce_sum3A_11 = arith.constant dense<0.000000e+00> : vector<64xf32>
    %reduce_sum3A_12 = vector.multi_reduction <add>, %mul3A_10, %reduce_sum3A_11 [1] : vector<64x3xf32> to vector<64xf32>
    %broadcast_in_dim3A_13 = vector.shape_cast %reduce_sum3A_12 : vector<64xf32> to vector<64x1xf32>
    %dot_general3A = arith.constant dense<0.000000e+00> : vector<64x256xf32>
    %dot_general3A_14 = tpu.matmul %get3A_8, %get3A_3, %dot_general3A {dimension_numbers = #tpu.dot_dimension_numbers<[1], [0], [0], [1], [0, 0, 1, 1], [], []>, transpose_lhs_hint = false} : vector<64x3xf32>, vector<3x256xf32>, vector<64x256xf32> -> vector<64x256xf32>
    %add3A = vector.broadcast %broadcast_in_dim3A_13 : vector<64x1xf32> to vector<64x256xf32>
    %add3A_15 = vector.broadcast %broadcast_in_dim3A : vector<1x256xf32> to vector<64x256xf32>
    %add3A_16 = arith.addf %add3A, %add3A_15 : vector<64x256xf32>
    %mul3A_17 = arith.constant 2.000000e+00 : f32
    %mul3A_18 = vector.broadcast %mul3A_17 : f32 to vector<64x256xf32>
    %mul3A_19 = arith.mulf %mul3A_18, %dot_general3A_14 : vector<64x256xf32>
    %sub3A = arith.subf %add3A_16, %mul3A_19 : vector<64x256xf32>
    %swap3A = arith.constant 0 : index
    %swap3A_20 = arith.constant 0 : index
    %swap3A_21 = vector.load %arg4[%swap3A, %swap3A_20] : memref<64x256xf32, #tpu.memory_space<vmem>>, vector<64x256xf32>
    tpu.vector_store %arg4[%swap3A, %swap3A_20], %sub3A {strides = array<i32>} : memref<64x256xf32, #tpu.memory_space<vmem>>, vector<64x256xf32>,
    return
  }
  func.func @transform_0(%arg0: i32, %arg1: i32) -> (i32, i32, i32) {
    %c0_i32 = arith.constant 0 : i32
    %c0_i32_0 = arith.constant 0 : i32
    %c0_i32_1 = arith.constant 0 : i32
    return %arg0, %c0_i32, %c0_i32_0 : i32, i32, i32
  }
  func.func @transform_1(%arg0: i32, %arg1: i32) -> (i32, i32, i32) {
    %c0_i32 = arith.constant 0 : i32
    %c0_i32_0 = arith.constant 0 : i32
    return %arg0, %arg1, %c0_i32 : i32, i32, i32
  }
  func.func @transform_2(%arg0: i32, %arg1: i32) -> (i32, i32) {
    %mul3A = arith.constant 1 : i32
    %mul3A_0 = arith.muli %arg0, %mul3A : i32
    %add3A = arith.addi %mul3A_0, %arg1 : i32
    %c0_i32 = arith.constant 0 : i32
    %c0_i32_1 = arith.constant 0 : i32
    return %add3A, %c0_i32 : i32, i32
  }
}

module attributes {stable_mosaic.version = 14 : i64} {
  func.func @_fps_body(%arg0: memref<4x256xf32, #tpu.memory_space<vmem>>, %arg1: memref<4x256xf32, #tpu.memory_space<vmem>>, %arg2: memref<4x256xf32, #tpu.memory_space<vmem>>, %arg3: memref<4x3x64xf32, #tpu.memory_space<vmem>>, %arg4: memref<4x256xf32, #tpu.memory_space<vmem>>) attributes {dimension_semantics = [], scalar_prefetch = 0 : i64, scratch_operands = 1 : i64, tpu.core_type = #tpu.core_type<tc>} {
    %get3A = arith.constant 0 : index
    %get3A_0 = arith.constant 0 : index
    %get3A_1 = vector.load %arg0[%get3A, %get3A_0] : memref<4x256xf32, #tpu.memory_space<vmem>>, vector<4x256xf32>
    %get3A_2 = arith.constant 0 : index
    %get3A_3 = arith.constant 0 : index
    %get3A_4 = vector.load %arg1[%get3A_2, %get3A_3] : memref<4x256xf32, #tpu.memory_space<vmem>>, vector<4x256xf32>
    %get3A_5 = arith.constant 0 : index
    %get3A_6 = arith.constant 0 : index
    %get3A_7 = vector.load %arg2[%get3A_5, %get3A_6] : memref<4x256xf32, #tpu.memory_space<vmem>>, vector<4x256xf32>
    %broadcast_in_dim3A = arith.constant 1.000000e+10 : f32
    %broadcast_in_dim3A_8 = vector.broadcast %broadcast_in_dim3A : f32 to vector<4x256xf32>
    %swap3A = arith.constant 0 : index
    %swap3A_9 = arith.constant 0 : index
    %swap3A_10 = vector.load %arg4[%swap3A, %swap3A_9] : memref<4x256xf32, #tpu.memory_space<vmem>>, vector<4x256xf32>
    tpu.vector_store %arg4[%swap3A, %swap3A_9], %broadcast_in_dim3A_8 {strides = array<i32>} : memref<4x256xf32, #tpu.memory_space<vmem>>, vector<4x256xf32>,
    %iota3A = tpu.iota {dimensions = array<i32: 1>} : vector<4x256xi32>
    %iota3A_11 = tpu.iota {dimensions = array<i32: 2>} : vector<4x3x64xi32>
    %broadcast_in_dim3A_12 = arith.constant 0.000000e+00 : f32
    %broadcast_in_dim3A_13 = vector.broadcast %broadcast_in_dim3A_12 : f32 to vector<4x3x64xf32>
    %swap3A_14 = arith.constant 0 : index
    %swap3A_15 = arith.constant 0 : index
    %swap3A_16 = arith.constant 0 : index
    %swap3A_17 = vector.load %arg3[%swap3A_14, %swap3A_15, %swap3A_16] : memref<4x3x64xf32, #tpu.memory_space<vmem>>, vector<4x3x64xf32>
    tpu.vector_store %arg3[%swap3A_14, %swap3A_15, %swap3A_16], %broadcast_in_dim3A_13 {strides = array<i32>} : memref<4x3x64xf32, #tpu.memory_space<vmem>>, vector<4x3x64xf32>,
    %broadcast_in_dim3A_18 = arith.constant 0 : i32
    %broadcast_in_dim3A_19 = vector.broadcast %broadcast_in_dim3A_18 : i32 to vector<4x1xi32>
    %scan3A = arith.constant 0 : i32
    %scan3A_20 = arith.constant 64 : i32
    %scan3A_21 = arith.addi %scan3A, %scan3A_20 : i32
    %scan3A_22 = arith.constant 2 : i32
    %scan3A_23 = scf.for %scan3A_25 = %scan3A to %scan3A_21 step %scan3A_22 iter_args(%scan3A_26 = %broadcast_in_dim3A_19) -> (vector<4x1xi32>)  : i32 {
      %eq3A = vector.broadcast %scan3A_26 : vector<4x1xi32> to vector<4x256xi32>
      %eq3A_27 = arith.cmpi eq, %iota3A, %eq3A : vector<4x256xi32>
      %convert_element_type3A = arith.extui %eq3A_27 : vector<4x256xi1> to vector<4x256xi32>
      %convert_element_type3A_28 = arith.sitofp %convert_element_type3A : vector<4x256xi32> to vector<4x256xf32>
      %mul3A = arith.mulf %get3A_1, %convert_element_type3A_28 : vector<4x256xf32>
      %reduce_sum3A = arith.constant dense<0.000000e+00> : vector<4xf32>
      %reduce_sum3A_29 = vector.multi_reduction <add>, %mul3A, %reduce_sum3A [1] : vector<4x256xf32> to vector<4xf32>
      %broadcast_in_dim3A_30 = vector.shape_cast %reduce_sum3A_29 : vector<4xf32> to vector<4x1xf32>
      %mul3A_31 = arith.mulf %get3A_4, %convert_element_type3A_28 : vector<4x256xf32>
      %reduce_sum3A_32 = arith.constant dense<0.000000e+00> : vector<4xf32>
      %reduce_sum3A_33 = vector.multi_reduction <add>, %mul3A_31, %reduce_sum3A_32 [1] : vector<4x256xf32> to vector<4xf32>
      %broadcast_in_dim3A_34 = vector.shape_cast %reduce_sum3A_33 : vector<4xf32> to vector<4x1xf32>
      %mul3A_35 = arith.mulf %get3A_7, %convert_element_type3A_28 : vector<4x256xf32>
      %reduce_sum3A_36 = arith.constant dense<0.000000e+00> : vector<4xf32>
      %reduce_sum3A_37 = vector.multi_reduction <add>, %mul3A_35, %reduce_sum3A_36 [1] : vector<4x256xf32> to vector<4xf32>
      %broadcast_in_dim3A_38 = vector.shape_cast %reduce_sum3A_37 : vector<4xf32> to vector<4x1xf32>
      %sub3A = vector.broadcast %broadcast_in_dim3A_30 : vector<4x1xf32> to vector<4x256xf32>
      %sub3A_39 = arith.subf %get3A_1, %sub3A : vector<4x256xf32>
      %integer_pow3A = arith.mulf %sub3A_39, %sub3A_39 : vector<4x256xf32>
      %sub3A_40 = vector.broadcast %broadcast_in_dim3A_34 : vector<4x1xf32> to vector<4x256xf32>
      %sub3A_41 = arith.subf %get3A_4, %sub3A_40 : vector<4x256xf32>
      %integer_pow3A_42 = arith.mulf %sub3A_41, %sub3A_41 : vector<4x256xf32>
      %add3A = arith.addf %integer_pow3A, %integer_pow3A_42 : vector<4x256xf32>
      %sub3A_43 = vector.broadcast %broadcast_in_dim3A_38 : vector<4x1xf32> to vector<4x256xf32>
      %sub3A_44 = arith.subf %get3A_7, %sub3A_43 : vector<4x256xf32>
      %integer_pow3A_45 = arith.mulf %sub3A_44, %sub3A_44 : vector<4x256xf32>
      %add3A_46 = arith.addf %add3A, %integer_pow3A_45 : vector<4x256xf32>
      %get3A_47 = arith.constant 0 : index
      %get3A_48 = arith.constant 0 : index
      %get3A_49 = vector.load %arg4[%get3A_47, %get3A_48] : memref<4x256xf32, #tpu.memory_space<vmem>>, vector<4x256xf32>
      %min3A = arith.minimumf %get3A_49, %add3A_46 : vector<4x256xf32>
      %swap3A_50 = arith.constant 0 : index
      %swap3A_51 = arith.constant 0 : index
      %swap3A_52 = vector.load %arg4[%swap3A_50, %swap3A_51] : memref<4x256xf32, #tpu.memory_space<vmem>>, vector<4x256xf32>
      tpu.vector_store %arg4[%swap3A_50, %swap3A_51], %min3A {strides = array<i32>} : memref<4x256xf32, #tpu.memory_space<vmem>>, vector<4x256xf32>,
      %concatenate3A = tpu.concatenate %broadcast_in_dim3A_30, %broadcast_in_dim3A_34, %broadcast_in_dim3A_38 in 1 : vector<4x1xf32>, vector<4x1xf32>, vector<4x1xf32> -> vector<4x3xf32>
      %broadcast_in_dim3A_53 = vector.shape_cast %concatenate3A : vector<4x3xf32> to vector<4x3x1xf32>
      %eq3A_54 = vector.broadcast %scan3A_25 : i32 to vector<4x3x64xi32>
      %eq3A_55 = arith.cmpi eq, %iota3A_11, %eq3A_54 : vector<4x3x64xi32>
      %get3A_56 = arith.constant 0 : index
      %get3A_57 = arith.constant 0 : index
      %get3A_58 = arith.constant 0 : index
      %get3A_59 = vector.load %arg3[%get3A_56, %get3A_57, %get3A_58] : memref<4x3x64xf32, #tpu.memory_space<vmem>>, vector<4x3x64xf32>
      %broadcast_in_dim3A_60 = vector.shape_cast %broadcast_in_dim3A_53 : vector<4x3x1xf32> to vector<4x3x1xf32>
      %broadcast_in_dim3A_61 = vector.broadcast %broadcast_in_dim3A_60 : vector<4x3x1xf32> to vector<4x3x64xf32>
      %select_n3A = arith.select %eq3A_55, %broadcast_in_dim3A_61, %get3A_59 : vector<4x3x64xi1>, vector<4x3x64xf32>
      %swap3A_62 = arith.constant 0 : index
      %swap3A_63 = arith.constant 0 : index
      %swap3A_64 = arith.constant 0 : index
      %swap3A_65 = vector.load %arg3[%swap3A_62, %swap3A_63, %swap3A_64] : memref<4x3x64xf32, #tpu.memory_space<vmem>>, vector<4x3x64xf32>
      tpu.vector_store %arg3[%swap3A_62, %swap3A_63, %swap3A_64], %select_n3A {strides = array<i32>} : memref<4x3x64xf32, #tpu.memory_space<vmem>>, vector<4x3x64xf32>,
      %reduce_max3A = arith.constant dense<0xFF800000> : vector<4xf32>
      %reduce_max3A_66 = vector.multi_reduction <maximumf>, %min3A, %reduce_max3A [1] : vector<4x256xf32> to vector<4xf32>
      %broadcast_in_dim3A_67 = vector.shape_cast %reduce_max3A_66 : vector<4xf32> to vector<4x1xf32>
      %eq3A_68 = vector.broadcast %broadcast_in_dim3A_67 : vector<4x1xf32> to vector<4x256xf32>
      %eq3A_69 = arith.cmpf oeq, %min3A, %eq3A_68 : vector<4x256xf32>
      %jit3A = arith.constant 256 : i32
      %broadcast_in_dim3A_70 = vector.broadcast %jit3A : i32 to vector<4x256xi32>
      %select_n3A_71 = arith.select %eq3A_69, %iota3A, %broadcast_in_dim3A_70 : vector<4x256xi1>, vector<4x256xi32>
      %reduce_min3A = arith.constant dense<2147483647> : vector<4xi32>
      %reduce_min3A_72 = vector.multi_reduction <minsi>, %select_n3A_71, %reduce_min3A [1] : vector<4x256xi32> to vector<4xi32>
      %broadcast_in_dim3A_73 = vector.shape_cast %reduce_min3A_72 : vector<4xi32> to vector<4x1xi32>
      %scan3A_74 = arith.constant 1 : i32
      %scan3A_75 = arith.addi %scan3A_25, %scan3A_74 : i32
      %eq3A_76 = vector.broadcast %broadcast_in_dim3A_73 : vector<4x1xi32> to vector<4x256xi32>
      %eq3A_77 = arith.cmpi eq, %iota3A, %eq3A_76 : vector<4x256xi32>
      %convert_element_type3A_78 = arith.extui %eq3A_77 : vector<4x256xi1> to vector<4x256xi32>
      %convert_element_type3A_79 = arith.sitofp %convert_element_type3A_78 : vector<4x256xi32> to vector<4x256xf32>
      %mul3A_80 = arith.mulf %get3A_1, %convert_element_type3A_79 : vector<4x256xf32>
      %reduce_sum3A_81 = arith.constant dense<0.000000e+00> : vector<4xf32>
      %reduce_sum3A_82 = vector.multi_reduction <add>, %mul3A_80, %reduce_sum3A_81 [1] : vector<4x256xf32> to vector<4xf32>
      %broadcast_in_dim3A_83 = vector.shape_cast %reduce_sum3A_82 : vector<4xf32> to vector<4x1xf32>
      %mul3A_84 = arith.mulf %get3A_4, %convert_element_type3A_79 : vector<4x256xf32>
      %reduce_sum3A_85 = arith.constant dense<0.000000e+00> : vector<4xf32>
      %reduce_sum3A_86 = vector.multi_reduction <add>, %mul3A_84, %reduce_sum3A_85 [1] : vector<4x256xf32> to vector<4xf32>
      %broadcast_in_dim3A_87 = vector.shape_cast %reduce_sum3A_86 : vector<4xf32> to vector<4x1xf32>
      %mul3A_88 = arith.mulf %get3A_7, %convert_element_type3A_79 : vector<4x256xf32>
      %reduce_sum3A_89 = arith.constant dense<0.000000e+00> : vector<4xf32>
      %reduce_sum3A_90 = vector.multi_reduction <add>, %mul3A_88, %reduce_sum3A_89 [1] : vector<4x256xf32> to vector<4xf32>
      %broadcast_in_dim3A_91 = vector.shape_cast %reduce_sum3A_90 : vector<4xf32> to vector<4x1xf32>
      %sub3A_92 = vector.broadcast %broadcast_in_dim3A_83 : vector<4x1xf32> to vector<4x256xf32>
      %sub3A_93 = arith.subf %get3A_1, %sub3A_92 : vector<4x256xf32>
      %integer_pow3A_94 = arith.mulf %sub3A_93, %sub3A_93 : vector<4x256xf32>
      %sub3A_95 = vector.broadcast %broadcast_in_dim3A_87 : vector<4x1xf32> to vector<4x256xf32>
      %sub3A_96 = arith.subf %get3A_4, %sub3A_95 : vector<4x256xf32>
      %integer_pow3A_97 = arith.mulf %sub3A_96, %sub3A_96 : vector<4x256xf32>
      %add3A_98 = arith.addf %integer_pow3A_94, %integer_pow3A_97 : vector<4x256xf32>
      %sub3A_99 = vector.broadcast %broadcast_in_dim3A_91 : vector<4x1xf32> to vector<4x256xf32>
      %sub3A_100 = arith.subf %get3A_7, %sub3A_99 : vector<4x256xf32>
      %integer_pow3A_101 = arith.mulf %sub3A_100, %sub3A_100 : vector<4x256xf32>
      %add3A_102 = arith.addf %add3A_98, %integer_pow3A_101 : vector<4x256xf32>
      %get3A_103 = arith.constant 0 : index
      %get3A_104 = arith.constant 0 : index
      %get3A_105 = vector.load %arg4[%get3A_103, %get3A_104] : memref<4x256xf32, #tpu.memory_space<vmem>>, vector<4x256xf32>
      %min3A_106 = arith.minimumf %get3A_105, %add3A_102 : vector<4x256xf32>
      %swap3A_107 = arith.constant 0 : index
      %swap3A_108 = arith.constant 0 : index
      %swap3A_109 = vector.load %arg4[%swap3A_107, %swap3A_108] : memref<4x256xf32, #tpu.memory_space<vmem>>, vector<4x256xf32>
      tpu.vector_store %arg4[%swap3A_107, %swap3A_108], %min3A_106 {strides = array<i32>} : memref<4x256xf32, #tpu.memory_space<vmem>>, vector<4x256xf32>,
      %concatenate3A_110 = tpu.concatenate %broadcast_in_dim3A_83, %broadcast_in_dim3A_87, %broadcast_in_dim3A_91 in 1 : vector<4x1xf32>, vector<4x1xf32>, vector<4x1xf32> -> vector<4x3xf32>
      %broadcast_in_dim3A_111 = vector.shape_cast %concatenate3A_110 : vector<4x3xf32> to vector<4x3x1xf32>
      %eq3A_112 = vector.broadcast %scan3A_75 : i32 to vector<4x3x64xi32>
      %eq3A_113 = arith.cmpi eq, %iota3A_11, %eq3A_112 : vector<4x3x64xi32>
      %get3A_114 = arith.constant 0 : index
      %get3A_115 = arith.constant 0 : index
      %get3A_116 = arith.constant 0 : index
      %get3A_117 = vector.load %arg3[%get3A_114, %get3A_115, %get3A_116] : memref<4x3x64xf32, #tpu.memory_space<vmem>>, vector<4x3x64xf32>
      %broadcast_in_dim3A_118 = vector.shape_cast %broadcast_in_dim3A_111 : vector<4x3x1xf32> to vector<4x3x1xf32>
      %broadcast_in_dim3A_119 = vector.broadcast %broadcast_in_dim3A_118 : vector<4x3x1xf32> to vector<4x3x64xf32>
      %select_n3A_120 = arith.select %eq3A_113, %broadcast_in_dim3A_119, %get3A_117 : vector<4x3x64xi1>, vector<4x3x64xf32>
      %swap3A_121 = arith.constant 0 : index
      %swap3A_122 = arith.constant 0 : index
      %swap3A_123 = arith.constant 0 : index
      %swap3A_124 = vector.load %arg3[%swap3A_121, %swap3A_122, %swap3A_123] : memref<4x3x64xf32, #tpu.memory_space<vmem>>, vector<4x3x64xf32>
      tpu.vector_store %arg3[%swap3A_121, %swap3A_122, %swap3A_123], %select_n3A_120 {strides = array<i32>} : memref<4x3x64xf32, #tpu.memory_space<vmem>>, vector<4x3x64xf32>,
      %reduce_max3A_125 = arith.constant dense<0xFF800000> : vector<4xf32>
      %reduce_max3A_126 = vector.multi_reduction <maximumf>, %min3A_106, %reduce_max3A_125 [1] : vector<4x256xf32> to vector<4xf32>
      %broadcast_in_dim3A_127 = vector.shape_cast %reduce_max3A_126 : vector<4xf32> to vector<4x1xf32>
      %eq3A_128 = vector.broadcast %broadcast_in_dim3A_127 : vector<4x1xf32> to vector<4x256xf32>
      %eq3A_129 = arith.cmpf oeq, %min3A_106, %eq3A_128 : vector<4x256xf32>
      %jit3A_130 = arith.constant 256 : i32
      %broadcast_in_dim3A_131 = vector.broadcast %jit3A_130 : i32 to vector<4x256xi32>
      %select_n3A_132 = arith.select %eq3A_129, %iota3A, %broadcast_in_dim3A_131 : vector<4x256xi1>, vector<4x256xi32>
      %reduce_min3A_133 = arith.constant dense<2147483647> : vector<4xi32>
      %reduce_min3A_134 = vector.multi_reduction <minsi>, %select_n3A_132, %reduce_min3A_133 [1] : vector<4x256xi32> to vector<4xi32>
      %broadcast_in_dim3A_135 = vector.shape_cast %reduce_min3A_134 : vector<4xi32> to vector<4x1xi32>
      scf.yield %broadcast_in_dim3A_135 : vector<4x1xi32>
    }
    %scan3A_24 = arith.constant 64 : i32
    return
  }
}

module attributes {stable_mosaic.version = 14 : i64} {
  func.func @_sa_mlp_body(%arg0: i32, %arg1: i32, %arg2: memref<1024x80xf32, #tpu.memory_space<vmem>>, %arg3: memref<1x32x3xf32, #tpu.memory_space<vmem>>, %arg4: memref<80x64xf32, #tpu.memory_space<vmem>>, %arg5: memref<1x64xf32, #tpu.memory_space<vmem>>, %arg6: memref<64x64xf32, #tpu.memory_space<vmem>>, %arg7: memref<1x64xf32, #tpu.memory_space<vmem>>, %arg8: memref<64x128xf32, #tpu.memory_space<vmem>>, %arg9: memref<1x128xf32, #tpu.memory_space<vmem>>, %arg10: memref<1x32x128xf32, #tpu.memory_space<vmem>>) attributes {dimension_semantics = [#tpu.dimension_semantics<arbitrary>, #tpu.dimension_semantics<arbitrary>], iteration_bounds = array<i64: 4, 8>, scalar_prefetch = 0 : i64, scratch_operands = 0 : i64, tpu.core_type = #tpu.core_type<tc>, window_params = [{transform_indices = @transform_0, window_bounds = array<i64: 1024, 80>}, {transform_indices = @transform_1, window_bounds = array<i64: 1, 32, 3>}, {pipeline_mode = #tpu.pipeline_mode<synchronous>, transform_indices = @transform_2, window_bounds = array<i64: 80, 64>}, {pipeline_mode = #tpu.pipeline_mode<synchronous>, transform_indices = @transform_3, window_bounds = array<i64: 1, 64>}, {pipeline_mode = #tpu.pipeline_mode<synchronous>, transform_indices = @transform_4, window_bounds = array<i64: 64, 64>}, {pipeline_mode = #tpu.pipeline_mode<synchronous>, transform_indices = @transform_5, window_bounds = array<i64: 1, 64>}, {pipeline_mode = #tpu.pipeline_mode<synchronous>, transform_indices = @transform_6, window_bounds = array<i64: 64, 128>}, {pipeline_mode = #tpu.pipeline_mode<synchronous>, transform_indices = @transform_7, window_bounds = array<i64: 1, 128>}, {transform_indices = @transform_8, window_bounds = array<i64: 1, 32, 128>}]} {
    %get3A = arith.constant 0 : index
    %get3A_0 = arith.constant 0 : index
    %get3A_1 = vector.load %arg2[%get3A, %get3A_0] : memref<1024x80xf32, #tpu.memory_space<vmem>>, vector<1024x80xf32>
    %get3A_2 = arith.constant 0 : index
    %get3A_3 = arith.constant 0 : index
    %get3A_4 = arith.constant 0 : index
    %get3A_5 = vector.load %arg3[%get3A_2, %get3A_3, %get3A_4] : memref<1x32x3xf32, #tpu.memory_space<vmem>>, vector<1x32x3xf32>
    %get3A_6 = vector.shape_cast %get3A_5 : vector<1x32x3xf32> to vector<32x3xf32>
    %broadcast_in_dim3A = arith.constant 0.000000e+00 : f32
    %broadcast_in_dim3A_7 = vector.broadcast %broadcast_in_dim3A : f32 to vector<32x77xf32>
    %concatenate3A = tpu.concatenate %get3A_6, %broadcast_in_dim3A_7 in 1 : vector<32x3xf32>, vector<32x77xf32> -> vector<32x80xf32>
    %reshape3A = vector.shape_cast %get3A_1 : vector<1024x80xf32> to vector<32x32x80xf32>
    %broadcast_in_dim3A_8 = vector.shape_cast %concatenate3A : vector<32x80xf32> to vector<32x1x80xf32>
    %sub3A = vector.broadcast %broadcast_in_dim3A_8 : vector<32x1x80xf32> to vector<32x32x80xf32>
    %sub3A_9 = arith.subf %reshape3A, %sub3A : vector<32x32x80xf32>
    %reshape3A_10 = vector.shape_cast %sub3A_9 : vector<32x32x80xf32> to vector<1024x80xf32>
    %get3A_11 = arith.constant 0 : index
    %get3A_12 = arith.constant 0 : index
    %get3A_13 = vector.load %arg4[%get3A_11, %get3A_12] : memref<80x64xf32, #tpu.memory_space<vmem>>, vector<80x64xf32>
    %dot_general3A = arith.constant dense<0.000000e+00> : vector<1024x64xf32>
    %dot_general3A_14 = tpu.matmul %reshape3A_10, %get3A_13, %dot_general3A {dimension_numbers = #tpu.dot_dimension_numbers<[1], [0], [0], [1], [0, 0, 1, 1], [], []>, transpose_lhs_hint = false} : vector<1024x80xf32>, vector<80x64xf32>, vector<1024x64xf32> -> vector<1024x64xf32>
    %get3A_15 = arith.constant 0 : index
    %get3A_16 = arith.constant 0 : index
    %get3A_17 = vector.load %arg5[%get3A_15, %get3A_16] : memref<1x64xf32, #tpu.memory_space<vmem>>, vector<1x64xf32>
    %add3A = vector.broadcast %get3A_17 : vector<1x64xf32> to vector<1024x64xf32>
    %add3A_18 = arith.addf %dot_general3A_14, %add3A : vector<1024x64xf32>
    %max3A = arith.constant 0.000000e+00 : f32
    %max3A_19 = vector.broadcast %max3A : f32 to vector<1024x64xf32>
    %max3A_20 = arith.maximumf %add3A_18, %max3A_19 : vector<1024x64xf32>
    %get3A_21 = arith.constant 0 : index
    %get3A_22 = arith.constant 0 : index
    %get3A_23 = vector.load %arg6[%get3A_21, %get3A_22] : memref<64x64xf32, #tpu.memory_space<vmem>>, vector<64x64xf32>
    %dot_general3A_24 = arith.constant dense<0.000000e+00> : vector<1024x64xf32>
    %dot_general3A_25 = tpu.matmul %max3A_20, %get3A_23, %dot_general3A_24 {dimension_numbers = #tpu.dot_dimension_numbers<[1], [0], [0], [1], [0, 0, 1, 1], [], []>, transpose_lhs_hint = false} : vector<1024x64xf32>, vector<64x64xf32>, vector<1024x64xf32> -> vector<1024x64xf32>
    %get3A_26 = arith.constant 0 : index
    %get3A_27 = arith.constant 0 : index
    %get3A_28 = vector.load %arg7[%get3A_26, %get3A_27] : memref<1x64xf32, #tpu.memory_space<vmem>>, vector<1x64xf32>
    %add3A_29 = vector.broadcast %get3A_28 : vector<1x64xf32> to vector<1024x64xf32>
    %add3A_30 = arith.addf %dot_general3A_25, %add3A_29 : vector<1024x64xf32>
    %max3A_31 = arith.constant 0.000000e+00 : f32
    %max3A_32 = vector.broadcast %max3A_31 : f32 to vector<1024x64xf32>
    %max3A_33 = arith.maximumf %add3A_30, %max3A_32 : vector<1024x64xf32>
    %get3A_34 = arith.constant 0 : index
    %get3A_35 = arith.constant 0 : index
    %get3A_36 = vector.load %arg8[%get3A_34, %get3A_35] : memref<64x128xf32, #tpu.memory_space<vmem>>, vector<64x128xf32>
    %dot_general3A_37 = arith.constant dense<0.000000e+00> : vector<1024x128xf32>
    %dot_general3A_38 = tpu.matmul %max3A_33, %get3A_36, %dot_general3A_37 {dimension_numbers = #tpu.dot_dimension_numbers<[1], [0], [0], [1], [0, 0, 1, 1], [], []>, transpose_lhs_hint = false} : vector<1024x64xf32>, vector<64x128xf32>, vector<1024x128xf32> -> vector<1024x128xf32>
    %get3A_39 = arith.constant 0 : index
    %get3A_40 = arith.constant 0 : index
    %get3A_41 = vector.load %arg9[%get3A_39, %get3A_40] : memref<1x128xf32, #tpu.memory_space<vmem>>, vector<1x128xf32>
    %add3A_42 = vector.broadcast %get3A_41 : vector<1x128xf32> to vector<1024x128xf32>
    %add3A_43 = arith.addf %dot_general3A_38, %add3A_42 : vector<1024x128xf32>
    %max3A_44 = arith.constant 0.000000e+00 : f32
    %max3A_45 = vector.broadcast %max3A_44 : f32 to vector<1024x128xf32>
    %max3A_46 = arith.maximumf %add3A_43, %max3A_45 : vector<1024x128xf32>
    %reshape3A_47 = vector.shape_cast %max3A_46 : vector<1024x128xf32> to vector<32x32x128xf32>
    %reduce_max3A = arith.constant dense<0xFF800000> : vector<32x128xf32>
    %reduce_max3A_48 = vector.multi_reduction <maximumf>, %reshape3A_47, %reduce_max3A [1] : vector<32x32x128xf32> to vector<32x128xf32>
    %swap3A = arith.constant 0 : index
    %swap3A_49 = arith.constant 0 : index
    %swap3A_50 = arith.constant 0 : index
    %swap3A_51 = vector.load %arg10[%swap3A, %swap3A_49, %swap3A_50] : memref<1x32x128xf32, #tpu.memory_space<vmem>>, vector<1x32x128xf32>
    %swap3A_52 = vector.shape_cast %swap3A_51 : vector<1x32x128xf32> to vector<32x128xf32>
    %swap3A_53 = vector.shape_cast %reduce_max3A_48 : vector<32x128xf32> to vector<1x32x128xf32>
    tpu.vector_store %arg10[%swap3A, %swap3A_49, %swap3A_50], %swap3A_53 {strides = array<i32>} : memref<1x32x128xf32, #tpu.memory_space<vmem>>, vector<1x32x128xf32>,
    return
  }
  func.func @transform_0(%arg0: i32, %arg1: i32) -> (i32, i32) {
    %mul3A = arith.constant 8 : i32
    %mul3A_0 = arith.muli %arg0, %mul3A : i32
    %add3A = arith.addi %mul3A_0, %arg1 : i32
    %c0_i32 = arith.constant 0 : i32
    %c0_i32_1 = arith.constant 0 : i32
    return %add3A, %c0_i32 : i32, i32
  }
  func.func @transform_1(%arg0: i32, %arg1: i32) -> (i32, i32, i32) {
    %c0_i32 = arith.constant 0 : i32
    %c0_i32_0 = arith.constant 0 : i32
    return %arg0, %arg1, %c0_i32 : i32, i32, i32
  }
  func.func @transform_2(%arg0: i32, %arg1: i32) -> (i32, i32) {
    %c0_i32 = arith.constant 0 : i32
    %c0_i32_0 = arith.constant 0 : i32
    %c0_i32_1 = arith.constant 0 : i32
    return %c0_i32, %c0_i32_0 : i32, i32
  }
  func.func @transform_3(%arg0: i32, %arg1: i32) -> (i32, i32) {
    %c0_i32 = arith.constant 0 : i32
    %c0_i32_0 = arith.constant 0 : i32
    %c0_i32_1 = arith.constant 0 : i32
    return %c0_i32, %c0_i32_0 : i32, i32
  }
  func.func @transform_4(%arg0: i32, %arg1: i32) -> (i32, i32) {
    %c0_i32 = arith.constant 0 : i32
    %c0_i32_0 = arith.constant 0 : i32
    %c0_i32_1 = arith.constant 0 : i32
    return %c0_i32, %c0_i32_0 : i32, i32
  }
  func.func @transform_5(%arg0: i32, %arg1: i32) -> (i32, i32) {
    %c0_i32 = arith.constant 0 : i32
    %c0_i32_0 = arith.constant 0 : i32
    %c0_i32_1 = arith.constant 0 : i32
    return %c0_i32, %c0_i32_0 : i32, i32
  }
  func.func @transform_6(%arg0: i32, %arg1: i32) -> (i32, i32) {
    %c0_i32 = arith.constant 0 : i32
    %c0_i32_0 = arith.constant 0 : i32
    %c0_i32_1 = arith.constant 0 : i32
    return %c0_i32, %c0_i32_0 : i32, i32
  }
  func.func @transform_7(%arg0: i32, %arg1: i32) -> (i32, i32) {
    %c0_i32 = arith.constant 0 : i32
    %c0_i32_0 = arith.constant 0 : i32
    %c0_i32_1 = arith.constant 0 : i32
    return %c0_i32, %c0_i32_0 : i32, i32
  }
  func.func @transform_8(%arg0: i32, %arg1: i32) -> (i32, i32, i32) {
    %c0_i32 = arith.constant 0 : i32
    %c0_i32_0 = arith.constant 0 : i32
    return %arg0, %arg1, %c0_i32 : i32, i32, i32
  }
}

module attributes {stable_mosaic.version = 14 : i64} {
  func.func @_fps_body(%arg0: memref<4x64xf32, #tpu.memory_space<vmem>>, %arg1: memref<4x64xf32, #tpu.memory_space<vmem>>, %arg2: memref<4x64xf32, #tpu.memory_space<vmem>>, %arg3: memref<4x3x16xf32, #tpu.memory_space<vmem>>, %arg4: memref<4x64xf32, #tpu.memory_space<vmem>>) attributes {dimension_semantics = [], scalar_prefetch = 0 : i64, scratch_operands = 1 : i64, tpu.core_type = #tpu.core_type<tc>} {
    %get3A = arith.constant 0 : index
    %get3A_0 = arith.constant 0 : index
    %get3A_1 = vector.load %arg0[%get3A, %get3A_0] : memref<4x64xf32, #tpu.memory_space<vmem>>, vector<4x64xf32>
    %get3A_2 = arith.constant 0 : index
    %get3A_3 = arith.constant 0 : index
    %get3A_4 = vector.load %arg1[%get3A_2, %get3A_3] : memref<4x64xf32, #tpu.memory_space<vmem>>, vector<4x64xf32>
    %get3A_5 = arith.constant 0 : index
    %get3A_6 = arith.constant 0 : index
    %get3A_7 = vector.load %arg2[%get3A_5, %get3A_6] : memref<4x64xf32, #tpu.memory_space<vmem>>, vector<4x64xf32>
    %broadcast_in_dim3A = arith.constant 1.000000e+10 : f32
    %broadcast_in_dim3A_8 = vector.broadcast %broadcast_in_dim3A : f32 to vector<4x64xf32>
    %swap3A = arith.constant 0 : index
    %swap3A_9 = arith.constant 0 : index
    %swap3A_10 = vector.load %arg4[%swap3A, %swap3A_9] : memref<4x64xf32, #tpu.memory_space<vmem>>, vector<4x64xf32>
    tpu.vector_store %arg4[%swap3A, %swap3A_9], %broadcast_in_dim3A_8 {strides = array<i32>} : memref<4x64xf32, #tpu.memory_space<vmem>>, vector<4x64xf32>,
    %iota3A = tpu.iota {dimensions = array<i32: 1>} : vector<4x64xi32>
    %iota3A_11 = tpu.iota {dimensions = array<i32: 2>} : vector<4x3x16xi32>
    %broadcast_in_dim3A_12 = arith.constant 0.000000e+00 : f32
    %broadcast_in_dim3A_13 = vector.broadcast %broadcast_in_dim3A_12 : f32 to vector<4x3x16xf32>
    %swap3A_14 = arith.constant 0 : index
    %swap3A_15 = arith.constant 0 : index
    %swap3A_16 = arith.constant 0 : index
    %swap3A_17 = vector.load %arg3[%swap3A_14, %swap3A_15, %swap3A_16] : memref<4x3x16xf32, #tpu.memory_space<vmem>>, vector<4x3x16xf32>
    tpu.vector_store %arg3[%swap3A_14, %swap3A_15, %swap3A_16], %broadcast_in_dim3A_13 {strides = array<i32>} : memref<4x3x16xf32, #tpu.memory_space<vmem>>, vector<4x3x16xf32>,
    %broadcast_in_dim3A_18 = arith.constant 0 : i32
    %broadcast_in_dim3A_19 = vector.broadcast %broadcast_in_dim3A_18 : i32 to vector<4x1xi32>
    %scan3A = arith.constant 0 : i32
    %scan3A_20 = arith.constant 16 : i32
    %scan3A_21 = arith.addi %scan3A, %scan3A_20 : i32
    %scan3A_22 = arith.constant 2 : i32
    %scan3A_23 = scf.for %scan3A_25 = %scan3A to %scan3A_21 step %scan3A_22 iter_args(%scan3A_26 = %broadcast_in_dim3A_19) -> (vector<4x1xi32>)  : i32 {
      %eq3A = vector.broadcast %scan3A_26 : vector<4x1xi32> to vector<4x64xi32>
      %eq3A_27 = arith.cmpi eq, %iota3A, %eq3A : vector<4x64xi32>
      %convert_element_type3A = arith.extui %eq3A_27 : vector<4x64xi1> to vector<4x64xi32>
      %convert_element_type3A_28 = arith.sitofp %convert_element_type3A : vector<4x64xi32> to vector<4x64xf32>
      %mul3A = arith.mulf %get3A_1, %convert_element_type3A_28 : vector<4x64xf32>
      %reduce_sum3A = arith.constant dense<0.000000e+00> : vector<4xf32>
      %reduce_sum3A_29 = vector.multi_reduction <add>, %mul3A, %reduce_sum3A [1] : vector<4x64xf32> to vector<4xf32>
      %broadcast_in_dim3A_30 = vector.shape_cast %reduce_sum3A_29 : vector<4xf32> to vector<4x1xf32>
      %mul3A_31 = arith.mulf %get3A_4, %convert_element_type3A_28 : vector<4x64xf32>
      %reduce_sum3A_32 = arith.constant dense<0.000000e+00> : vector<4xf32>
      %reduce_sum3A_33 = vector.multi_reduction <add>, %mul3A_31, %reduce_sum3A_32 [1] : vector<4x64xf32> to vector<4xf32>
      %broadcast_in_dim3A_34 = vector.shape_cast %reduce_sum3A_33 : vector<4xf32> to vector<4x1xf32>
      %mul3A_35 = arith.mulf %get3A_7, %convert_element_type3A_28 : vector<4x64xf32>
      %reduce_sum3A_36 = arith.constant dense<0.000000e+00> : vector<4xf32>
      %reduce_sum3A_37 = vector.multi_reduction <add>, %mul3A_35, %reduce_sum3A_36 [1] : vector<4x64xf32> to vector<4xf32>
      %broadcast_in_dim3A_38 = vector.shape_cast %reduce_sum3A_37 : vector<4xf32> to vector<4x1xf32>
      %sub3A = vector.broadcast %broadcast_in_dim3A_30 : vector<4x1xf32> to vector<4x64xf32>
      %sub3A_39 = arith.subf %get3A_1, %sub3A : vector<4x64xf32>
      %integer_pow3A = arith.mulf %sub3A_39, %sub3A_39 : vector<4x64xf32>
      %sub3A_40 = vector.broadcast %broadcast_in_dim3A_34 : vector<4x1xf32> to vector<4x64xf32>
      %sub3A_41 = arith.subf %get3A_4, %sub3A_40 : vector<4x64xf32>
      %integer_pow3A_42 = arith.mulf %sub3A_41, %sub3A_41 : vector<4x64xf32>
      %add3A = arith.addf %integer_pow3A, %integer_pow3A_42 : vector<4x64xf32>
      %sub3A_43 = vector.broadcast %broadcast_in_dim3A_38 : vector<4x1xf32> to vector<4x64xf32>
      %sub3A_44 = arith.subf %get3A_7, %sub3A_43 : vector<4x64xf32>
      %integer_pow3A_45 = arith.mulf %sub3A_44, %sub3A_44 : vector<4x64xf32>
      %add3A_46 = arith.addf %add3A, %integer_pow3A_45 : vector<4x64xf32>
      %get3A_47 = arith.constant 0 : index
      %get3A_48 = arith.constant 0 : index
      %get3A_49 = vector.load %arg4[%get3A_47, %get3A_48] : memref<4x64xf32, #tpu.memory_space<vmem>>, vector<4x64xf32>
      %min3A = arith.minimumf %get3A_49, %add3A_46 : vector<4x64xf32>
      %swap3A_50 = arith.constant 0 : index
      %swap3A_51 = arith.constant 0 : index
      %swap3A_52 = vector.load %arg4[%swap3A_50, %swap3A_51] : memref<4x64xf32, #tpu.memory_space<vmem>>, vector<4x64xf32>
      tpu.vector_store %arg4[%swap3A_50, %swap3A_51], %min3A {strides = array<i32>} : memref<4x64xf32, #tpu.memory_space<vmem>>, vector<4x64xf32>,
      %concatenate3A = tpu.concatenate %broadcast_in_dim3A_30, %broadcast_in_dim3A_34, %broadcast_in_dim3A_38 in 1 : vector<4x1xf32>, vector<4x1xf32>, vector<4x1xf32> -> vector<4x3xf32>
      %broadcast_in_dim3A_53 = vector.shape_cast %concatenate3A : vector<4x3xf32> to vector<4x3x1xf32>
      %eq3A_54 = vector.broadcast %scan3A_25 : i32 to vector<4x3x16xi32>
      %eq3A_55 = arith.cmpi eq, %iota3A_11, %eq3A_54 : vector<4x3x16xi32>
      %get3A_56 = arith.constant 0 : index
      %get3A_57 = arith.constant 0 : index
      %get3A_58 = arith.constant 0 : index
      %get3A_59 = vector.load %arg3[%get3A_56, %get3A_57, %get3A_58] : memref<4x3x16xf32, #tpu.memory_space<vmem>>, vector<4x3x16xf32>
      %broadcast_in_dim3A_60 = vector.shape_cast %broadcast_in_dim3A_53 : vector<4x3x1xf32> to vector<4x3x1xf32>
      %broadcast_in_dim3A_61 = vector.broadcast %broadcast_in_dim3A_60 : vector<4x3x1xf32> to vector<4x3x16xf32>
      %select_n3A = arith.select %eq3A_55, %broadcast_in_dim3A_61, %get3A_59 : vector<4x3x16xi1>, vector<4x3x16xf32>
      %swap3A_62 = arith.constant 0 : index
      %swap3A_63 = arith.constant 0 : index
      %swap3A_64 = arith.constant 0 : index
      %swap3A_65 = vector.load %arg3[%swap3A_62, %swap3A_63, %swap3A_64] : memref<4x3x16xf32, #tpu.memory_space<vmem>>, vector<4x3x16xf32>
      tpu.vector_store %arg3[%swap3A_62, %swap3A_63, %swap3A_64], %select_n3A {strides = array<i32>} : memref<4x3x16xf32, #tpu.memory_space<vmem>>, vector<4x3x16xf32>,
      %reduce_max3A = arith.constant dense<0xFF800000> : vector<4xf32>
      %reduce_max3A_66 = vector.multi_reduction <maximumf>, %min3A, %reduce_max3A [1] : vector<4x64xf32> to vector<4xf32>
      %broadcast_in_dim3A_67 = vector.shape_cast %reduce_max3A_66 : vector<4xf32> to vector<4x1xf32>
      %eq3A_68 = vector.broadcast %broadcast_in_dim3A_67 : vector<4x1xf32> to vector<4x64xf32>
      %eq3A_69 = arith.cmpf oeq, %min3A, %eq3A_68 : vector<4x64xf32>
      %jit3A = arith.constant 64 : i32
      %broadcast_in_dim3A_70 = vector.broadcast %jit3A : i32 to vector<4x64xi32>
      %select_n3A_71 = arith.select %eq3A_69, %iota3A, %broadcast_in_dim3A_70 : vector<4x64xi1>, vector<4x64xi32>
      %reduce_min3A = arith.constant dense<2147483647> : vector<4xi32>
      %reduce_min3A_72 = vector.multi_reduction <minsi>, %select_n3A_71, %reduce_min3A [1] : vector<4x64xi32> to vector<4xi32>
      %broadcast_in_dim3A_73 = vector.shape_cast %reduce_min3A_72 : vector<4xi32> to vector<4x1xi32>
      %scan3A_74 = arith.constant 1 : i32
      %scan3A_75 = arith.addi %scan3A_25, %scan3A_74 : i32
      %eq3A_76 = vector.broadcast %broadcast_in_dim3A_73 : vector<4x1xi32> to vector<4x64xi32>
      %eq3A_77 = arith.cmpi eq, %iota3A, %eq3A_76 : vector<4x64xi32>
      %convert_element_type3A_78 = arith.extui %eq3A_77 : vector<4x64xi1> to vector<4x64xi32>
      %convert_element_type3A_79 = arith.sitofp %convert_element_type3A_78 : vector<4x64xi32> to vector<4x64xf32>
      %mul3A_80 = arith.mulf %get3A_1, %convert_element_type3A_79 : vector<4x64xf32>
      %reduce_sum3A_81 = arith.constant dense<0.000000e+00> : vector<4xf32>
      %reduce_sum3A_82 = vector.multi_reduction <add>, %mul3A_80, %reduce_sum3A_81 [1] : vector<4x64xf32> to vector<4xf32>
      %broadcast_in_dim3A_83 = vector.shape_cast %reduce_sum3A_82 : vector<4xf32> to vector<4x1xf32>
      %mul3A_84 = arith.mulf %get3A_4, %convert_element_type3A_79 : vector<4x64xf32>
      %reduce_sum3A_85 = arith.constant dense<0.000000e+00> : vector<4xf32>
      %reduce_sum3A_86 = vector.multi_reduction <add>, %mul3A_84, %reduce_sum3A_85 [1] : vector<4x64xf32> to vector<4xf32>
      %broadcast_in_dim3A_87 = vector.shape_cast %reduce_sum3A_86 : vector<4xf32> to vector<4x1xf32>
      %mul3A_88 = arith.mulf %get3A_7, %convert_element_type3A_79 : vector<4x64xf32>
      %reduce_sum3A_89 = arith.constant dense<0.000000e+00> : vector<4xf32>
      %reduce_sum3A_90 = vector.multi_reduction <add>, %mul3A_88, %reduce_sum3A_89 [1] : vector<4x64xf32> to vector<4xf32>
      %broadcast_in_dim3A_91 = vector.shape_cast %reduce_sum3A_90 : vector<4xf32> to vector<4x1xf32>
      %sub3A_92 = vector.broadcast %broadcast_in_dim3A_83 : vector<4x1xf32> to vector<4x64xf32>
      %sub3A_93 = arith.subf %get3A_1, %sub3A_92 : vector<4x64xf32>
      %integer_pow3A_94 = arith.mulf %sub3A_93, %sub3A_93 : vector<4x64xf32>
      %sub3A_95 = vector.broadcast %broadcast_in_dim3A_87 : vector<4x1xf32> to vector<4x64xf32>
      %sub3A_96 = arith.subf %get3A_4, %sub3A_95 : vector<4x64xf32>
      %integer_pow3A_97 = arith.mulf %sub3A_96, %sub3A_96 : vector<4x64xf32>
      %add3A_98 = arith.addf %integer_pow3A_94, %integer_pow3A_97 : vector<4x64xf32>
      %sub3A_99 = vector.broadcast %broadcast_in_dim3A_91 : vector<4x1xf32> to vector<4x64xf32>
      %sub3A_100 = arith.subf %get3A_7, %sub3A_99 : vector<4x64xf32>
      %integer_pow3A_101 = arith.mulf %sub3A_100, %sub3A_100 : vector<4x64xf32>
      %add3A_102 = arith.addf %add3A_98, %integer_pow3A_101 : vector<4x64xf32>
      %get3A_103 = arith.constant 0 : index
      %get3A_104 = arith.constant 0 : index
      %get3A_105 = vector.load %arg4[%get3A_103, %get3A_104] : memref<4x64xf32, #tpu.memory_space<vmem>>, vector<4x64xf32>
      %min3A_106 = arith.minimumf %get3A_105, %add3A_102 : vector<4x64xf32>
      %swap3A_107 = arith.constant 0 : index
      %swap3A_108 = arith.constant 0 : index
      %swap3A_109 = vector.load %arg4[%swap3A_107, %swap3A_108] : memref<4x64xf32, #tpu.memory_space<vmem>>, vector<4x64xf32>
      tpu.vector_store %arg4[%swap3A_107, %swap3A_108], %min3A_106 {strides = array<i32>} : memref<4x64xf32, #tpu.memory_space<vmem>>, vector<4x64xf32>,
      %concatenate3A_110 = tpu.concatenate %broadcast_in_dim3A_83, %broadcast_in_dim3A_87, %broadcast_in_dim3A_91 in 1 : vector<4x1xf32>, vector<4x1xf32>, vector<4x1xf32> -> vector<4x3xf32>
      %broadcast_in_dim3A_111 = vector.shape_cast %concatenate3A_110 : vector<4x3xf32> to vector<4x3x1xf32>
      %eq3A_112 = vector.broadcast %scan3A_75 : i32 to vector<4x3x16xi32>
      %eq3A_113 = arith.cmpi eq, %iota3A_11, %eq3A_112 : vector<4x3x16xi32>
      %get3A_114 = arith.constant 0 : index
      %get3A_115 = arith.constant 0 : index
      %get3A_116 = arith.constant 0 : index
      %get3A_117 = vector.load %arg3[%get3A_114, %get3A_115, %get3A_116] : memref<4x3x16xf32, #tpu.memory_space<vmem>>, vector<4x3x16xf32>
      %broadcast_in_dim3A_118 = vector.shape_cast %broadcast_in_dim3A_111 : vector<4x3x1xf32> to vector<4x3x1xf32>
      %broadcast_in_dim3A_119 = vector.broadcast %broadcast_in_dim3A_118 : vector<4x3x1xf32> to vector<4x3x16xf32>
      %select_n3A_120 = arith.select %eq3A_113, %broadcast_in_dim3A_119, %get3A_117 : vector<4x3x16xi1>, vector<4x3x16xf32>
      %swap3A_121 = arith.constant 0 : index
      %swap3A_122 = arith.constant 0 : index
      %swap3A_123 = arith.constant 0 : index
      %swap3A_124 = vector.load %arg3[%swap3A_121, %swap3A_122, %swap3A_123] : memref<4x3x16xf32, #tpu.memory_space<vmem>>, vector<4x3x16xf32>
      tpu.vector_store %arg3[%swap3A_121, %swap3A_122, %swap3A_123], %select_n3A_120 {strides = array<i32>} : memref<4x3x16xf32, #tpu.memory_space<vmem>>, vector<4x3x16xf32>,
      %reduce_max3A_125 = arith.constant dense<0xFF800000> : vector<4xf32>
      %reduce_max3A_126 = vector.multi_reduction <maximumf>, %min3A_106, %reduce_max3A_125 [1] : vector<4x64xf32> to vector<4xf32>
      %broadcast_in_dim3A_127 = vector.shape_cast %reduce_max3A_126 : vector<4xf32> to vector<4x1xf32>
      %eq3A_128 = vector.broadcast %broadcast_in_dim3A_127 : vector<4x1xf32> to vector<4x64xf32>
      %eq3A_129 = arith.cmpf oeq, %min3A_106, %eq3A_128 : vector<4x64xf32>
      %jit3A_130 = arith.constant 64 : i32
      %broadcast_in_dim3A_131 = vector.broadcast %jit3A_130 : i32 to vector<4x64xi32>
      %select_n3A_132 = arith.select %eq3A_129, %iota3A, %broadcast_in_dim3A_131 : vector<4x64xi1>, vector<4x64xi32>
      %reduce_min3A_133 = arith.constant dense<2147483647> : vector<4xi32>
      %reduce_min3A_134 = vector.multi_reduction <minsi>, %select_n3A_132, %reduce_min3A_133 [1] : vector<4x64xi32> to vector<4xi32>
      %broadcast_in_dim3A_135 = vector.shape_cast %reduce_min3A_134 : vector<4xi32> to vector<4x1xi32>
      scf.yield %broadcast_in_dim3A_135 : vector<4x1xi32>
    }
    %scan3A_24 = arith.constant 16 : i32
    return
  }
}

module attributes {stable_mosaic.version = 14 : i64} {
  func.func @_sa_mlp_body(%arg0: i32, %arg1: i32, %arg2: memref<2048x144xf32, #tpu.memory_space<vmem>>, %arg3: memref<1x64x3xf32, #tpu.memory_space<vmem>>, %arg4: memref<144x128xf32, #tpu.memory_space<vmem>>, %arg5: memref<1x128xf32, #tpu.memory_space<vmem>>, %arg6: memref<128x128xf32, #tpu.memory_space<vmem>>, %arg7: memref<1x128xf32, #tpu.memory_space<vmem>>, %arg8: memref<128x256xf32, #tpu.memory_space<vmem>>, %arg9: memref<1x256xf32, #tpu.memory_space<vmem>>, %arg10: memref<1x64x256xf32, #tpu.memory_space<vmem>>) attributes {dimension_semantics = [#tpu.dimension_semantics<arbitrary>, #tpu.dimension_semantics<arbitrary>], iteration_bounds = array<i64: 4, 1>, scalar_prefetch = 0 : i64, scratch_operands = 0 : i64, tpu.core_type = #tpu.core_type<tc>, window_params = [{transform_indices = @transform_0, window_bounds = array<i64: 2048, 144>}, {transform_indices = @transform_1, window_bounds = array<i64: 1, 64, 3>}, {pipeline_mode = #tpu.pipeline_mode<synchronous>, transform_indices = @transform_2, window_bounds = array<i64: 144, 128>}, {pipeline_mode = #tpu.pipeline_mode<synchronous>, transform_indices = @transform_3, window_bounds = array<i64: 1, 128>}, {pipeline_mode = #tpu.pipeline_mode<synchronous>, transform_indices = @transform_4, window_bounds = array<i64: 128, 128>}, {pipeline_mode = #tpu.pipeline_mode<synchronous>, transform_indices = @transform_5, window_bounds = array<i64: 1, 128>}, {pipeline_mode = #tpu.pipeline_mode<synchronous>, transform_indices = @transform_6, window_bounds = array<i64: 128, 256>}, {pipeline_mode = #tpu.pipeline_mode<synchronous>, transform_indices = @transform_7, window_bounds = array<i64: 1, 256>}, {transform_indices = @transform_8, window_bounds = array<i64: 1, 64, 256>}]} {
    %get3A = arith.constant 0 : index
    %get3A_0 = arith.constant 0 : index
    %get3A_1 = vector.load %arg2[%get3A, %get3A_0] : memref<2048x144xf32, #tpu.memory_space<vmem>>, vector<2048x144xf32>
    %get3A_2 = arith.constant 0 : index
    %get3A_3 = arith.constant 0 : index
    %get3A_4 = arith.constant 0 : index
    %get3A_5 = vector.load %arg3[%get3A_2, %get3A_3, %get3A_4] : memref<1x64x3xf32, #tpu.memory_space<vmem>>, vector<1x64x3xf32>
    %get3A_6 = vector.shape_cast %get3A_5 : vector<1x64x3xf32> to vector<64x3xf32>
    %broadcast_in_dim3A = arith.constant 0.000000e+00 : f32
    %broadcast_in_dim3A_7 = vector.broadcast %broadcast_in_dim3A : f32 to vector<64x141xf32>
    %concatenate3A = tpu.concatenate %get3A_6, %broadcast_in_dim3A_7 in 1 : vector<64x3xf32>, vector<64x141xf32> -> vector<64x144xf32>
    %reshape3A = vector.shape_cast %get3A_1 : vector<2048x144xf32> to vector<64x32x144xf32>
    %broadcast_in_dim3A_8 = vector.shape_cast %concatenate3A : vector<64x144xf32> to vector<64x1x144xf32>
    %sub3A = vector.broadcast %broadcast_in_dim3A_8 : vector<64x1x144xf32> to vector<64x32x144xf32>
    %sub3A_9 = arith.subf %reshape3A, %sub3A : vector<64x32x144xf32>
    %reshape3A_10 = vector.shape_cast %sub3A_9 : vector<64x32x144xf32> to vector<2048x144xf32>
    %get3A_11 = arith.constant 0 : index
    %get3A_12 = arith.constant 0 : index
    %get3A_13 = vector.load %arg4[%get3A_11, %get3A_12] : memref<144x128xf32, #tpu.memory_space<vmem>>, vector<144x128xf32>
    %dot_general3A = arith.constant dense<0.000000e+00> : vector<2048x128xf32>
    %dot_general3A_14 = tpu.matmul %reshape3A_10, %get3A_13, %dot_general3A {dimension_numbers = #tpu.dot_dimension_numbers<[1], [0], [0], [1], [0, 0, 1, 1], [], []>, transpose_lhs_hint = false} : vector<2048x144xf32>, vector<144x128xf32>, vector<2048x128xf32> -> vector<2048x128xf32>
    %get3A_15 = arith.constant 0 : index
    %get3A_16 = arith.constant 0 : index
    %get3A_17 = vector.load %arg5[%get3A_15, %get3A_16] : memref<1x128xf32, #tpu.memory_space<vmem>>, vector<1x128xf32>
    %add3A = vector.broadcast %get3A_17 : vector<1x128xf32> to vector<2048x128xf32>
    %add3A_18 = arith.addf %dot_general3A_14, %add3A : vector<2048x128xf32>
    %max3A = arith.constant 0.000000e+00 : f32
    %max3A_19 = vector.broadcast %max3A : f32 to vector<2048x128xf32>
    %max3A_20 = arith.maximumf %add3A_18, %max3A_19 : vector<2048x128xf32>
    %get3A_21 = arith.constant 0 : index
    %get3A_22 = arith.constant 0 : index
    %get3A_23 = vector.load %arg6[%get3A_21, %get3A_22] : memref<128x128xf32, #tpu.memory_space<vmem>>, vector<128x128xf32>
    %dot_general3A_24 = arith.constant dense<0.000000e+00> : vector<2048x128xf32>
    %dot_general3A_25 = tpu.matmul %max3A_20, %get3A_23, %dot_general3A_24 {dimension_numbers = #tpu.dot_dimension_numbers<[1], [0], [0], [1], [0, 0, 1, 1], [], []>, transpose_lhs_hint = false} : vector<2048x128xf32>, vector<128x128xf32>, vector<2048x128xf32> -> vector<2048x128xf32>
    %get3A_26 = arith.constant 0 : index
    %get3A_27 = arith.constant 0 : index
    %get3A_28 = vector.load %arg7[%get3A_26, %get3A_27] : memref<1x128xf32, #tpu.memory_space<vmem>>, vector<1x128xf32>
    %add3A_29 = vector.broadcast %get3A_28 : vector<1x128xf32> to vector<2048x128xf32>
    %add3A_30 = arith.addf %dot_general3A_25, %add3A_29 : vector<2048x128xf32>
    %max3A_31 = arith.constant 0.000000e+00 : f32
    %max3A_32 = vector.broadcast %max3A_31 : f32 to vector<2048x128xf32>
    %max3A_33 = arith.maximumf %add3A_30, %max3A_32 : vector<2048x128xf32>
    %get3A_34 = arith.constant 0 : index
    %get3A_35 = arith.constant 0 : index
    %get3A_36 = vector.load %arg8[%get3A_34, %get3A_35] : memref<128x256xf32, #tpu.memory_space<vmem>>, vector<128x256xf32>
    %dot_general3A_37 = arith.constant dense<0.000000e+00> : vector<2048x256xf32>
    %dot_general3A_38 = tpu.matmul %max3A_33, %get3A_36, %dot_general3A_37 {dimension_numbers = #tpu.dot_dimension_numbers<[1], [0], [0], [1], [0, 0, 1, 1], [], []>, transpose_lhs_hint = false} : vector<2048x128xf32>, vector<128x256xf32>, vector<2048x256xf32> -> vector<2048x256xf32>
    %get3A_39 = arith.constant 0 : index
    %get3A_40 = arith.constant 0 : index
    %get3A_41 = vector.load %arg9[%get3A_39, %get3A_40] : memref<1x256xf32, #tpu.memory_space<vmem>>, vector<1x256xf32>
    %add3A_42 = vector.broadcast %get3A_41 : vector<1x256xf32> to vector<2048x256xf32>
    %add3A_43 = arith.addf %dot_general3A_38, %add3A_42 : vector<2048x256xf32>
    %max3A_44 = arith.constant 0.000000e+00 : f32
    %max3A_45 = vector.broadcast %max3A_44 : f32 to vector<2048x256xf32>
    %max3A_46 = arith.maximumf %add3A_43, %max3A_45 : vector<2048x256xf32>
    %reshape3A_47 = vector.shape_cast %max3A_46 : vector<2048x256xf32> to vector<64x32x256xf32>
    %reduce_max3A = arith.constant dense<0xFF800000> : vector<64x256xf32>
    %reduce_max3A_48 = vector.multi_reduction <maximumf>, %reshape3A_47, %reduce_max3A [1] : vector<64x32x256xf32> to vector<64x256xf32>
    %swap3A = arith.constant 0 : index
    %swap3A_49 = arith.constant 0 : index
    %swap3A_50 = arith.constant 0 : index
    %swap3A_51 = vector.load %arg10[%swap3A, %swap3A_49, %swap3A_50] : memref<1x64x256xf32, #tpu.memory_space<vmem>>, vector<1x64x256xf32>
    %swap3A_52 = vector.shape_cast %swap3A_51 : vector<1x64x256xf32> to vector<64x256xf32>
    %swap3A_53 = vector.shape_cast %reduce_max3A_48 : vector<64x256xf32> to vector<1x64x256xf32>
    tpu.vector_store %arg10[%swap3A, %swap3A_49, %swap3A_50], %swap3A_53 {strides = array<i32>} : memref<1x64x256xf32, #tpu.memory_space<vmem>>, vector<1x64x256xf32>,
    return
  }
  func.func @transform_0(%arg0: i32, %arg1: i32) -> (i32, i32) {
    %mul3A = arith.constant 1 : i32
    %mul3A_0 = arith.muli %arg0, %mul3A : i32
    %add3A = arith.addi %mul3A_0, %arg1 : i32
    %c0_i32 = arith.constant 0 : i32
    %c0_i32_1 = arith.constant 0 : i32
    return %add3A, %c0_i32 : i32, i32
  }
  func.func @transform_1(%arg0: i32, %arg1: i32) -> (i32, i32, i32) {
    %c0_i32 = arith.constant 0 : i32
    %c0_i32_0 = arith.constant 0 : i32
    return %arg0, %arg1, %c0_i32 : i32, i32, i32
  }
  func.func @transform_2(%arg0: i32, %arg1: i32) -> (i32, i32) {
    %c0_i32 = arith.constant 0 : i32
    %c0_i32_0 = arith.constant 0 : i32
    %c0_i32_1 = arith.constant 0 : i32
    return %c0_i32, %c0_i32_0 : i32, i32
  }
  func.func @transform_3(%arg0: i32, %arg1: i32) -> (i32, i32) {
    %c0_i32 = arith.constant 0 : i32
    %c0_i32_0 = arith.constant 0 : i32
    %c0_i32_1 = arith.constant 0 : i32
    return %c0_i32, %c0_i32_0 : i32, i32
  }
  func.func @transform_4(%arg0: i32, %arg1: i32) -> (i32, i32) {
    %c0_i32 = arith.constant 0 : i32
    %c0_i32_0 = arith.constant 0 : i32
    %c0_i32_1 = arith.constant 0 : i32
    return %c0_i32, %c0_i32_0 : i32, i32
  }
  func.func @transform_5(%arg0: i32, %arg1: i32) -> (i32, i32) {
    %c0_i32 = arith.constant 0 : i32
    %c0_i32_0 = arith.constant 0 : i32
    %c0_i32_1 = arith.constant 0 : i32
    return %c0_i32, %c0_i32_0 : i32, i32
  }
  func.func @transform_6(%arg0: i32, %arg1: i32) -> (i32, i32) {
    %c0_i32 = arith.constant 0 : i32
    %c0_i32_0 = arith.constant 0 : i32
    %c0_i32_1 = arith.constant 0 : i32
    return %c0_i32, %c0_i32_0 : i32, i32
  }
  func.func @transform_7(%arg0: i32, %arg1: i32) -> (i32, i32) {
    %c0_i32 = arith.constant 0 : i32
    %c0_i32_0 = arith.constant 0 : i32
    %c0_i32_1 = arith.constant 0 : i32
    return %c0_i32, %c0_i32_0 : i32, i32
  }
  func.func @transform_8(%arg0: i32, %arg1: i32) -> (i32, i32, i32) {
    %c0_i32 = arith.constant 0 : i32
    %c0_i32_0 = arith.constant 0 : i32
    return %arg0, %arg1, %c0_i32 : i32, i32, i32
  }
}

module attributes {stable_mosaic.version = 14 : i64} {
  func.func @_sa_body(%arg0: i32, %arg1: i32, %arg2: memref<1x64x3xf32, #tpu.memory_space<vmem>>, %arg3: memref<1x3x64xf32, #tpu.memory_space<vmem>>, %arg4: memref<1x64x256xf32, #tpu.memory_space<vmem>>, %arg5: memref<1x16x3xf32, #tpu.memory_space<vmem>>, %arg6: memref<259x256xf32, #tpu.memory_space<vmem>>, %arg7: memref<1x256xf32, #tpu.memory_space<vmem>>, %arg8: memref<256x256xf32, #tpu.memory_space<vmem>>, %arg9: memref<1x256xf32, #tpu.memory_space<vmem>>, %arg10: memref<256x512xf32, #tpu.memory_space<vmem>>, %arg11: memref<1x512xf32, #tpu.memory_space<vmem>>, %arg12: memref<1x16x512xf32, #tpu.memory_space<vmem>>) attributes {dimension_semantics = [#tpu.dimension_semantics<arbitrary>, #tpu.dimension_semantics<arbitrary>], iteration_bounds = array<i64: 4, 1>, scalar_prefetch = 0 : i64, scratch_operands = 0 : i64, tpu.core_type = #tpu.core_type<tc>, window_params = [{transform_indices = @transform_0, window_bounds = array<i64: 1, 64, 3>}, {transform_indices = @transform_1, window_bounds = array<i64: 1, 3, 64>}, {transform_indices = @transform_2, window_bounds = array<i64: 1, 64, 256>}, {transform_indices = @transform_3, window_bounds = array<i64: 1, 16, 3>}, {pipeline_mode = #tpu.pipeline_mode<synchronous>, transform_indices = @transform_4, window_bounds = array<i64: 259, 256>}, {pipeline_mode = #tpu.pipeline_mode<synchronous>, transform_indices = @transform_5, window_bounds = array<i64: 1, 256>}, {pipeline_mode = #tpu.pipeline_mode<synchronous>, transform_indices = @transform_6, window_bounds = array<i64: 256, 256>}, {pipeline_mode = #tpu.pipeline_mode<synchronous>, transform_indices = @transform_7, window_bounds = array<i64: 1, 256>}, {pipeline_mode = #tpu.pipeline_mode<synchronous>, transform_indices = @transform_8, window_bounds = array<i64: 256, 512>}, {pipeline_mode = #tpu.pipeline_mode<synchronous>, transform_indices = @transform_9, window_bounds = array<i64: 1, 512>}, {transform_indices = @transform_10, window_bounds = array<i64: 1, 16, 512>}]} {
    %get3A = arith.constant 0 : index
    %get3A_0 = arith.constant 0 : index
    %get3A_1 = arith.constant 0 : index
    %get3A_2 = vector.load %arg2[%get3A, %get3A_0, %get3A_1] : memref<1x64x3xf32, #tpu.memory_space<vmem>>, vector<1x64x3xf32>
    %get3A_3 = vector.shape_cast %get3A_2 : vector<1x64x3xf32> to vector<64x3xf32>
    %get3A_4 = arith.constant 0 : index
    %get3A_5 = arith.constant 0 : index
    %get3A_6 = arith.constant 0 : index
    %get3A_7 = vector.load %arg3[%get3A_4, %get3A_5, %get3A_6] : memref<1x3x64xf32, #tpu.memory_space<vmem>>, vector<1x3x64xf32>
    %get3A_8 = vector.shape_cast %get3A_7 : vector<1x3x64xf32> to vector<3x64xf32>
    %get3A_9 = arith.constant 0 : index
    %get3A_10 = arith.constant 0 : index
    %get3A_11 = arith.constant 0 : index
    %get3A_12 = vector.load %arg4[%get3A_9, %get3A_10, %get3A_11] : memref<1x64x256xf32, #tpu.memory_space<vmem>>, vector<1x64x256xf32>
    %get3A_13 = vector.shape_cast %get3A_12 : vector<1x64x256xf32> to vector<64x256xf32>
    %get3A_14 = arith.constant 0 : index
    %get3A_15 = arith.constant 0 : index
    %get3A_16 = arith.constant 0 : index
    %get3A_17 = vector.load %arg5[%get3A_14, %get3A_15, %get3A_16] : memref<1x16x3xf32, #tpu.memory_space<vmem>>, vector<1x16x3xf32>
    %get3A_18 = vector.shape_cast %get3A_17 : vector<1x16x3xf32> to vector<16x3xf32>
    %mul3A = arith.mulf %get3A_8, %get3A_8 : vector<3x64xf32>
    %reduce_sum3A = arith.constant dense<0.000000e+00> : vector<64xf32>
    %reduce_sum3A_19 = vector.multi_reduction <add>, %mul3A, %reduce_sum3A [0] : vector<3x64xf32> to vector<64xf32>
    %broadcast_in_dim3A = vector.shape_cast %reduce_sum3A_19 : vector<64xf32> to vector<1x64xf32>
    %mul3A_20 = arith.mulf %get3A_18, %get3A_18 : vector<16x3xf32>
    %reduce_sum3A_21 = arith.constant dense<0.000000e+00> : vector<16xf32>
    %reduce_sum3A_22 = vector.multi_reduction <add>, %mul3A_20, %reduce_sum3A_21 [1] : vector<16x3xf32> to vector<16xf32>
    %broadcast_in_dim3A_23 = vector.shape_cast %reduce_sum3A_22 : vector<16xf32> to vector<16x1xf32>
    %dot_general3A = arith.constant dense<0.000000e+00> : vector<16x64xf32>
    %dot_general3A_24 = tpu.matmul %get3A_18, %get3A_8, %dot_general3A {dimension_numbers = #tpu.dot_dimension_numbers<[1], [0], [0], [1], [0, 0, 1, 1], [], []>, transpose_lhs_hint = false} : vector<16x3xf32>, vector<3x64xf32>, vector<16x64xf32> -> vector<16x64xf32>
    %add3A = vector.broadcast %broadcast_in_dim3A_23 : vector<16x1xf32> to vector<16x64xf32>
    %add3A_25 = vector.broadcast %broadcast_in_dim3A : vector<1x64xf32> to vector<16x64xf32>
    %add3A_26 = arith.addf %add3A, %add3A_25 : vector<16x64xf32>
    %mul3A_27 = arith.constant 2.000000e+00 : f32
    %mul3A_28 = vector.broadcast %mul3A_27 : f32 to vector<16x64xf32>
    %mul3A_29 = arith.mulf %mul3A_28, %dot_general3A_24 : vector<16x64xf32>
    %sub3A = arith.subf %add3A_26, %mul3A_29 : vector<16x64xf32>
    %le3A = arith.constant 6.400000e-01 : f32
    %le3A_30 = vector.broadcast %le3A : f32 to vector<16x64xf32>
    %le3A_31 = arith.cmpf ole, %sub3A, %le3A_30 : vector<16x64xf32>
    %convert_element_type3A = arith.extui %le3A_31 : vector<16x64xi1> to vector<16x64xi32>
    %broadcast_in_dim3A_32 = arith.constant 0 : i32
    %broadcast_in_dim3A_33 = vector.broadcast %broadcast_in_dim3A_32 : i32 to vector<16x1xi32>
    %slice3A = vector.extract_strided_slice %convert_element_type3A {offsets = [0, 0], sizes = [16, 63], strides = [1, 1]} : vector<16x64xi32> to vector<16x63xi32>
    %concatenate3A = tpu.concatenate %broadcast_in_dim3A_33, %slice3A in 1 : vector<16x1xi32>, vector<16x63xi32> -> vector<16x64xi32>
    %add3A_34 = arith.addi %convert_element_type3A, %concatenate3A : vector<16x64xi32>
    %broadcast_in_dim3A_35 = arith.constant 0 : i32
    %broadcast_in_dim3A_36 = vector.broadcast %broadcast_in_dim3A_35 : i32 to vector<16x2xi32>
    %slice3A_37 = vector.extract_strided_slice %add3A_34 {offsets = [0, 0], sizes = [16, 62], strides = [1, 1]} : vector<16x64xi32> to vector<16x62xi32>
    %concatenate3A_38 = tpu.concatenate %broadcast_in_dim3A_36, %slice3A_37 in 1 : vector<16x2xi32>, vector<16x62xi32> -> vector<16x64xi32>
    %add3A_39 = arith.addi %add3A_34, %concatenate3A_38 : vector<16x64xi32>
    %broadcast_in_dim3A_40 = arith.constant 0 : i32
    %broadcast_in_dim3A_41 = vector.broadcast %broadcast_in_dim3A_40 : i32 to vector<16x4xi32>
    %slice3A_42 = vector.extract_strided_slice %add3A_39 {offsets = [0, 0], sizes = [16, 60], strides = [1, 1]} : vector<16x64xi32> to vector<16x60xi32>
    %concatenate3A_43 = tpu.concatenate %broadcast_in_dim3A_41, %slice3A_42 in 1 : vector<16x4xi32>, vector<16x60xi32> -> vector<16x64xi32>
    %add3A_44 = arith.addi %add3A_39, %concatenate3A_43 : vector<16x64xi32>
    %broadcast_in_dim3A_45 = arith.constant 0 : i32
    %broadcast_in_dim3A_46 = vector.broadcast %broadcast_in_dim3A_45 : i32 to vector<16x8xi32>
    %slice3A_47 = vector.extract_strided_slice %add3A_44 {offsets = [0, 0], sizes = [16, 56], strides = [1, 1]} : vector<16x64xi32> to vector<16x56xi32>
    %concatenate3A_48 = tpu.concatenate %broadcast_in_dim3A_46, %slice3A_47 in 1 : vector<16x8xi32>, vector<16x56xi32> -> vector<16x64xi32>
    %add3A_49 = arith.addi %add3A_44, %concatenate3A_48 : vector<16x64xi32>
    %broadcast_in_dim3A_50 = arith.constant 0 : i32
    %broadcast_in_dim3A_51 = vector.broadcast %broadcast_in_dim3A_50 : i32 to vector<16x16xi32>
    %slice3A_52 = vector.extract_strided_slice %add3A_49 {offsets = [0, 0], sizes = [16, 48], strides = [1, 1]} : vector<16x64xi32> to vector<16x48xi32>
    %concatenate3A_53 = tpu.concatenate %broadcast_in_dim3A_51, %slice3A_52 in 1 : vector<16x16xi32>, vector<16x48xi32> -> vector<16x64xi32>
    %add3A_54 = arith.addi %add3A_49, %concatenate3A_53 : vector<16x64xi32>
    %broadcast_in_dim3A_55 = arith.constant 0 : i32
    %broadcast_in_dim3A_56 = vector.broadcast %broadcast_in_dim3A_55 : i32 to vector<16x32xi32>
    %slice3A_57 = vector.extract_strided_slice %add3A_54 {offsets = [0, 0], sizes = [16, 32], strides = [1, 1]} : vector<16x64xi32> to vector<16x32xi32>
    %concatenate3A_58 = tpu.concatenate %broadcast_in_dim3A_56, %slice3A_57 in 1 : vector<16x32xi32>, vector<16x32xi32> -> vector<16x64xi32>
    %add3A_59 = arith.addi %add3A_54, %concatenate3A_58 : vector<16x64xi32>
    %sub3A_60 = arith.subi %add3A_59, %convert_element_type3A : vector<16x64xi32>
    %slice3A_61 = vector.extract_strided_slice %add3A_59 {offsets = [0, 63], sizes = [16, 1], strides = [1, 1]} : vector<16x64xi32> to vector<16x1xi32>
    %min3A = arith.constant 32 : i32
    %min3A_62 = vector.broadcast %min3A : i32 to vector<16x1xi32>
    %min3A_63 = arith.minsi %slice3A_61, %min3A_62 : vector<16x1xi32>
    %concatenate3A_64 = tpu.concatenate %get3A_3, %get3A_13 in 1 : vector<64x3xf32>, vector<64x256xf32> -> vector<64x259xf32>
    %broadcast_in_dim3A_65 = arith.constant 0.000000e+00 : f32
    %broadcast_in_dim3A_66 = vector.broadcast %broadcast_in_dim3A_65 : f32 to vector<16x256xf32>
    %concatenate3A_67 = tpu.concatenate %get3A_18, %broadcast_in_dim3A_66 in 1 : vector<16x3xf32>, vector<16x256xf32> -> vector<16x259xf32>
    %reduce_max3A = vector.shape_cast %min3A_63 : vector<16x1xi32> to vector<1x16x1xi32>
    %reduce_max3A_68 = arith.constant dense<-2147483648> : vector<1xi32>
    %reduce_max3A_69 = vector.multi_reduction <maxsi>, %reduce_max3A, %reduce_max3A_68 [1, 2] : vector<1x16x1xi32> to vector<1xi32>
    %reduce_max3A_70 = vector.shape_cast %reduce_max3A_69 : vector<1xi32> to vector<1x1x1xi32>
    %reduce_max3A_71 = vector.extract %reduce_max3A_70[0, 0, 0] : i32 from vector<1x1x1xi32>
    %le3A_72 = arith.constant 8 : i32
    %le3A_73 = arith.cmpi sle, %reduce_max3A_71, %le3A_72 : i32
    %convert_element_type3A_74 = arith.extui %le3A_73 : i1 to i32
    %cond3A = arith.constant 0 : i32
    %cond3A_75 = arith.cmpi ne, %convert_element_type3A_74, %cond3A : i32
    %cond3A_76 = scf.if %cond3A_75 -> (vector<16x512xf32>) {
      %iota3A = tpu.iota {dimensions = array<i32: 1>} : vector<16x8x64xi32>
      %broadcast_in_dim3A_82 = vector.shape_cast %sub3A_60 : vector<16x64xi32> to vector<16x1x64xi32>
      %eq3A = vector.broadcast %broadcast_in_dim3A_82 : vector<16x1x64xi32> to vector<16x8x64xi32>
      %eq3A_83 = arith.cmpi eq, %eq3A, %iota3A : vector<16x8x64xi32>
      %broadcast_in_dim3A_84 = vector.shape_cast %sub3A : vector<16x64xf32> to vector<16x1x64xf32>
      %le3A_85 = arith.constant 6.400000e-01 : f32
      %le3A_86 = vector.broadcast %le3A_85 : f32 to vector<16x1x64xf32>
      %le3A_87 = arith.cmpf ole, %broadcast_in_dim3A_84, %le3A_86 : vector<16x1x64xf32>
      %and3A = vector.broadcast %le3A_87 : vector<16x1x64xi1> to vector<16x8x64xi1>
      %and3A_88 = arith.andi %eq3A_83, %and3A : vector<16x8x64xi1>
      %convert_element_type3A_89 = arith.extui %and3A_88 : vector<16x8x64xi1> to vector<16x8x64xi32>
      %convert_element_type3A_90 = arith.sitofp %convert_element_type3A_89 : vector<16x8x64xi32> to vector<16x8x64xf32>
      %reshape3A = vector.shape_cast %convert_element_type3A_90 : vector<16x8x64xf32> to vector<128x64xf32>
      %dot_general3A_91 = arith.constant dense<0.000000e+00> : vector<128x259xf32>
      %dot_general3A_92 = tpu.matmul %reshape3A, %concatenate3A_64, %dot_general3A_91 {dimension_numbers = #tpu.dot_dimension_numbers<[1], [0], [0], [1], [0, 0, 1, 1], [], []>, transpose_lhs_hint = false} : vector<128x64xf32>, vector<64x259xf32>, vector<128x259xf32> -> vector<128x259xf32>
      %reshape3A_93 = vector.shape_cast %dot_general3A_92 : vector<128x259xf32> to vector<16x8x259xf32>
      %broadcast_in_dim3A_94 = vector.shape_cast %concatenate3A_67 : vector<16x259xf32> to vector<16x1x259xf32>
      %sub3A_95 = vector.broadcast %broadcast_in_dim3A_94 : vector<16x1x259xf32> to vector<16x8x259xf32>
      %sub3A_96 = arith.subf %reshape3A_93, %sub3A_95 : vector<16x8x259xf32>
      %reshape3A_97 = vector.shape_cast %sub3A_96 : vector<16x8x259xf32> to vector<128x259xf32>
      %get3A_98 = arith.constant 0 : index
      %get3A_99 = arith.constant 0 : index
      %get3A_100 = vector.load %arg6[%get3A_98, %get3A_99] : memref<259x256xf32, #tpu.memory_space<vmem>>, vector<259x256xf32>
      %dot_general3A_101 = arith.constant dense<0.000000e+00> : vector<128x256xf32>
      %dot_general3A_102 = tpu.matmul %reshape3A_97, %get3A_100, %dot_general3A_101 {dimension_numbers = #tpu.dot_dimension_numbers<[1], [0], [0], [1], [0, 0, 1, 1], [], []>, transpose_lhs_hint = false} : vector<128x259xf32>, vector<259x256xf32>, vector<128x256xf32> -> vector<128x256xf32>
      %get3A_103 = arith.constant 0 : index
      %get3A_104 = arith.constant 0 : index
      %get3A_105 = vector.load %arg7[%get3A_103, %get3A_104] : memref<1x256xf32, #tpu.memory_space<vmem>>, vector<1x256xf32>
      %add3A_106 = vector.broadcast %get3A_105 : vector<1x256xf32> to vector<128x256xf32>
      %add3A_107 = arith.addf %dot_general3A_102, %add3A_106 : vector<128x256xf32>
      %max3A = arith.constant 0.000000e+00 : f32
      %max3A_108 = vector.broadcast %max3A : f32 to vector<128x256xf32>
      %max3A_109 = arith.maximumf %add3A_107, %max3A_108 : vector<128x256xf32>
      %get3A_110 = arith.constant 0 : index
      %get3A_111 = arith.constant 0 : index
      %get3A_112 = vector.load %arg8[%get3A_110, %get3A_111] : memref<256x256xf32, #tpu.memory_space<vmem>>, vector<256x256xf32>
      %dot_general3A_113 = arith.constant dense<0.000000e+00> : vector<128x256xf32>
      %dot_general3A_114 = tpu.matmul %max3A_109, %get3A_112, %dot_general3A_113 {dimension_numbers = #tpu.dot_dimension_numbers<[1], [0], [0], [1], [0, 0, 1, 1], [], []>, transpose_lhs_hint = false} : vector<128x256xf32>, vector<256x256xf32>, vector<128x256xf32> -> vector<128x256xf32>
      %get3A_115 = arith.constant 0 : index
      %get3A_116 = arith.constant 0 : index
      %get3A_117 = vector.load %arg9[%get3A_115, %get3A_116] : memref<1x256xf32, #tpu.memory_space<vmem>>, vector<1x256xf32>
      %add3A_118 = vector.broadcast %get3A_117 : vector<1x256xf32> to vector<128x256xf32>
      %add3A_119 = arith.addf %dot_general3A_114, %add3A_118 : vector<128x256xf32>
      %max3A_120 = arith.constant 0.000000e+00 : f32
      %max3A_121 = vector.broadcast %max3A_120 : f32 to vector<128x256xf32>
      %max3A_122 = arith.maximumf %add3A_119, %max3A_121 : vector<128x256xf32>
      %get3A_123 = arith.constant 0 : index
      %get3A_124 = arith.constant 0 : index
      %get3A_125 = vector.load %arg10[%get3A_123, %get3A_124] : memref<256x512xf32, #tpu.memory_space<vmem>>, vector<256x512xf32>
      %dot_general3A_126 = arith.constant dense<0.000000e+00> : vector<128x512xf32>
      %dot_general3A_127 = tpu.matmul %max3A_122, %get3A_125, %dot_general3A_126 {dimension_numbers = #tpu.dot_dimension_numbers<[1], [0], [0], [1], [0, 0, 1, 1], [], []>, transpose_lhs_hint = false} : vector<128x256xf32>, vector<256x512xf32>, vector<128x512xf32> -> vector<128x512xf32>
      %get3A_128 = arith.constant 0 : index
      %get3A_129 = arith.constant 0 : index
      %get3A_130 = vector.load %arg11[%get3A_128, %get3A_129] : memref<1x512xf32, #tpu.memory_space<vmem>>, vector<1x512xf32>
      %add3A_131 = vector.broadcast %get3A_130 : vector<1x512xf32> to vector<128x512xf32>
      %add3A_132 = arith.addf %dot_general3A_127, %add3A_131 : vector<128x512xf32>
      %max3A_133 = arith.constant 0.000000e+00 : f32
      %max3A_134 = vector.broadcast %max3A_133 : f32 to vector<128x512xf32>
      %max3A_135 = arith.maximumf %add3A_132, %max3A_134 : vector<128x512xf32>
      %reshape3A_136 = vector.shape_cast %max3A_135 : vector<128x512xf32> to vector<16x8x512xf32>
      %iota3A_137 = tpu.iota {dimensions = array<i32: 1>} : vector<16x8x512xi32>
      %broadcast_in_dim3A_138 = vector.shape_cast %min3A_63 : vector<16x1xi32> to vector<16x1x1xi32>
      %lt3A = vector.broadcast %broadcast_in_dim3A_138 : vector<16x1x1xi32> to vector<16x8x512xi32>
      %lt3A_139 = arith.cmpi slt, %iota3A_137, %lt3A : vector<16x8x512xi32>
      %jit3A = arith.constant 0xFF800000 : f32
      %broadcast_in_dim3A_140 = vector.broadcast %jit3A : f32 to vector<16x8x512xf32>
      %select_n3A = arith.select %lt3A_139, %reshape3A_136, %broadcast_in_dim3A_140 : vector<16x8x512xi1>, vector<16x8x512xf32>
      %reduce_max3A_141 = arith.constant dense<0xFF800000> : vector<16x512xf32>
      %reduce_max3A_142 = vector.multi_reduction <maximumf>, %select_n3A, %reduce_max3A_141 [1] : vector<16x8x512xf32> to vector<16x512xf32>
      scf.yield %reduce_max3A_142 : vector<16x512xf32>
    } else {
      %iota3A = tpu.iota {dimensions = array<i32: 1>} : vector<16x32x64xi32>
      %broadcast_in_dim3A_82 = vector.shape_cast %sub3A_60 : vector<16x64xi32> to vector<16x1x64xi32>
      %eq3A = vector.broadcast %broadcast_in_dim3A_82 : vector<16x1x64xi32> to vector<16x32x64xi32>
      %eq3A_83 = arith.cmpi eq, %eq3A, %iota3A : vector<16x32x64xi32>
      %broadcast_in_dim3A_84 = vector.shape_cast %sub3A : vector<16x64xf32> to vector<16x1x64xf32>
      %le3A_85 = arith.constant 6.400000e-01 : f32
      %le3A_86 = vector.broadcast %le3A_85 : f32 to vector<16x1x64xf32>
      %le3A_87 = arith.cmpf ole, %broadcast_in_dim3A_84, %le3A_86 : vector<16x1x64xf32>
      %and3A = vector.broadcast %le3A_87 : vector<16x1x64xi1> to vector<16x32x64xi1>
      %and3A_88 = arith.andi %eq3A_83, %and3A : vector<16x32x64xi1>
      %convert_element_type3A_89 = arith.extui %and3A_88 : vector<16x32x64xi1> to vector<16x32x64xi32>
      %convert_element_type3A_90 = arith.sitofp %convert_element_type3A_89 : vector<16x32x64xi32> to vector<16x32x64xf32>
      %reshape3A = vector.shape_cast %convert_element_type3A_90 : vector<16x32x64xf32> to vector<512x64xf32>
      %dot_general3A_91 = arith.constant dense<0.000000e+00> : vector<512x259xf32>
      %dot_general3A_92 = tpu.matmul %reshape3A, %concatenate3A_64, %dot_general3A_91 {dimension_numbers = #tpu.dot_dimension_numbers<[1], [0], [0], [1], [0, 0, 1, 1], [], []>, transpose_lhs_hint = false} : vector<512x64xf32>, vector<64x259xf32>, vector<512x259xf32> -> vector<512x259xf32>
      %reshape3A_93 = vector.shape_cast %dot_general3A_92 : vector<512x259xf32> to vector<16x32x259xf32>
      %broadcast_in_dim3A_94 = vector.shape_cast %concatenate3A_67 : vector<16x259xf32> to vector<16x1x259xf32>
      %sub3A_95 = vector.broadcast %broadcast_in_dim3A_94 : vector<16x1x259xf32> to vector<16x32x259xf32>
      %sub3A_96 = arith.subf %reshape3A_93, %sub3A_95 : vector<16x32x259xf32>
      %reshape3A_97 = vector.shape_cast %sub3A_96 : vector<16x32x259xf32> to vector<512x259xf32>
      %get3A_98 = arith.constant 0 : index
      %get3A_99 = arith.constant 0 : index
      %get3A_100 = vector.load %arg6[%get3A_98, %get3A_99] : memref<259x256xf32, #tpu.memory_space<vmem>>, vector<259x256xf32>
      %dot_general3A_101 = arith.constant dense<0.000000e+00> : vector<512x256xf32>
      %dot_general3A_102 = tpu.matmul %reshape3A_97, %get3A_100, %dot_general3A_101 {dimension_numbers = #tpu.dot_dimension_numbers<[1], [0], [0], [1], [0, 0, 1, 1], [], []>, transpose_lhs_hint = false} : vector<512x259xf32>, vector<259x256xf32>, vector<512x256xf32> -> vector<512x256xf32>
      %get3A_103 = arith.constant 0 : index
      %get3A_104 = arith.constant 0 : index
      %get3A_105 = vector.load %arg7[%get3A_103, %get3A_104] : memref<1x256xf32, #tpu.memory_space<vmem>>, vector<1x256xf32>
      %add3A_106 = vector.broadcast %get3A_105 : vector<1x256xf32> to vector<512x256xf32>
      %add3A_107 = arith.addf %dot_general3A_102, %add3A_106 : vector<512x256xf32>
      %max3A = arith.constant 0.000000e+00 : f32
      %max3A_108 = vector.broadcast %max3A : f32 to vector<512x256xf32>
      %max3A_109 = arith.maximumf %add3A_107, %max3A_108 : vector<512x256xf32>
      %get3A_110 = arith.constant 0 : index
      %get3A_111 = arith.constant 0 : index
      %get3A_112 = vector.load %arg8[%get3A_110, %get3A_111] : memref<256x256xf32, #tpu.memory_space<vmem>>, vector<256x256xf32>
      %dot_general3A_113 = arith.constant dense<0.000000e+00> : vector<512x256xf32>
      %dot_general3A_114 = tpu.matmul %max3A_109, %get3A_112, %dot_general3A_113 {dimension_numbers = #tpu.dot_dimension_numbers<[1], [0], [0], [1], [0, 0, 1, 1], [], []>, transpose_lhs_hint = false} : vector<512x256xf32>, vector<256x256xf32>, vector<512x256xf32> -> vector<512x256xf32>
      %get3A_115 = arith.constant 0 : index
      %get3A_116 = arith.constant 0 : index
      %get3A_117 = vector.load %arg9[%get3A_115, %get3A_116] : memref<1x256xf32, #tpu.memory_space<vmem>>, vector<1x256xf32>
      %add3A_118 = vector.broadcast %get3A_117 : vector<1x256xf32> to vector<512x256xf32>
      %add3A_119 = arith.addf %dot_general3A_114, %add3A_118 : vector<512x256xf32>
      %max3A_120 = arith.constant 0.000000e+00 : f32
      %max3A_121 = vector.broadcast %max3A_120 : f32 to vector<512x256xf32>
      %max3A_122 = arith.maximumf %add3A_119, %max3A_121 : vector<512x256xf32>
      %get3A_123 = arith.constant 0 : index
      %get3A_124 = arith.constant 0 : index
      %get3A_125 = vector.load %arg10[%get3A_123, %get3A_124] : memref<256x512xf32, #tpu.memory_space<vmem>>, vector<256x512xf32>
      %dot_general3A_126 = arith.constant dense<0.000000e+00> : vector<512x512xf32>
      %dot_general3A_127 = tpu.matmul %max3A_122, %get3A_125, %dot_general3A_126 {dimension_numbers = #tpu.dot_dimension_numbers<[1], [0], [0], [1], [0, 0, 1, 1], [], []>, transpose_lhs_hint = false} : vector<512x256xf32>, vector<256x512xf32>, vector<512x512xf32> -> vector<512x512xf32>
      %get3A_128 = arith.constant 0 : index
      %get3A_129 = arith.constant 0 : index
      %get3A_130 = vector.load %arg11[%get3A_128, %get3A_129] : memref<1x512xf32, #tpu.memory_space<vmem>>, vector<1x512xf32>
      %add3A_131 = vector.broadcast %get3A_130 : vector<1x512xf32> to vector<512x512xf32>
      %add3A_132 = arith.addf %dot_general3A_127, %add3A_131 : vector<512x512xf32>
      %max3A_133 = arith.constant 0.000000e+00 : f32
      %max3A_134 = vector.broadcast %max3A_133 : f32 to vector<512x512xf32>
      %max3A_135 = arith.maximumf %add3A_132, %max3A_134 : vector<512x512xf32>
      %reshape3A_136 = vector.shape_cast %max3A_135 : vector<512x512xf32> to vector<16x32x512xf32>
      %iota3A_137 = tpu.iota {dimensions = array<i32: 1>} : vector<16x32x512xi32>
      %broadcast_in_dim3A_138 = vector.shape_cast %min3A_63 : vector<16x1xi32> to vector<16x1x1xi32>
      %lt3A = vector.broadcast %broadcast_in_dim3A_138 : vector<16x1x1xi32> to vector<16x32x512xi32>
      %lt3A_139 = arith.cmpi slt, %iota3A_137, %lt3A : vector<16x32x512xi32>
      %jit3A = arith.constant 0xFF800000 : f32
      %broadcast_in_dim3A_140 = vector.broadcast %jit3A : f32 to vector<16x32x512xf32>
      %select_n3A = arith.select %lt3A_139, %reshape3A_136, %broadcast_in_dim3A_140 : vector<16x32x512xi1>, vector<16x32x512xf32>
      %reduce_max3A_141 = arith.constant dense<0xFF800000> : vector<16x512xf32>
      %reduce_max3A_142 = vector.multi_reduction <maximumf>, %select_n3A, %reduce_max3A_141 [1] : vector<16x32x512xf32> to vector<16x512xf32>
      scf.yield %reduce_max3A_142 : vector<16x512xf32>
    }
    %swap3A = arith.constant 0 : index
    %swap3A_77 = arith.constant 0 : index
    %swap3A_78 = arith.constant 0 : index
    %swap3A_79 = vector.load %arg12[%swap3A, %swap3A_77, %swap3A_78] : memref<1x16x512xf32, #tpu.memory_space<vmem>>, vector<1x16x512xf32>
    %swap3A_80 = vector.shape_cast %swap3A_79 : vector<1x16x512xf32> to vector<16x512xf32>
    %swap3A_81 = vector.shape_cast %cond3A_76 : vector<16x512xf32> to vector<1x16x512xf32>
    tpu.vector_store %arg12[%swap3A, %swap3A_77, %swap3A_78], %swap3A_81 {strides = array<i32>} : memref<1x16x512xf32, #tpu.memory_space<vmem>>, vector<1x16x512xf32>,
    return
  }
  func.func @transform_0(%arg0: i32, %arg1: i32) -> (i32, i32, i32) {
    %c0_i32 = arith.constant 0 : i32
    %c0_i32_0 = arith.constant 0 : i32
    %c0_i32_1 = arith.constant 0 : i32
    return %arg0, %c0_i32, %c0_i32_0 : i32, i32, i32
  }
  func.func @transform_1(%arg0: i32, %arg1: i32) -> (i32, i32, i32) {
    %c0_i32 = arith.constant 0 : i32
    %c0_i32_0 = arith.constant 0 : i32
    %c0_i32_1 = arith.constant 0 : i32
    return %arg0, %c0_i32, %c0_i32_0 : i32, i32, i32
  }
  func.func @transform_2(%arg0: i32, %arg1: i32) -> (i32, i32, i32) {
    %c0_i32 = arith.constant 0 : i32
    %c0_i32_0 = arith.constant 0 : i32
    %c0_i32_1 = arith.constant 0 : i32
    return %arg0, %c0_i32, %c0_i32_0 : i32, i32, i32
  }
  func.func @transform_3(%arg0: i32, %arg1: i32) -> (i32, i32, i32) {
    %c0_i32 = arith.constant 0 : i32
    %c0_i32_0 = arith.constant 0 : i32
    return %arg0, %arg1, %c0_i32 : i32, i32, i32
  }
  func.func @transform_4(%arg0: i32, %arg1: i32) -> (i32, i32) {
    %c0_i32 = arith.constant 0 : i32
    %c0_i32_0 = arith.constant 0 : i32
    %c0_i32_1 = arith.constant 0 : i32
    return %c0_i32, %c0_i32_0 : i32, i32
  }
  func.func @transform_5(%arg0: i32, %arg1: i32) -> (i32, i32) {
    %c0_i32 = arith.constant 0 : i32
    %c0_i32_0 = arith.constant 0 : i32
    %c0_i32_1 = arith.constant 0 : i32
    return %c0_i32, %c0_i32_0 : i32, i32
  }
  func.func @transform_6(%arg0: i32, %arg1: i32) -> (i32, i32) {
    %c0_i32 = arith.constant 0 : i32
    %c0_i32_0 = arith.constant 0 : i32
    %c0_i32_1 = arith.constant 0 : i32
    return %c0_i32, %c0_i32_0 : i32, i32
  }
  func.func @transform_7(%arg0: i32, %arg1: i32) -> (i32, i32) {
    %c0_i32 = arith.constant 0 : i32
    %c0_i32_0 = arith.constant 0 : i32
    %c0_i32_1 = arith.constant 0 : i32
    return %c0_i32, %c0_i32_0 : i32, i32
  }
  func.func @transform_8(%arg0: i32, %arg1: i32) -> (i32, i32) {
    %c0_i32 = arith.constant 0 : i32
    %c0_i32_0 = arith.constant 0 : i32
    %c0_i32_1 = arith.constant 0 : i32
    return %c0_i32, %c0_i32_0 : i32, i32
  }
  func.func @transform_9(%arg0: i32, %arg1: i32) -> (i32, i32) {
    %c0_i32 = arith.constant 0 : i32
    %c0_i32_0 = arith.constant 0 : i32
    %c0_i32_1 = arith.constant 0 : i32
    return %c0_i32, %c0_i32_0 : i32, i32
  }
  func.func @transform_10(%arg0: i32, %arg1: i32) -> (i32, i32, i32) {
    %c0_i32 = arith.constant 0 : i32
    %c0_i32_0 = arith.constant 0 : i32
    return %arg0, %arg1, %c0_i32 : i32, i32, i32
  }
}

module attributes {stable_mosaic.version = 14 : i64} {
  func.func @_fp_body(%arg0: i32, %arg1: i32, %arg2: memref<1x64x3xf32, #tpu.memory_space<vmem>>, %arg3: memref<1x3x16xf32, #tpu.memory_space<vmem>>, %arg4: memref<1x16x512xf32, #tpu.memory_space<vmem>>, %arg5: memref<1x64x256xf32, #tpu.memory_space<vmem>>, %arg6: memref<768x256xf32, #tpu.memory_space<vmem>>, %arg7: memref<1x256xf32, #tpu.memory_space<vmem>>, %arg8: memref<256x256xf32, #tpu.memory_space<vmem>>, %arg9: memref<1x256xf32, #tpu.memory_space<vmem>>, %arg10: memref<1x64x256xf32, #tpu.memory_space<vmem>>) attributes {dimension_semantics = [#tpu.dimension_semantics<arbitrary>, #tpu.dimension_semantics<arbitrary>], iteration_bounds = array<i64: 4, 1>, scalar_prefetch = 0 : i64, scratch_operands = 0 : i64, tpu.core_type = #tpu.core_type<tc>, window_params = [{transform_indices = @transform_0, window_bounds = array<i64: 1, 64, 3>}, {transform_indices = @transform_1, window_bounds = array<i64: 1, 3, 16>}, {transform_indices = @transform_2, window_bounds = array<i64: 1, 16, 512>}, {transform_indices = @transform_3, window_bounds = array<i64: 1, 64, 256>}, {pipeline_mode = #tpu.pipeline_mode<synchronous>, transform_indices = @transform_4, window_bounds = array<i64: 768, 256>}, {pipeline_mode = #tpu.pipeline_mode<synchronous>, transform_indices = @transform_5, window_bounds = array<i64: 1, 256>}, {pipeline_mode = #tpu.pipeline_mode<synchronous>, transform_indices = @transform_6, window_bounds = array<i64: 256, 256>}, {pipeline_mode = #tpu.pipeline_mode<synchronous>, transform_indices = @transform_7, window_bounds = array<i64: 1, 256>}, {transform_indices = @transform_8, window_bounds = array<i64: 1, 64, 256>}]} {
    %get3A = arith.constant 0 : index
    %get3A_0 = arith.constant 0 : index
    %get3A_1 = arith.constant 0 : index
    %get3A_2 = vector.load %arg2[%get3A, %get3A_0, %get3A_1] : memref<1x64x3xf32, #tpu.memory_space<vmem>>, vector<1x64x3xf32>
    %get3A_3 = vector.shape_cast %get3A_2 : vector<1x64x3xf32> to vector<64x3xf32>
    %get3A_4 = arith.constant 0 : index
    %get3A_5 = arith.constant 0 : index
    %get3A_6 = arith.constant 0 : index
    %get3A_7 = vector.load %arg3[%get3A_4, %get3A_5, %get3A_6] : memref<1x3x16xf32, #tpu.memory_space<vmem>>, vector<1x3x16xf32>
    %get3A_8 = vector.shape_cast %get3A_7 : vector<1x3x16xf32> to vector<3x16xf32>
    %get3A_9 = arith.constant 0 : index
    %get3A_10 = arith.constant 0 : index
    %get3A_11 = arith.constant 0 : index
    %get3A_12 = vector.load %arg4[%get3A_9, %get3A_10, %get3A_11] : memref<1x16x512xf32, #tpu.memory_space<vmem>>, vector<1x16x512xf32>
    %get3A_13 = vector.shape_cast %get3A_12 : vector<1x16x512xf32> to vector<16x512xf32>
    %mul3A = arith.mulf %get3A_3, %get3A_3 : vector<64x3xf32>
    %reduce_sum3A = arith.constant dense<0.000000e+00> : vector<64xf32>
    %reduce_sum3A_14 = vector.multi_reduction <add>, %mul3A, %reduce_sum3A [1] : vector<64x3xf32> to vector<64xf32>
    %broadcast_in_dim3A = vector.shape_cast %reduce_sum3A_14 : vector<64xf32> to vector<64x1xf32>
    %mul3A_15 = arith.mulf %get3A_8, %get3A_8 : vector<3x16xf32>
    %reduce_sum3A_16 = arith.constant dense<0.000000e+00> : vector<16xf32>
    %reduce_sum3A_17 = vector.multi_reduction <add>, %mul3A_15, %reduce_sum3A_16 [0] : vector<3x16xf32> to vector<16xf32>
    %broadcast_in_dim3A_18 = vector.shape_cast %reduce_sum3A_17 : vector<16xf32> to vector<1x16xf32>
    %dot_general3A = arith.constant dense<0.000000e+00> : vector<64x16xf32>
    %dot_general3A_19 = tpu.matmul %get3A_3, %get3A_8, %dot_general3A {dimension_numbers = #tpu.dot_dimension_numbers<[1], [0], [0], [1], [0, 0, 1, 1], [], []>, transpose_lhs_hint = false} : vector<64x3xf32>, vector<3x16xf32>, vector<64x16xf32> -> vector<64x16xf32>
    %add3A = vector.broadcast %broadcast_in_dim3A : vector<64x1xf32> to vector<64x16xf32>
    %add3A_20 = vector.broadcast %broadcast_in_dim3A_18 : vector<1x16xf32> to vector<64x16xf32>
    %add3A_21 = arith.addf %add3A, %add3A_20 : vector<64x16xf32>
    %mul3A_22 = arith.constant 2.000000e+00 : f32
    %mul3A_23 = vector.broadcast %mul3A_22 : f32 to vector<64x16xf32>
    %mul3A_24 = arith.mulf %mul3A_23, %dot_general3A_19 : vector<64x16xf32>
    %sub3A = arith.subf %add3A_21, %mul3A_24 : vector<64x16xf32>
    %iota3A = tpu.iota {dimensions = array<i32: 1>} : vector<64x16xi32>
    %broadcast_in_dim3A_25 = arith.constant 0.000000e+00 : f32
    %broadcast_in_dim3A_26 = vector.broadcast %broadcast_in_dim3A_25 : f32 to vector<64x1xf32>
    %broadcast_in_dim3A_27 = arith.constant 0.000000e+00 : f32
    %broadcast_in_dim3A_28 = vector.broadcast %broadcast_in_dim3A_27 : f32 to vector<64x16xf32>
    %reduce_min3A = arith.constant dense<0x7F800000> : vector<64xf32>
    %reduce_min3A_29 = vector.multi_reduction <minimumf>, %sub3A, %reduce_min3A [1] : vector<64x16xf32> to vector<64xf32>
    %broadcast_in_dim3A_30 = vector.shape_cast %reduce_min3A_29 : vector<64xf32> to vector<64x1xf32>
    %eq3A = vector.broadcast %broadcast_in_dim3A_30 : vector<64x1xf32> to vector<64x16xf32>
    %eq3A_31 = arith.cmpf oeq, %sub3A, %eq3A : vector<64x16xf32>
    %jit3A = arith.constant 16 : i32
    %broadcast_in_dim3A_32 = vector.broadcast %jit3A : i32 to vector<64x16xi32>
    %select_n3A = arith.select %eq3A_31, %iota3A, %broadcast_in_dim3A_32 : vector<64x16xi1>, vector<64x16xi32>
    %reduce_min3A_33 = arith.constant dense<2147483647> : vector<64xi32>
    %reduce_min3A_34 = vector.multi_reduction <minsi>, %select_n3A, %reduce_min3A_33 [1] : vector<64x16xi32> to vector<64xi32>
    %broadcast_in_dim3A_35 = vector.shape_cast %reduce_min3A_34 : vector<64xi32> to vector<64x1xi32>
    %eq3A_36 = vector.broadcast %broadcast_in_dim3A_35 : vector<64x1xi32> to vector<64x16xi32>
    %eq3A_37 = arith.cmpi eq, %iota3A, %eq3A_36 : vector<64x16xi32>
    %add3A_38 = arith.constant 9.99999993E-9 : f32
    %add3A_39 = vector.broadcast %add3A_38 : f32 to vector<64x1xf32>
    %add3A_40 = arith.addf %broadcast_in_dim3A_30, %add3A_39 : vector<64x1xf32>
    %div3A = arith.constant 1.000000e+00 : f32
    %div3A_41 = vector.broadcast %div3A : f32 to vector<64x1xf32>
    %div3A_42 = arith.divf %div3A_41, %add3A_40 : vector<64x1xf32>
    %add3A_43 = arith.addf %broadcast_in_dim3A_26, %div3A_42 : vector<64x1xf32>
    %jit3A_44 = arith.constant 0.000000e+00 : f32
    %broadcast_in_dim3A_45 = vector.shape_cast %div3A_42 : vector<64x1xf32> to vector<64x1xf32>
    %broadcast_in_dim3A_46 = vector.broadcast %broadcast_in_dim3A_45 : vector<64x1xf32> to vector<64x16xf32>
    %broadcast_in_dim3A_47 = vector.broadcast %jit3A_44 : f32 to vector<64x16xf32>
    %select_n3A_48 = arith.select %eq3A_37, %broadcast_in_dim3A_46, %broadcast_in_dim3A_47 : vector<64x16xi1>, vector<64x16xf32>
    %add3A_49 = arith.addf %broadcast_in_dim3A_28, %select_n3A_48 : vector<64x16xf32>
    %jit3A_50 = arith.constant 0x7F800000 : f32
    %broadcast_in_dim3A_51 = vector.broadcast %jit3A_50 : f32 to vector<64x16xf32>
    %select_n3A_52 = arith.select %eq3A_37, %broadcast_in_dim3A_51, %sub3A : vector<64x16xi1>, vector<64x16xf32>
    %reduce_min3A_53 = arith.constant dense<0x7F800000> : vector<64xf32>
    %reduce_min3A_54 = vector.multi_reduction <minimumf>, %select_n3A_52, %reduce_min3A_53 [1] : vector<64x16xf32> to vector<64xf32>
    %broadcast_in_dim3A_55 = vector.shape_cast %reduce_min3A_54 : vector<64xf32> to vector<64x1xf32>
    %eq3A_56 = vector.broadcast %broadcast_in_dim3A_55 : vector<64x1xf32> to vector<64x16xf32>
    %eq3A_57 = arith.cmpf oeq, %select_n3A_52, %eq3A_56 : vector<64x16xf32>
    %jit3A_58 = arith.constant 16 : i32
    %broadcast_in_dim3A_59 = vector.broadcast %jit3A_58 : i32 to vector<64x16xi32>
    %select_n3A_60 = arith.select %eq3A_57, %iota3A, %broadcast_in_dim3A_59 : vector<64x16xi1>, vector<64x16xi32>
    %reduce_min3A_61 = arith.constant dense<2147483647> : vector<64xi32>
    %reduce_min3A_62 = vector.multi_reduction <minsi>, %select_n3A_60, %reduce_min3A_61 [1] : vector<64x16xi32> to vector<64xi32>
    %broadcast_in_dim3A_63 = vector.shape_cast %reduce_min3A_62 : vector<64xi32> to vector<64x1xi32>
    %eq3A_64 = vector.broadcast %broadcast_in_dim3A_63 : vector<64x1xi32> to vector<64x16xi32>
    %eq3A_65 = arith.cmpi eq, %iota3A, %eq3A_64 : vector<64x16xi32>
    %add3A_66 = arith.constant 9.99999993E-9 : f32
    %add3A_67 = vector.broadcast %add3A_66 : f32 to vector<64x1xf32>
    %add3A_68 = arith.addf %broadcast_in_dim3A_55, %add3A_67 : vector<64x1xf32>
    %div3A_69 = arith.constant 1.000000e+00 : f32
    %div3A_70 = vector.broadcast %div3A_69 : f32 to vector<64x1xf32>
    %div3A_71 = arith.divf %div3A_70, %add3A_68 : vector<64x1xf32>
    %add3A_72 = arith.addf %add3A_43, %div3A_71 : vector<64x1xf32>
    %jit3A_73 = arith.constant 0.000000e+00 : f32
    %broadcast_in_dim3A_74 = vector.shape_cast %div3A_71 : vector<64x1xf32> to vector<64x1xf32>
    %broadcast_in_dim3A_75 = vector.broadcast %broadcast_in_dim3A_74 : vector<64x1xf32> to vector<64x16xf32>
    %broadcast_in_dim3A_76 = vector.broadcast %jit3A_73 : f32 to vector<64x16xf32>
    %select_n3A_77 = arith.select %eq3A_65, %broadcast_in_dim3A_75, %broadcast_in_dim3A_76 : vector<64x16xi1>, vector<64x16xf32>
    %add3A_78 = arith.addf %add3A_49, %select_n3A_77 : vector<64x16xf32>
    %jit3A_79 = arith.constant 0x7F800000 : f32
    %broadcast_in_dim3A_80 = vector.broadcast %jit3A_79 : f32 to vector<64x16xf32>
    %select_n3A_81 = arith.select %eq3A_65, %broadcast_in_dim3A_80, %select_n3A_52 : vector<64x16xi1>, vector<64x16xf32>
    %reduce_min3A_82 = arith.constant dense<0x7F800000> : vector<64xf32>
    %reduce_min3A_83 = vector.multi_reduction <minimumf>, %select_n3A_81, %reduce_min3A_82 [1] : vector<64x16xf32> to vector<64xf32>
    %broadcast_in_dim3A_84 = vector.shape_cast %reduce_min3A_83 : vector<64xf32> to vector<64x1xf32>
    %eq3A_85 = vector.broadcast %broadcast_in_dim3A_84 : vector<64x1xf32> to vector<64x16xf32>
    %eq3A_86 = arith.cmpf oeq, %select_n3A_81, %eq3A_85 : vector<64x16xf32>
    %jit3A_87 = arith.constant 16 : i32
    %broadcast_in_dim3A_88 = vector.broadcast %jit3A_87 : i32 to vector<64x16xi32>
    %select_n3A_89 = arith.select %eq3A_86, %iota3A, %broadcast_in_dim3A_88 : vector<64x16xi1>, vector<64x16xi32>
    %reduce_min3A_90 = arith.constant dense<2147483647> : vector<64xi32>
    %reduce_min3A_91 = vector.multi_reduction <minsi>, %select_n3A_89, %reduce_min3A_90 [1] : vector<64x16xi32> to vector<64xi32>
    %broadcast_in_dim3A_92 = vector.shape_cast %reduce_min3A_91 : vector<64xi32> to vector<64x1xi32>
    %eq3A_93 = vector.broadcast %broadcast_in_dim3A_92 : vector<64x1xi32> to vector<64x16xi32>
    %eq3A_94 = arith.cmpi eq, %iota3A, %eq3A_93 : vector<64x16xi32>
    %add3A_95 = arith.constant 9.99999993E-9 : f32
    %add3A_96 = vector.broadcast %add3A_95 : f32 to vector<64x1xf32>
    %add3A_97 = arith.addf %broadcast_in_dim3A_84, %add3A_96 : vector<64x1xf32>
    %div3A_98 = arith.constant 1.000000e+00 : f32
    %div3A_99 = vector.broadcast %div3A_98 : f32 to vector<64x1xf32>
    %div3A_100 = arith.divf %div3A_99, %add3A_97 : vector<64x1xf32>
    %add3A_101 = arith.addf %add3A_72, %div3A_100 : vector<64x1xf32>
    %jit3A_102 = arith.constant 0.000000e+00 : f32
    %broadcast_in_dim3A_103 = vector.shape_cast %div3A_100 : vector<64x1xf32> to vector<64x1xf32>
    %broadcast_in_dim3A_104 = vector.broadcast %broadcast_in_dim3A_103 : vector<64x1xf32> to vector<64x16xf32>
    %broadcast_in_dim3A_105 = vector.broadcast %jit3A_102 : f32 to vector<64x16xf32>
    %select_n3A_106 = arith.select %eq3A_94, %broadcast_in_dim3A_104, %broadcast_in_dim3A_105 : vector<64x16xi1>, vector<64x16xf32>
    %add3A_107 = arith.addf %add3A_78, %select_n3A_106 : vector<64x16xf32>
    %div3A_108 = vector.broadcast %add3A_101 : vector<64x1xf32> to vector<64x16xf32>
    %div3A_109 = arith.divf %add3A_107, %div3A_108 : vector<64x16xf32>
    %dot_general3A_110 = arith.constant dense<0.000000e+00> : vector<64x512xf32>
    %dot_general3A_111 = tpu.matmul %div3A_109, %get3A_13, %dot_general3A_110 {dimension_numbers = #tpu.dot_dimension_numbers<[1], [0], [0], [1], [0, 0, 1, 1], [], []>, precision = #tpu.contract_precision<fp32>, transpose_lhs_hint = false} : vector<64x16xf32>, vector<16x512xf32>, vector<64x512xf32> -> vector<64x512xf32>
    %get3A_112 = arith.constant 0 : index
    %get3A_113 = arith.constant 0 : index
    %get3A_114 = arith.constant 0 : index
    %get3A_115 = vector.load %arg5[%get3A_112, %get3A_113, %get3A_114] : memref<1x64x256xf32, #tpu.memory_space<vmem>>, vector<1x64x256xf32>
    %get3A_116 = vector.shape_cast %get3A_115 : vector<1x64x256xf32> to vector<64x256xf32>
    %concatenate3A = tpu.concatenate %get3A_116, %dot_general3A_111 in 1 : vector<64x256xf32>, vector<64x512xf32> -> vector<64x768xf32>
    %get3A_117 = arith.constant 0 : index
    %get3A_118 = arith.constant 0 : index
    %get3A_119 = vector.load %arg6[%get3A_117, %get3A_118] : memref<768x256xf32, #tpu.memory_space<vmem>>, vector<768x256xf32>
    %get3A_120 = arith.constant 0 : index
    %get3A_121 = arith.constant 0 : index
    %get3A_122 = vector.load %arg7[%get3A_120, %get3A_121] : memref<1x256xf32, #tpu.memory_space<vmem>>, vector<1x256xf32>
    %dot_general3A_123 = arith.constant dense<0.000000e+00> : vector<64x256xf32>
    %dot_general3A_124 = tpu.matmul %concatenate3A, %get3A_119, %dot_general3A_123 {dimension_numbers = #tpu.dot_dimension_numbers<[1], [0], [0], [1], [0, 0, 1, 1], [], []>, transpose_lhs_hint = false} : vector<64x768xf32>, vector<768x256xf32>, vector<64x256xf32> -> vector<64x256xf32>
    %add3A_125 = vector.broadcast %get3A_122 : vector<1x256xf32> to vector<64x256xf32>
    %add3A_126 = arith.addf %dot_general3A_124, %add3A_125 : vector<64x256xf32>
    %max3A = arith.constant 0.000000e+00 : f32
    %max3A_127 = vector.broadcast %max3A : f32 to vector<64x256xf32>
    %max3A_128 = arith.maximumf %add3A_126, %max3A_127 : vector<64x256xf32>
    %get3A_129 = arith.constant 0 : index
    %get3A_130 = arith.constant 0 : index
    %get3A_131 = vector.load %arg8[%get3A_129, %get3A_130] : memref<256x256xf32, #tpu.memory_space<vmem>>, vector<256x256xf32>
    %get3A_132 = arith.constant 0 : index
    %get3A_133 = arith.constant 0 : index
    %get3A_134 = vector.load %arg9[%get3A_132, %get3A_133] : memref<1x256xf32, #tpu.memory_space<vmem>>, vector<1x256xf32>
    %dot_general3A_135 = arith.constant dense<0.000000e+00> : vector<64x256xf32>
    %dot_general3A_136 = tpu.matmul %max3A_128, %get3A_131, %dot_general3A_135 {dimension_numbers = #tpu.dot_dimension_numbers<[1], [0], [0], [1], [0, 0, 1, 1], [], []>, transpose_lhs_hint = false} : vector<64x256xf32>, vector<256x256xf32>, vector<64x256xf32> -> vector<64x256xf32>
    %add3A_137 = vector.broadcast %get3A_134 : vector<1x256xf32> to vector<64x256xf32>
    %add3A_138 = arith.addf %dot_general3A_136, %add3A_137 : vector<64x256xf32>
    %max3A_139 = arith.constant 0.000000e+00 : f32
    %max3A_140 = vector.broadcast %max3A_139 : f32 to vector<64x256xf32>
    %max3A_141 = arith.maximumf %add3A_138, %max3A_140 : vector<64x256xf32>
    %swap3A = arith.constant 0 : index
    %swap3A_142 = arith.constant 0 : index
    %swap3A_143 = arith.constant 0 : index
    %swap3A_144 = vector.load %arg10[%swap3A, %swap3A_142, %swap3A_143] : memref<1x64x256xf32, #tpu.memory_space<vmem>>, vector<1x64x256xf32>
    %swap3A_145 = vector.shape_cast %swap3A_144 : vector<1x64x256xf32> to vector<64x256xf32>
    %swap3A_146 = vector.shape_cast %max3A_141 : vector<64x256xf32> to vector<1x64x256xf32>
    tpu.vector_store %arg10[%swap3A, %swap3A_142, %swap3A_143], %swap3A_146 {strides = array<i32>} : memref<1x64x256xf32, #tpu.memory_space<vmem>>, vector<1x64x256xf32>,
    return
  }
  func.func @transform_0(%arg0: i32, %arg1: i32) -> (i32, i32, i32) {
    %c0_i32 = arith.constant 0 : i32
    %c0_i32_0 = arith.constant 0 : i32
    return %arg0, %arg1, %c0_i32 : i32, i32, i32
  }
  func.func @transform_1(%arg0: i32, %arg1: i32) -> (i32, i32, i32) {
    %c0_i32 = arith.constant 0 : i32
    %c0_i32_0 = arith.constant 0 : i32
    %c0_i32_1 = arith.constant 0 : i32
    return %arg0, %c0_i32, %c0_i32_0 : i32, i32, i32
  }
  func.func @transform_2(%arg0: i32, %arg1: i32) -> (i32, i32, i32) {
    %c0_i32 = arith.constant 0 : i32
    %c0_i32_0 = arith.constant 0 : i32
    %c0_i32_1 = arith.constant 0 : i32
    return %arg0, %c0_i32, %c0_i32_0 : i32, i32, i32
  }
  func.func @transform_3(%arg0: i32, %arg1: i32) -> (i32, i32, i32) {
    %c0_i32 = arith.constant 0 : i32
    %c0_i32_0 = arith.constant 0 : i32
    return %arg0, %arg1, %c0_i32 : i32, i32, i32
  }
  func.func @transform_4(%arg0: i32, %arg1: i32) -> (i32, i32) {
    %c0_i32 = arith.constant 0 : i32
    %c0_i32_0 = arith.constant 0 : i32
    %c0_i32_1 = arith.constant 0 : i32
    return %c0_i32, %c0_i32_0 : i32, i32
  }
  func.func @transform_5(%arg0: i32, %arg1: i32) -> (i32, i32) {
    %c0_i32 = arith.constant 0 : i32
    %c0_i32_0 = arith.constant 0 : i32
    %c0_i32_1 = arith.constant 0 : i32
    return %c0_i32, %c0_i32_0 : i32, i32
  }
  func.func @transform_6(%arg0: i32, %arg1: i32) -> (i32, i32) {
    %c0_i32 = arith.constant 0 : i32
    %c0_i32_0 = arith.constant 0 : i32
    %c0_i32_1 = arith.constant 0 : i32
    return %c0_i32, %c0_i32_0 : i32, i32
  }
  func.func @transform_7(%arg0: i32, %arg1: i32) -> (i32, i32) {
    %c0_i32 = arith.constant 0 : i32
    %c0_i32_0 = arith.constant 0 : i32
    %c0_i32_1 = arith.constant 0 : i32
    return %c0_i32, %c0_i32_0 : i32, i32
  }
  func.func @transform_8(%arg0: i32, %arg1: i32) -> (i32, i32, i32) {
    %c0_i32 = arith.constant 0 : i32
    %c0_i32_0 = arith.constant 0 : i32
    return %arg0, %arg1, %c0_i32 : i32, i32, i32
  }
}

module attributes {stable_mosaic.version = 14 : i64} {
  func.func @_fp_body(%arg0: i32, %arg1: i32, %arg2: memref<1x256x3xf32, #tpu.memory_space<vmem>>, %arg3: memref<1x3x64xf32, #tpu.memory_space<vmem>>, %arg4: memref<1x64x256xf32, #tpu.memory_space<vmem>>, %arg5: memref<1x256x128xf32, #tpu.memory_space<vmem>>, %arg6: memref<384x256xf32, #tpu.memory_space<vmem>>, %arg7: memref<1x256xf32, #tpu.memory_space<vmem>>, %arg8: memref<256x256xf32, #tpu.memory_space<vmem>>, %arg9: memref<1x256xf32, #tpu.memory_space<vmem>>, %arg10: memref<1x256x256xf32, #tpu.memory_space<vmem>>) attributes {dimension_semantics = [#tpu.dimension_semantics<arbitrary>, #tpu.dimension_semantics<arbitrary>], iteration_bounds = array<i64: 4, 1>, scalar_prefetch = 0 : i64, scratch_operands = 0 : i64, tpu.core_type = #tpu.core_type<tc>, window_params = [{transform_indices = @transform_0, window_bounds = array<i64: 1, 256, 3>}, {transform_indices = @transform_1, window_bounds = array<i64: 1, 3, 64>}, {transform_indices = @transform_2, window_bounds = array<i64: 1, 64, 256>}, {transform_indices = @transform_3, window_bounds = array<i64: 1, 256, 128>}, {pipeline_mode = #tpu.pipeline_mode<synchronous>, transform_indices = @transform_4, window_bounds = array<i64: 384, 256>}, {pipeline_mode = #tpu.pipeline_mode<synchronous>, transform_indices = @transform_5, window_bounds = array<i64: 1, 256>}, {pipeline_mode = #tpu.pipeline_mode<synchronous>, transform_indices = @transform_6, window_bounds = array<i64: 256, 256>}, {pipeline_mode = #tpu.pipeline_mode<synchronous>, transform_indices = @transform_7, window_bounds = array<i64: 1, 256>}, {transform_indices = @transform_8, window_bounds = array<i64: 1, 256, 256>}]} {
    %get3A = arith.constant 0 : index
    %get3A_0 = arith.constant 0 : index
    %get3A_1 = arith.constant 0 : index
    %get3A_2 = vector.load %arg2[%get3A, %get3A_0, %get3A_1] : memref<1x256x3xf32, #tpu.memory_space<vmem>>, vector<1x256x3xf32>
    %get3A_3 = vector.shape_cast %get3A_2 : vector<1x256x3xf32> to vector<256x3xf32>
    %get3A_4 = arith.constant 0 : index
    %get3A_5 = arith.constant 0 : index
    %get3A_6 = arith.constant 0 : index
    %get3A_7 = vector.load %arg3[%get3A_4, %get3A_5, %get3A_6] : memref<1x3x64xf32, #tpu.memory_space<vmem>>, vector<1x3x64xf32>
    %get3A_8 = vector.shape_cast %get3A_7 : vector<1x3x64xf32> to vector<3x64xf32>
    %get3A_9 = arith.constant 0 : index
    %get3A_10 = arith.constant 0 : index
    %get3A_11 = arith.constant 0 : index
    %get3A_12 = vector.load %arg4[%get3A_9, %get3A_10, %get3A_11] : memref<1x64x256xf32, #tpu.memory_space<vmem>>, vector<1x64x256xf32>
    %get3A_13 = vector.shape_cast %get3A_12 : vector<1x64x256xf32> to vector<64x256xf32>
    %mul3A = arith.mulf %get3A_3, %get3A_3 : vector<256x3xf32>
    %reduce_sum3A = arith.constant dense<0.000000e+00> : vector<256xf32>
    %reduce_sum3A_14 = vector.multi_reduction <add>, %mul3A, %reduce_sum3A [1] : vector<256x3xf32> to vector<256xf32>
    %broadcast_in_dim3A = vector.shape_cast %reduce_sum3A_14 : vector<256xf32> to vector<256x1xf32>
    %mul3A_15 = arith.mulf %get3A_8, %get3A_8 : vector<3x64xf32>
    %reduce_sum3A_16 = arith.constant dense<0.000000e+00> : vector<64xf32>
    %reduce_sum3A_17 = vector.multi_reduction <add>, %mul3A_15, %reduce_sum3A_16 [0] : vector<3x64xf32> to vector<64xf32>
    %broadcast_in_dim3A_18 = vector.shape_cast %reduce_sum3A_17 : vector<64xf32> to vector<1x64xf32>
    %dot_general3A = arith.constant dense<0.000000e+00> : vector<256x64xf32>
    %dot_general3A_19 = tpu.matmul %get3A_3, %get3A_8, %dot_general3A {dimension_numbers = #tpu.dot_dimension_numbers<[1], [0], [0], [1], [0, 0, 1, 1], [], []>, transpose_lhs_hint = false} : vector<256x3xf32>, vector<3x64xf32>, vector<256x64xf32> -> vector<256x64xf32>
    %add3A = vector.broadcast %broadcast_in_dim3A : vector<256x1xf32> to vector<256x64xf32>
    %add3A_20 = vector.broadcast %broadcast_in_dim3A_18 : vector<1x64xf32> to vector<256x64xf32>
    %add3A_21 = arith.addf %add3A, %add3A_20 : vector<256x64xf32>
    %mul3A_22 = arith.constant 2.000000e+00 : f32
    %mul3A_23 = vector.broadcast %mul3A_22 : f32 to vector<256x64xf32>
    %mul3A_24 = arith.mulf %mul3A_23, %dot_general3A_19 : vector<256x64xf32>
    %sub3A = arith.subf %add3A_21, %mul3A_24 : vector<256x64xf32>
    %iota3A = tpu.iota {dimensions = array<i32: 1>} : vector<256x64xi32>
    %broadcast_in_dim3A_25 = arith.constant 0.000000e+00 : f32
    %broadcast_in_dim3A_26 = vector.broadcast %broadcast_in_dim3A_25 : f32 to vector<256x1xf32>
    %broadcast_in_dim3A_27 = arith.constant 0.000000e+00 : f32
    %broadcast_in_dim3A_28 = vector.broadcast %broadcast_in_dim3A_27 : f32 to vector<256x64xf32>
    %reduce_min3A = arith.constant dense<0x7F800000> : vector<256xf32>
    %reduce_min3A_29 = vector.multi_reduction <minimumf>, %sub3A, %reduce_min3A [1] : vector<256x64xf32> to vector<256xf32>
    %broadcast_in_dim3A_30 = vector.shape_cast %reduce_min3A_29 : vector<256xf32> to vector<256x1xf32>
    %eq3A = vector.broadcast %broadcast_in_dim3A_30 : vector<256x1xf32> to vector<256x64xf32>
    %eq3A_31 = arith.cmpf oeq, %sub3A, %eq3A : vector<256x64xf32>
    %jit3A = arith.constant 64 : i32
    %broadcast_in_dim3A_32 = vector.broadcast %jit3A : i32 to vector<256x64xi32>
    %select_n3A = arith.select %eq3A_31, %iota3A, %broadcast_in_dim3A_32 : vector<256x64xi1>, vector<256x64xi32>
    %reduce_min3A_33 = arith.constant dense<2147483647> : vector<256xi32>
    %reduce_min3A_34 = vector.multi_reduction <minsi>, %select_n3A, %reduce_min3A_33 [1] : vector<256x64xi32> to vector<256xi32>
    %broadcast_in_dim3A_35 = vector.shape_cast %reduce_min3A_34 : vector<256xi32> to vector<256x1xi32>
    %eq3A_36 = vector.broadcast %broadcast_in_dim3A_35 : vector<256x1xi32> to vector<256x64xi32>
    %eq3A_37 = arith.cmpi eq, %iota3A, %eq3A_36 : vector<256x64xi32>
    %add3A_38 = arith.constant 9.99999993E-9 : f32
    %add3A_39 = vector.broadcast %add3A_38 : f32 to vector<256x1xf32>
    %add3A_40 = arith.addf %broadcast_in_dim3A_30, %add3A_39 : vector<256x1xf32>
    %div3A = arith.constant 1.000000e+00 : f32
    %div3A_41 = vector.broadcast %div3A : f32 to vector<256x1xf32>
    %div3A_42 = arith.divf %div3A_41, %add3A_40 : vector<256x1xf32>
    %add3A_43 = arith.addf %broadcast_in_dim3A_26, %div3A_42 : vector<256x1xf32>
    %jit3A_44 = arith.constant 0.000000e+00 : f32
    %broadcast_in_dim3A_45 = vector.shape_cast %div3A_42 : vector<256x1xf32> to vector<256x1xf32>
    %broadcast_in_dim3A_46 = vector.broadcast %broadcast_in_dim3A_45 : vector<256x1xf32> to vector<256x64xf32>
    %broadcast_in_dim3A_47 = vector.broadcast %jit3A_44 : f32 to vector<256x64xf32>
    %select_n3A_48 = arith.select %eq3A_37, %broadcast_in_dim3A_46, %broadcast_in_dim3A_47 : vector<256x64xi1>, vector<256x64xf32>
    %add3A_49 = arith.addf %broadcast_in_dim3A_28, %select_n3A_48 : vector<256x64xf32>
    %jit3A_50 = arith.constant 0x7F800000 : f32
    %broadcast_in_dim3A_51 = vector.broadcast %jit3A_50 : f32 to vector<256x64xf32>
    %select_n3A_52 = arith.select %eq3A_37, %broadcast_in_dim3A_51, %sub3A : vector<256x64xi1>, vector<256x64xf32>
    %reduce_min3A_53 = arith.constant dense<0x7F800000> : vector<256xf32>
    %reduce_min3A_54 = vector.multi_reduction <minimumf>, %select_n3A_52, %reduce_min3A_53 [1] : vector<256x64xf32> to vector<256xf32>
    %broadcast_in_dim3A_55 = vector.shape_cast %reduce_min3A_54 : vector<256xf32> to vector<256x1xf32>
    %eq3A_56 = vector.broadcast %broadcast_in_dim3A_55 : vector<256x1xf32> to vector<256x64xf32>
    %eq3A_57 = arith.cmpf oeq, %select_n3A_52, %eq3A_56 : vector<256x64xf32>
    %jit3A_58 = arith.constant 64 : i32
    %broadcast_in_dim3A_59 = vector.broadcast %jit3A_58 : i32 to vector<256x64xi32>
    %select_n3A_60 = arith.select %eq3A_57, %iota3A, %broadcast_in_dim3A_59 : vector<256x64xi1>, vector<256x64xi32>
    %reduce_min3A_61 = arith.constant dense<2147483647> : vector<256xi32>
    %reduce_min3A_62 = vector.multi_reduction <minsi>, %select_n3A_60, %reduce_min3A_61 [1] : vector<256x64xi32> to vector<256xi32>
    %broadcast_in_dim3A_63 = vector.shape_cast %reduce_min3A_62 : vector<256xi32> to vector<256x1xi32>
    %eq3A_64 = vector.broadcast %broadcast_in_dim3A_63 : vector<256x1xi32> to vector<256x64xi32>
    %eq3A_65 = arith.cmpi eq, %iota3A, %eq3A_64 : vector<256x64xi32>
    %add3A_66 = arith.constant 9.99999993E-9 : f32
    %add3A_67 = vector.broadcast %add3A_66 : f32 to vector<256x1xf32>
    %add3A_68 = arith.addf %broadcast_in_dim3A_55, %add3A_67 : vector<256x1xf32>
    %div3A_69 = arith.constant 1.000000e+00 : f32
    %div3A_70 = vector.broadcast %div3A_69 : f32 to vector<256x1xf32>
    %div3A_71 = arith.divf %div3A_70, %add3A_68 : vector<256x1xf32>
    %add3A_72 = arith.addf %add3A_43, %div3A_71 : vector<256x1xf32>
    %jit3A_73 = arith.constant 0.000000e+00 : f32
    %broadcast_in_dim3A_74 = vector.shape_cast %div3A_71 : vector<256x1xf32> to vector<256x1xf32>
    %broadcast_in_dim3A_75 = vector.broadcast %broadcast_in_dim3A_74 : vector<256x1xf32> to vector<256x64xf32>
    %broadcast_in_dim3A_76 = vector.broadcast %jit3A_73 : f32 to vector<256x64xf32>
    %select_n3A_77 = arith.select %eq3A_65, %broadcast_in_dim3A_75, %broadcast_in_dim3A_76 : vector<256x64xi1>, vector<256x64xf32>
    %add3A_78 = arith.addf %add3A_49, %select_n3A_77 : vector<256x64xf32>
    %jit3A_79 = arith.constant 0x7F800000 : f32
    %broadcast_in_dim3A_80 = vector.broadcast %jit3A_79 : f32 to vector<256x64xf32>
    %select_n3A_81 = arith.select %eq3A_65, %broadcast_in_dim3A_80, %select_n3A_52 : vector<256x64xi1>, vector<256x64xf32>
    %reduce_min3A_82 = arith.constant dense<0x7F800000> : vector<256xf32>
    %reduce_min3A_83 = vector.multi_reduction <minimumf>, %select_n3A_81, %reduce_min3A_82 [1] : vector<256x64xf32> to vector<256xf32>
    %broadcast_in_dim3A_84 = vector.shape_cast %reduce_min3A_83 : vector<256xf32> to vector<256x1xf32>
    %eq3A_85 = vector.broadcast %broadcast_in_dim3A_84 : vector<256x1xf32> to vector<256x64xf32>
    %eq3A_86 = arith.cmpf oeq, %select_n3A_81, %eq3A_85 : vector<256x64xf32>
    %jit3A_87 = arith.constant 64 : i32
    %broadcast_in_dim3A_88 = vector.broadcast %jit3A_87 : i32 to vector<256x64xi32>
    %select_n3A_89 = arith.select %eq3A_86, %iota3A, %broadcast_in_dim3A_88 : vector<256x64xi1>, vector<256x64xi32>
    %reduce_min3A_90 = arith.constant dense<2147483647> : vector<256xi32>
    %reduce_min3A_91 = vector.multi_reduction <minsi>, %select_n3A_89, %reduce_min3A_90 [1] : vector<256x64xi32> to vector<256xi32>
    %broadcast_in_dim3A_92 = vector.shape_cast %reduce_min3A_91 : vector<256xi32> to vector<256x1xi32>
    %eq3A_93 = vector.broadcast %broadcast_in_dim3A_92 : vector<256x1xi32> to vector<256x64xi32>
    %eq3A_94 = arith.cmpi eq, %iota3A, %eq3A_93 : vector<256x64xi32>
    %add3A_95 = arith.constant 9.99999993E-9 : f32
    %add3A_96 = vector.broadcast %add3A_95 : f32 to vector<256x1xf32>
    %add3A_97 = arith.addf %broadcast_in_dim3A_84, %add3A_96 : vector<256x1xf32>
    %div3A_98 = arith.constant 1.000000e+00 : f32
    %div3A_99 = vector.broadcast %div3A_98 : f32 to vector<256x1xf32>
    %div3A_100 = arith.divf %div3A_99, %add3A_97 : vector<256x1xf32>
    %add3A_101 = arith.addf %add3A_72, %div3A_100 : vector<256x1xf32>
    %jit3A_102 = arith.constant 0.000000e+00 : f32
    %broadcast_in_dim3A_103 = vector.shape_cast %div3A_100 : vector<256x1xf32> to vector<256x1xf32>
    %broadcast_in_dim3A_104 = vector.broadcast %broadcast_in_dim3A_103 : vector<256x1xf32> to vector<256x64xf32>
    %broadcast_in_dim3A_105 = vector.broadcast %jit3A_102 : f32 to vector<256x64xf32>
    %select_n3A_106 = arith.select %eq3A_94, %broadcast_in_dim3A_104, %broadcast_in_dim3A_105 : vector<256x64xi1>, vector<256x64xf32>
    %add3A_107 = arith.addf %add3A_78, %select_n3A_106 : vector<256x64xf32>
    %div3A_108 = vector.broadcast %add3A_101 : vector<256x1xf32> to vector<256x64xf32>
    %div3A_109 = arith.divf %add3A_107, %div3A_108 : vector<256x64xf32>
    %dot_general3A_110 = arith.constant dense<0.000000e+00> : vector<256x256xf32>
    %dot_general3A_111 = tpu.matmul %div3A_109, %get3A_13, %dot_general3A_110 {dimension_numbers = #tpu.dot_dimension_numbers<[1], [0], [0], [1], [0, 0, 1, 1], [], []>, precision = #tpu.contract_precision<fp32>, transpose_lhs_hint = false} : vector<256x64xf32>, vector<64x256xf32>, vector<256x256xf32> -> vector<256x256xf32>
    %get3A_112 = arith.constant 0 : index
    %get3A_113 = arith.constant 0 : index
    %get3A_114 = arith.constant 0 : index
    %get3A_115 = vector.load %arg5[%get3A_112, %get3A_113, %get3A_114] : memref<1x256x128xf32, #tpu.memory_space<vmem>>, vector<1x256x128xf32>
    %get3A_116 = vector.shape_cast %get3A_115 : vector<1x256x128xf32> to vector<256x128xf32>
    %concatenate3A = tpu.concatenate %get3A_116, %dot_general3A_111 in 1 : vector<256x128xf32>, vector<256x256xf32> -> vector<256x384xf32>
    %get3A_117 = arith.constant 0 : index
    %get3A_118 = arith.constant 0 : index
    %get3A_119 = vector.load %arg6[%get3A_117, %get3A_118] : memref<384x256xf32, #tpu.memory_space<vmem>>, vector<384x256xf32>
    %get3A_120 = arith.constant 0 : index
    %get3A_121 = arith.constant 0 : index
    %get3A_122 = vector.load %arg7[%get3A_120, %get3A_121] : memref<1x256xf32, #tpu.memory_space<vmem>>, vector<1x256xf32>
    %dot_general3A_123 = arith.constant dense<0.000000e+00> : vector<256x256xf32>
    %dot_general3A_124 = tpu.matmul %concatenate3A, %get3A_119, %dot_general3A_123 {dimension_numbers = #tpu.dot_dimension_numbers<[1], [0], [0], [1], [0, 0, 1, 1], [], []>, transpose_lhs_hint = false} : vector<256x384xf32>, vector<384x256xf32>, vector<256x256xf32> -> vector<256x256xf32>
    %add3A_125 = vector.broadcast %get3A_122 : vector<1x256xf32> to vector<256x256xf32>
    %add3A_126 = arith.addf %dot_general3A_124, %add3A_125 : vector<256x256xf32>
    %max3A = arith.constant 0.000000e+00 : f32
    %max3A_127 = vector.broadcast %max3A : f32 to vector<256x256xf32>
    %max3A_128 = arith.maximumf %add3A_126, %max3A_127 : vector<256x256xf32>
    %get3A_129 = arith.constant 0 : index
    %get3A_130 = arith.constant 0 : index
    %get3A_131 = vector.load %arg8[%get3A_129, %get3A_130] : memref<256x256xf32, #tpu.memory_space<vmem>>, vector<256x256xf32>
    %get3A_132 = arith.constant 0 : index
    %get3A_133 = arith.constant 0 : index
    %get3A_134 = vector.load %arg9[%get3A_132, %get3A_133] : memref<1x256xf32, #tpu.memory_space<vmem>>, vector<1x256xf32>
    %dot_general3A_135 = arith.constant dense<0.000000e+00> : vector<256x256xf32>
    %dot_general3A_136 = tpu.matmul %max3A_128, %get3A_131, %dot_general3A_135 {dimension_numbers = #tpu.dot_dimension_numbers<[1], [0], [0], [1], [0, 0, 1, 1], [], []>, transpose_lhs_hint = false} : vector<256x256xf32>, vector<256x256xf32>, vector<256x256xf32> -> vector<256x256xf32>
    %add3A_137 = vector.broadcast %get3A_134 : vector<1x256xf32> to vector<256x256xf32>
    %add3A_138 = arith.addf %dot_general3A_136, %add3A_137 : vector<256x256xf32>
    %max3A_139 = arith.constant 0.000000e+00 : f32
    %max3A_140 = vector.broadcast %max3A_139 : f32 to vector<256x256xf32>
    %max3A_141 = arith.maximumf %add3A_138, %max3A_140 : vector<256x256xf32>
    %swap3A = arith.constant 0 : index
    %swap3A_142 = arith.constant 0 : index
    %swap3A_143 = arith.constant 0 : index
    %swap3A_144 = vector.load %arg10[%swap3A, %swap3A_142, %swap3A_143] : memref<1x256x256xf32, #tpu.memory_space<vmem>>, vector<1x256x256xf32>
    %swap3A_145 = vector.shape_cast %swap3A_144 : vector<1x256x256xf32> to vector<256x256xf32>
    %swap3A_146 = vector.shape_cast %max3A_141 : vector<256x256xf32> to vector<1x256x256xf32>
    tpu.vector_store %arg10[%swap3A, %swap3A_142, %swap3A_143], %swap3A_146 {strides = array<i32>} : memref<1x256x256xf32, #tpu.memory_space<vmem>>, vector<1x256x256xf32>,
    return
  }
  func.func @transform_0(%arg0: i32, %arg1: i32) -> (i32, i32, i32) {
    %c0_i32 = arith.constant 0 : i32
    %c0_i32_0 = arith.constant 0 : i32
    return %arg0, %arg1, %c0_i32 : i32, i32, i32
  }
  func.func @transform_1(%arg0: i32, %arg1: i32) -> (i32, i32, i32) {
    %c0_i32 = arith.constant 0 : i32
    %c0_i32_0 = arith.constant 0 : i32
    %c0_i32_1 = arith.constant 0 : i32
    return %arg0, %c0_i32, %c0_i32_0 : i32, i32, i32
  }
  func.func @transform_2(%arg0: i32, %arg1: i32) -> (i32, i32, i32) {
    %c0_i32 = arith.constant 0 : i32
    %c0_i32_0 = arith.constant 0 : i32
    %c0_i32_1 = arith.constant 0 : i32
    return %arg0, %c0_i32, %c0_i32_0 : i32, i32, i32
  }
  func.func @transform_3(%arg0: i32, %arg1: i32) -> (i32, i32, i32) {
    %c0_i32 = arith.constant 0 : i32
    %c0_i32_0 = arith.constant 0 : i32
    return %arg0, %arg1, %c0_i32 : i32, i32, i32
  }
  func.func @transform_4(%arg0: i32, %arg1: i32) -> (i32, i32) {
    %c0_i32 = arith.constant 0 : i32
    %c0_i32_0 = arith.constant 0 : i32
    %c0_i32_1 = arith.constant 0 : i32
    return %c0_i32, %c0_i32_0 : i32, i32
  }
  func.func @transform_5(%arg0: i32, %arg1: i32) -> (i32, i32) {
    %c0_i32 = arith.constant 0 : i32
    %c0_i32_0 = arith.constant 0 : i32
    %c0_i32_1 = arith.constant 0 : i32
    return %c0_i32, %c0_i32_0 : i32, i32
  }
  func.func @transform_6(%arg0: i32, %arg1: i32) -> (i32, i32) {
    %c0_i32 = arith.constant 0 : i32
    %c0_i32_0 = arith.constant 0 : i32
    %c0_i32_1 = arith.constant 0 : i32
    return %c0_i32, %c0_i32_0 : i32, i32
  }
  func.func @transform_7(%arg0: i32, %arg1: i32) -> (i32, i32) {
    %c0_i32 = arith.constant 0 : i32
    %c0_i32_0 = arith.constant 0 : i32
    %c0_i32_1 = arith.constant 0 : i32
    return %c0_i32, %c0_i32_0 : i32, i32
  }
  func.func @transform_8(%arg0: i32, %arg1: i32) -> (i32, i32, i32) {
    %c0_i32 = arith.constant 0 : i32
    %c0_i32_0 = arith.constant 0 : i32
    return %arg0, %arg1, %c0_i32 : i32, i32, i32
  }
}

module attributes {stable_mosaic.version = 14 : i64} {
  func.func @_fp_body(%arg0: i32, %arg1: i32, %arg2: memref<1x1024x3xf32, #tpu.memory_space<vmem>>, %arg3: memref<1x3x256xf32, #tpu.memory_space<vmem>>, %arg4: memref<1x256x256xf32, #tpu.memory_space<vmem>>, %arg5: memref<1x1024x64xf32, #tpu.memory_space<vmem>>, %arg6: memref<320x256xf32, #tpu.memory_space<vmem>>, %arg7: memref<1x256xf32, #tpu.memory_space<vmem>>, %arg8: memref<256x128xf32, #tpu.memory_space<vmem>>, %arg9: memref<1x128xf32, #tpu.memory_space<vmem>>, %arg10: memref<1x1024x128xf32, #tpu.memory_space<vmem>>) attributes {dimension_semantics = [#tpu.dimension_semantics<arbitrary>, #tpu.dimension_semantics<arbitrary>], iteration_bounds = array<i64: 4, 1>, scalar_prefetch = 0 : i64, scratch_operands = 0 : i64, tpu.core_type = #tpu.core_type<tc>, window_params = [{transform_indices = @transform_0, window_bounds = array<i64: 1, 1024, 3>}, {transform_indices = @transform_1, window_bounds = array<i64: 1, 3, 256>}, {transform_indices = @transform_2, window_bounds = array<i64: 1, 256, 256>}, {transform_indices = @transform_3, window_bounds = array<i64: 1, 1024, 64>}, {pipeline_mode = #tpu.pipeline_mode<synchronous>, transform_indices = @transform_4, window_bounds = array<i64: 320, 256>}, {pipeline_mode = #tpu.pipeline_mode<synchronous>, transform_indices = @transform_5, window_bounds = array<i64: 1, 256>}, {pipeline_mode = #tpu.pipeline_mode<synchronous>, transform_indices = @transform_6, window_bounds = array<i64: 256, 128>}, {pipeline_mode = #tpu.pipeline_mode<synchronous>, transform_indices = @transform_7, window_bounds = array<i64: 1, 128>}, {transform_indices = @transform_8, window_bounds = array<i64: 1, 1024, 128>}]} {
    %get3A = arith.constant 0 : index
    %get3A_0 = arith.constant 0 : index
    %get3A_1 = arith.constant 0 : index
    %get3A_2 = vector.load %arg2[%get3A, %get3A_0, %get3A_1] : memref<1x1024x3xf32, #tpu.memory_space<vmem>>, vector<1x1024x3xf32>
    %get3A_3 = vector.shape_cast %get3A_2 : vector<1x1024x3xf32> to vector<1024x3xf32>
    %get3A_4 = arith.constant 0 : index
    %get3A_5 = arith.constant 0 : index
    %get3A_6 = arith.constant 0 : index
    %get3A_7 = vector.load %arg3[%get3A_4, %get3A_5, %get3A_6] : memref<1x3x256xf32, #tpu.memory_space<vmem>>, vector<1x3x256xf32>
    %get3A_8 = vector.shape_cast %get3A_7 : vector<1x3x256xf32> to vector<3x256xf32>
    %get3A_9 = arith.constant 0 : index
    %get3A_10 = arith.constant 0 : index
    %get3A_11 = arith.constant 0 : index
    %get3A_12 = vector.load %arg4[%get3A_9, %get3A_10, %get3A_11] : memref<1x256x256xf32, #tpu.memory_space<vmem>>, vector<1x256x256xf32>
    %get3A_13 = vector.shape_cast %get3A_12 : vector<1x256x256xf32> to vector<256x256xf32>
    %mul3A = arith.mulf %get3A_3, %get3A_3 : vector<1024x3xf32>
    %reduce_sum3A = arith.constant dense<0.000000e+00> : vector<1024xf32>
    %reduce_sum3A_14 = vector.multi_reduction <add>, %mul3A, %reduce_sum3A [1] : vector<1024x3xf32> to vector<1024xf32>
    %broadcast_in_dim3A = vector.shape_cast %reduce_sum3A_14 : vector<1024xf32> to vector<1024x1xf32>
    %mul3A_15 = arith.mulf %get3A_8, %get3A_8 : vector<3x256xf32>
    %reduce_sum3A_16 = arith.constant dense<0.000000e+00> : vector<256xf32>
    %reduce_sum3A_17 = vector.multi_reduction <add>, %mul3A_15, %reduce_sum3A_16 [0] : vector<3x256xf32> to vector<256xf32>
    %broadcast_in_dim3A_18 = vector.shape_cast %reduce_sum3A_17 : vector<256xf32> to vector<1x256xf32>
    %dot_general3A = arith.constant dense<0.000000e+00> : vector<1024x256xf32>
    %dot_general3A_19 = tpu.matmul %get3A_3, %get3A_8, %dot_general3A {dimension_numbers = #tpu.dot_dimension_numbers<[1], [0], [0], [1], [0, 0, 1, 1], [], []>, transpose_lhs_hint = false} : vector<1024x3xf32>, vector<3x256xf32>, vector<1024x256xf32> -> vector<1024x256xf32>
    %add3A = vector.broadcast %broadcast_in_dim3A : vector<1024x1xf32> to vector<1024x256xf32>
    %add3A_20 = vector.broadcast %broadcast_in_dim3A_18 : vector<1x256xf32> to vector<1024x256xf32>
    %add3A_21 = arith.addf %add3A, %add3A_20 : vector<1024x256xf32>
    %mul3A_22 = arith.constant 2.000000e+00 : f32
    %mul3A_23 = vector.broadcast %mul3A_22 : f32 to vector<1024x256xf32>
    %mul3A_24 = arith.mulf %mul3A_23, %dot_general3A_19 : vector<1024x256xf32>
    %sub3A = arith.subf %add3A_21, %mul3A_24 : vector<1024x256xf32>
    %iota3A = tpu.iota {dimensions = array<i32: 1>} : vector<1024x256xi32>
    %broadcast_in_dim3A_25 = arith.constant 0.000000e+00 : f32
    %broadcast_in_dim3A_26 = vector.broadcast %broadcast_in_dim3A_25 : f32 to vector<1024x1xf32>
    %broadcast_in_dim3A_27 = arith.constant 0.000000e+00 : f32
    %broadcast_in_dim3A_28 = vector.broadcast %broadcast_in_dim3A_27 : f32 to vector<1024x256xf32>
    %reduce_min3A = arith.constant dense<0x7F800000> : vector<1024xf32>
    %reduce_min3A_29 = vector.multi_reduction <minimumf>, %sub3A, %reduce_min3A [1] : vector<1024x256xf32> to vector<1024xf32>
    %broadcast_in_dim3A_30 = vector.shape_cast %reduce_min3A_29 : vector<1024xf32> to vector<1024x1xf32>
    %eq3A = vector.broadcast %broadcast_in_dim3A_30 : vector<1024x1xf32> to vector<1024x256xf32>
    %eq3A_31 = arith.cmpf oeq, %sub3A, %eq3A : vector<1024x256xf32>
    %jit3A = arith.constant 256 : i32
    %broadcast_in_dim3A_32 = vector.broadcast %jit3A : i32 to vector<1024x256xi32>
    %select_n3A = arith.select %eq3A_31, %iota3A, %broadcast_in_dim3A_32 : vector<1024x256xi1>, vector<1024x256xi32>
    %reduce_min3A_33 = arith.constant dense<2147483647> : vector<1024xi32>
    %reduce_min3A_34 = vector.multi_reduction <minsi>, %select_n3A, %reduce_min3A_33 [1] : vector<1024x256xi32> to vector<1024xi32>
    %broadcast_in_dim3A_35 = vector.shape_cast %reduce_min3A_34 : vector<1024xi32> to vector<1024x1xi32>
    %eq3A_36 = vector.broadcast %broadcast_in_dim3A_35 : vector<1024x1xi32> to vector<1024x256xi32>
    %eq3A_37 = arith.cmpi eq, %iota3A, %eq3A_36 : vector<1024x256xi32>
    %add3A_38 = arith.constant 9.99999993E-9 : f32
    %add3A_39 = vector.broadcast %add3A_38 : f32 to vector<1024x1xf32>
    %add3A_40 = arith.addf %broadcast_in_dim3A_30, %add3A_39 : vector<1024x1xf32>
    %div3A = arith.constant 1.000000e+00 : f32
    %div3A_41 = vector.broadcast %div3A : f32 to vector<1024x1xf32>
    %div3A_42 = arith.divf %div3A_41, %add3A_40 : vector<1024x1xf32>
    %add3A_43 = arith.addf %broadcast_in_dim3A_26, %div3A_42 : vector<1024x1xf32>
    %jit3A_44 = arith.constant 0.000000e+00 : f32
    %broadcast_in_dim3A_45 = vector.shape_cast %div3A_42 : vector<1024x1xf32> to vector<1024x1xf32>
    %broadcast_in_dim3A_46 = vector.broadcast %broadcast_in_dim3A_45 : vector<1024x1xf32> to vector<1024x256xf32>
    %broadcast_in_dim3A_47 = vector.broadcast %jit3A_44 : f32 to vector<1024x256xf32>
    %select_n3A_48 = arith.select %eq3A_37, %broadcast_in_dim3A_46, %broadcast_in_dim3A_47 : vector<1024x256xi1>, vector<1024x256xf32>
    %add3A_49 = arith.addf %broadcast_in_dim3A_28, %select_n3A_48 : vector<1024x256xf32>
    %jit3A_50 = arith.constant 0x7F800000 : f32
    %broadcast_in_dim3A_51 = vector.broadcast %jit3A_50 : f32 to vector<1024x256xf32>
    %select_n3A_52 = arith.select %eq3A_37, %broadcast_in_dim3A_51, %sub3A : vector<1024x256xi1>, vector<1024x256xf32>
    %reduce_min3A_53 = arith.constant dense<0x7F800000> : vector<1024xf32>
    %reduce_min3A_54 = vector.multi_reduction <minimumf>, %select_n3A_52, %reduce_min3A_53 [1] : vector<1024x256xf32> to vector<1024xf32>
    %broadcast_in_dim3A_55 = vector.shape_cast %reduce_min3A_54 : vector<1024xf32> to vector<1024x1xf32>
    %eq3A_56 = vector.broadcast %broadcast_in_dim3A_55 : vector<1024x1xf32> to vector<1024x256xf32>
    %eq3A_57 = arith.cmpf oeq, %select_n3A_52, %eq3A_56 : vector<1024x256xf32>
    %jit3A_58 = arith.constant 256 : i32
    %broadcast_in_dim3A_59 = vector.broadcast %jit3A_58 : i32 to vector<1024x256xi32>
    %select_n3A_60 = arith.select %eq3A_57, %iota3A, %broadcast_in_dim3A_59 : vector<1024x256xi1>, vector<1024x256xi32>
    %reduce_min3A_61 = arith.constant dense<2147483647> : vector<1024xi32>
    %reduce_min3A_62 = vector.multi_reduction <minsi>, %select_n3A_60, %reduce_min3A_61 [1] : vector<1024x256xi32> to vector<1024xi32>
    %broadcast_in_dim3A_63 = vector.shape_cast %reduce_min3A_62 : vector<1024xi32> to vector<1024x1xi32>
    %eq3A_64 = vector.broadcast %broadcast_in_dim3A_63 : vector<1024x1xi32> to vector<1024x256xi32>
    %eq3A_65 = arith.cmpi eq, %iota3A, %eq3A_64 : vector<1024x256xi32>
    %add3A_66 = arith.constant 9.99999993E-9 : f32
    %add3A_67 = vector.broadcast %add3A_66 : f32 to vector<1024x1xf32>
    %add3A_68 = arith.addf %broadcast_in_dim3A_55, %add3A_67 : vector<1024x1xf32>
    %div3A_69 = arith.constant 1.000000e+00 : f32
    %div3A_70 = vector.broadcast %div3A_69 : f32 to vector<1024x1xf32>
    %div3A_71 = arith.divf %div3A_70, %add3A_68 : vector<1024x1xf32>
    %add3A_72 = arith.addf %add3A_43, %div3A_71 : vector<1024x1xf32>
    %jit3A_73 = arith.constant 0.000000e+00 : f32
    %broadcast_in_dim3A_74 = vector.shape_cast %div3A_71 : vector<1024x1xf32> to vector<1024x1xf32>
    %broadcast_in_dim3A_75 = vector.broadcast %broadcast_in_dim3A_74 : vector<1024x1xf32> to vector<1024x256xf32>
    %broadcast_in_dim3A_76 = vector.broadcast %jit3A_73 : f32 to vector<1024x256xf32>
    %select_n3A_77 = arith.select %eq3A_65, %broadcast_in_dim3A_75, %broadcast_in_dim3A_76 : vector<1024x256xi1>, vector<1024x256xf32>
    %add3A_78 = arith.addf %add3A_49, %select_n3A_77 : vector<1024x256xf32>
    %jit3A_79 = arith.constant 0x7F800000 : f32
    %broadcast_in_dim3A_80 = vector.broadcast %jit3A_79 : f32 to vector<1024x256xf32>
    %select_n3A_81 = arith.select %eq3A_65, %broadcast_in_dim3A_80, %select_n3A_52 : vector<1024x256xi1>, vector<1024x256xf32>
    %reduce_min3A_82 = arith.constant dense<0x7F800000> : vector<1024xf32>
    %reduce_min3A_83 = vector.multi_reduction <minimumf>, %select_n3A_81, %reduce_min3A_82 [1] : vector<1024x256xf32> to vector<1024xf32>
    %broadcast_in_dim3A_84 = vector.shape_cast %reduce_min3A_83 : vector<1024xf32> to vector<1024x1xf32>
    %eq3A_85 = vector.broadcast %broadcast_in_dim3A_84 : vector<1024x1xf32> to vector<1024x256xf32>
    %eq3A_86 = arith.cmpf oeq, %select_n3A_81, %eq3A_85 : vector<1024x256xf32>
    %jit3A_87 = arith.constant 256 : i32
    %broadcast_in_dim3A_88 = vector.broadcast %jit3A_87 : i32 to vector<1024x256xi32>
    %select_n3A_89 = arith.select %eq3A_86, %iota3A, %broadcast_in_dim3A_88 : vector<1024x256xi1>, vector<1024x256xi32>
    %reduce_min3A_90 = arith.constant dense<2147483647> : vector<1024xi32>
    %reduce_min3A_91 = vector.multi_reduction <minsi>, %select_n3A_89, %reduce_min3A_90 [1] : vector<1024x256xi32> to vector<1024xi32>
    %broadcast_in_dim3A_92 = vector.shape_cast %reduce_min3A_91 : vector<1024xi32> to vector<1024x1xi32>
    %eq3A_93 = vector.broadcast %broadcast_in_dim3A_92 : vector<1024x1xi32> to vector<1024x256xi32>
    %eq3A_94 = arith.cmpi eq, %iota3A, %eq3A_93 : vector<1024x256xi32>
    %add3A_95 = arith.constant 9.99999993E-9 : f32
    %add3A_96 = vector.broadcast %add3A_95 : f32 to vector<1024x1xf32>
    %add3A_97 = arith.addf %broadcast_in_dim3A_84, %add3A_96 : vector<1024x1xf32>
    %div3A_98 = arith.constant 1.000000e+00 : f32
    %div3A_99 = vector.broadcast %div3A_98 : f32 to vector<1024x1xf32>
    %div3A_100 = arith.divf %div3A_99, %add3A_97 : vector<1024x1xf32>
    %add3A_101 = arith.addf %add3A_72, %div3A_100 : vector<1024x1xf32>
    %jit3A_102 = arith.constant 0.000000e+00 : f32
    %broadcast_in_dim3A_103 = vector.shape_cast %div3A_100 : vector<1024x1xf32> to vector<1024x1xf32>
    %broadcast_in_dim3A_104 = vector.broadcast %broadcast_in_dim3A_103 : vector<1024x1xf32> to vector<1024x256xf32>
    %broadcast_in_dim3A_105 = vector.broadcast %jit3A_102 : f32 to vector<1024x256xf32>
    %select_n3A_106 = arith.select %eq3A_94, %broadcast_in_dim3A_104, %broadcast_in_dim3A_105 : vector<1024x256xi1>, vector<1024x256xf32>
    %add3A_107 = arith.addf %add3A_78, %select_n3A_106 : vector<1024x256xf32>
    %div3A_108 = vector.broadcast %add3A_101 : vector<1024x1xf32> to vector<1024x256xf32>
    %div3A_109 = arith.divf %add3A_107, %div3A_108 : vector<1024x256xf32>
    %dot_general3A_110 = arith.constant dense<0.000000e+00> : vector<1024x256xf32>
    %dot_general3A_111 = tpu.matmul %div3A_109, %get3A_13, %dot_general3A_110 {dimension_numbers = #tpu.dot_dimension_numbers<[1], [0], [0], [1], [0, 0, 1, 1], [], []>, precision = #tpu.contract_precision<fp32>, transpose_lhs_hint = false} : vector<1024x256xf32>, vector<256x256xf32>, vector<1024x256xf32> -> vector<1024x256xf32>
    %get3A_112 = arith.constant 0 : index
    %get3A_113 = arith.constant 0 : index
    %get3A_114 = arith.constant 0 : index
    %get3A_115 = vector.load %arg5[%get3A_112, %get3A_113, %get3A_114] : memref<1x1024x64xf32, #tpu.memory_space<vmem>>, vector<1x1024x64xf32>
    %get3A_116 = vector.shape_cast %get3A_115 : vector<1x1024x64xf32> to vector<1024x64xf32>
    %concatenate3A = tpu.concatenate %get3A_116, %dot_general3A_111 in 1 : vector<1024x64xf32>, vector<1024x256xf32> -> vector<1024x320xf32>
    %get3A_117 = arith.constant 0 : index
    %get3A_118 = arith.constant 0 : index
    %get3A_119 = vector.load %arg6[%get3A_117, %get3A_118] : memref<320x256xf32, #tpu.memory_space<vmem>>, vector<320x256xf32>
    %get3A_120 = arith.constant 0 : index
    %get3A_121 = arith.constant 0 : index
    %get3A_122 = vector.load %arg7[%get3A_120, %get3A_121] : memref<1x256xf32, #tpu.memory_space<vmem>>, vector<1x256xf32>
    %dot_general3A_123 = arith.constant dense<0.000000e+00> : vector<1024x256xf32>
    %dot_general3A_124 = tpu.matmul %concatenate3A, %get3A_119, %dot_general3A_123 {dimension_numbers = #tpu.dot_dimension_numbers<[1], [0], [0], [1], [0, 0, 1, 1], [], []>, transpose_lhs_hint = false} : vector<1024x320xf32>, vector<320x256xf32>, vector<1024x256xf32> -> vector<1024x256xf32>
    %add3A_125 = vector.broadcast %get3A_122 : vector<1x256xf32> to vector<1024x256xf32>
    %add3A_126 = arith.addf %dot_general3A_124, %add3A_125 : vector<1024x256xf32>
    %max3A = arith.constant 0.000000e+00 : f32
    %max3A_127 = vector.broadcast %max3A : f32 to vector<1024x256xf32>
    %max3A_128 = arith.maximumf %add3A_126, %max3A_127 : vector<1024x256xf32>
    %get3A_129 = arith.constant 0 : index
    %get3A_130 = arith.constant 0 : index
    %get3A_131 = vector.load %arg8[%get3A_129, %get3A_130] : memref<256x128xf32, #tpu.memory_space<vmem>>, vector<256x128xf32>
    %get3A_132 = arith.constant 0 : index
    %get3A_133 = arith.constant 0 : index
    %get3A_134 = vector.load %arg9[%get3A_132, %get3A_133] : memref<1x128xf32, #tpu.memory_space<vmem>>, vector<1x128xf32>
    %dot_general3A_135 = arith.constant dense<0.000000e+00> : vector<1024x128xf32>
    %dot_general3A_136 = tpu.matmul %max3A_128, %get3A_131, %dot_general3A_135 {dimension_numbers = #tpu.dot_dimension_numbers<[1], [0], [0], [1], [0, 0, 1, 1], [], []>, transpose_lhs_hint = false} : vector<1024x256xf32>, vector<256x128xf32>, vector<1024x128xf32> -> vector<1024x128xf32>
    %add3A_137 = vector.broadcast %get3A_134 : vector<1x128xf32> to vector<1024x128xf32>
    %add3A_138 = arith.addf %dot_general3A_136, %add3A_137 : vector<1024x128xf32>
    %max3A_139 = arith.constant 0.000000e+00 : f32
    %max3A_140 = vector.broadcast %max3A_139 : f32 to vector<1024x128xf32>
    %max3A_141 = arith.maximumf %add3A_138, %max3A_140 : vector<1024x128xf32>
    %swap3A = arith.constant 0 : index
    %swap3A_142 = arith.constant 0 : index
    %swap3A_143 = arith.constant 0 : index
    %swap3A_144 = vector.load %arg10[%swap3A, %swap3A_142, %swap3A_143] : memref<1x1024x128xf32, #tpu.memory_space<vmem>>, vector<1x1024x128xf32>
    %swap3A_145 = vector.shape_cast %swap3A_144 : vector<1x1024x128xf32> to vector<1024x128xf32>
    %swap3A_146 = vector.shape_cast %max3A_141 : vector<1024x128xf32> to vector<1x1024x128xf32>
    tpu.vector_store %arg10[%swap3A, %swap3A_142, %swap3A_143], %swap3A_146 {strides = array<i32>} : memref<1x1024x128xf32, #tpu.memory_space<vmem>>, vector<1x1024x128xf32>,
    return
  }
  func.func @transform_0(%arg0: i32, %arg1: i32) -> (i32, i32, i32) {
    %c0_i32 = arith.constant 0 : i32
    %c0_i32_0 = arith.constant 0 : i32
    return %arg0, %arg1, %c0_i32 : i32, i32, i32
  }
  func.func @transform_1(%arg0: i32, %arg1: i32) -> (i32, i32, i32) {
    %c0_i32 = arith.constant 0 : i32
    %c0_i32_0 = arith.constant 0 : i32
    %c0_i32_1 = arith.constant 0 : i32
    return %arg0, %c0_i32, %c0_i32_0 : i32, i32, i32
  }
  func.func @transform_2(%arg0: i32, %arg1: i32) -> (i32, i32, i32) {
    %c0_i32 = arith.constant 0 : i32
    %c0_i32_0 = arith.constant 0 : i32
    %c0_i32_1 = arith.constant 0 : i32
    return %arg0, %c0_i32, %c0_i32_0 : i32, i32, i32
  }
  func.func @transform_3(%arg0: i32, %arg1: i32) -> (i32, i32, i32) {
    %c0_i32 = arith.constant 0 : i32
    %c0_i32_0 = arith.constant 0 : i32
    return %arg0, %arg1, %c0_i32 : i32, i32, i32
  }
  func.func @transform_4(%arg0: i32, %arg1: i32) -> (i32, i32) {
    %c0_i32 = arith.constant 0 : i32
    %c0_i32_0 = arith.constant 0 : i32
    %c0_i32_1 = arith.constant 0 : i32
    return %c0_i32, %c0_i32_0 : i32, i32
  }
  func.func @transform_5(%arg0: i32, %arg1: i32) -> (i32, i32) {
    %c0_i32 = arith.constant 0 : i32
    %c0_i32_0 = arith.constant 0 : i32
    %c0_i32_1 = arith.constant 0 : i32
    return %c0_i32, %c0_i32_0 : i32, i32
  }
  func.func @transform_6(%arg0: i32, %arg1: i32) -> (i32, i32) {
    %c0_i32 = arith.constant 0 : i32
    %c0_i32_0 = arith.constant 0 : i32
    %c0_i32_1 = arith.constant 0 : i32
    return %c0_i32, %c0_i32_0 : i32, i32
  }
  func.func @transform_7(%arg0: i32, %arg1: i32) -> (i32, i32) {
    %c0_i32 = arith.constant 0 : i32
    %c0_i32_0 = arith.constant 0 : i32
    %c0_i32_1 = arith.constant 0 : i32
    return %c0_i32, %c0_i32_0 : i32, i32
  }
  func.func @transform_8(%arg0: i32, %arg1: i32) -> (i32, i32, i32) {
    %c0_i32 = arith.constant 0 : i32
    %c0_i32_0 = arith.constant 0 : i32
    return %arg0, %arg1, %c0_i32 : i32, i32, i32
  }
}

module attributes {stable_mosaic.version = 14 : i64} {
  func.func @_fp_body(%arg0: i32, %arg1: i32, %arg2: memref<1x512x3xf32, #tpu.memory_space<vmem>>, %arg3: memref<1x3x1024xf32, #tpu.memory_space<vmem>>, %arg4: memref<1x1024x128xf32, #tpu.memory_space<vmem>>, %arg5: memref<128x128xf32, #tpu.memory_space<vmem>>, %arg6: memref<1x128xf32, #tpu.memory_space<vmem>>, %arg7: memref<128x128xf32, #tpu.memory_space<vmem>>, %arg8: memref<1x128xf32, #tpu.memory_space<vmem>>, %arg9: memref<128x128xf32, #tpu.memory_space<vmem>>, %arg10: memref<1x128xf32, #tpu.memory_space<vmem>>, %arg11: memref<128x128xf32, #tpu.memory_space<vmem>>, %arg12: memref<1x128xf32, #tpu.memory_space<vmem>>, %arg13: memref<128x13xf32, #tpu.memory_space<vmem>>, %arg14: memref<1x13xf32, #tpu.memory_space<vmem>>, %arg15: memref<1x512x13xf32, #tpu.memory_space<vmem>>) attributes {dimension_semantics = [#tpu.dimension_semantics<arbitrary>, #tpu.dimension_semantics<arbitrary>], iteration_bounds = array<i64: 4, 8>, scalar_prefetch = 0 : i64, scratch_operands = 0 : i64, tpu.core_type = #tpu.core_type<tc>, window_params = [{transform_indices = @transform_0, window_bounds = array<i64: 1, 512, 3>}, {transform_indices = @transform_1, window_bounds = array<i64: 1, 3, 1024>}, {transform_indices = @transform_2, window_bounds = array<i64: 1, 1024, 128>}, {pipeline_mode = #tpu.pipeline_mode<synchronous>, transform_indices = @transform_3, window_bounds = array<i64: 128, 128>}, {pipeline_mode = #tpu.pipeline_mode<synchronous>, transform_indices = @transform_4, window_bounds = array<i64: 1, 128>}, {pipeline_mode = #tpu.pipeline_mode<synchronous>, transform_indices = @transform_5, window_bounds = array<i64: 128, 128>}, {pipeline_mode = #tpu.pipeline_mode<synchronous>, transform_indices = @transform_6, window_bounds = array<i64: 1, 128>}, {pipeline_mode = #tpu.pipeline_mode<synchronous>, transform_indices = @transform_7, window_bounds = array<i64: 128, 128>}, {pipeline_mode = #tpu.pipeline_mode<synchronous>, transform_indices = @transform_8, window_bounds = array<i64: 1, 128>}, {pipeline_mode = #tpu.pipeline_mode<synchronous>, transform_indices = @transform_9, window_bounds = array<i64: 128, 128>}, {pipeline_mode = #tpu.pipeline_mode<synchronous>, transform_indices = @transform_10, window_bounds = array<i64: 1, 128>}, {pipeline_mode = #tpu.pipeline_mode<synchronous>, transform_indices = @transform_11, window_bounds = array<i64: 128, 13>}, {pipeline_mode = #tpu.pipeline_mode<synchronous>, transform_indices = @transform_12, window_bounds = array<i64: 1, 13>}, {transform_indices = @transform_13, window_bounds = array<i64: 1, 512, 13>}]} {
    %get3A = arith.constant 0 : index
    %get3A_0 = arith.constant 0 : index
    %get3A_1 = arith.constant 0 : index
    %get3A_2 = vector.load %arg2[%get3A, %get3A_0, %get3A_1] : memref<1x512x3xf32, #tpu.memory_space<vmem>>, vector<1x512x3xf32>
    %get3A_3 = vector.shape_cast %get3A_2 : vector<1x512x3xf32> to vector<512x3xf32>
    %get3A_4 = arith.constant 0 : index
    %get3A_5 = arith.constant 0 : index
    %get3A_6 = arith.constant 0 : index
    %get3A_7 = vector.load %arg3[%get3A_4, %get3A_5, %get3A_6] : memref<1x3x1024xf32, #tpu.memory_space<vmem>>, vector<1x3x1024xf32>
    %get3A_8 = vector.shape_cast %get3A_7 : vector<1x3x1024xf32> to vector<3x1024xf32>
    %get3A_9 = arith.constant 0 : index
    %get3A_10 = arith.constant 0 : index
    %get3A_11 = arith.constant 0 : index
    %get3A_12 = vector.load %arg4[%get3A_9, %get3A_10, %get3A_11] : memref<1x1024x128xf32, #tpu.memory_space<vmem>>, vector<1x1024x128xf32>
    %get3A_13 = vector.shape_cast %get3A_12 : vector<1x1024x128xf32> to vector<1024x128xf32>
    %mul3A = arith.mulf %get3A_3, %get3A_3 : vector<512x3xf32>
    %reduce_sum3A = arith.constant dense<0.000000e+00> : vector<512xf32>
    %reduce_sum3A_14 = vector.multi_reduction <add>, %mul3A, %reduce_sum3A [1] : vector<512x3xf32> to vector<512xf32>
    %broadcast_in_dim3A = vector.shape_cast %reduce_sum3A_14 : vector<512xf32> to vector<512x1xf32>
    %mul3A_15 = arith.mulf %get3A_8, %get3A_8 : vector<3x1024xf32>
    %reduce_sum3A_16 = arith.constant dense<0.000000e+00> : vector<1024xf32>
    %reduce_sum3A_17 = vector.multi_reduction <add>, %mul3A_15, %reduce_sum3A_16 [0] : vector<3x1024xf32> to vector<1024xf32>
    %broadcast_in_dim3A_18 = vector.shape_cast %reduce_sum3A_17 : vector<1024xf32> to vector<1x1024xf32>
    %dot_general3A = arith.constant dense<0.000000e+00> : vector<512x1024xf32>
    %dot_general3A_19 = tpu.matmul %get3A_3, %get3A_8, %dot_general3A {dimension_numbers = #tpu.dot_dimension_numbers<[1], [0], [0], [1], [0, 0, 1, 1], [], []>, transpose_lhs_hint = false} : vector<512x3xf32>, vector<3x1024xf32>, vector<512x1024xf32> -> vector<512x1024xf32>
    %add3A = vector.broadcast %broadcast_in_dim3A : vector<512x1xf32> to vector<512x1024xf32>
    %add3A_20 = vector.broadcast %broadcast_in_dim3A_18 : vector<1x1024xf32> to vector<512x1024xf32>
    %add3A_21 = arith.addf %add3A, %add3A_20 : vector<512x1024xf32>
    %mul3A_22 = arith.constant 2.000000e+00 : f32
    %mul3A_23 = vector.broadcast %mul3A_22 : f32 to vector<512x1024xf32>
    %mul3A_24 = arith.mulf %mul3A_23, %dot_general3A_19 : vector<512x1024xf32>
    %sub3A = arith.subf %add3A_21, %mul3A_24 : vector<512x1024xf32>
    %iota3A = tpu.iota {dimensions = array<i32: 1>} : vector<512x1024xi32>
    %broadcast_in_dim3A_25 = arith.constant 0.000000e+00 : f32
    %broadcast_in_dim3A_26 = vector.broadcast %broadcast_in_dim3A_25 : f32 to vector<512x1xf32>
    %broadcast_in_dim3A_27 = arith.constant 0.000000e+00 : f32
    %broadcast_in_dim3A_28 = vector.broadcast %broadcast_in_dim3A_27 : f32 to vector<512x1024xf32>
    %reduce_min3A = arith.constant dense<0x7F800000> : vector<512xf32>
    %reduce_min3A_29 = vector.multi_reduction <minimumf>, %sub3A, %reduce_min3A [1] : vector<512x1024xf32> to vector<512xf32>
    %broadcast_in_dim3A_30 = vector.shape_cast %reduce_min3A_29 : vector<512xf32> to vector<512x1xf32>
    %eq3A = vector.broadcast %broadcast_in_dim3A_30 : vector<512x1xf32> to vector<512x1024xf32>
    %eq3A_31 = arith.cmpf oeq, %sub3A, %eq3A : vector<512x1024xf32>
    %jit3A = arith.constant 1024 : i32
    %broadcast_in_dim3A_32 = vector.broadcast %jit3A : i32 to vector<512x1024xi32>
    %select_n3A = arith.select %eq3A_31, %iota3A, %broadcast_in_dim3A_32 : vector<512x1024xi1>, vector<512x1024xi32>
    %reduce_min3A_33 = arith.constant dense<2147483647> : vector<512xi32>
    %reduce_min3A_34 = vector.multi_reduction <minsi>, %select_n3A, %reduce_min3A_33 [1] : vector<512x1024xi32> to vector<512xi32>
    %broadcast_in_dim3A_35 = vector.shape_cast %reduce_min3A_34 : vector<512xi32> to vector<512x1xi32>
    %eq3A_36 = vector.broadcast %broadcast_in_dim3A_35 : vector<512x1xi32> to vector<512x1024xi32>
    %eq3A_37 = arith.cmpi eq, %iota3A, %eq3A_36 : vector<512x1024xi32>
    %add3A_38 = arith.constant 9.99999993E-9 : f32
    %add3A_39 = vector.broadcast %add3A_38 : f32 to vector<512x1xf32>
    %add3A_40 = arith.addf %broadcast_in_dim3A_30, %add3A_39 : vector<512x1xf32>
    %div3A = arith.constant 1.000000e+00 : f32
    %div3A_41 = vector.broadcast %div3A : f32 to vector<512x1xf32>
    %div3A_42 = arith.divf %div3A_41, %add3A_40 : vector<512x1xf32>
    %add3A_43 = arith.addf %broadcast_in_dim3A_26, %div3A_42 : vector<512x1xf32>
    %jit3A_44 = arith.constant 0.000000e+00 : f32
    %broadcast_in_dim3A_45 = vector.shape_cast %div3A_42 : vector<512x1xf32> to vector<512x1xf32>
    %broadcast_in_dim3A_46 = vector.broadcast %broadcast_in_dim3A_45 : vector<512x1xf32> to vector<512x1024xf32>
    %broadcast_in_dim3A_47 = vector.broadcast %jit3A_44 : f32 to vector<512x1024xf32>
    %select_n3A_48 = arith.select %eq3A_37, %broadcast_in_dim3A_46, %broadcast_in_dim3A_47 : vector<512x1024xi1>, vector<512x1024xf32>
    %add3A_49 = arith.addf %broadcast_in_dim3A_28, %select_n3A_48 : vector<512x1024xf32>
    %jit3A_50 = arith.constant 0x7F800000 : f32
    %broadcast_in_dim3A_51 = vector.broadcast %jit3A_50 : f32 to vector<512x1024xf32>
    %select_n3A_52 = arith.select %eq3A_37, %broadcast_in_dim3A_51, %sub3A : vector<512x1024xi1>, vector<512x1024xf32>
    %reduce_min3A_53 = arith.constant dense<0x7F800000> : vector<512xf32>
    %reduce_min3A_54 = vector.multi_reduction <minimumf>, %select_n3A_52, %reduce_min3A_53 [1] : vector<512x1024xf32> to vector<512xf32>
    %broadcast_in_dim3A_55 = vector.shape_cast %reduce_min3A_54 : vector<512xf32> to vector<512x1xf32>
    %eq3A_56 = vector.broadcast %broadcast_in_dim3A_55 : vector<512x1xf32> to vector<512x1024xf32>
    %eq3A_57 = arith.cmpf oeq, %select_n3A_52, %eq3A_56 : vector<512x1024xf32>
    %jit3A_58 = arith.constant 1024 : i32
    %broadcast_in_dim3A_59 = vector.broadcast %jit3A_58 : i32 to vector<512x1024xi32>
    %select_n3A_60 = arith.select %eq3A_57, %iota3A, %broadcast_in_dim3A_59 : vector<512x1024xi1>, vector<512x1024xi32>
    %reduce_min3A_61 = arith.constant dense<2147483647> : vector<512xi32>
    %reduce_min3A_62 = vector.multi_reduction <minsi>, %select_n3A_60, %reduce_min3A_61 [1] : vector<512x1024xi32> to vector<512xi32>
    %broadcast_in_dim3A_63 = vector.shape_cast %reduce_min3A_62 : vector<512xi32> to vector<512x1xi32>
    %eq3A_64 = vector.broadcast %broadcast_in_dim3A_63 : vector<512x1xi32> to vector<512x1024xi32>
    %eq3A_65 = arith.cmpi eq, %iota3A, %eq3A_64 : vector<512x1024xi32>
    %add3A_66 = arith.constant 9.99999993E-9 : f32
    %add3A_67 = vector.broadcast %add3A_66 : f32 to vector<512x1xf32>
    %add3A_68 = arith.addf %broadcast_in_dim3A_55, %add3A_67 : vector<512x1xf32>
    %div3A_69 = arith.constant 1.000000e+00 : f32
    %div3A_70 = vector.broadcast %div3A_69 : f32 to vector<512x1xf32>
    %div3A_71 = arith.divf %div3A_70, %add3A_68 : vector<512x1xf32>
    %add3A_72 = arith.addf %add3A_43, %div3A_71 : vector<512x1xf32>
    %jit3A_73 = arith.constant 0.000000e+00 : f32
    %broadcast_in_dim3A_74 = vector.shape_cast %div3A_71 : vector<512x1xf32> to vector<512x1xf32>
    %broadcast_in_dim3A_75 = vector.broadcast %broadcast_in_dim3A_74 : vector<512x1xf32> to vector<512x1024xf32>
    %broadcast_in_dim3A_76 = vector.broadcast %jit3A_73 : f32 to vector<512x1024xf32>
    %select_n3A_77 = arith.select %eq3A_65, %broadcast_in_dim3A_75, %broadcast_in_dim3A_76 : vector<512x1024xi1>, vector<512x1024xf32>
    %add3A_78 = arith.addf %add3A_49, %select_n3A_77 : vector<512x1024xf32>
    %jit3A_79 = arith.constant 0x7F800000 : f32
    %broadcast_in_dim3A_80 = vector.broadcast %jit3A_79 : f32 to vector<512x1024xf32>
    %select_n3A_81 = arith.select %eq3A_65, %broadcast_in_dim3A_80, %select_n3A_52 : vector<512x1024xi1>, vector<512x1024xf32>
    %reduce_min3A_82 = arith.constant dense<0x7F800000> : vector<512xf32>
    %reduce_min3A_83 = vector.multi_reduction <minimumf>, %select_n3A_81, %reduce_min3A_82 [1] : vector<512x1024xf32> to vector<512xf32>
    %broadcast_in_dim3A_84 = vector.shape_cast %reduce_min3A_83 : vector<512xf32> to vector<512x1xf32>
    %eq3A_85 = vector.broadcast %broadcast_in_dim3A_84 : vector<512x1xf32> to vector<512x1024xf32>
    %eq3A_86 = arith.cmpf oeq, %select_n3A_81, %eq3A_85 : vector<512x1024xf32>
    %jit3A_87 = arith.constant 1024 : i32
    %broadcast_in_dim3A_88 = vector.broadcast %jit3A_87 : i32 to vector<512x1024xi32>
    %select_n3A_89 = arith.select %eq3A_86, %iota3A, %broadcast_in_dim3A_88 : vector<512x1024xi1>, vector<512x1024xi32>
    %reduce_min3A_90 = arith.constant dense<2147483647> : vector<512xi32>
    %reduce_min3A_91 = vector.multi_reduction <minsi>, %select_n3A_89, %reduce_min3A_90 [1] : vector<512x1024xi32> to vector<512xi32>
    %broadcast_in_dim3A_92 = vector.shape_cast %reduce_min3A_91 : vector<512xi32> to vector<512x1xi32>
    %eq3A_93 = vector.broadcast %broadcast_in_dim3A_92 : vector<512x1xi32> to vector<512x1024xi32>
    %eq3A_94 = arith.cmpi eq, %iota3A, %eq3A_93 : vector<512x1024xi32>
    %add3A_95 = arith.constant 9.99999993E-9 : f32
    %add3A_96 = vector.broadcast %add3A_95 : f32 to vector<512x1xf32>
    %add3A_97 = arith.addf %broadcast_in_dim3A_84, %add3A_96 : vector<512x1xf32>
    %div3A_98 = arith.constant 1.000000e+00 : f32
    %div3A_99 = vector.broadcast %div3A_98 : f32 to vector<512x1xf32>
    %div3A_100 = arith.divf %div3A_99, %add3A_97 : vector<512x1xf32>
    %add3A_101 = arith.addf %add3A_72, %div3A_100 : vector<512x1xf32>
    %jit3A_102 = arith.constant 0.000000e+00 : f32
    %broadcast_in_dim3A_103 = vector.shape_cast %div3A_100 : vector<512x1xf32> to vector<512x1xf32>
    %broadcast_in_dim3A_104 = vector.broadcast %broadcast_in_dim3A_103 : vector<512x1xf32> to vector<512x1024xf32>
    %broadcast_in_dim3A_105 = vector.broadcast %jit3A_102 : f32 to vector<512x1024xf32>
    %select_n3A_106 = arith.select %eq3A_94, %broadcast_in_dim3A_104, %broadcast_in_dim3A_105 : vector<512x1024xi1>, vector<512x1024xf32>
    %add3A_107 = arith.addf %add3A_78, %select_n3A_106 : vector<512x1024xf32>
    %div3A_108 = vector.broadcast %add3A_101 : vector<512x1xf32> to vector<512x1024xf32>
    %div3A_109 = arith.divf %add3A_107, %div3A_108 : vector<512x1024xf32>
    %dot_general3A_110 = arith.constant dense<0.000000e+00> : vector<512x128xf32>
    %dot_general3A_111 = tpu.matmul %div3A_109, %get3A_13, %dot_general3A_110 {dimension_numbers = #tpu.dot_dimension_numbers<[1], [0], [0], [1], [0, 0, 1, 1], [], []>, precision = #tpu.contract_precision<fp32>, transpose_lhs_hint = false} : vector<512x1024xf32>, vector<1024x128xf32>, vector<512x128xf32> -> vector<512x128xf32>
    %get3A_112 = arith.constant 0 : index
    %get3A_113 = arith.constant 0 : index
    %get3A_114 = vector.load %arg5[%get3A_112, %get3A_113] : memref<128x128xf32, #tpu.memory_space<vmem>>, vector<128x128xf32>
    %get3A_115 = arith.constant 0 : index
    %get3A_116 = arith.constant 0 : index
    %get3A_117 = vector.load %arg6[%get3A_115, %get3A_116] : memref<1x128xf32, #tpu.memory_space<vmem>>, vector<1x128xf32>
    %dot_general3A_118 = arith.constant dense<0.000000e+00> : vector<512x128xf32>
    %dot_general3A_119 = tpu.matmul %dot_general3A_111, %get3A_114, %dot_general3A_118 {dimension_numbers = #tpu.dot_dimension_numbers<[1], [0], [0], [1], [0, 0, 1, 1], [], []>, transpose_lhs_hint = false} : vector<512x128xf32>, vector<128x128xf32>, vector<512x128xf32> -> vector<512x128xf32>
    %add3A_120 = vector.broadcast %get3A_117 : vector<1x128xf32> to vector<512x128xf32>
    %add3A_121 = arith.addf %dot_general3A_119, %add3A_120 : vector<512x128xf32>
    %max3A = arith.constant 0.000000e+00 : f32
    %max3A_122 = vector.broadcast %max3A : f32 to vector<512x128xf32>
    %max3A_123 = arith.maximumf %add3A_121, %max3A_122 : vector<512x128xf32>
    %get3A_124 = arith.constant 0 : index
    %get3A_125 = arith.constant 0 : index
    %get3A_126 = vector.load %arg7[%get3A_124, %get3A_125] : memref<128x128xf32, #tpu.memory_space<vmem>>, vector<128x128xf32>
    %get3A_127 = arith.constant 0 : index
    %get3A_128 = arith.constant 0 : index
    %get3A_129 = vector.load %arg8[%get3A_127, %get3A_128] : memref<1x128xf32, #tpu.memory_space<vmem>>, vector<1x128xf32>
    %dot_general3A_130 = arith.constant dense<0.000000e+00> : vector<512x128xf32>
    %dot_general3A_131 = tpu.matmul %max3A_123, %get3A_126, %dot_general3A_130 {dimension_numbers = #tpu.dot_dimension_numbers<[1], [0], [0], [1], [0, 0, 1, 1], [], []>, transpose_lhs_hint = false} : vector<512x128xf32>, vector<128x128xf32>, vector<512x128xf32> -> vector<512x128xf32>
    %add3A_132 = vector.broadcast %get3A_129 : vector<1x128xf32> to vector<512x128xf32>
    %add3A_133 = arith.addf %dot_general3A_131, %add3A_132 : vector<512x128xf32>
    %max3A_134 = arith.constant 0.000000e+00 : f32
    %max3A_135 = vector.broadcast %max3A_134 : f32 to vector<512x128xf32>
    %max3A_136 = arith.maximumf %add3A_133, %max3A_135 : vector<512x128xf32>
    %get3A_137 = arith.constant 0 : index
    %get3A_138 = arith.constant 0 : index
    %get3A_139 = vector.load %arg9[%get3A_137, %get3A_138] : memref<128x128xf32, #tpu.memory_space<vmem>>, vector<128x128xf32>
    %get3A_140 = arith.constant 0 : index
    %get3A_141 = arith.constant 0 : index
    %get3A_142 = vector.load %arg10[%get3A_140, %get3A_141] : memref<1x128xf32, #tpu.memory_space<vmem>>, vector<1x128xf32>
    %dot_general3A_143 = arith.constant dense<0.000000e+00> : vector<512x128xf32>
    %dot_general3A_144 = tpu.matmul %max3A_136, %get3A_139, %dot_general3A_143 {dimension_numbers = #tpu.dot_dimension_numbers<[1], [0], [0], [1], [0, 0, 1, 1], [], []>, transpose_lhs_hint = false} : vector<512x128xf32>, vector<128x128xf32>, vector<512x128xf32> -> vector<512x128xf32>
    %add3A_145 = vector.broadcast %get3A_142 : vector<1x128xf32> to vector<512x128xf32>
    %add3A_146 = arith.addf %dot_general3A_144, %add3A_145 : vector<512x128xf32>
    %max3A_147 = arith.constant 0.000000e+00 : f32
    %max3A_148 = vector.broadcast %max3A_147 : f32 to vector<512x128xf32>
    %max3A_149 = arith.maximumf %add3A_146, %max3A_148 : vector<512x128xf32>
    %get3A_150 = arith.constant 0 : index
    %get3A_151 = arith.constant 0 : index
    %get3A_152 = vector.load %arg11[%get3A_150, %get3A_151] : memref<128x128xf32, #tpu.memory_space<vmem>>, vector<128x128xf32>
    %get3A_153 = arith.constant 0 : index
    %get3A_154 = arith.constant 0 : index
    %get3A_155 = vector.load %arg12[%get3A_153, %get3A_154] : memref<1x128xf32, #tpu.memory_space<vmem>>, vector<1x128xf32>
    %dot_general3A_156 = arith.constant dense<0.000000e+00> : vector<512x128xf32>
    %dot_general3A_157 = tpu.matmul %max3A_149, %get3A_152, %dot_general3A_156 {dimension_numbers = #tpu.dot_dimension_numbers<[1], [0], [0], [1], [0, 0, 1, 1], [], []>, transpose_lhs_hint = false} : vector<512x128xf32>, vector<128x128xf32>, vector<512x128xf32> -> vector<512x128xf32>
    %add3A_158 = vector.broadcast %get3A_155 : vector<1x128xf32> to vector<512x128xf32>
    %add3A_159 = arith.addf %dot_general3A_157, %add3A_158 : vector<512x128xf32>
    %max3A_160 = arith.constant 0.000000e+00 : f32
    %max3A_161 = vector.broadcast %max3A_160 : f32 to vector<512x128xf32>
    %max3A_162 = arith.maximumf %add3A_159, %max3A_161 : vector<512x128xf32>
    %get3A_163 = arith.constant 0 : index
    %get3A_164 = arith.constant 0 : index
    %get3A_165 = vector.load %arg13[%get3A_163, %get3A_164] : memref<128x13xf32, #tpu.memory_space<vmem>>, vector<128x13xf32>
    %get3A_166 = arith.constant 0 : index
    %get3A_167 = arith.constant 0 : index
    %get3A_168 = vector.load %arg14[%get3A_166, %get3A_167] : memref<1x13xf32, #tpu.memory_space<vmem>>, vector<1x13xf32>
    %dot_general3A_169 = arith.constant dense<0.000000e+00> : vector<512x13xf32>
    %dot_general3A_170 = tpu.matmul %max3A_162, %get3A_165, %dot_general3A_169 {dimension_numbers = #tpu.dot_dimension_numbers<[1], [0], [0], [1], [0, 0, 1, 1], [], []>, transpose_lhs_hint = false} : vector<512x128xf32>, vector<128x13xf32>, vector<512x13xf32> -> vector<512x13xf32>
    %add3A_171 = vector.broadcast %get3A_168 : vector<1x13xf32> to vector<512x13xf32>
    %add3A_172 = arith.addf %dot_general3A_170, %add3A_171 : vector<512x13xf32>
    %reduce_max3A = arith.constant dense<0xFF800000> : vector<512xf32>
    %reduce_max3A_173 = vector.multi_reduction <maximumf>, %add3A_172, %reduce_max3A [1] : vector<512x13xf32> to vector<512xf32>
    %broadcast_in_dim3A_174 = vector.shape_cast %reduce_max3A_173 : vector<512xf32> to vector<512x1xf32>
    %sub3A_175 = vector.broadcast %broadcast_in_dim3A_174 : vector<512x1xf32> to vector<512x13xf32>
    %sub3A_176 = arith.subf %add3A_172, %sub3A_175 : vector<512x13xf32>
    %exp3A = math.exp %sub3A_176 : vector<512x13xf32>
    %reduce_sum3A_177 = arith.constant dense<0.000000e+00> : vector<512xf32>
    %reduce_sum3A_178 = vector.multi_reduction <add>, %exp3A, %reduce_sum3A_177 [1] : vector<512x13xf32> to vector<512xf32>
    %broadcast_in_dim3A_179 = vector.shape_cast %reduce_sum3A_178 : vector<512xf32> to vector<512x1xf32>
    %log3A = math.log %broadcast_in_dim3A_179 : vector<512x1xf32>
    %sub3A_180 = vector.broadcast %log3A : vector<512x1xf32> to vector<512x13xf32>
    %sub3A_181 = arith.subf %sub3A_176, %sub3A_180 : vector<512x13xf32>
    %swap3A = arith.constant 0 : index
    %swap3A_182 = arith.constant 0 : index
    %swap3A_183 = arith.constant 0 : index
    %swap3A_184 = vector.load %arg15[%swap3A, %swap3A_182, %swap3A_183] : memref<1x512x13xf32, #tpu.memory_space<vmem>>, vector<1x512x13xf32>
    %swap3A_185 = vector.shape_cast %swap3A_184 : vector<1x512x13xf32> to vector<512x13xf32>
    %swap3A_186 = vector.shape_cast %sub3A_181 : vector<512x13xf32> to vector<1x512x13xf32>
    tpu.vector_store %arg15[%swap3A, %swap3A_182, %swap3A_183], %swap3A_186 {strides = array<i32>} : memref<1x512x13xf32, #tpu.memory_space<vmem>>, vector<1x512x13xf32>,
    return
  }
  func.func @transform_0(%arg0: i32, %arg1: i32) -> (i32, i32, i32) {
    %c0_i32 = arith.constant 0 : i32
    %c0_i32_0 = arith.constant 0 : i32
    return %arg0, %arg1, %c0_i32 : i32, i32, i32
  }
  func.func @transform_1(%arg0: i32, %arg1: i32) -> (i32, i32, i32) {
    %c0_i32 = arith.constant 0 : i32
    %c0_i32_0 = arith.constant 0 : i32
    %c0_i32_1 = arith.constant 0 : i32
    return %arg0, %c0_i32, %c0_i32_0 : i32, i32, i32
  }
  func.func @transform_2(%arg0: i32, %arg1: i32) -> (i32, i32, i32) {
    %c0_i32 = arith.constant 0 : i32
    %c0_i32_0 = arith.constant 0 : i32
    %c0_i32_1 = arith.constant 0 : i32
    return %arg0, %c0_i32, %c0_i32_0 : i32, i32, i32
  }
  func.func @transform_3(%arg0: i32, %arg1: i32) -> (i32, i32) {
    %c0_i32 = arith.constant 0 : i32
    %c0_i32_0 = arith.constant 0 : i32
    %c0_i32_1 = arith.constant 0 : i32
    return %c0_i32, %c0_i32_0 : i32, i32
  }
  func.func @transform_4(%arg0: i32, %arg1: i32) -> (i32, i32) {
    %c0_i32 = arith.constant 0 : i32
    %c0_i32_0 = arith.constant 0 : i32
    %c0_i32_1 = arith.constant 0 : i32
    return %c0_i32, %c0_i32_0 : i32, i32
  }
  func.func @transform_5(%arg0: i32, %arg1: i32) -> (i32, i32) {
    %c0_i32 = arith.constant 0 : i32
    %c0_i32_0 = arith.constant 0 : i32
    %c0_i32_1 = arith.constant 0 : i32
    return %c0_i32, %c0_i32_0 : i32, i32
  }
  func.func @transform_6(%arg0: i32, %arg1: i32) -> (i32, i32) {
    %c0_i32 = arith.constant 0 : i32
    %c0_i32_0 = arith.constant 0 : i32
    %c0_i32_1 = arith.constant 0 : i32
    return %c0_i32, %c0_i32_0 : i32, i32
  }
  func.func @transform_7(%arg0: i32, %arg1: i32) -> (i32, i32) {
    %c0_i32 = arith.constant 0 : i32
    %c0_i32_0 = arith.constant 0 : i32
    %c0_i32_1 = arith.constant 0 : i32
    return %c0_i32, %c0_i32_0 : i32, i32
  }
  func.func @transform_8(%arg0: i32, %arg1: i32) -> (i32, i32) {
    %c0_i32 = arith.constant 0 : i32
    %c0_i32_0 = arith.constant 0 : i32
    %c0_i32_1 = arith.constant 0 : i32
    return %c0_i32, %c0_i32_0 : i32, i32
  }
  func.func @transform_9(%arg0: i32, %arg1: i32) -> (i32, i32) {
    %c0_i32 = arith.constant 0 : i32
    %c0_i32_0 = arith.constant 0 : i32
    %c0_i32_1 = arith.constant 0 : i32
    return %c0_i32, %c0_i32_0 : i32, i32
  }
  func.func @transform_10(%arg0: i32, %arg1: i32) -> (i32, i32) {
    %c0_i32 = arith.constant 0 : i32
    %c0_i32_0 = arith.constant 0 : i32
    %c0_i32_1 = arith.constant 0 : i32
    return %c0_i32, %c0_i32_0 : i32, i32
  }
  func.func @transform_11(%arg0: i32, %arg1: i32) -> (i32, i32) {
    %c0_i32 = arith.constant 0 : i32
    %c0_i32_0 = arith.constant 0 : i32
    %c0_i32_1 = arith.constant 0 : i32
    return %c0_i32, %c0_i32_0 : i32, i32
  }
  func.func @transform_12(%arg0: i32, %arg1: i32) -> (i32, i32) {
    %c0_i32 = arith.constant 0 : i32
    %c0_i32_0 = arith.constant 0 : i32
    %c0_i32_1 = arith.constant 0 : i32
    return %c0_i32, %c0_i32_0 : i32, i32
  }
  func.func @transform_13(%arg0: i32, %arg1: i32) -> (i32, i32, i32) {
    %c0_i32 = arith.constant 0 : i32
    %c0_i32_0 = arith.constant 0 : i32
    return %arg0, %arg1, %c0_i32 : i32, i32, i32
  }
}

</mosaic_0001>

<sc_bundles>
// kernel: kernel.18.cloned.1.call-start
scs
__scs_entry_jumppad:
0x0: {  	(pc) =	sbr.rel $0x88, $3  }
0x1: {  	(tag) =	ssettag $0x0;
	lr =	simm.s32 $0x1  }
0x2: {  	[smem:$0x3F46] =	sst lr;
	_ =	strace $0xD0000000  }
0x3: {  	_ = 	snop  }
0x4: {  	_ = 	snop  }
0x5: {  	_ = 	snop  }
0x6: {  	_ = 	snop  }
0x7: {  	_ = 	snop  }
__scs_overlays_trampoline_lowered:
0x8: {  	[smem:$0x3F55] =	sst s0  }
0x9: {  	[smem:$0x3F56] =	sst s1  }
0xa: {  	[smem:$0x3F57] =	sst s2  }
0xb: {  	[smem:$0x3F58] =	sst s3  }
0xc: {  	[smem:$0x3F59] =	sst s4  }
0xd: {  	[smem:$0x3F5A] =	sst s5  }
0xe: {  	[smem:$0x3F5B] =	sst s6  }
0xf: {  	[smem:$0x3F5C] =	sst s7  }
0x10: {  	[smem:$0x3F5D] =	sst s8  }
0x11: {  	[smem:$0x3F5E] =	sst s9;
	s0 =	simm.s32 @!p0 $0x0  }
0x12: {  	s1 =	sld [smem:$0x3F44];
	s0 =	simm.s32 @p0 $0x1  }
0x13: {  	[smem:$0x3F5F] =	sst s0;
	s0 =	simm.s32 @!p1 $0x0  }
0x14: {  	s2 =	sld [smem:$0x3F43];
	s0 =	simm.s32 @p1 $0x1  }
0x15: {  	[smem:$0x3F60] =	sst s0;
	s0 =	simm.s32 @!p2 $0x0  }
0x16: {  	s3 =	sld [smem:$0x3FDB];
	s0 =	simm.s32 @p2 $0x1  }
0x17: {  	s4 =	simm.s32 $0x1BF5;
	[smem:$0x3F62] =	sst s0  }
0x18: {  	s0 =	sld [smem:$0x3F45];
	_ =	swait.ge [sflag:s4], $0x0  }
0x19: {  	s7 =	sld [smem:$0x3F46]  }
0x1a: {  	s8 =	sadd.s32 $0xFFFFE003, lr  }
0x1b: {  	s9 =	sadd.s32 $0xFFFFFEF7, lr;
	s5 =	simm.s32 $0xFFFFFFFF;
	p2 =	slt.u32 s8, $0xFFFFF086  }
0x1c: {  	p1 =	slt.u32 s9, $0xF7A;
	s5 =	simm.s32 @!p2 $0x0  }
0x1d: {  	s5 =	simm.s32 @p1 $0x1;
	p0 =	seq.s32 s7, s2  }
0x1e: {  	s7 =	smul.u32 @!p0 $0xF7A, s2;
	p2 =	seq.s32 @!p0 s5, $0x0  }
0x1f: {  	s9 =	smul.u32 $0xF7A, s1;
	s8 =	simm.s32 @!p0 $0x1BF5;
	p2 =	por !p2, p0  }
0x20: {  	[sflag:s8] =	ssyncset.s32 @!p0 $0xFFFFF086;
	s6 =	sadd.s32 @!p0 s3, s7;
	s7 =	simm.s32 @!p0 $0x108  }
0x21: {  	s3 =	sadd.s32 s3, s9;
	s6 =	sadd.s32 @!p0 $0x88, s6;
	s7 =	simm.s32 @p2 $0x1082  }
0x22: {  	[simem:s7], [sflag:s8] =	dma.local @!p0 [hbm:s6], $0xF7A  }
0x23: {  	s9 =	sor.u32 $0xD0000000, s2;
	s6 =	simm.s32 $0x108;
	_ =	swait.ge @!p0 [sflag:s8], $0x0  }
0x24: {  	s3 =	sadd.s32 $0x88, s3;
	s6 =	simm.s32 @!p1 $0x1082;
	[sflag:s4] =	ssyncset.s32 $0xFFFFF086  }
0x25: {  	[simem:s6], [sflag:s4] =	dma.local [hbm:s3], $0xF7A  }
0x26: {  	[smem:$0x3F46] =	sst s1;
	(tag) =	ssettag s2;
	_ =	strace s9  }
0x27: {  	s1 =	sld [smem:$0x3F56]  }
0x28: {  	s2 =	sld [smem:$0x3F57]  }
0x29: {  	s4 =	sld [smem:$0x3F59]  }
0x2a: {  	p0 =	seq.s32 s5, $0x0;
	s5 =	sld [smem:$0x3F5A]  }
0x2b: {  	s6 =	sld [smem:$0x3F5B]  }
0x2c: {  	s7 =	sld [smem:$0x3F5C]  }
0x2d: {  	s3 =	simm.s32 $0x108;
	s8 =	sld [smem:$0x3F5D]  }
0x2e: {  	s3 =	simm.s32 @!p0 $0x1082;
	s9 =	sld [smem:$0x3F5E]  }
0x2f: {  	lr =	sadd.s32 s0, s3;
	s0 =	sld [smem:$0x3F55]  }
0x30: {  	s3 =	sld [smem:$0x3F58]  }
0x31: {  	[smem:$0x3F61] =	sst s10  }
0x32: {  	s10 =	sld [smem:$0x3F5F];
	_ =	sdelay $0x3  }
0x33: {  	p0 =	seq.s32 s10, $0x1;
	s10 =	sld [smem:$0x3F61];
	_ =	sdelay $0x3  }
0x34: {  	[smem:$0x3F61] =	sst s10  }
0x35: {  	s10 =	sld [smem:$0x3F60];
	_ =	sdelay $0x3  }
0x36: {  	p1 =	seq.s32 s10, $0x1;
	s10 =	sld [smem:$0x3F61];
	_ =	sdelay $0x3  }
0x37: {  	[smem:$0x3F61] =	sst s10  }
0x38: {  	s10 =	sld [smem:$0x3F62]  }
0x39: {  	_ = 	snop;
	(pc) =	sbr.ind lr, $3  }
0x3a: {  	_ = 	snop  }
0x3b: {  	_ = 	snop  }
0x3c: {  	p2 =	seq.s32 s10, $0x1;
	s10 =	sld [smem:$0x3F61]  }
0x3d: {  	_ =	shalt  }
0x3e: {  	_ =	shalt  }
0x3f: {  	_ =	shalt  }
0x40: {  	_ =	shalt  }
0x41: {  	_ =	shalt  }
0x42: {  	_ =	shalt  }
0x43: {  	_ =	shalt  }
0x44: {  	_ =	shalt  }
0x45: {  	_ =	shalt  }
0x46: {  	_ =	shalt  }
0x47: {  	_ =	shalt  }
0x48: {  	_ =	shalt  }
0x49: {  	_ =	shalt  }
0x4a: {  	_ =	shalt  }
0x4b: {  	_ =	shalt  }
0x4c: {  	_ =	shalt  }
0x4d: {  	_ =	shalt  }
0x4e: {  	_ =	shalt  }
0x4f: {  	_ =	shalt  }
0x50: {  	_ =	shalt  }
0x51: {  	_ =	shalt  }
0x52: {  	_ =	shalt  }
0x53: {  	_ =	shalt  }
0x54: {  	_ =	shalt  }
0x55: {  	_ =	shalt  }
0x56: {  	_ =	shalt  }
0x57: {  	_ =	shalt  }
0x58: {  	_ =	shalt  }
0x59: {  	_ =	shalt  }
0x5a: {  	_ =	shalt  }
0x5b: {  	_ =	shalt  }
0x5c: {  	_ =	shalt  }
0x5d: {  	_ =	shalt  }
0x5e: {  	_ =	shalt  }
0x5f: {  	_ =	shalt  }
0x60: {  	_ =	shalt  }
0x61: {  	_ =	shalt  }
0x62: {  	_ =	shalt  }
0x63: {  	_ =	shalt  }
0x64: {  	_ =	shalt  }
0x65: {  	_ =	shalt  }
0x66: {  	_ =	shalt  }
0x67: {  	_ =	shalt  }
0x68: {  	_ =	shalt  }
0x69: {  	_ =	shalt  }
0x6a: {  	_ =	shalt  }
0x6b: {  	_ =	shalt  }
0x6c: {  	_ =	shalt  }
0x6d: {  	_ =	shalt  }
0x6e: {  	_ =	shalt  }
0x6f: {  	_ =	shalt  }
0x70: {  	_ =	shalt  }
0x71: {  	_ =	shalt  }
0x72: {  	_ =	shalt  }
0x73: {  	_ =	shalt  }
0x74: {  	_ =	shalt  }
0x75: {  	_ =	shalt  }
0x76: {  	_ =	shalt  }
0x77: {  	_ =	shalt  }
0x78: {  	_ =	shalt  }
0x79: {  	_ =	shalt  }
0x7a: {  	_ =	shalt  }
0x7b: {  	_ =	shalt  }
0x7c: {  	_ =	shalt  }
0x7d: {  	_ =	shalt  }
0x7e: {  	_ =	shalt  }
0x7f: {  	_ =	shalt  }
0x80: {  	_ =	shalt  }
0x81: {  	_ =	shalt  }
0x82: {  	_ =	shalt  }
0x83: {  	_ =	shalt  }
0x84: {  	_ =	shalt  }
0x85: {  	_ =	shalt  }
0x86: {  	_ =	shalt  }
0x87: {  	_ =	shalt  }
.Lfunc_end0:
.L_simem_size_0:
called_computation_lowered:
.L_overlay_start_0:
0x88: {  	s2 =	sld [smem:$0x3FD9]  }
0x89: {  	s3 =	sld [smem:$0x3FFE];
	_ =	sdelay $0x1  }
0x8a: {  	s1 =	srdreg.scid  }
0x8b: {  	s0 =	sand.u32 $0x1, s1  }
0x8c: {  	s16 =	sshll.u32 s0, $0xA;
	s2 =	sadd.s32 s3, s2  }
0x8d: {  	s2 =	sadd.s32 s2, s16  }
0x8e: {  	[smem:$0x3F6D] =	sst s2  }
0x8f: {  	_ = 	snop  }
0x90: {  	(tm) =	ssettm $0x1  }
0x91: {  	s17 =	sld [smem:$0x3FFB];
	_ =	sdelay $0x3  }
0x92: {  	_ =	strace s17  }
0x93: {  	s2 =	sld [smem:$0x3FFC];
	_ =	sdelay $0x3  }
0x94: {  	_ =	strace s2  }
0x95: {  	s2 =	sld [smem:$0x3FFD];
	_ =	sdelay $0x3  }
0x96: {  	_ =	strace s2  }
0x97: {  	_ =	strace $0x8FFFFFFF  }
0x98: {  	s18 =	sld [smem:$0x3FDB];
	_ =	sdelay $0x1  }
0x99: {  	s19 =	simm.s32 $_scs_section_size  }
0x9a: {  	s4 =	simm.s32 $_size__tile_overlayer_lowered;
	s5 =	simm.s32 $_tile_overlayer_lowered  }
0x9b: {  	s22 =	simm.s32 $0x1BFF;
	s21 =	sshll.u32 s5, $0x1;
	s2 =	sadd.s32 s19, s18  }
0x9c: {  	s6 =	simm.s32 $0x0;
	s20 =	sshll.u32 s4, $0x1;
	s4 =	sadd.s32 s21, s2  }
0x9d: {  	[timem:s6], [sflag:s22] =	dma.local [hbm:s4], s20  }
0x9e: {  	_ =	swait.ge [sflag:s22], s20  }
0x9f: {  	s3 =	ssub.s32 $0x0, s20;
	[sflag:s22] =	ssyncset.done $0x0  }
0xa0: {  	[sflag:s22] =	ssyncadd.s32 s3;
	_ =	sdelay $0x1  }
0xa1: {  	s23 =	simm.s32 $0x1B8B  }
0xa2: {  	_ =	swait.ge [sflag:s23], $0x1  }
0xa3: {  	[sflag:s23] =	ssyncset.done $0x0  }
0xa4: {  	s25 =	simm.s32 $0x1B8E;
	s24 =	sld [smem:$0x3FFE];
	[sflag:s23] =	ssyncadd.s32 $0xFFFFFFFF  }
0xa5: {  	s26 =	simm.s32 $execute0_lowered;
	[smem:$0x3FD2] =	sst s25  }
0xa6: {  	s4 =	sshll.u32 s26, $0x1;
	_ =	strace $0x80000046;
	[dreg:$0x1] =	wrdreg $0xFFFFFFFF  }
0xa7: {  	s28 =	simm.s32 $_size_execute0_lowered;
	s2 =	sadd.s32 s2, s4;
	[dreg:$0x0] =	wrdreg $0x0  }
0xa8: {  	s4 =	sshll.u32 s28, $0x1;
	[dreg:$0x2] =	wrdreg s2  }
0xa9: {  	[dreg:$0x3] =	wrdreg s4  }
0xaa: {  	[dreg:$0x4] =	wrdreg $0xC0  }
0xab: {  	_ =	task [dreg:s6], $0x5FFFF  }
0xac: {  	[dreg:$0x1] =	wrdreg $0xFFFFFFFF  }
0xad: {  	[dreg:$0x0] =	wrdreg $0x60  }
0xae: {  	[dreg:$0x2] =	wrdreg s24  }
0xaf: {  	[dreg:$0x3] =	wrdreg $0x9  }
0xb0: {  	_ =	task.clear_ibuf [dreg:s6], $0x4FFFF;
	_ =	strace $0x90000046  }
0xb1: {  	s29 =	simm.s32 $0x9;
	_ =	strace $0x80000048  }
0xb2: {  	_ =	swait.ge [sflag:s29], $0x1  }
0xb3: {  	[sflag:s29] =	ssyncadd.s32 $0xFFFFFFFF  }
0xb4: {  	_ =	strace $0x90000048  }
0xb5: {  	_ =	sfence  }
0xb6: {  	s30 =	sld [smem:$0x0];
	_ =	sdelay $0x2  }
0xb7: {  	s31 =	sshll.u32 s1, $0xD;
	s1 =	sshrl.u32 s1, $0x2  }
0xb8: {  	s3 =	sand.u32 $0x4000, s31;
	s1 =	sadd.s32 s1, s30  }
0xb9: {  	s0 =	sor.u32 s3, s0;
	s1 =	sshll.u32 s1, $0x11  }
0xba: {  	s0 =	sor.u32 s1, s0  }
0xbb: {  	s0 =	sadd.s32 $0x8F2B, s0  }
0xbc: {  	[sflag:s0] =	ssyncadd.remote.s32 $0x1  }
0xbd: {  	_ =	sfence.sel $0xFFFF  }
0xbe: {  	[dreg:$0x0] =	wrdreg $0xFFFFFFFF;
	(pc) =	sbr.abs _section_cstart, $3  }
0xbf: {  	[dreg:$0x1] =	wrdreg $0xFFFFFFFF  }
0xc0: {  	_ =	task.clear_ibuf [dreg:s6], $0x2FFFF;
	_ =	strace $0x9FFFFFFF  }
0xc1: {  	(tm) =	ssettm $0x7FFFFFFF  }
tec
execute0_lowered:
.L_overlay_start_1:
0x0: {  	(tag) =	ssettag $0x1  }
0x1: {  	s2 =	rddreg [dreg:$0x0]  }
0x2: {  	s0 =	rddreg [dreg:$0x1];
	s1 =	simm.s32 $0x0;
	s3 =	srdreg.scid  }
0x3: {  	s11 =	simm.s32 $0x1910;
	s12 =	simm.s32 $0x1E10;
	s13 =	simm.s32 $0x2310  }
0x4: {  	s14 =	simm.s32 $0x2810;
	s15 =	simm.s32 $0x2D10;
	s16 =	simm.s32 $0x3210  }
0x5: {  	s17 =	simm.s32 $0x3710;
	s18 =	simm.s32 $0x1;
	s19 =	simm.s32 $0x0  }
0x6: {  	[smem:$0x7FF] =	sst s1;
	s6 =	sand.u32 $0x1, s3;
	s3 =	sadd.s32 $0xDE00, s2  }
0x7: {  	s4 =	sadd.s32 $0x2DE00, s2;
	s5 =	sadd.s32 $0x37E00, s2;
	s2 =	stileid.u32  }
0x8: {  	_ =	strace $0x80000047;
	s7 =	ssub.s32 $0x2, s6;
	s9 =	sshll.u32 s2, $0x6  }
0x9: {  	s6 =	sshll.u32 s6, $0x5;
	s10 =	sshll.u32 s2, $0x8;
	s8 =	sshrl.u32 s7, $0x1  }
0xa: {  	v0 =	vlaneseq.u32;
	s6 =	sor.u32 s9, s6;
	s9 =	simm.s32 $0x2;
	s8 =	ssub.s32 s7, s8  }
0xb: {  	vm0 =	vmmov $0x1;
	vm1 =	vmmov $0xffff;
	v1 =	vor.u32 $0x10, v0;
	s7 =	sand.u32 $0xC00, s10;
	s10 =	simm.s32 $0x1410;
	s8 =	smax.u32 s8, $0x1  }
.LBB2_1:
0xc: {  	s20 =	simm.s32 $0x0  }
.LBB2_2:
0xd: {  	s21 =	sshll.u32 s20, $0x2  }
0xe: {  	s21 =	sadd.s32 s6, s21  }
0xf: {  	s22 =	sshll.u32 s21, $0x7  }
0x10: {  	s23 =	sadd.s32 s3, s22;
	s22 =	simm.s32 $0x0  }
0x11: {  	[tilespmem:s22], [sflag:$0x2] =	stream.linear.gather [hbm4b:s23+s22], $0x1000, $0x38;
	[tilespmem:$0x3C10] =	vst v63  }
0x12: {  	_ =	swait.ge [sflag:s9], $0x1000  }
0x13: {  	[sflag:s9] =	ssyncset.done $0x0  }
0x14: {  	s31 =	simm.s32 $0x0;
	[sflag:s9] =	ssyncadd.s32 $0xFFFFF000  }
0x15: {  	v2 =	vld [tilespmem:s31+$0x0];
	_ =	sdelay $0x4  }
0x16: {  	vm2 =	vle.f32 v2, $3.999999910e-02  }
0x17: {  	v2 =	vmpcnt.ones.xlane vm2;
	_ =	sdelay $0x1  }
0x18: {  	v2 =	vxor.u32 $0x80000000, v2  }
0x19: {  	(xrf0) =	vmax.scan.msk.u32 $0xffff, v2;
	_ =	sdelay $0x5  }
0x1a: {  	v3, _, _ =	vpop (xrf0)  }
0x1b: {  	v2 =	vor.u32 s7, v0;
	(v2sf) =	vpush v3, $0xF  }
0x1c: {  	s25 =	simm.s32 $0x10;
	s24 =	simm.s32 $0x80;
	s23 =	smov.u32 s7;
	[tilespmem:s22+$0x1000] =	vst.msk vm2, v2  }
.LBB2_3:
0x1d: {  	p0 =	sne.s32 s24, $0xFC0;
	v3 =	vld [tilespmem:s25+$0x0];
	_ =	sdelay $0x4  }
0x1e: {  	vm2 =	vle.f32 v3, $3.999999910e-02  }
0x1f: {  	v3 =	vmpcnt.ones.xlane vm2;
	_ =	sdelay $0x1  }
0x20: {  	v3 =	vxor.u32 $0x80000000, v3  }
0x21: {  	(xrf0) =	vmax.scan.msk.u32 $0xffff, v3;
	_ =	sdelay $0x3  }
.Ltmp0:
0x22: {  	s25 =	spop (v2sf);
	(pc) =	sbr.rel @p0 .LBB2_3-.Ltmp0, $4  }
0x23: {  	s23 =	sadd.s32 $0x10, s23;
	s22 =	sadd.s32 s25, s22  }
0x24: {  	v3 =	vor.u32 s23, v0;
	v4, _, _ =	vpop (xrf0);
	s22 =	sadd.s32 $0x80000000, s22  }
0x25: {  	[tilespmem:s22+$0x1000] =	vst.msk vm2, v3;
	(v2sf) =	vpush v4, $0xF  }
0x26: {  	s25 =	sshra.s32 s24, $0x2;
	s24 =	sadd.s32 $0x40, s24  }
0x27: {  	_ =	sdelay $0x9  }
0x28: {  	v3 =	vld [tilespmem:s25+$0x0];
	_ =	sdelay $0x2  }
0x29: {  	s24 =	spop (v2sf)  }
0x2a: {  	s23 =	sadd.s32 $0x10, s23;
	s22 =	sadd.s32 s24, s22  }
0x2b: {  	vm2 =	vle.f32 v3, $3.999999910e-02;
	v3 =	vor.u32 s23, v0;
	s22 =	sadd.s32 $0x80000000, s22  }
0x2c: {  	[tilespmem:s22+$0x1000] =	vst.msk vm2, v3  }
0x2d: {  	v3 =	vld [tilespmem:$0x1000]  }
0x2e: {  	v4 =	vmpcnt.ones.xlane vm2;
	_ =	sdelay $0x1  }
0x2f: {  	v4 =	vxor.u32 $0x80000000, v4  }
0x30: {  	(xrf0) =	vmax.scan.msk.u32 $0xffff, v4  }
0x31: {  	v60 =	vnsel vm0, $0x40000000, v3  }
0x32: {  	v4 =	vxor.u32 $0x80000000, v60  }
0x33: {  	(xrf0) =	vmin.scan.msk.u32 $0xffff, v4;
	_ =	sdelay $0x2  }
0x34: {  	v61, _, _ =	vpop (xrf0)  }
0x35: {  	(v2sf) =	vpush v61, $0xF;
	_ =	sdelay $0x1  }
0x36: {  	v62, _, _ =	vpop (xrf0)  }
0x37: {  	(v2sf) =	vpush v62, $0xF;
	_ =	sdelay $0xb  }
0x38: {  	s28 =	spop (v2sf)  }
0x39: {  	s22 =	sadd.s32 s28, s22  }
0x3a: {  	v63 =	vld [tilespmem:$0x1010];
	s22 =	sadd.s32 $0x80000000, s22  }
0x3b: {  	v5 =	vmov s22;
	s29 =	spop (v2sf)  }
0x3c: {  	vm2 =	vgt.s32 v5, v0;
	s30 =	sxor.u32 $0x80000000, s29  }
0x3d: {  	v3 =	vnsel vm2, s30, v3  }
0x3e: {  	vm2 =	vgt.s32 v5, v1;
	vm3 =	vgt.s32 v3, $0x0  }
0x3f: {  	v4 =	vnsel vm2, s30, v63;
	v3 =	vnsel vm3, $0x0, v3  }
0x40: {  	vm2 =	vgt.s32 v4, $0x0;
	v3 =	vmin.u32 v3, $0xFFF  }
0x41: {  	v4 =	vnsel vm2, $0x0, v4  }
0x42: {  	v4 =	vmin.u32 v4, $0xFFF;
	_ =	sdelay $0x1  }
0x43: {  	s22 =	simm.s32 $0x0  }
0x44: {  	[tilespmem:s10], [sflag:$0x1] =	stream.indirect_vreg.gather [hbm4b:s4+s22], $0x50, v3, vm1, $0xb8;
	[tilespmem:$0x3C10] =	vst v63  }
0x45: {  	s31 =	simm.s32 $0x0  }
0x46: {  	[tilespmem:s11], [sflag:$0x1] =	stream.indirect_vreg.gather [hbm4b:s4+s22], $0x50, v4, vm1, $0xb8;
	[tilespmem:$0x3C10] =	vst v63  }
0x47: {  	v3 =	vld [tilespmem:s31+$0x400];
	_ =	sdelay $0x4  }
0x48: {  	vm2 =	vle.f32 v3, $3.999999910e-02  }
0x49: {  	v3 =	vmpcnt.ones.xlane vm2;
	_ =	sdelay $0x1  }
0x4a: {  	v3 =	vxor.u32 $0x80000000, v3  }
0x4b: {  	(xrf0) =	vmax.scan.msk.u32 $0xffff, v3;
	_ =	sdelay $0x5  }
0x4c: {  	v3, _, _ =	vpop (xrf0)  }
0x4d: {  	(v2sf) =	vpush v3, $0xF  }
0x4e: {  	s25 =	simm.s32 $0x10;
	s23 =	smov.u32 s7;
	s24 =	simm.s32 $0x80;
	[tilespmem:s22+$0x1000] =	vst.msk vm2, v2  }
.LBB2_5:
0x4f: {  	p0 =	sne.s32 s24, $0xFC0;
	v3 =	vld [tilespmem:s25+$0x400];
	_ =	sdelay $0x4  }
0x50: {  	vm2 =	vle.f32 v3, $3.999999910e-02  }
0x51: {  	v3 =	vmpcnt.ones.xlane vm2;
	_ =	sdelay $0x1  }
0x52: {  	v3 =	vxor.u32 $0x80000000, v3  }
0x53: {  	(xrf0) =	vmax.scan.msk.u32 $0xffff, v3;
	_ =	sdelay $0x3  }
.Ltmp1:
0x54: {  	s25 =	spop (v2sf);
	(pc) =	sbr.rel @p0 .LBB2_5-.Ltmp1, $4  }
0x55: {  	s23 =	sadd.s32 $0x10, s23;
	s22 =	sadd.s32 s25, s22  }
0x56: {  	v3 =	vor.u32 s23, v0;
	v4, _, _ =	vpop (xrf0);
	s22 =	sadd.s32 $0x80000000, s22  }
0x57: {  	[tilespmem:s22+$0x1000] =	vst.msk vm2, v3;
	(v2sf) =	vpush v4, $0xF  }
0x58: {  	s25 =	sshra.s32 s24, $0x2;
	s24 =	sadd.s32 $0x40, s24  }
0x59: {  	_ =	sdelay $0x9  }
0x5a: {  	v3 =	vld [tilespmem:s25+$0x400];
	_ =	sdelay $0x2  }
0x5b: {  	s24 =	spop (v2sf)  }
0x5c: {  	s23 =	sadd.s32 $0x10, s23;
	s22 =	sadd.s32 s24, s22  }
0x5d: {  	vm2 =	vle.f32 v3, $3.999999910e-02;
	v3 =	vor.u32 s23, v0;
	s22 =	sadd.s32 $0x80000000, s22  }
0x5e: {  	[tilespmem:s22+$0x1000] =	vst.msk vm2, v3  }
0x5f: {  	v3 =	vld [tilespmem:$0x1000]  }
0x60: {  	v4 =	vmpcnt.ones.xlane vm2;
	_ =	sdelay $0x1  }
0x61: {  	v4 =	vxor.u32 $0x80000000, v4  }
0x62: {  	(xrf0) =	vmax.scan.msk.u32 $0xffff, v4  }
0x63: {  	v60 =	vnsel vm0, $0x40000000, v3  }
0x64: {  	v4 =	vxor.u32 $0x80000000, v60  }
0x65: {  	(xrf0) =	vmin.scan.msk.u32 $0xffff, v4;
	_ =	sdelay $0x2  }
0x66: {  	v61, _, _ =	vpop (xrf0)  }
0x67: {  	(v2sf) =	vpush v61, $0xF;
	_ =	sdelay $0x1  }
0x68: {  	v62, _, _ =	vpop (xrf0)  }
0x69: {  	(v2sf) =	vpush v62, $0xF;
	_ =	sdelay $0xb  }
0x6a: {  	s28 =	spop (v2sf)  }
0x6b: {  	s22 =	sadd.s32 s28, s22  }
0x6c: {  	v63 =	vld [tilespmem:$0x1010];
	s22 =	sadd.s32 $0x80000000, s22  }
0x6d: {  	v5 =	vmov s22;
	s29 =	spop (v2sf)  }
0x6e: {  	vm2 =	vgt.s32 v5, v0;
	s30 =	sxor.u32 $0x80000000, s29  }
0x6f: {  	v3 =	vnsel vm2, s30, v3  }
0x70: {  	vm2 =	vgt.s32 v5, v1;
	vm3 =	vgt.s32 v3, $0x0  }
0x71: {  	v4 =	vnsel vm2, s30, v63;
	v3 =	vnsel vm3, $0x0, v3  }
0x72: {  	vm2 =	vgt.s32 v4, $0x0;
	v3 =	vmin.u32 v3, $0xFFF  }
0x73: {  	v4 =	vnsel vm2, $0x0, v4  }
0x74: {  	v4 =	vmin.u32 v4, $0xFFF;
	_ =	sdelay $0x1  }
0x75: {  	s22 =	simm.s32 $0x0  }
0x76: {  	[tilespmem:s12], [sflag:$0x1] =	stream.indirect_vreg.gather [hbm4b:s4+s22], $0x50, v3, vm1, $0xb8;
	[tilespmem:$0x3C10] =	vst v63  }
0x77: {  	s31 =	simm.s32 $0x0  }
0x78: {  	[tilespmem:s13], [sflag:$0x1] =	stream.indirect_vreg.gather [hbm4b:s4+s22], $0x50, v4, vm1, $0xb8;
	[tilespmem:$0x3C10] =	vst v63  }
0x79: {  	v3 =	vld [tilespmem:s31+$0x800];
	_ =	sdelay $0x4  }
0x7a: {  	vm2 =	vle.f32 v3, $3.999999910e-02  }
0x7b: {  	v3 =	vmpcnt.ones.xlane vm2;
	_ =	sdelay $0x1  }
0x7c: {  	v3 =	vxor.u32 $0x80000000, v3  }
0x7d: {  	(xrf0) =	vmax.scan.msk.u32 $0xffff, v3;
	_ =	sdelay $0x5  }
0x7e: {  	v3, _, _ =	vpop (xrf0)  }
0x7f: {  	(v2sf) =	vpush v3, $0xF  }
0x80: {  	s25 =	simm.s32 $0x10;
	s23 =	smov.u32 s7;
	s24 =	simm.s32 $0x80;
	[tilespmem:s22+$0x1000] =	vst.msk vm2, v2  }
.LBB2_7:
0x81: {  	p0 =	sne.s32 s24, $0xFC0;
	v3 =	vld [tilespmem:s25+$0x800];
	_ =	sdelay $0x4  }
0x82: {  	vm2 =	vle.f32 v3, $3.999999910e-02  }
0x83: {  	v3 =	vmpcnt.ones.xlane vm2;
	_ =	sdelay $0x1  }
0x84: {  	v3 =	vxor.u32 $0x80000000, v3  }
0x85: {  	(xrf0) =	vmax.scan.msk.u32 $0xffff, v3;
	_ =	sdelay $0x3  }
.Ltmp2:
0x86: {  	s25 =	spop (v2sf);
	(pc) =	sbr.rel @p0 .LBB2_7-.Ltmp2, $4  }
0x87: {  	s23 =	sadd.s32 $0x10, s23;
	s22 =	sadd.s32 s25, s22  }
0x88: {  	v3 =	vor.u32 s23, v0;
	v4, _, _ =	vpop (xrf0);
	s22 =	sadd.s32 $0x80000000, s22  }
0x89: {  	[tilespmem:s22+$0x1000] =	vst.msk vm2, v3;
	(v2sf) =	vpush v4, $0xF  }
0x8a: {  	s25 =	sshra.s32 s24, $0x2;
	s24 =	sadd.s32 $0x40, s24  }
0x8b: {  	_ =	sdelay $0x9  }
0x8c: {  	v3 =	vld [tilespmem:s25+$0x800];
	_ =	sdelay $0x2  }
0x8d: {  	s24 =	spop (v2sf)  }
0x8e: {  	s23 =	sadd.s32 $0x10, s23;
	s22 =	sadd.s32 s24, s22  }
0x8f: {  	vm2 =	vle.f32 v3, $3.999999910e-02;
	v3 =	vor.u32 s23, v0;
	s22 =	sadd.s32 $0x80000000, s22  }
0x90: {  	[tilespmem:s22+$0x1000] =	vst.msk vm2, v3  }
0x91: {  	v3 =	vld [tilespmem:$0x1000]  }
0x92: {  	v4 =	vmpcnt.ones.xlane vm2;
	_ =	sdelay $0x1  }
0x93: {  	v4 =	vxor.u32 $0x80000000, v4  }
0x94: {  	(xrf0) =	vmax.scan.msk.u32 $0xffff, v4  }
0x95: {  	v60 =	vnsel vm0, $0x40000000, v3  }
0x96: {  	v4 =	vxor.u32 $0x80000000, v60  }
0x97: {  	(xrf0) =	vmin.scan.msk.u32 $0xffff, v4;
	_ =	sdelay $0x2  }
0x98: {  	v61, _, _ =	vpop (xrf0)  }
0x99: {  	(v2sf) =	vpush v61, $0xF;
	_ =	sdelay $0x1  }
0x9a: {  	v62, _, _ =	vpop (xrf0)  }
0x9b: {  	(v2sf) =	vpush v62, $0xF;
	_ =	sdelay $0xb  }
0x9c: {  	s28 =	spop (v2sf)  }
0x9d: {  	s22 =	sadd.s32 s28, s22  }
0x9e: {  	v63 =	vld [tilespmem:$0x1010];
	s22 =	sadd.s32 $0x80000000, s22  }
0x9f: {  	v5 =	vmov s22;
	s29 =	spop (v2sf)  }
0xa0: {  	vm2 =	vgt.s32 v5, v0;
	s30 =	sxor.u32 $0x80000000, s29  }
0xa1: {  	v3 =	vnsel vm2, s30, v3  }
0xa2: {  	vm2 =	vgt.s32 v5, v1;
	vm3 =	vgt.s32 v3, $0x0  }
0xa3: {  	v4 =	vnsel vm2, s30, v63;
	v3 =	vnsel vm3, $0x0, v3  }
0xa4: {  	vm2 =	vgt.s32 v4, $0x0;
	v3 =	vmin.u32 v3, $0xFFF  }
0xa5: {  	v4 =	vnsel vm2, $0x0, v4  }
0xa6: {  	v4 =	vmin.u32 v4, $0xFFF;
	_ =	sdelay $0x1  }
0xa7: {  	s22 =	simm.s32 $0x0  }
0xa8: {  	[tilespmem:s14], [sflag:$0x1] =	stream.indirect_vreg.gather [hbm4b:s4+s22], $0x50, v3, vm1, $0xb8;
	[tilespmem:$0x3C10] =	vst v63  }
0xa9: {  	s31 =	simm.s32 $0x0  }
0xaa: {  	[tilespmem:s15], [sflag:$0x1] =	stream.indirect_vreg.gather [hbm4b:s4+s22], $0x50, v4, vm1, $0xb8;
	[tilespmem:$0x3C10] =	vst v63  }
0xab: {  	v3 =	vld [tilespmem:s31+$0xC00];
	_ =	sdelay $0x4  }
0xac: {  	vm2 =	vle.f32 v3, $3.999999910e-02  }
0xad: {  	v3 =	vmpcnt.ones.xlane vm2;
	_ =	sdelay $0x1  }
0xae: {  	v3 =	vxor.u32 $0x80000000, v3  }
0xaf: {  	(xrf0) =	vmax.scan.msk.u32 $0xffff, v3;
	_ =	sdelay $0x5  }
0xb0: {  	v3, _, _ =	vpop (xrf0)  }
0xb1: {  	(v2sf) =	vpush v3, $0xF  }
0xb2: {  	s25 =	simm.s32 $0x10;
	s23 =	smov.u32 s7;
	s24 =	simm.s32 $0x80;
	[tilespmem:s22+$0x1000] =	vst.msk vm2, v2  }
.LBB2_9:
0xb3: {  	p0 =	sne.s32 s24, $0xFC0;
	v2 =	vld [tilespmem:s25+$0xC00];
	_ =	sdelay $0x4  }
0xb4: {  	vm2 =	vle.f32 v2, $3.999999910e-02  }
0xb5: {  	v2 =	vmpcnt.ones.xlane vm2;
	_ =	sdelay $0x1  }
0xb6: {  	v2 =	vxor.u32 $0x80000000, v2  }
0xb7: {  	(xrf0) =	vmax.scan.msk.u32 $0xffff, v2;
	_ =	sdelay $0x3  }
.Ltmp3:
0xb8: {  	s25 =	spop (v2sf);
	(pc) =	sbr.rel @p0 .LBB2_9-.Ltmp3, $4  }
0xb9: {  	s23 =	sadd.s32 $0x10, s23;
	s22 =	sadd.s32 s25, s22  }
0xba: {  	v2 =	vor.u32 s23, v0;
	v3, _, _ =	vpop (xrf0);
	s22 =	sadd.s32 $0x80000000, s22  }
0xbb: {  	[tilespmem:s22+$0x1000] =	vst.msk vm2, v2;
	(v2sf) =	vpush v3, $0xF  }
0xbc: {  	s25 =	sshra.s32 s24, $0x2;
	s24 =	sadd.s32 $0x40, s24  }
0xbd: {  	_ =	sdelay $0x9  }
0xbe: {  	v2 =	vld [tilespmem:s25+$0xC00];
	_ =	sdelay $0x2  }
0xbf: {  	s24 =	spop (v2sf)  }
0xc0: {  	s23 =	sadd.s32 $0x10, s23;
	s22 =	sadd.s32 s24, s22  }
0xc1: {  	vm2 =	vle.f32 v2, $3.999999910e-02;
	v2 =	vor.u32 s23, v0;
	s22 =	sadd.s32 $0x80000000, s22  }
0xc2: {  	[tilespmem:s22+$0x1000] =	vst.msk vm2, v2  }
0xc3: {  	v2 =	vld [tilespmem:$0x1000]  }
0xc4: {  	v3 =	vmpcnt.ones.xlane vm2;
	_ =	sdelay $0x1  }
0xc5: {  	v3 =	vxor.u32 $0x80000000, v3  }
0xc6: {  	(xrf0) =	vmax.scan.msk.u32 $0xffff, v3  }
0xc7: {  	v3 =	vnsel vm0, $0x40000000, v2  }
0xc8: {  	v3 =	vxor.u32 $0x80000000, v3  }
0xc9: {  	(xrf0) =	vmin.scan.msk.u32 $0xffff, v3;
	_ =	sdelay $0x2  }
0xca: {  	v3, _, _ =	vpop (xrf0)  }
0xcb: {  	(v2sf) =	vpush v3, $0xF;
	_ =	sdelay $0x1  }
0xcc: {  	v3, _, _ =	vpop (xrf0)  }
0xcd: {  	(v2sf) =	vpush v3, $0xF;
	_ =	sdelay $0xb  }
0xce: {  	s29 =	spop (v2sf)  }
0xcf: {  	s22 =	sadd.s32 s29, s22  }
0xd0: {  	v3 =	vld [tilespmem:$0x1010];
	s22 =	sadd.s32 $0x80000000, s22  }
0xd1: {  	v4 =	vmov s22;
	s30 =	spop (v2sf)  }
0xd2: {  	vm2 =	vgt.s32 v4, v0;
	s31 =	sxor.u32 $0x80000000, s30  }
0xd3: {  	v2 =	vnsel vm2, s31, v2  }
0xd4: {  	vm2 =	vgt.s32 v4, v1;
	vm3 =	vgt.s32 v2, $0x0  }
0xd5: {  	v3 =	vnsel vm2, s31, v3;
	v2 =	vnsel vm3, $0x0, v2  }
0xd6: {  	vm2 =	vgt.s32 v3, $0x0;
	v2 =	vmin.u32 v2, $0xFFF  }
0xd7: {  	v3 =	vnsel vm2, $0x0, v3  }
0xd8: {  	v3 =	vmin.u32 v3, $0xFFF;
	_ =	sdelay $0x2  }
0xd9: {  	[tilespmem:s16], [sflag:$0x1] =	stream.indirect_vreg.gather [hbm4b:s4+s1], $0x50, v2, vm1, $0xb8;
	[tilespmem:$0x3C10] =	vst v63  }
0xda: {  	_ = 	snop  }
0xdb: {  	[tilespmem:s17], [sflag:$0x1] =	stream.indirect_vreg.gather [hbm4b:s4+s1], $0x50, v3, vm1, $0xb8;
	[tilespmem:$0x3C10] =	vst v63  }
0xdc: {  	_ =	swait.ge [sflag:s18], $0x500  }
0xdd: {  	[sflag:s18] =	ssyncset.done $0x0  }
0xde: {  	[sflag:s18] =	ssyncadd.s32 $0xFFFFFB00  }
0xdf: {  	_ =	swait.ge [sflag:s18], $0x500  }
0xe0: {  	[sflag:s18] =	ssyncset.done $0x0  }
0xe1: {  	[sflag:s18] =	ssyncadd.s32 $0xFFFFFB00  }
0xe2: {  	_ =	swait.ge [sflag:s18], $0x500  }
0xe3: {  	[sflag:s18] =	ssyncset.done $0x0  }
0xe4: {  	[sflag:s18] =	ssyncadd.s32 $0xFFFFFB00  }
0xe5: {  	_ =	swait.ge [sflag:s18], $0x500  }
0xe6: {  	[sflag:s18] =	ssyncset.done $0x0  }
0xe7: {  	[sflag:s18] =	ssyncadd.s32 $0xFFFFFB00  }
0xe8: {  	_ =	swait.ge [sflag:s18], $0x500  }
0xe9: {  	[sflag:s18] =	ssyncset.done $0x0  }
0xea: {  	[sflag:s18] =	ssyncadd.s32 $0xFFFFFB00  }
0xeb: {  	_ =	swait.ge [sflag:s18], $0x500  }
0xec: {  	[sflag:s18] =	ssyncset.done $0x0  }
0xed: {  	[sflag:s18] =	ssyncadd.s32 $0xFFFFFB00  }
0xee: {  	_ =	swait.ge [sflag:s18], $0x500  }
0xef: {  	[sflag:s18] =	ssyncset.done $0x0  }
0xf0: {  	[sflag:s18] =	ssyncadd.s32 $0xFFFFFB00  }
0xf1: {  	s21 =	smul.u32 $0x140, s21;
	s20 =	sadd.s32 $0x1, s20;
	_ =	swait.ge [sflag:s18], $0x500  }
0xf2: {  	p0 =	sne.s32 s20, $0x8;
	[sflag:s18] =	ssyncset.done $0x0  }
.Ltmp4:
0xf3: {  	s21 =	sadd.s32 s5, s21;
	[sflag:s18] =	ssyncadd.s32 $0xFFFFFB00;
	(pc) =	sbr.rel @p0 .LBB2_2-.Ltmp4, $4  }
0xf4: {  	[hbm4b:s21+s1] =	stream.linear.scatter [tilespmem:s10], [sflag:$0x2], $0x2800, $0x38;
	[tilespmem:$0x3C10] =	vst v63  }
0xf5: {  	_ =	swait.ge [sflag:s9], $0x2800  }
0xf6: {  	[sflag:s9] =	ssyncset.done $0x0  }
0xf7: {  	[sflag:s9] =	ssyncadd.s32 $0xFFFFD800  }
0xf8: {  	s19 =	sadd.s32 $0x1, s19  }
0xf9: {  	p0 =	sne.s32 s19, s8  }
.Ltmp5:
0xfa: {  	_ = 	snop;
	(pc) =	sbr.rel @p0 .LBB2_1-.Ltmp5, $1  }
0xfb: {  	_ =	sdelay $0x3  }
0xfc: {  	_ =	sfence.sel $0x180000  }
0xfd: {  	[bflag:$0x0] =	sbarrier.arrive $0xFFFF  }
0xfe: {  	p0 =	sne.s32 s2, $0x0;
	_ =	strace $0x90000047  }
0xff: {  	s0 =	sadd.s32 @!p0 $0x100000, s0;
	[bflag:$0x2] =	sbarrier.arrive $0xFFFF  }
0x100: {  	[sflag:s0] =	ssyncadd.tile.s32 @!p0 $0x1;
	_ =	shalt  }
.Lfunc_end2:
_tile_overlayer_lowered:
.L_overlay_start_2:
0x101: {  	(tag) =	ssettag $0x2  }
0x102: {  	s0 =	rddreg [dreg:$0x0];
	s2 =	stileid.u32  }
0x103: {  	s1 =	rddreg [dreg:$0x1];
	p0 =	sne.s32 s2, $0x0  }
0x104: {  	s3 =	rddreg [dreg:$0x2];
	[bflag:$0x3] =	sbarrier.arrive $0xFFFF;
	s2 =	simm.s32 @!p0 $0x1C02  }
0x105: {  	[timem:s3], [sflag:s2] =	dma.local @!p0 [hbm:s0], s1  }
0x106: {  	s0 =	simm.s32 @!p0 $0x2  }
0x107: {  	_ =	swait.ge @!p0 [sflag:s0], s1  }
0x108: {  	s1 =	ssub.s32 @!p0 $0x0, s1;
	[sflag:s0] =	ssyncset.done @!p0 $0x0  }
0x109: {  	[sflag:s0] =	ssyncadd.s32 @!p0 s1  }
0x10a: {  	[bflag:$0x3] =	sbarrier.arrive $0xFFFF  }
0x10b: {  	_ =	shalt  }

// kernel: kernel.21.cloned.1.call-start
scs
__scs_entry_jumppad:
0x0: {  	(pc) =	sbr.rel $0x88, $3  }
0x1: {  	(tag) =	ssettag $0x0;
	lr =	simm.s32 $0x1  }
0x2: {  	[smem:$0x3F46] =	sst lr;
	_ =	strace $0xD0000000  }
0x3: {  	_ = 	snop  }
0x4: {  	_ = 	snop  }
0x5: {  	_ = 	snop  }
0x6: {  	_ = 	snop  }
0x7: {  	_ = 	snop  }
__scs_overlays_trampoline_lowered:
0x8: {  	[smem:$0x3F55] =	sst s0  }
0x9: {  	[smem:$0x3F56] =	sst s1  }
0xa: {  	[smem:$0x3F57] =	sst s2  }
0xb: {  	[smem:$0x3F58] =	sst s3  }
0xc: {  	[smem:$0x3F59] =	sst s4  }
0xd: {  	[smem:$0x3F5A] =	sst s5  }
0xe: {  	[smem:$0x3F5B] =	sst s6  }
0xf: {  	[smem:$0x3F5C] =	sst s7  }
0x10: {  	[smem:$0x3F5D] =	sst s8  }
0x11: {  	[smem:$0x3F5E] =	sst s9;
	s0 =	simm.s32 @!p0 $0x0  }
0x12: {  	s1 =	sld [smem:$0x3F44];
	s0 =	simm.s32 @p0 $0x1  }
0x13: {  	[smem:$0x3F5F] =	sst s0;
	s0 =	simm.s32 @!p1 $0x0  }
0x14: {  	s2 =	sld [smem:$0x3F43];
	s0 =	simm.s32 @p1 $0x1  }
0x15: {  	[smem:$0x3F60] =	sst s0;
	s0 =	simm.s32 @!p2 $0x0  }
0x16: {  	s3 =	sld [smem:$0x3FDB];
	s0 =	simm.s32 @p2 $0x1  }
0x17: {  	s4 =	simm.s32 $0x1BF5;
	[smem:$0x3F62] =	sst s0  }
0x18: {  	s0 =	sld [smem:$0x3F45];
	_ =	swait.ge [sflag:s4], $0x0  }
0x19: {  	s7 =	sld [smem:$0x3F46]  }
0x1a: {  	s8 =	sadd.s32 $0xFFFFE003, lr  }
0x1b: {  	s9 =	sadd.s32 $0xFFFFFEF7, lr;
	s5 =	simm.s32 $0xFFFFFFFF;
	p2 =	slt.u32 s8, $0xFFFFF086  }
0x1c: {  	p1 =	slt.u32 s9, $0xF7A;
	s5 =	simm.s32 @!p2 $0x0  }
0x1d: {  	s5 =	simm.s32 @p1 $0x1;
	p0 =	seq.s32 s7, s2  }
0x1e: {  	s7 =	smul.u32 @!p0 $0xF7A, s2;
	p2 =	seq.s32 @!p0 s5, $0x0  }
0x1f: {  	s9 =	smul.u32 $0xF7A, s1;
	s8 =	simm.s32 @!p0 $0x1BF5;
	p2 =	por !p2, p0  }
0x20: {  	[sflag:s8] =	ssyncset.s32 @!p0 $0xFFFFF086;
	s6 =	sadd.s32 @!p0 s3, s7;
	s7 =	simm.s32 @!p0 $0x108  }
0x21: {  	s3 =	sadd.s32 s3, s9;
	s6 =	sadd.s32 @!p0 $0x88, s6;
	s7 =	simm.s32 @p2 $0x1082  }
0x22: {  	[simem:s7], [sflag:s8] =	dma.local @!p0 [hbm:s6], $0xF7A  }
0x23: {  	s9 =	sor.u32 $0xD0000000, s2;
	s6 =	simm.s32 $0x108;
	_ =	swait.ge @!p0 [sflag:s8], $0x0  }
0x24: {  	s3 =	sadd.s32 $0x88, s3;
	s6 =	simm.s32 @!p1 $0x1082;
	[sflag:s4] =	ssyncset.s32 $0xFFFFF086  }
0x25: {  	[simem:s6], [sflag:s4] =	dma.local [hbm:s3], $0xF7A  }
0x26: {  	[smem:$0x3F46] =	sst s1;
	(tag) =	ssettag s2;
	_ =	strace s9  }
0x27: {  	s1 =	sld [smem:$0x3F56]  }
0x28: {  	s2 =	sld [smem:$0x3F57]  }
0x29: {  	s4 =	sld [smem:$0x3F59]  }
0x2a: {  	p0 =	seq.s32 s5, $0x0;
	s5 =	sld [smem:$0x3F5A]  }
0x2b: {  	s6 =	sld [smem:$0x3F5B]  }
0x2c: {  	s7 =	sld [smem:$0x3F5C]  }
0x2d: {  	s3 =	simm.s32 $0x108;
	s8 =	sld [smem:$0x3F5D]  }
0x2e: {  	s3 =	simm.s32 @!p0 $0x1082;
	s9 =	sld [smem:$0x3F5E]  }
0x2f: {  	lr =	sadd.s32 s0, s3;
	s0 =	sld [smem:$0x3F55]  }
0x30: {  	s3 =	sld [smem:$0x3F58]  }
0x31: {  	[smem:$0x3F61] =	sst s10  }
0x32: {  	s10 =	sld [smem:$0x3F5F];
	_ =	sdelay $0x3  }
0x33: {  	p0 =	seq.s32 s10, $0x1;
	s10 =	sld [smem:$0x3F61];
	_ =	sdelay $0x3  }
0x34: {  	[smem:$0x3F61] =	sst s10  }
0x35: {  	s10 =	sld [smem:$0x3F60];
	_ =	sdelay $0x3  }
0x36: {  	p1 =	seq.s32 s10, $0x1;
	s10 =	sld [smem:$0x3F61];
	_ =	sdelay $0x3  }
0x37: {  	[smem:$0x3F61] =	sst s10  }
0x38: {  	s10 =	sld [smem:$0x3F62]  }
0x39: {  	_ = 	snop;
	(pc) =	sbr.ind lr, $3  }
0x3a: {  	_ = 	snop  }
0x3b: {  	_ = 	snop  }
0x3c: {  	p2 =	seq.s32 s10, $0x1;
	s10 =	sld [smem:$0x3F61]  }
0x3d: {  	_ =	shalt  }
0x3e: {  	_ =	shalt  }
0x3f: {  	_ =	shalt  }
0x40: {  	_ =	shalt  }
0x41: {  	_ =	shalt  }
0x42: {  	_ =	shalt  }
0x43: {  	_ =	shalt  }
0x44: {  	_ =	shalt  }
0x45: {  	_ =	shalt  }
0x46: {  	_ =	shalt  }
0x47: {  	_ =	shalt  }
0x48: {  	_ =	shalt  }
0x49: {  	_ =	shalt  }
0x4a: {  	_ =	shalt  }
0x4b: {  	_ =	shalt  }
0x4c: {  	_ =	shalt  }
0x4d: {  	_ =	shalt  }
0x4e: {  	_ =	shalt  }
0x4f: {  	_ =	shalt  }
0x50: {  	_ =	shalt  }
0x51: {  	_ =	shalt  }
0x52: {  	_ =	shalt  }
0x53: {  	_ =	shalt  }
0x54: {  	_ =	shalt  }
0x55: {  	_ =	shalt  }
0x56: {  	_ =	shalt  }
0x57: {  	_ =	shalt  }
0x58: {  	_ =	shalt  }
0x59: {  	_ =	shalt  }
0x5a: {  	_ =	shalt  }
0x5b: {  	_ =	shalt  }
0x5c: {  	_ =	shalt  }
0x5d: {  	_ =	shalt  }
0x5e: {  	_ =	shalt  }
0x5f: {  	_ =	shalt  }
0x60: {  	_ =	shalt  }
0x61: {  	_ =	shalt  }
0x62: {  	_ =	shalt  }
0x63: {  	_ =	shalt  }
0x64: {  	_ =	shalt  }
0x65: {  	_ =	shalt  }
0x66: {  	_ =	shalt  }
0x67: {  	_ =	shalt  }
0x68: {  	_ =	shalt  }
0x69: {  	_ =	shalt  }
0x6a: {  	_ =	shalt  }
0x6b: {  	_ =	shalt  }
0x6c: {  	_ =	shalt  }
0x6d: {  	_ =	shalt  }
0x6e: {  	_ =	shalt  }
0x6f: {  	_ =	shalt  }
0x70: {  	_ =	shalt  }
0x71: {  	_ =	shalt  }
0x72: {  	_ =	shalt  }
0x73: {  	_ =	shalt  }
0x74: {  	_ =	shalt  }
0x75: {  	_ =	shalt  }
0x76: {  	_ =	shalt  }
0x77: {  	_ =	shalt  }
0x78: {  	_ =	shalt  }
0x79: {  	_ =	shalt  }
0x7a: {  	_ =	shalt  }
0x7b: {  	_ =	shalt  }
0x7c: {  	_ =	shalt  }
0x7d: {  	_ =	shalt  }
0x7e: {  	_ =	shalt  }
0x7f: {  	_ =	shalt  }
0x80: {  	_ =	shalt  }
0x81: {  	_ =	shalt  }
0x82: {  	_ =	shalt  }
0x83: {  	_ =	shalt  }
0x84: {  	_ =	shalt  }
0x85: {  	_ =	shalt  }
0x86: {  	_ =	shalt  }
0x87: {  	_ =	shalt  }
.Lfunc_end0:
.L_simem_size_0:
called_computation.1_lowered:
.L_overlay_start_0:
0x88: {  	s2 =	sld [smem:$0x3FD9]  }
0x89: {  	s3 =	sld [smem:$0x3FFE];
	_ =	sdelay $0x1  }
0x8a: {  	s1 =	srdreg.scid  }
0x8b: {  	s0 =	sand.u32 $0x1, s1  }
0x8c: {  	s14 =	sshll.u32 s0, $0xA;
	s2 =	sadd.s32 s3, s2  }
0x8d: {  	s2 =	sadd.s32 s2, s14  }
0x8e: {  	[smem:$0x3F6D] =	sst s2  }
0x8f: {  	_ = 	snop  }
0x90: {  	s2 =	sld [smem:$0x3FD0];
	_ =	sdelay $0x2  }
0x91: {  	s15 =	simm.s32 $0xA;
	s4 =	simm.s32 $0x10  }
0x92: {  	[smem:s4], [sflag:s15] =	dma.local [hbm:s2], $0x1  }
0x93: {  	_ =	swait.eq [sflag:s15], $0x1  }
0x94: {  	[sflag:s15] =	ssyncset.done $0x0  }
0x95: {  	[sflag:s15] =	ssyncadd.s32 $0xFFFFFFFF  }
0x96: {  	s16 =	sld [smem:$0x10];
	(tm) =	ssettm $0x1  }
0x97: {  	s17 =	sld [smem:$0x3FFB];
	_ =	sdelay $0x3  }
0x98: {  	_ =	strace s17  }
0x99: {  	s3 =	sld [smem:$0x3FFC];
	_ =	sdelay $0x3  }
0x9a: {  	_ =	strace s3  }
0x9b: {  	s3 =	sld [smem:$0x3FFD];
	_ =	sdelay $0x3  }
0x9c: {  	_ =	strace s3  }
0x9d: {  	_ =	strace $0x8FFFFFFF  }
0x9e: {  	s18 =	sld [smem:$0x3FDB];
	_ =	sdelay $0x1  }
0x9f: {  	s19 =	simm.s32 $_scs_section_size  }
0xa0: {  	s5 =	simm.s32 $_size__tile_overlayer_lowered;
	s6 =	simm.s32 $_tile_overlayer_lowered  }
0xa1: {  	s22 =	simm.s32 $0x1BFF;
	s21 =	sshll.u32 s6, $0x1;
	s3 =	sadd.s32 s19, s18  }
0xa2: {  	s7 =	simm.s32 $0x0;
	s20 =	sshll.u32 s5, $0x1;
	s5 =	sadd.s32 s21, s3  }
0xa3: {  	[timem:s7], [sflag:s22] =	dma.local [hbm:s5], s20  }
0xa4: {  	_ =	swait.ge [sflag:s22], s20  }
0xa5: {  	s4 =	ssub.s32 $0x0, s20;
	[sflag:s22] =	ssyncset.done $0x0  }
0xa6: {  	[sflag:s22] =	ssyncadd.s32 s4;
	_ =	sdelay $0x1  }
0xa7: {  	s23 =	simm.s32 $0x1B8B  }
0xa8: {  	_ =	swait.ge [sflag:s23], $0x1  }
0xa9: {  	[sflag:s23] =	ssyncset.done $0x0  }
0xaa: {  	s25 =	simm.s32 $0x1B8E;
	s24 =	sld [smem:$0x3FFE];
	[sflag:s23] =	ssyncadd.s32 $0xFFFFFFFF  }
0xab: {  	s26 =	simm.s32 $execute0_lowered;
	[smem:$0x3FD2] =	sst s25  }
0xac: {  	s5 =	sshll.u32 s26, $0x1;
	_ =	strace $0x80000049;
	[dreg:$0x1] =	wrdreg $0xFFFFFFFF  }
0xad: {  	s28 =	simm.s32 $_size_execute0_lowered;
	s3 =	sadd.s32 s3, s5;
	[dreg:$0x0] =	wrdreg $0x0  }
0xae: {  	s5 =	sshll.u32 s28, $0x1;
	[dreg:$0x2] =	wrdreg s3  }
0xaf: {  	[dreg:$0x3] =	wrdreg s5  }
0xb0: {  	[dreg:$0x4] =	wrdreg $0xC0  }
0xb1: {  	_ =	task [dreg:s7], $0x5FFFF  }
0xb2: {  	[dreg:$0x1] =	wrdreg $0xFFFFFFFF  }
0xb3: {  	[dreg:$0x0] =	wrdreg $0x60  }
0xb4: {  	[dreg:$0x2] =	wrdreg s24  }
0xb5: {  	[dreg:$0x3] =	wrdreg s16  }
0xb6: {  	[dreg:$0x4] =	wrdreg $0x9  }
0xb7: {  	_ =	task.clear_ibuf [dreg:s7], $0x5FFFF;
	_ =	strace $0x90000049  }
0xb8: {  	s29 =	simm.s32 $0x9;
	_ =	strace $0x8000004B  }
0xb9: {  	_ =	swait.ge [sflag:s29], $0x1  }
0xba: {  	[sflag:s29] =	ssyncadd.s32 $0xFFFFFFFF  }
0xbb: {  	_ =	strace $0x9000004B  }
0xbc: {  	_ =	sfence  }
0xbd: {  	s30 =	sld [smem:$0x0];
	_ =	sdelay $0x2  }
0xbe: {  	s31 =	sshll.u32 s1, $0xD;
	s1 =	sshrl.u32 s1, $0x2  }
0xbf: {  	s3 =	sand.u32 $0x4000, s31;
	s1 =	sadd.s32 s1, s30  }
0xc0: {  	s0 =	sor.u32 s3, s0;
	s1 =	sshll.u32 s1, $0x11  }
0xc1: {  	s0 =	sor.u32 s1, s0  }
0xc2: {  	s0 =	sadd.s32 $0x8F2B, s0  }
0xc3: {  	[sflag:s0] =	ssyncadd.remote.s32 $0x1  }
0xc4: {  	_ =	sfence.sel $0xFFFF  }
0xc5: {  	[dreg:$0x0] =	wrdreg $0xFFFFFFFF;
	(pc) =	sbr.abs _section_cstart, $3  }
0xc6: {  	[dreg:$0x1] =	wrdreg $0xFFFFFFFF  }
0xc7: {  	_ =	task.clear_ibuf [dreg:s7], $0x2FFFF;
	_ =	strace $0x9FFFFFFF  }
0xc8: {  	(tm) =	ssettm $0x7FFFFFFF  }
0xc9: {  	_ =	shalt  }
tec
execute0_lowered:
.L_overlay_start_1:
0x0: {  	(tag) =	ssettag $0x1  }
0x1: {  	s3 =	rddreg [dreg:$0x0]  }
0x2: {  	s1 =	rddreg [dreg:$0x1]  }
0x3: {  	s0 =	rddreg [dreg:$0x2];
	s2 =	simm.s32 $0x0  }
0x4: {  	s4 =	srdreg.scid;
	s11 =	simm.s32 $0xE10;
	s12 =	simm.s32 $0x1710  }
0x5: {  	s13 =	simm.s32 $0x2010;
	s14 =	simm.s32 $0x2910;
	s15 =	simm.s32 $0x3210  }
0x6: {  	s16 =	simm.s32 $0x3B10;
	s17 =	simm.s32 $0x4410;
	s18 =	simm.s32 $0x1  }
0x7: {  	s19 =	simm.s32 $0x0;
	[smem:$0x7FF] =	sst s2;
	s6 =	sand.u32 $0x1, s4  }
0x8: {  	s4 =	sadd.s32 $0x87E00, s3;
	s5 =	sadd.s32 $0xDE00, s3;
	s3 =	stileid.u32  }
0x9: {  	_ =	strace $0x8000004A;
	s7 =	ssub.s32 $0x2, s6;
	s9 =	sshll.u32 s3, $0x4  }
0xa: {  	s6 =	sshll.u32 s6, $0x3;
	s10 =	sshll.u32 s3, $0x6;
	s8 =	sshrl.u32 s7, $0x1  }
0xb: {  	v0 =	vlaneseq.u32;
	s6 =	sor.u32 s9, s6;
	s9 =	simm.s32 $0x2;
	s8 =	ssub.s32 s7, s8  }
0xc: {  	vm0 =	vmmov $0x1;
	vm1 =	vmmov $0xffff;
	v1 =	vor.u32 $0x10, v0;
	s7 =	sand.u32 $0x300, s10;
	s10 =	simm.s32 $0x510;
	s8 =	smax.u32 s8, $0x1  }
.LBB2_1:
0xd: {  	p1 =	por $0x1, $0x1;
	s20 =	simm.s32 $0x0  }
.LBB2_2:
0xe: {  	s20 =	sor.u32 s6, s20  }
0xf: {  	s21 =	sshll.u32 s20, $0x5  }
0x10: {  	s22 =	sadd.s32 s4, s21;
	s21 =	simm.s32 $0x0  }
0x11: {  	[tilespmem:s21], [sflag:$0x2] =	stream.linear.gather [hbm4b:s22+s21], $0x400, $0x38;
	[tilespmem:$0x4D10] =	vst v63  }
0x12: {  	_ =	swait.ge [sflag:s9], $0x400  }
0x13: {  	[sflag:s9] =	ssyncset.done $0x0  }
0x14: {  	s31 =	simm.s32 $0x0;
	[sflag:s9] =	ssyncadd.s32 $0xFFFFFC00  }
0x15: {  	v2 =	vld [tilespmem:s31+$0x0];
	_ =	sdelay $0x4  }
0x16: {  	vm2 =	vle.f32 v2, $1.599999960e-01  }
0x17: {  	v2 =	vmpcnt.ones.xlane vm2;
	_ =	sdelay $0x1  }
0x18: {  	v2 =	vxor.u32 $0x80000000, v2  }
0x19: {  	(xrf0) =	vmax.scan.msk.u32 $0xffff, v2;
	_ =	sdelay $0x5  }
0x1a: {  	v3, _, _ =	vpop (xrf0)  }
0x1b: {  	p0 =	por p1, p1;
	v2 =	vor.u32 s7, v0;
	(v2sf) =	vpush v3, $0xF  }
0x1c: {  	s24 =	simm.s32 $0x10;
	s23 =	simm.s32 $0x80;
	s22 =	smov.u32 s7;
	[tilespmem:s21+$0x400] =	vst.msk vm2, v2  }
.LBB2_3:
0x1d: {  	p1 =	sne.s32 s23, $0x3C0;
	v3 =	vld [tilespmem:s24+$0x0];
	_ =	sdelay $0x4  }
0x1e: {  	vm2 =	vle.f32 v3, $1.599999960e-01  }
0x1f: {  	v3 =	vmpcnt.ones.xlane vm2;
	_ =	sdelay $0x1  }
0x20: {  	v3 =	vxor.u32 $0x80000000, v3  }
0x21: {  	(xrf0) =	vmax.scan.msk.u32 $0xffff, v3;
	_ =	sdelay $0x3  }
.Ltmp0:
0x22: {  	s24 =	spop (v2sf);
	(pc) =	sbr.rel @p1 .LBB2_3-.Ltmp0, $4  }
0x23: {  	s22 =	sadd.s32 $0x10, s22;
	s21 =	sadd.s32 s24, s21  }
0x24: {  	v3 =	vor.u32 s22, v0;
	v4, _, _ =	vpop (xrf0);
	s21 =	sadd.s32 $0x80000000, s21  }
0x25: {  	[tilespmem:s21+$0x400] =	vst.msk vm2, v3;
	(v2sf) =	vpush v4, $0xF  }
0x26: {  	s24 =	sshra.s32 s23, $0x2;
	s23 =	sadd.s32 $0x40, s23  }
0x27: {  	_ =	sdelay $0x9  }
0x28: {  	v3 =	vld [tilespmem:s24+$0x0];
	_ =	sdelay $0x2  }
0x29: {  	s23 =	spop (v2sf)  }
0x2a: {  	s22 =	sadd.s32 $0x10, s22;
	s21 =	sadd.s32 s23, s21  }
0x2b: {  	vm2 =	vle.f32 v3, $1.599999960e-01;
	v3 =	vor.u32 s22, v0;
	s21 =	sadd.s32 $0x80000000, s21  }
0x2c: {  	[tilespmem:s21+$0x400] =	vst.msk vm2, v3  }
0x2d: {  	v3 =	vld [tilespmem:$0x400]  }
0x2e: {  	v4 =	vmpcnt.ones.xlane vm2;
	_ =	sdelay $0x1  }
0x2f: {  	v4 =	vxor.u32 $0x80000000, v4  }
0x30: {  	(xrf0) =	vmax.scan.msk.u32 $0xffff, v4  }
0x31: {  	v60 =	vnsel vm0, $0x40000000, v3  }
0x32: {  	v4 =	vxor.u32 $0x80000000, v60  }
0x33: {  	(xrf0) =	vmin.scan.msk.u32 $0xffff, v4;
	_ =	sdelay $0x2  }
0x34: {  	v61, _, _ =	vpop (xrf0)  }
0x35: {  	(v2sf) =	vpush v61, $0xF;
	_ =	sdelay $0x1  }
0x36: {  	v62, _, _ =	vpop (xrf0)  }
0x37: {  	(v2sf) =	vpush v62, $0xF;
	_ =	sdelay $0xb  }
0x38: {  	s28 =	spop (v2sf)  }
0x39: {  	s21 =	sadd.s32 s28, s21  }
0x3a: {  	v63 =	vld [tilespmem:$0x410];
	s21 =	sadd.s32 $0x80000000, s21  }
0x3b: {  	v5 =	vmov s21;
	s29 =	spop (v2sf)  }
0x3c: {  	vm2 =	vgt.s32 v5, v0;
	s30 =	sxor.u32 $0x80000000, s29  }
0x3d: {  	v3 =	vnsel vm2, s30, v3  }
0x3e: {  	vm2 =	vgt.s32 v5, v1;
	vm3 =	vgt.s32 v3, $0x0  }
0x3f: {  	v4 =	vnsel vm2, s30, v63;
	v3 =	vnsel vm3, $0x0, v3  }
0x40: {  	vm2 =	vgt.s32 v4, $0x0;
	v3 =	vmin.u32 v3, $0x3FF  }
0x41: {  	v4 =	vnsel vm2, $0x0, v4  }
0x42: {  	v4 =	vmin.u32 v4, $0x3FF;
	_ =	sdelay $0x1  }
0x43: {  	s21 =	simm.s32 $0x0  }
0x44: {  	[tilespmem:s10], [sflag:$0x1] =	stream.indirect_vreg.gather [hbm4b:s1+s21], $0x90, v3, vm1, $0xb8;
	[tilespmem:$0x4D10] =	vst v63  }
0x45: {  	s31 =	simm.s32 $0x0  }
0x46: {  	[tilespmem:s11], [sflag:$0x1] =	stream.indirect_vreg.gather [hbm4b:s1+s21], $0x90, v4, vm1, $0xb8;
	[tilespmem:$0x4D10] =	vst v63  }
0x47: {  	v3 =	vld [tilespmem:s31+$0x100];
	_ =	sdelay $0x4  }
0x48: {  	vm2 =	vle.f32 v3, $1.599999960e-01  }
0x49: {  	v3 =	vmpcnt.ones.xlane vm2;
	_ =	sdelay $0x1  }
0x4a: {  	v3 =	vxor.u32 $0x80000000, v3  }
0x4b: {  	(xrf0) =	vmax.scan.msk.u32 $0xffff, v3;
	_ =	sdelay $0x5  }
0x4c: {  	v3, _, _ =	vpop (xrf0)  }
0x4d: {  	(v2sf) =	vpush v3, $0xF  }
0x4e: {  	s24 =	simm.s32 $0x10;
	s22 =	smov.u32 s7;
	s23 =	simm.s32 $0x80;
	[tilespmem:s21+$0x400] =	vst.msk vm2, v2  }
.LBB2_5:
0x4f: {  	p1 =	sne.s32 s23, $0x3C0;
	v3 =	vld [tilespmem:s24+$0x100];
	_ =	sdelay $0x4  }
0x50: {  	vm2 =	vle.f32 v3, $1.599999960e-01  }
0x51: {  	v3 =	vmpcnt.ones.xlane vm2;
	_ =	sdelay $0x1  }
0x52: {  	v3 =	vxor.u32 $0x80000000, v3  }
0x53: {  	(xrf0) =	vmax.scan.msk.u32 $0xffff, v3;
	_ =	sdelay $0x3  }
.Ltmp1:
0x54: {  	s24 =	spop (v2sf);
	(pc) =	sbr.rel @p1 .LBB2_5-.Ltmp1, $4  }
0x55: {  	s22 =	sadd.s32 $0x10, s22;
	s21 =	sadd.s32 s24, s21  }
0x56: {  	v3 =	vor.u32 s22, v0;
	v4, _, _ =	vpop (xrf0);
	s21 =	sadd.s32 $0x80000000, s21  }
0x57: {  	[tilespmem:s21+$0x400] =	vst.msk vm2, v3;
	(v2sf) =	vpush v4, $0xF  }
0x58: {  	s24 =	sshra.s32 s23, $0x2;
	s23 =	sadd.s32 $0x40, s23  }
0x59: {  	_ =	sdelay $0x9  }
0x5a: {  	v3 =	vld [tilespmem:s24+$0x100];
	_ =	sdelay $0x2  }
0x5b: {  	s23 =	spop (v2sf)  }
0x5c: {  	s22 =	sadd.s32 $0x10, s22;
	s21 =	sadd.s32 s23, s21  }
0x5d: {  	vm2 =	vle.f32 v3, $1.599999960e-01;
	v3 =	vor.u32 s22, v0;
	s21 =	sadd.s32 $0x80000000, s21  }
0x5e: {  	[tilespmem:s21+$0x400] =	vst.msk vm2, v3  }
0x5f: {  	v3 =	vld [tilespmem:$0x400]  }
0x60: {  	v4 =	vmpcnt.ones.xlane vm2;
	_ =	sdelay $0x1  }
0x61: {  	v4 =	vxor.u32 $0x80000000, v4  }
0x62: {  	(xrf0) =	vmax.scan.msk.u32 $0xffff, v4  }
0x63: {  	v60 =	vnsel vm0, $0x40000000, v3  }
0x64: {  	v4 =	vxor.u32 $0x80000000, v60  }
0x65: {  	(xrf0) =	vmin.scan.msk.u32 $0xffff, v4;
	_ =	sdelay $0x2  }
0x66: {  	v61, _, _ =	vpop (xrf0)  }
0x67: {  	(v2sf) =	vpush v61, $0xF;
	_ =	sdelay $0x1  }
0x68: {  	v62, _, _ =	vpop (xrf0)  }
0x69: {  	(v2sf) =	vpush v62, $0xF;
	_ =	sdelay $0xb  }
0x6a: {  	s28 =	spop (v2sf)  }
0x6b: {  	s21 =	sadd.s32 s28, s21  }
0x6c: {  	v63 =	vld [tilespmem:$0x410];
	s21 =	sadd.s32 $0x80000000, s21  }
0x6d: {  	v5 =	vmov s21;
	s29 =	spop (v2sf)  }
0x6e: {  	vm2 =	vgt.s32 v5, v0;
	s30 =	sxor.u32 $0x80000000, s29  }
0x6f: {  	v3 =	vnsel vm2, s30, v3  }
0x70: {  	vm2 =	vgt.s32 v5, v1;
	vm3 =	vgt.s32 v3, $0x0  }
0x71: {  	v4 =	vnsel vm2, s30, v63;
	v3 =	vnsel vm3, $0x0, v3  }
0x72: {  	vm2 =	vgt.s32 v4, $0x0;
	v3 =	vmin.u32 v3, $0x3FF  }
0x73: {  	v4 =	vnsel vm2, $0x0, v4  }
0x74: {  	v4 =	vmin.u32 v4, $0x3FF;
	_ =	sdelay $0x1  }
0x75: {  	s21 =	simm.s32 $0x0  }
0x76: {  	[tilespmem:s12], [sflag:$0x1] =	stream.indirect_vreg.gather [hbm4b:s1+s21], $0x90, v3, vm1, $0xb8;
	[tilespmem:$0x4D10] =	vst v63  }
0x77: {  	s31 =	simm.s32 $0x0  }
0x78: {  	[tilespmem:s13], [sflag:$0x1] =	stream.indirect_vreg.gather [hbm4b:s1+s21], $0x90, v4, vm1, $0xb8;
	[tilespmem:$0x4D10] =	vst v63  }
0x79: {  	v3 =	vld [tilespmem:s31+$0x200];
	_ =	sdelay $0x4  }
0x7a: {  	vm2 =	vle.f32 v3, $1.599999960e-01  }
0x7b: {  	v3 =	vmpcnt.ones.xlane vm2;
	_ =	sdelay $0x1  }
0x7c: {  	v3 =	vxor.u32 $0x80000000, v3  }
0x7d: {  	(xrf0) =	vmax.scan.msk.u32 $0xffff, v3;
	_ =	sdelay $0x5  }
0x7e: {  	v3, _, _ =	vpop (xrf0)  }
0x7f: {  	(v2sf) =	vpush v3, $0xF  }
0x80: {  	s24 =	simm.s32 $0x10;
	s22 =	smov.u32 s7;
	s23 =	simm.s32 $0x80;
	[tilespmem:s21+$0x400] =	vst.msk vm2, v2  }
.LBB2_7:
0x81: {  	p1 =	sne.s32 s23, $0x3C0;
	v3 =	vld [tilespmem:s24+$0x200];
	_ =	sdelay $0x4  }
0x82: {  	vm2 =	vle.f32 v3, $1.599999960e-01  }
0x83: {  	v3 =	vmpcnt.ones.xlane vm2;
	_ =	sdelay $0x1  }
0x84: {  	v3 =	vxor.u32 $0x80000000, v3  }
0x85: {  	(xrf0) =	vmax.scan.msk.u32 $0xffff, v3;
	_ =	sdelay $0x3  }
.Ltmp2:
0x86: {  	s24 =	spop (v2sf);
	(pc) =	sbr.rel @p1 .LBB2_7-.Ltmp2, $4  }
0x87: {  	s22 =	sadd.s32 $0x10, s22;
	s21 =	sadd.s32 s24, s21  }
0x88: {  	v3 =	vor.u32 s22, v0;
	v4, _, _ =	vpop (xrf0);
	s21 =	sadd.s32 $0x80000000, s21  }
0x89: {  	[tilespmem:s21+$0x400] =	vst.msk vm2, v3;
	(v2sf) =	vpush v4, $0xF  }
0x8a: {  	s24 =	sshra.s32 s23, $0x2;
	s23 =	sadd.s32 $0x40, s23  }
0x8b: {  	_ =	sdelay $0x9  }
0x8c: {  	v3 =	vld [tilespmem:s24+$0x200];
	_ =	sdelay $0x2  }
0x8d: {  	s23 =	spop (v2sf)  }
0x8e: {  	s22 =	sadd.s32 $0x10, s22;
	s21 =	sadd.s32 s23, s21  }
0x8f: {  	vm2 =	vle.f32 v3, $1.599999960e-01;
	v3 =	vor.u32 s22, v0;
	s21 =	sadd.s32 $0x80000000, s21  }
0x90: {  	[tilespmem:s21+$0x400] =	vst.msk vm2, v3  }
0x91: {  	v3 =	vld [tilespmem:$0x400]  }
0x92: {  	v4 =	vmpcnt.ones.xlane vm2;
	_ =	sdelay $0x1  }
0x93: {  	v4 =	vxor.u32 $0x80000000, v4  }
0x94: {  	(xrf0) =	vmax.scan.msk.u32 $0xffff, v4  }
0x95: {  	v60 =	vnsel vm0, $0x40000000, v3  }
0x96: {  	v4 =	vxor.u32 $0x80000000, v60  }
0x97: {  	(xrf0) =	vmin.scan.msk.u32 $0xffff, v4;
	_ =	sdelay $0x2  }
0x98: {  	v61, _, _ =	vpop (xrf0)  }
0x99: {  	(v2sf) =	vpush v61, $0xF;
	_ =	sdelay $0x1  }
0x9a: {  	v62, _, _ =	vpop (xrf0)  }
0x9b: {  	(v2sf) =	vpush v62, $0xF;
	_ =	sdelay $0xb  }
0x9c: {  	s28 =	spop (v2sf)  }
0x9d: {  	s21 =	sadd.s32 s28, s21  }
0x9e: {  	v63 =	vld [tilespmem:$0x410];
	s21 =	sadd.s32 $0x80000000, s21  }
0x9f: {  	v5 =	vmov s21;
	s29 =	spop (v2sf)  }
0xa0: {  	vm2 =	vgt.s32 v5, v0;
	s30 =	sxor.u32 $0x80000000, s29  }
0xa1: {  	v3 =	vnsel vm2, s30, v3  }
0xa2: {  	vm2 =	vgt.s32 v5, v1;
	vm3 =	vgt.s32 v3, $0x0  }
0xa3: {  	v4 =	vnsel vm2, s30, v63;
	v3 =	vnsel vm3, $0x0, v3  }
0xa4: {  	vm2 =	vgt.s32 v4, $0x0;
	v3 =	vmin.u32 v3, $0x3FF  }
0xa5: {  	v4 =	vnsel vm2, $0x0, v4  }
0xa6: {  	v4 =	vmin.u32 v4, $0x3FF;
	_ =	sdelay $0x1  }
0xa7: {  	s21 =	simm.s32 $0x0  }
0xa8: {  	[tilespmem:s14], [sflag:$0x1] =	stream.indirect_vreg.gather [hbm4b:s1+s21], $0x90, v3, vm1, $0xb8;
	[tilespmem:$0x4D10] =	vst v63  }
0xa9: {  	s31 =	simm.s32 $0x0  }
0xaa: {  	[tilespmem:s15], [sflag:$0x1] =	stream.indirect_vreg.gather [hbm4b:s1+s21], $0x90, v4, vm1, $0xb8;
	[tilespmem:$0x4D10] =	vst v63  }
0xab: {  	v3 =	vld [tilespmem:s31+$0x300];
	_ =	sdelay $0x4  }
0xac: {  	vm2 =	vle.f32 v3, $1.599999960e-01  }
0xad: {  	v3 =	vmpcnt.ones.xlane vm2;
	_ =	sdelay $0x1  }
0xae: {  	v3 =	vxor.u32 $0x80000000, v3  }
0xaf: {  	(xrf0) =	vmax.scan.msk.u32 $0xffff, v3;
	_ =	sdelay $0x5  }
0xb0: {  	v3, _, _ =	vpop (xrf0)  }
0xb1: {  	(v2sf) =	vpush v3, $0xF  }
0xb2: {  	s24 =	simm.s32 $0x10;
	s22 =	smov.u32 s7;
	s23 =	simm.s32 $0x80;
	[tilespmem:s21+$0x400] =	vst.msk vm2, v2  }
.LBB2_9:
0xb3: {  	p1 =	sne.s32 s23, $0x3C0;
	v2 =	vld [tilespmem:s24+$0x300];
	_ =	sdelay $0x4  }
0xb4: {  	vm2 =	vle.f32 v2, $1.599999960e-01  }
0xb5: {  	v2 =	vmpcnt.ones.xlane vm2;
	_ =	sdelay $0x1  }
0xb6: {  	v2 =	vxor.u32 $0x80000000, v2  }
0xb7: {  	(xrf0) =	vmax.scan.msk.u32 $0xffff, v2;
	_ =	sdelay $0x3  }
.Ltmp3:
0xb8: {  	s24 =	spop (v2sf);
	(pc) =	sbr.rel @p1 .LBB2_9-.Ltmp3, $4  }
0xb9: {  	s22 =	sadd.s32 $0x10, s22;
	s21 =	sadd.s32 s24, s21  }
0xba: {  	v2 =	vor.u32 s22, v0;
	v3, _, _ =	vpop (xrf0);
	s21 =	sadd.s32 $0x80000000, s21  }
0xbb: {  	[tilespmem:s21+$0x400] =	vst.msk vm2, v2;
	(v2sf) =	vpush v3, $0xF  }
0xbc: {  	s24 =	sshra.s32 s23, $0x2;
	s23 =	sadd.s32 $0x40, s23  }
0xbd: {  	_ =	sdelay $0x9  }
0xbe: {  	v2 =	vld [tilespmem:s24+$0x300];
	_ =	sdelay $0x2  }
0xbf: {  	s23 =	spop (v2sf)  }
0xc0: {  	s22 =	sadd.s32 $0x10, s22;
	s21 =	sadd.s32 s23, s21  }
0xc1: {  	vm2 =	vle.f32 v2, $1.599999960e-01;
	v2 =	vor.u32 s22, v0;
	s21 =	sadd.s32 $0x80000000, s21  }
0xc2: {  	[tilespmem:s21+$0x400] =	vst.msk vm2, v2  }
0xc3: {  	v2 =	vld [tilespmem:$0x400]  }
0xc4: {  	v3 =	vmpcnt.ones.xlane vm2;
	_ =	sdelay $0x1  }
0xc5: {  	v3 =	vxor.u32 $0x80000000, v3  }
0xc6: {  	(xrf0) =	vmax.scan.msk.u32 $0xffff, v3  }
0xc7: {  	v3 =	vnsel vm0, $0x40000000, v2  }
0xc8: {  	v3 =	vxor.u32 $0x80000000, v3  }
0xc9: {  	(xrf0) =	vmin.scan.msk.u32 $0xffff, v3;
	_ =	sdelay $0x2  }
0xca: {  	v3, _, _ =	vpop (xrf0)  }
0xcb: {  	(v2sf) =	vpush v3, $0xF;
	_ =	sdelay $0x1  }
0xcc: {  	v3, _, _ =	vpop (xrf0)  }
0xcd: {  	(v2sf) =	vpush v3, $0xF;
	_ =	sdelay $0xb  }
0xce: {  	s29 =	spop (v2sf)  }
0xcf: {  	s21 =	sadd.s32 s29, s21  }
0xd0: {  	v3 =	vld [tilespmem:$0x410];
	s21 =	sadd.s32 $0x80000000, s21  }
0xd1: {  	v4 =	vmov s21;
	s30 =	spop (v2sf)  }
0xd2: {  	vm2 =	vgt.s32 v4, v0;
	s31 =	sxor.u32 $0x80000000, s30  }
0xd3: {  	v2 =	vnsel vm2, s31, v2  }
0xd4: {  	vm2 =	vgt.s32 v4, v1;
	vm3 =	vgt.s32 v2, $0x0  }
0xd5: {  	v3 =	vnsel vm2, s31, v3;
	v2 =	vnsel vm3, $0x0, v2  }
0xd6: {  	vm2 =	vgt.s32 v3, $0x0;
	v2 =	vmin.u32 v2, $0x3FF  }
0xd7: {  	v3 =	vnsel vm2, $0x0, v3  }
0xd8: {  	v3 =	vmin.u32 v3, $0x3FF;
	_ =	sdelay $0x2  }
0xd9: {  	[tilespmem:s16], [sflag:$0x1] =	stream.indirect_vreg.gather [hbm4b:s1+s2], $0x90, v2, vm1, $0xb8;
	[tilespmem:$0x4D10] =	vst v63  }
0xda: {  	_ = 	snop  }
0xdb: {  	[tilespmem:s17], [sflag:$0x1] =	stream.indirect_vreg.gather [hbm4b:s1+s2], $0x90, v3, vm1, $0xb8;
	[tilespmem:$0x4D10] =	vst v63  }
0xdc: {  	_ =	swait.ge [sflag:s18], $0x900  }
0xdd: {  	[sflag:s18] =	ssyncset.done $0x0  }
0xde: {  	[sflag:s18] =	ssyncadd.s32 $0xFFFFF700  }
0xdf: {  	_ =	swait.ge [sflag:s18], $0x900  }
0xe0: {  	[sflag:s18] =	ssyncset.done $0x0  }
0xe1: {  	[sflag:s18] =	ssyncadd.s32 $0xFFFFF700  }
0xe2: {  	_ =	swait.ge [sflag:s18], $0x900  }
0xe3: {  	[sflag:s18] =	ssyncset.done $0x0  }
0xe4: {  	[sflag:s18] =	ssyncadd.s32 $0xFFFFF700  }
0xe5: {  	_ =	swait.ge [sflag:s18], $0x900  }
0xe6: {  	[sflag:s18] =	ssyncset.done $0x0  }
0xe7: {  	[sflag:s18] =	ssyncadd.s32 $0xFFFFF700  }
0xe8: {  	_ =	swait.ge [sflag:s18], $0x900  }
0xe9: {  	[sflag:s18] =	ssyncset.done $0x0  }
0xea: {  	[sflag:s18] =	ssyncadd.s32 $0xFFFFF700  }
0xeb: {  	_ =	swait.ge [sflag:s18], $0x900  }
0xec: {  	[sflag:s18] =	ssyncset.done $0x0  }
0xed: {  	[sflag:s18] =	ssyncadd.s32 $0xFFFFF700  }
0xee: {  	_ =	swait.ge [sflag:s18], $0x900  }
0xef: {  	[sflag:s18] =	ssyncset.done $0x0  }
0xf0: {  	[sflag:s18] =	ssyncadd.s32 $0xFFFFF700  }
0xf1: {  	s20 =	smul.u32 $0x240, s20;
	_ =	swait.ge [sflag:s18], $0x900  }
0xf2: {  	[sflag:s18] =	ssyncset.done $0x0  }
.Ltmp4:
0xf3: {  	s20 =	sadd.s32 s5, s20;
	[sflag:s18] =	ssyncadd.s32 $0xFFFFF700;
	(pc) =	sbr.rel @p0 .LBB2_2-.Ltmp4, $4  }
0xf4: {  	[hbm4b:s20+s2] =	stream.linear.scatter [tilespmem:s10], [sflag:$0x2], $0x4800, $0x38;
	[tilespmem:$0x4D10] =	vst v63  }
0xf5: {  	_ =	swait.ge [sflag:s9], $0x4800  }
0xf6: {  	[sflag:s9] =	ssyncset.done $0x0  }
0xf7: {  	p1 =	por $0x0, $0x0;
	s20 =	simm.s32 $0x4;
	[sflag:s9] =	ssyncadd.s32 $0xFFFFB800  }
0xf8: {  	s19 =	sadd.s32 $0x1, s19  }
0xf9: {  	p0 =	sne.s32 s19, s8  }
.Ltmp5:
0xfa: {  	_ = 	snop;
	(pc) =	sbr.rel @p0 .LBB2_1-.Ltmp5, $1  }
0xfb: {  	_ =	sdelay $0x3  }
0xfc: {  	_ =	sfence.sel $0x180000  }
0xfd: {  	[bflag:$0x0] =	sbarrier.arrive $0xFFFF  }
0xfe: {  	p0 =	sne.s32 s3, $0x0;
	_ =	strace $0x9000004A  }
0xff: {  	s0 =	sadd.s32 @!p0 $0x100000, s0;
	[bflag:$0x2] =	sbarrier.arrive $0xFFFF  }
0x100: {  	[sflag:s0] =	ssyncadd.tile.s32 @!p0 $0x1;
	_ =	shalt  }
.Lfunc_end2:
_tile_overlayer_lowered:
.L_overlay_start_2:
0x101: {  	(tag) =	ssettag $0x2  }
0x102: {  	s0 =	rddreg [dreg:$0x0];
	s2 =	stileid.u32  }
0x103: {  	s1 =	rddreg [dreg:$0x1];
	p0 =	sne.s32 s2, $0x0  }
0x104: {  	s3 =	rddreg [dreg:$0x2];
	[bflag:$0x3] =	sbarrier.arrive $0xFFFF;
	s2 =	simm.s32 @!p0 $0x1C02  }
0x105: {  	[timem:s3], [sflag:s2] =	dma.local @!p0 [hbm:s0], s1  }
0x106: {  	s0 =	simm.s32 @!p0 $0x2  }
0x107: {  	_ =	swait.ge @!p0 [sflag:s0], s1  }
0x108: {  	s1 =	ssub.s32 @!p0 $0x0, s1;
	[sflag:s0] =	ssyncset.done @!p0 $0x0  }
0x109: {  	[sflag:s0] =	ssyncadd.s32 @!p0 s1  }
0x10a: {  	[bflag:$0x3] =	sbarrier.arrive $0xFFFF  }
0x10b: {  	_ =	shalt  }

</sc_bundles>
